<compile_context>
chip_gen: v7x
topology: tpu7x:2x2x1
jax: 0.10.2.dev20260603
libtpu: 0.0.44.dev20260713+nightly
codegen_flags: <defaults>
</compile_context>

<pallas_src>
import jax
import jax.numpy as jnp
from jax import lax
from jax.experimental import pallas as pl
from jax.experimental.pallas import tpu as pltpu
from jax.experimental.pallas import tpu_sc as plsc

N, C, H, W = 1000, 81, 28, 28
LANES = 16
NUM_CORES = 2
NUM_SUBCORES = 16
NW = NUM_CORES * NUM_SUBCORES
NPAD = 1024
BPW = NPAD // NW
CH = 16


def _sc_body(x_hbm, lab_hbm, out_hbm, lab_v, rows_v, sem):
    c = lax.axis_index("c")
    s = lax.axis_index("s")
    wid = s * NUM_CORES + c
    base = wid * BPW

    pltpu.sync_copy(lab_hbm.at[pl.ds(base, BPW)], lab_v)

    for chunk in range(BPW // CH):
        vv = lab_v[pl.ds(chunk * CH, LANES)]
        for l in range(CH):
            j = chunk * CH + l
            det = jnp.minimum(base + j, N - 1)
            pltpu.async_copy(x_hbm.at[det, vv[l]], rows_v.at[l], sem)

        def drain(j, _):
            pltpu.make_async_copy(x_hbm.at[0, 0], rows_v.at[0], sem).wait()
            return 0

        lax.fori_loop(0, CH, drain, 0)

        def plane_body(j, _):
            for r in range(H):
                v1 = rows_v[j, r, pl.ds(0, LANES)]
                v2 = rows_v[j, r, pl.ds(W - LANES, LANES)]
                rows_v[j, r, pl.ds(0, LANES)] = 1.0 / (1.0 + jnp.exp(-v1))
                rows_v[j, r, pl.ds(W - LANES, LANES)] = (
                    1.0 / (1.0 + jnp.exp(-v2)))
            return 0

        lax.fori_loop(0, CH, plane_body, 0)

        pltpu.sync_copy(rows_v, out_hbm.at[pl.ds(base + chunk * CH, CH)])


@jax.jit
def _gather_sigmoid(x_planes, labels_padded):
    mesh = plsc.VectorSubcoreMesh(core_axis_name="c", subcore_axis_name="s")
    return pl.kernel(
        _sc_body,
        out_type=jax.ShapeDtypeStruct((NPAD, H, W), jnp.float32),
        mesh=mesh,
        scratch_types=[
            pltpu.VMEM((BPW,), jnp.int32),
            pltpu.VMEM((CH, H, W), jnp.float32),
            pltpu.SemaphoreType.DMA,
        ],
    )(x_planes, labels_padded)


def kernel(x, labels):
    lab = jnp.pad(labels.astype(jnp.int32), (0, NPAD - N))
    out = _gather_sigmoid(x, lab)
    return out[:N].reshape(N, 1, H, W)

# --- scband reference (transcript-rebuilt; emitter-appended) ---
"""Pipeline reference for scband-mask-post-processor-10617159156045 (READ-ONLY COPY).

The authoritative reference and input builder live on the scoring server;
editing this copy changes nothing except your own understanding.
"""

import jax, jax.numpy as jnp
import numpy as np


def setup_inputs(seed: int = 0) -> dict:
    key = jax.random.key(seed)
    k1, k2 = jax.random.split(key)
    x = jax.random.normal(k1, (1000, 81, 28, 28), dtype=jnp.float32)
    labels = jax.random.randint(k2, (1000,), 0, 81, dtype=jnp.int64 if jax.config.jax_enable_x64 else jnp.int32)
    return {"x": x, "labels": labels}


def reference(x, labels):
    # Faithful tensor core of MaskPostProcessor.forward (masker=None):
    #   mask_prob = x.sigmoid()
    #   index = arange(num_masks)
    #   mask_prob = mask_prob[index, labels][:, None]
    # The BoxList wrapping / per-image split is pure Python bookkeeping that
    # does not change the tensor values; the returned 'mask' field contents
    # equal the tensor computed below (concatenated over images).
    mask_prob = jax.nn.sigmoid(x)
    num_masks = x.shape[0]
    index = jnp.arange(num_masks)
    mask_prob = mask_prob[index, labels][:, None]
    return mask_prob

if __name__ == "__main__":
    import jax
    _d = setup_inputs()
    print(jax.jit(kernel)(*tuple(_d.values())))

</pallas_src>

<mosaic_0001>
#map = affine_map<(d0, d1) -> (0, 0, 0, 0)>
#map1 = affine_map<(d0, d1) -> (0)>
#map2 = affine_map<(d0, d1) -> (0, 0, 0)>
module attributes {stable_mosaic.version = 14 : i64} {
  func.func @_sc_body(%arg0: i32, %arg1: i32, %arg2: memref<1000x81x28x28xf32, #tpu.memory_space<hbm>>, %arg3: memref<1024xi32, #tpu.memory_space<hbm>>, %arg4: memref<1024x28x28xf32, #tpu.memory_space<hbm>>, %arg5: memref<32xi32, #tpu.memory_space<vmem>>, %arg6: memref<16x28x28xf32, #tpu.memory_space<vmem>>, %arg7: memref<!tpu.dma_semaphore, #tpu.memory_space<semaphore_mem>>) attributes {dimension_semantics = [#tpu.dimension_semantics<core_parallel>, #tpu.dimension_semantics<subcore_parallel>], iteration_bounds = array<i64: 2, 16>, scalar_prefetch = 0 : i64, scratch_operands = 3 : i64, tpu.core_type = #tpu.core_type<sc_vector_subcore>, window_params = [{transform_indices = #map}, {transform_indices = #map1}, {transform_indices = #map2}]} {
    %mul3A = arith.constant 2 : i32
    %mul3A_0 = arith.muli %arg1, %mul3A : i32
    %add3A = arith.addi %mul3A_0, %arg0 : i32
    %mul3A_1 = arith.constant 32 : i32
    %mul3A_2 = arith.muli %add3A, %mul3A_1 : i32
    "tpu.region"() ({
      %run_scoped3A = tpu.sem_alloc : memref<!tpu.dma_semaphore, #tpu.memory_space<semaphore_mem>>
      %dma_start3A_771 = tpu.memref_slice %arg3[%mul3A_2] : memref<1024xi32, #tpu.memory_space<hbm>> -> memref<32xi32, #tpu.memory_space<hbm>>
      %dma_start3A_772 = tpu.memref_slice %arg3[%mul3A_2] : memref<1024xi32, #tpu.memory_space<hbm>> -> memref<32xi32, #tpu.memory_space<hbm>>
      tpu.enqueue_dma source(%dma_start3A_772 : memref<32xi32, #tpu.memory_space<hbm>>) target(%arg5 : memref<32xi32, #tpu.memory_space<vmem>>) target_semaphore(%run_scoped3A : memref<!tpu.dma_semaphore, #tpu.memory_space<semaphore_mem>>)
      %dma_wait3A = tpu.memref_slice %arg3[%mul3A_2] : memref<1024xi32, #tpu.memory_space<hbm>> -> memref<32xi32, #tpu.memory_space<hbm>>
      %dma_wait3A_773 = tpu.memref_slice %arg3[%mul3A_2] : memref<1024xi32, #tpu.memory_space<hbm>> -> memref<32xi32, #tpu.memory_space<hbm>>
      tpu.wait_dma2 semaphore(%run_scoped3A : memref<!tpu.dma_semaphore, #tpu.memory_space<semaphore_mem>>) src(%dma_wait3A_773 : memref<32xi32, #tpu.memory_space<hbm>>) dst(%arg5 : memref<32xi32, #tpu.memory_space<vmem>>)
      tpu.yield
    }) : () -> ()
    %get3A = arith.constant 0 : index
    %get3A_3 = tpu.vector_load %arg5[%get3A] {strides = array<i32>} : memref<32xi32, #tpu.memory_space<vmem>>, vector<16xi32>,
    %get3A_4 = vector.shape_cast %get3A_3 : vector<16xi32> to vector<16xi32>
    %add3A_5 = arith.constant 0 : i32
    %add3A_6 = arith.addi %mul3A_2, %add3A_5 : i32
    %min3A = arith.constant 999 : i32
    %min3A_7 = arith.minsi %add3A_6, %min3A : i32
    %slice3A = vector.extract_strided_slice %get3A_4 {offsets = [0], sizes = [1], strides = [1]} : vector<16xi32> to vector<1xi32>
    %squeeze3A = vector.extract %slice3A[0] : i32 from vector<1xi32>
    %dma_start3A = arith.constant 0 : i32
    %dma_start3A_8 = arith.constant 0 : i32
    %dma_start3A_9 = arith.constant 0 : i32
    %dma_start3A_10 = tpu.memref_slice %arg6[%dma_start3A, %dma_start3A_8, %dma_start3A_9] : memref<16x28x28xf32, #tpu.memory_space<vmem>> -> memref<1x28x28xf32, #tpu.memory_space<vmem>>
    %dma_start3A_11 = tpu.memref_squeeze %dma_start3A_10 : memref<1x28x28xf32, #tpu.memory_space<vmem>> -> memref<28x28xf32, #tpu.memory_space<vmem>>
    %dma_start3A_12 = arith.constant 0 : i32
    %dma_start3A_13 = arith.constant 0 : i32
    %dma_start3A_14 = tpu.memref_slice %arg2[%min3A_7, %squeeze3A, %dma_start3A_12, %dma_start3A_13] : memref<1000x81x28x28xf32, #tpu.memory_space<hbm>> -> memref<1x1x28x28xf32, #tpu.memory_space<hbm>>
    %dma_start3A_15 = tpu.memref_squeeze %dma_start3A_14 : memref<1x1x28x28xf32, #tpu.memory_space<hbm>> -> memref<28x28xf32, #tpu.memory_space<hbm>>
    %dma_start3A_16 = arith.constant 0 : i32
    %dma_start3A_17 = arith.constant 0 : i32
    %dma_start3A_18 = tpu.memref_slice %arg6[%dma_start3A, %dma_start3A_16, %dma_start3A_17] : memref<16x28x28xf32, #tpu.memory_space<vmem>> -> memref<1x28x28xf32, #tpu.memory_space<vmem>>
    %dma_start3A_19 = tpu.memref_squeeze %dma_start3A_18 : memref<1x28x28xf32, #tpu.memory_space<vmem>> -> memref<28x28xf32, #tpu.memory_space<vmem>>
    %dma_start3A_20 = arith.constant 0 : i32
    %dma_start3A_21 = arith.constant 0 : i32
    %dma_start3A_22 = tpu.memref_slice %arg2[%min3A_7, %squeeze3A, %dma_start3A_20, %dma_start3A_21] : memref<1000x81x28x28xf32, #tpu.memory_space<hbm>> -> memref<1x1x28x28xf32, #tpu.memory_space<hbm>>
    %dma_start3A_23 = tpu.memref_squeeze %dma_start3A_22 : memref<1x1x28x28xf32, #tpu.memory_space<hbm>> -> memref<28x28xf32, #tpu.memory_space<hbm>>
    tpu.enqueue_dma source(%dma_start3A_23 : memref<28x28xf32, #tpu.memory_space<hbm>>) target(%dma_start3A_19 : memref<28x28xf32, #tpu.memory_space<vmem>>) target_semaphore(%arg7 : memref<!tpu.dma_semaphore, #tpu.memory_space<semaphore_mem>>)
    %add3A_24 = arith.constant 1 : i32
    %add3A_25 = arith.addi %mul3A_2, %add3A_24 : i32
    %min3A_26 = arith.constant 999 : i32
    %min3A_27 = arith.minsi %add3A_25, %min3A_26 : i32
    %slice3A_28 = vector.extract_strided_slice %get3A_4 {offsets = [1], sizes = [1], strides = [1]} : vector<16xi32> to vector<1xi32>
    %squeeze3A_29 = vector.extract %slice3A_28[0] : i32 from vector<1xi32>
    %dma_start3A_30 = arith.constant 1 : i32
    %dma_start3A_31 = arith.constant 0 : i32
    %dma_start3A_32 = arith.constant 0 : i32
    %dma_start3A_33 = tpu.memref_slice %arg6[%dma_start3A_30, %dma_start3A_31, %dma_start3A_32] : memref<16x28x28xf32, #tpu.memory_space<vmem>> -> memref<1x28x28xf32, #tpu.memory_space<vmem>>
    %dma_start3A_34 = tpu.memref_squeeze %dma_start3A_33 : memref<1x28x28xf32, #tpu.memory_space<vmem>> -> memref<28x28xf32, #tpu.memory_space<vmem>>
    %dma_start3A_35 = arith.constant 0 : i32
    %dma_start3A_36 = arith.constant 0 : i32
    %dma_start3A_37 = tpu.memref_slice %arg2[%min3A_27, %squeeze3A_29, %dma_start3A_35, %dma_start3A_36] : memref<1000x81x28x28xf32, #tpu.memory_space<hbm>> -> memref<1x1x28x28xf32, #tpu.memory_space<hbm>>
    %dma_start3A_38 = tpu.memref_squeeze %dma_start3A_37 : memref<1x1x28x28xf32, #tpu.memory_space<hbm>> -> memref<28x28xf32, #tpu.memory_space<hbm>>
    %dma_start3A_39 = arith.constant 0 : i32
    %dma_start3A_40 = arith.constant 0 : i32
    %dma_start3A_41 = tpu.memref_slice %arg6[%dma_start3A_30, %dma_start3A_39, %dma_start3A_40] : memref<16x28x28xf32, #tpu.memory_space<vmem>> -> memref<1x28x28xf32, #tpu.memory_space<vmem>>
    %dma_start3A_42 = tpu.memref_squeeze %dma_start3A_41 : memref<1x28x28xf32, #tpu.memory_space<vmem>> -> memref<28x28xf32, #tpu.memory_space<vmem>>
    %dma_start3A_43 = arith.constant 0 : i32
    %dma_start3A_44 = arith.constant 0 : i32
    %dma_start3A_45 = tpu.memref_slice %arg2[%min3A_27, %squeeze3A_29, %dma_start3A_43, %dma_start3A_44] : memref<1000x81x28x28xf32, #tpu.memory_space<hbm>> -> memref<1x1x28x28xf32, #tpu.memory_space<hbm>>
    %dma_start3A_46 = tpu.memref_squeeze %dma_start3A_45 : memref<1x1x28x28xf32, #tpu.memory_space<hbm>> -> memref<28x28xf32, #tpu.memory_space<hbm>>
    tpu.enqueue_dma source(%dma_start3A_46 : memref<28x28xf32, #tpu.memory_space<hbm>>) target(%dma_start3A_42 : memref<28x28xf32, #tpu.memory_space<vmem>>) target_semaphore(%arg7 : memref<!tpu.dma_semaphore, #tpu.memory_space<semaphore_mem>>)
    %add3A_47 = arith.constant 2 : i32
    %add3A_48 = arith.addi %mul3A_2, %add3A_47 : i32
    %min3A_49 = arith.constant 999 : i32
    %min3A_50 = arith.minsi %add3A_48, %min3A_49 : i32
    %slice3A_51 = vector.extract_strided_slice %get3A_4 {offsets = [2], sizes = [1], strides = [1]} : vector<16xi32> to vector<1xi32>
    %squeeze3A_52 = vector.extract %slice3A_51[0] : i32 from vector<1xi32>
    %dma_start3A_53 = arith.constant 2 : i32
    %dma_start3A_54 = arith.constant 0 : i32
    %dma_start3A_55 = arith.constant 0 : i32
    %dma_start3A_56 = tpu.memref_slice %arg6[%dma_start3A_53, %dma_start3A_54, %dma_start3A_55] : memref<16x28x28xf32, #tpu.memory_space<vmem>> -> memref<1x28x28xf32, #tpu.memory_space<vmem>>
    %dma_start3A_57 = tpu.memref_squeeze %dma_start3A_56 : memref<1x28x28xf32, #tpu.memory_space<vmem>> -> memref<28x28xf32, #tpu.memory_space<vmem>>
    %dma_start3A_58 = arith.constant 0 : i32
    %dma_start3A_59 = arith.constant 0 : i32
    %dma_start3A_60 = tpu.memref_slice %arg2[%min3A_50, %squeeze3A_52, %dma_start3A_58, %dma_start3A_59] : memref<1000x81x28x28xf32, #tpu.memory_space<hbm>> -> memref<1x1x28x28xf32, #tpu.memory_space<hbm>>
    %dma_start3A_61 = tpu.memref_squeeze %dma_start3A_60 : memref<1x1x28x28xf32, #tpu.memory_space<hbm>> -> memref<28x28xf32, #tpu.memory_space<hbm>>
    %dma_start3A_62 = arith.constant 0 : i32
    %dma_start3A_63 = arith.constant 0 : i32
    %dma_start3A_64 = tpu.memref_slice %arg6[%dma_start3A_53, %dma_start3A_62, %dma_start3A_63] : memref<16x28x28xf32, #tpu.memory_space<vmem>> -> memref<1x28x28xf32, #tpu.memory_space<vmem>>
    %dma_start3A_65 = tpu.memref_squeeze %dma_start3A_64 : memref<1x28x28xf32, #tpu.memory_space<vmem>> -> memref<28x28xf32, #tpu.memory_space<vmem>>
    %dma_start3A_66 = arith.constant 0 : i32
    %dma_start3A_67 = arith.constant 0 : i32
    %dma_start3A_68 = tpu.memref_slice %arg2[%min3A_50, %squeeze3A_52, %dma_start3A_66, %dma_start3A_67] : memref<1000x81x28x28xf32, #tpu.memory_space<hbm>> -> memref<1x1x28x28xf32, #tpu.memory_space<hbm>>
    %dma_start3A_69 = tpu.memref_squeeze %dma_start3A_68 : memref<1x1x28x28xf32, #tpu.memory_space<hbm>> -> memref<28x28xf32, #tpu.memory_space<hbm>>
    tpu.enqueue_dma source(%dma_start3A_69 : memref<28x28xf32, #tpu.memory_space<hbm>>) target(%dma_start3A_65 : memref<28x28xf32, #tpu.memory_space<vmem>>) target_semaphore(%arg7 : memref<!tpu.dma_semaphore, #tpu.memory_space<semaphore_mem>>)
    %add3A_70 = arith.constant 3 : i32
    %add3A_71 = arith.addi %mul3A_2, %add3A_70 : i32
    %min3A_72 = arith.constant 999 : i32
    %min3A_73 = arith.minsi %add3A_71, %min3A_72 : i32
    %slice3A_74 = vector.extract_strided_slice %get3A_4 {offsets = [3], sizes = [1], strides = [1]} : vector<16xi32> to vector<1xi32>
    %squeeze3A_75 = vector.extract %slice3A_74[0] : i32 from vector<1xi32>
    %dma_start3A_76 = arith.constant 3 : i32
    %dma_start3A_77 = arith.constant 0 : i32
    %dma_start3A_78 = arith.constant 0 : i32
    %dma_start3A_79 = tpu.memref_slice %arg6[%dma_start3A_76, %dma_start3A_77, %dma_start3A_78] : memref<16x28x28xf32, #tpu.memory_space<vmem>> -> memref<1x28x28xf32, #tpu.memory_space<vmem>>
    %dma_start3A_80 = tpu.memref_squeeze %dma_start3A_79 : memref<1x28x28xf32, #tpu.memory_space<vmem>> -> memref<28x28xf32, #tpu.memory_space<vmem>>
    %dma_start3A_81 = arith.constant 0 : i32
    %dma_start3A_82 = arith.constant 0 : i32
    %dma_start3A_83 = tpu.memref_slice %arg2[%min3A_73, %squeeze3A_75, %dma_start3A_81, %dma_start3A_82] : memref<1000x81x28x28xf32, #tpu.memory_space<hbm>> -> memref<1x1x28x28xf32, #tpu.memory_space<hbm>>
    %dma_start3A_84 = tpu.memref_squeeze %dma_start3A_83 : memref<1x1x28x28xf32, #tpu.memory_space<hbm>> -> memref<28x28xf32, #tpu.memory_space<hbm>>
    %dma_start3A_85 = arith.constant 0 : i32
    %dma_start3A_86 = arith.constant 0 : i32
    %dma_start3A_87 = tpu.memref_slice %arg6[%dma_start3A_76, %dma_start3A_85, %dma_start3A_86] : memref<16x28x28xf32, #tpu.memory_space<vmem>> -> memref<1x28x28xf32, #tpu.memory_space<vmem>>
    %dma_start3A_88 = tpu.memref_squeeze %dma_start3A_87 : memref<1x28x28xf32, #tpu.memory_space<vmem>> -> memref<28x28xf32, #tpu.memory_space<vmem>>
    %dma_start3A_89 = arith.constant 0 : i32
    %dma_start3A_90 = arith.constant 0 : i32
    %dma_start3A_91 = tpu.memref_slice %arg2[%min3A_73, %squeeze3A_75, %dma_start3A_89, %dma_start3A_90] : memref<1000x81x28x28xf32, #tpu.memory_space<hbm>> -> memref<1x1x28x28xf32, #tpu.memory_space<hbm>>
    %dma_start3A_92 = tpu.memref_squeeze %dma_start3A_91 : memref<1x1x28x28xf32, #tpu.memory_space<hbm>> -> memref<28x28xf32, #tpu.memory_space<hbm>>
    tpu.enqueue_dma source(%dma_start3A_92 : memref<28x28xf32, #tpu.memory_space<hbm>>) target(%dma_start3A_88 : memref<28x28xf32, #tpu.memory_space<vmem>>) target_semaphore(%arg7 : memref<!tpu.dma_semaphore, #tpu.memory_space<semaphore_mem>>)
    %add3A_93 = arith.constant 4 : i32
    %add3A_94 = arith.addi %mul3A_2, %add3A_93 : i32
    %min3A_95 = arith.constant 999 : i32
    %min3A_96 = arith.minsi %add3A_94, %min3A_95 : i32
    %slice3A_97 = vector.extract_strided_slice %get3A_4 {offsets = [4], sizes = [1], strides = [1]} : vector<16xi32> to vector<1xi32>
    %squeeze3A_98 = vector.extract %slice3A_97[0] : i32 from vector<1xi32>
    %dma_start3A_99 = arith.constant 4 : i32
    %dma_start3A_100 = arith.constant 0 : i32
    %dma_start3A_101 = arith.constant 0 : i32
    %dma_start3A_102 = tpu.memref_slice %arg6[%dma_start3A_99, %dma_start3A_100, %dma_start3A_101] : memref<16x28x28xf32, #tpu.memory_space<vmem>> -> memref<1x28x28xf32, #tpu.memory_space<vmem>>
    %dma_start3A_103 = tpu.memref_squeeze %dma_start3A_102 : memref<1x28x28xf32, #tpu.memory_space<vmem>> -> memref<28x28xf32, #tpu.memory_space<vmem>>
    %dma_start3A_104 = arith.constant 0 : i32
    %dma_start3A_105 = arith.constant 0 : i32
    %dma_start3A_106 = tpu.memref_slice %arg2[%min3A_96, %squeeze3A_98, %dma_start3A_104, %dma_start3A_105] : memref<1000x81x28x28xf32, #tpu.memory_space<hbm>> -> memref<1x1x28x28xf32, #tpu.memory_space<hbm>>
    %dma_start3A_107 = tpu.memref_squeeze %dma_start3A_106 : memref<1x1x28x28xf32, #tpu.memory_space<hbm>> -> memref<28x28xf32, #tpu.memory_space<hbm>>
    %dma_start3A_108 = arith.constant 0 : i32
    %dma_start3A_109 = arith.constant 0 : i32
    %dma_start3A_110 = tpu.memref_slice %arg6[%dma_start3A_99, %dma_start3A_108, %dma_start3A_109] : memref<16x28x28xf32, #tpu.memory_space<vmem>> -> memref<1x28x28xf32, #tpu.memory_space<vmem>>
    %dma_start3A_111 = tpu.memref_squeeze %dma_start3A_110 : memref<1x28x28xf32, #tpu.memory_space<vmem>> -> memref<28x28xf32, #tpu.memory_space<vmem>>
    %dma_start3A_112 = arith.constant 0 : i32
    %dma_start3A_113 = arith.constant 0 : i32
    %dma_start3A_114 = tpu.memref_slice %arg2[%min3A_96, %squeeze3A_98, %dma_start3A_112, %dma_start3A_113] : memref<1000x81x28x28xf32, #tpu.memory_space<hbm>> -> memref<1x1x28x28xf32, #tpu.memory_space<hbm>>
    %dma_start3A_115 = tpu.memref_squeeze %dma_start3A_114 : memref<1x1x28x28xf32, #tpu.memory_space<hbm>> -> memref<28x28xf32, #tpu.memory_space<hbm>>
    tpu.enqueue_dma source(%dma_start3A_115 : memref<28x28xf32, #tpu.memory_space<hbm>>) target(%dma_start3A_111 : memref<28x28xf32, #tpu.memory_space<vmem>>) target_semaphore(%arg7 : memref<!tpu.dma_semaphore, #tpu.memory_space<semaphore_mem>>)
    %add3A_116 = arith.constant 5 : i32
    %add3A_117 = arith.addi %mul3A_2, %add3A_116 : i32
    %min3A_118 = arith.constant 999 : i32
    %min3A_119 = arith.minsi %add3A_117, %min3A_118 : i32
    %slice3A_120 = vector.extract_strided_slice %get3A_4 {offsets = [5], sizes = [1], strides = [1]} : vector<16xi32> to vector<1xi32>
    %squeeze3A_121 = vector.extract %slice3A_120[0] : i32 from vector<1xi32>
    %dma_start3A_122 = arith.constant 5 : i32
    %dma_start3A_123 = arith.constant 0 : i32
    %dma_start3A_124 = arith.constant 0 : i32
    %dma_start3A_125 = tpu.memref_slice %arg6[%dma_start3A_122, %dma_start3A_123, %dma_start3A_124] : memref<16x28x28xf32, #tpu.memory_space<vmem>> -> memref<1x28x28xf32, #tpu.memory_space<vmem>>
    %dma_start3A_126 = tpu.memref_squeeze %dma_start3A_125 : memref<1x28x28xf32, #tpu.memory_space<vmem>> -> memref<28x28xf32, #tpu.memory_space<vmem>>
    %dma_start3A_127 = arith.constant 0 : i32
    %dma_start3A_128 = arith.constant 0 : i32
    %dma_start3A_129 = tpu.memref_slice %arg2[%min3A_119, %squeeze3A_121, %dma_start3A_127, %dma_start3A_128] : memref<1000x81x28x28xf32, #tpu.memory_space<hbm>> -> memref<1x1x28x28xf32, #tpu.memory_space<hbm>>
    %dma_start3A_130 = tpu.memref_squeeze %dma_start3A_129 : memref<1x1x28x28xf32, #tpu.memory_space<hbm>> -> memref<28x28xf32, #tpu.memory_space<hbm>>
    %dma_start3A_131 = arith.constant 0 : i32
    %dma_start3A_132 = arith.constant 0 : i32
    %dma_start3A_133 = tpu.memref_slice %arg6[%dma_start3A_122, %dma_start3A_131, %dma_start3A_132] : memref<16x28x28xf32, #tpu.memory_space<vmem>> -> memref<1x28x28xf32, #tpu.memory_space<vmem>>
    %dma_start3A_134 = tpu.memref_squeeze %dma_start3A_133 : memref<1x28x28xf32, #tpu.memory_space<vmem>> -> memref<28x28xf32, #tpu.memory_space<vmem>>
    %dma_start3A_135 = arith.constant 0 : i32
    %dma_start3A_136 = arith.constant 0 : i32
    %dma_start3A_137 = tpu.memref_slice %arg2[%min3A_119, %squeeze3A_121, %dma_start3A_135, %dma_start3A_136] : memref<1000x81x28x28xf32, #tpu.memory_space<hbm>> -> memref<1x1x28x28xf32, #tpu.memory_space<hbm>>
    %dma_start3A_138 = tpu.memref_squeeze %dma_start3A_137 : memref<1x1x28x28xf32, #tpu.memory_space<hbm>> -> memref<28x28xf32, #tpu.memory_space<hbm>>
    tpu.enqueue_dma source(%dma_start3A_138 : memref<28x28xf32, #tpu.memory_space<hbm>>) target(%dma_start3A_134 : memref<28x28xf32, #tpu.memory_space<vmem>>) target_semaphore(%arg7 : memref<!tpu.dma_semaphore, #tpu.memory_space<semaphore_mem>>)
    %add3A_139 = arith.constant 6 : i32
    %add3A_140 = arith.addi %mul3A_2, %add3A_139 : i32
    %min3A_141 = arith.constant 999 : i32
    %min3A_142 = arith.minsi %add3A_140, %min3A_141 : i32
    %slice3A_143 = vector.extract_strided_slice %get3A_4 {offsets = [6], sizes = [1], strides = [1]} : vector<16xi32> to vector<1xi32>
    %squeeze3A_144 = vector.extract %slice3A_143[0] : i32 from vector<1xi32>
    %dma_start3A_145 = arith.constant 6 : i32
    %dma_start3A_146 = arith.constant 0 : i32
    %dma_start3A_147 = arith.constant 0 : i32
    %dma_start3A_148 = tpu.memref_slice %arg6[%dma_start3A_145, %dma_start3A_146, %dma_start3A_147] : memref<16x28x28xf32, #tpu.memory_space<vmem>> -> memref<1x28x28xf32, #tpu.memory_space<vmem>>
    %dma_start3A_149 = tpu.memref_squeeze %dma_start3A_148 : memref<1x28x28xf32, #tpu.memory_space<vmem>> -> memref<28x28xf32, #tpu.memory_space<vmem>>
    %dma_start3A_150 = arith.constant 0 : i32
    %dma_start3A_151 = arith.constant 0 : i32
    %dma_start3A_152 = tpu.memref_slice %arg2[%min3A_142, %squeeze3A_144, %dma_start3A_150, %dma_start3A_151] : memref<1000x81x28x28xf32, #tpu.memory_space<hbm>> -> memref<1x1x28x28xf32, #tpu.memory_space<hbm>>
    %dma_start3A_153 = tpu.memref_squeeze %dma_start3A_152 : memref<1x1x28x28xf32, #tpu.memory_space<hbm>> -> memref<28x28xf32, #tpu.memory_space<hbm>>
    %dma_start3A_154 = arith.constant 0 : i32
    %dma_start3A_155 = arith.constant 0 : i32
    %dma_start3A_156 = tpu.memref_slice %arg6[%dma_start3A_145, %dma_start3A_154, %dma_start3A_155] : memref<16x28x28xf32, #tpu.memory_space<vmem>> -> memref<1x28x28xf32, #tpu.memory_space<vmem>>
    %dma_start3A_157 = tpu.memref_squeeze %dma_start3A_156 : memref<1x28x28xf32, #tpu.memory_space<vmem>> -> memref<28x28xf32, #tpu.memory_space<vmem>>
    %dma_start3A_158 = arith.constant 0 : i32
    %dma_start3A_159 = arith.constant 0 : i32
    %dma_start3A_160 = tpu.memref_slice %arg2[%min3A_142, %squeeze3A_144, %dma_start3A_158, %dma_start3A_159] : memref<1000x81x28x28xf32, #tpu.memory_space<hbm>> -> memref<1x1x28x28xf32, #tpu.memory_space<hbm>>
    %dma_start3A_161 = tpu.memref_squeeze %dma_start3A_160 : memref<1x1x28x28xf32, #tpu.memory_space<hbm>> -> memref<28x28xf32, #tpu.memory_space<hbm>>
    tpu.enqueue_dma source(%dma_start3A_161 : memref<28x28xf32, #tpu.memory_space<hbm>>) target(%dma_start3A_157 : memref<28x28xf32, #tpu.memory_space<vmem>>) target_semaphore(%arg7 : memref<!tpu.dma_semaphore, #tpu.memory_space<semaphore_mem>>)
    %add3A_162 = arith.constant 7 : i32
    %add3A_163 = arith.addi %mul3A_2, %add3A_162 : i32
    %min3A_164 = arith.constant 999 : i32
    %min3A_165 = arith.minsi %add3A_163, %min3A_164 : i32
    %slice3A_166 = vector.extract_strided_slice %get3A_4 {offsets = [7], sizes = [1], strides = [1]} : vector<16xi32> to vector<1xi32>
    %squeeze3A_167 = vector.extract %slice3A_166[0] : i32 from vector<1xi32>
    %dma_start3A_168 = arith.constant 7 : i32
    %dma_start3A_169 = arith.constant 0 : i32
    %dma_start3A_170 = arith.constant 0 : i32
    %dma_start3A_171 = tpu.memref_slice %arg6[%dma_start3A_168, %dma_start3A_169, %dma_start3A_170] : memref<16x28x28xf32, #tpu.memory_space<vmem>> -> memref<1x28x28xf32, #tpu.memory_space<vmem>>
    %dma_start3A_172 = tpu.memref_squeeze %dma_start3A_171 : memref<1x28x28xf32, #tpu.memory_space<vmem>> -> memref<28x28xf32, #tpu.memory_space<vmem>>
    %dma_start3A_173 = arith.constant 0 : i32
    %dma_start3A_174 = arith.constant 0 : i32
    %dma_start3A_175 = tpu.memref_slice %arg2[%min3A_165, %squeeze3A_167, %dma_start3A_173, %dma_start3A_174] : memref<1000x81x28x28xf32, #tpu.memory_space<hbm>> -> memref<1x1x28x28xf32, #tpu.memory_space<hbm>>
    %dma_start3A_176 = tpu.memref_squeeze %dma_start3A_175 : memref<1x1x28x28xf32, #tpu.memory_space<hbm>> -> memref<28x28xf32, #tpu.memory_space<hbm>>
    %dma_start3A_177 = arith.constant 0 : i32
    %dma_start3A_178 = arith.constant 0 : i32
    %dma_start3A_179 = tpu.memref_slice %arg6[%dma_start3A_168, %dma_start3A_177, %dma_start3A_178] : memref<16x28x28xf32, #tpu.memory_space<vmem>> -> memref<1x28x28xf32, #tpu.memory_space<vmem>>
    %dma_start3A_180 = tpu.memref_squeeze %dma_start3A_179 : memref<1x28x28xf32, #tpu.memory_space<vmem>> -> memref<28x28xf32, #tpu.memory_space<vmem>>
    %dma_start3A_181 = arith.constant 0 : i32
    %dma_start3A_182 = arith.constant 0 : i32
    %dma_start3A_183 = tpu.memref_slice %arg2[%min3A_165, %squeeze3A_167, %dma_start3A_181, %dma_start3A_182] : memref<1000x81x28x28xf32, #tpu.memory_space<hbm>> -> memref<1x1x28x28xf32, #tpu.memory_space<hbm>>
    %dma_start3A_184 = tpu.memref_squeeze %dma_start3A_183 : memref<1x1x28x28xf32, #tpu.memory_space<hbm>> -> memref<28x28xf32, #tpu.memory_space<hbm>>
    tpu.enqueue_dma source(%dma_start3A_184 : memref<28x28xf32, #tpu.memory_space<hbm>>) target(%dma_start3A_180 : memref<28x28xf32, #tpu.memory_space<vmem>>) target_semaphore(%arg7 : memref<!tpu.dma_semaphore, #tpu.memory_space<semaphore_mem>>)
    %add3A_185 = arith.constant 8 : i32
    %add3A_186 = arith.addi %mul3A_2, %add3A_185 : i32
    %min3A_187 = arith.constant 999 : i32
    %min3A_188 = arith.minsi %add3A_186, %min3A_187 : i32
    %slice3A_189 = vector.extract_strided_slice %get3A_4 {offsets = [8], sizes = [1], strides = [1]} : vector<16xi32> to vector<1xi32>
    %squeeze3A_190 = vector.extract %slice3A_189[0] : i32 from vector<1xi32>
    %dma_start3A_191 = arith.constant 8 : i32
    %dma_start3A_192 = arith.constant 0 : i32
    %dma_start3A_193 = arith.constant 0 : i32
    %dma_start3A_194 = tpu.memref_slice %arg6[%dma_start3A_191, %dma_start3A_192, %dma_start3A_193] : memref<16x28x28xf32, #tpu.memory_space<vmem>> -> memref<1x28x28xf32, #tpu.memory_space<vmem>>
    %dma_start3A_195 = tpu.memref_squeeze %dma_start3A_194 : memref<1x28x28xf32, #tpu.memory_space<vmem>> -> memref<28x28xf32, #tpu.memory_space<vmem>>
    %dma_start3A_196 = arith.constant 0 : i32
    %dma_start3A_197 = arith.constant 0 : i32
    %dma_start3A_198 = tpu.memref_slice %arg2[%min3A_188, %squeeze3A_190, %dma_start3A_196, %dma_start3A_197] : memref<1000x81x28x28xf32, #tpu.memory_space<hbm>> -> memref<1x1x28x28xf32, #tpu.memory_space<hbm>>
    %dma_start3A_199 = tpu.memref_squeeze %dma_start3A_198 : memref<1x1x28x28xf32, #tpu.memory_space<hbm>> -> memref<28x28xf32, #tpu.memory_space<hbm>>
    %dma_start3A_200 = arith.constant 0 : i32
    %dma_start3A_201 = arith.constant 0 : i32
    %dma_start3A_202 = tpu.memref_slice %arg6[%dma_start3A_191, %dma_start3A_200, %dma_start3A_201] : memref<16x28x28xf32, #tpu.memory_space<vmem>> -> memref<1x28x28xf32, #tpu.memory_space<vmem>>
    %dma_start3A_203 = tpu.memref_squeeze %dma_start3A_202 : memref<1x28x28xf32, #tpu.memory_space<vmem>> -> memref<28x28xf32, #tpu.memory_space<vmem>>
    %dma_start3A_204 = arith.constant 0 : i32
    %dma_start3A_205 = arith.constant 0 : i32
    %dma_start3A_206 = tpu.memref_slice %arg2[%min3A_188, %squeeze3A_190, %dma_start3A_204, %dma_start3A_205] : memref<1000x81x28x28xf32, #tpu.memory_space<hbm>> -> memref<1x1x28x28xf32, #tpu.memory_space<hbm>>
    %dma_start3A_207 = tpu.memref_squeeze %dma_start3A_206 : memref<1x1x28x28xf32, #tpu.memory_space<hbm>> -> memref<28x28xf32, #tpu.memory_space<hbm>>
    tpu.enqueue_dma source(%dma_start3A_207 : memref<28x28xf32, #tpu.memory_space<hbm>>) target(%dma_start3A_203 : memref<28x28xf32, #tpu.memory_space<vmem>>) target_semaphore(%arg7 : memref<!tpu.dma_semaphore, #tpu.memory_space<semaphore_mem>>)
    %add3A_208 = arith.constant 9 : i32
    %add3A_209 = arith.addi %mul3A_2, %add3A_208 : i32
    %min3A_210 = arith.constant 999 : i32
    %min3A_211 = arith.minsi %add3A_209, %min3A_210 : i32
    %slice3A_212 = vector.extract_strided_slice %get3A_4 {offsets = [9], sizes = [1], strides = [1]} : vector<16xi32> to vector<1xi32>
    %squeeze3A_213 = vector.extract %slice3A_212[0] : i32 from vector<1xi32>
    %dma_start3A_214 = arith.constant 9 : i32
    %dma_start3A_215 = arith.constant 0 : i32
    %dma_start3A_216 = arith.constant 0 : i32
    %dma_start3A_217 = tpu.memref_slice %arg6[%dma_start3A_214, %dma_start3A_215, %dma_start3A_216] : memref<16x28x28xf32, #tpu.memory_space<vmem>> -> memref<1x28x28xf32, #tpu.memory_space<vmem>>
    %dma_start3A_218 = tpu.memref_squeeze %dma_start3A_217 : memref<1x28x28xf32, #tpu.memory_space<vmem>> -> memref<28x28xf32, #tpu.memory_space<vmem>>
    %dma_start3A_219 = arith.constant 0 : i32
    %dma_start3A_220 = arith.constant 0 : i32
    %dma_start3A_221 = tpu.memref_slice %arg2[%min3A_211, %squeeze3A_213, %dma_start3A_219, %dma_start3A_220] : memref<1000x81x28x28xf32, #tpu.memory_space<hbm>> -> memref<1x1x28x28xf32, #tpu.memory_space<hbm>>
    %dma_start3A_222 = tpu.memref_squeeze %dma_start3A_221 : memref<1x1x28x28xf32, #tpu.memory_space<hbm>> -> memref<28x28xf32, #tpu.memory_space<hbm>>
    %dma_start3A_223 = arith.constant 0 : i32
    %dma_start3A_224 = arith.constant 0 : i32
    %dma_start3A_225 = tpu.memref_slice %arg6[%dma_start3A_214, %dma_start3A_223, %dma_start3A_224] : memref<16x28x28xf32, #tpu.memory_space<vmem>> -> memref<1x28x28xf32, #tpu.memory_space<vmem>>
    %dma_start3A_226 = tpu.memref_squeeze %dma_start3A_225 : memref<1x28x28xf32, #tpu.memory_space<vmem>> -> memref<28x28xf32, #tpu.memory_space<vmem>>
    %dma_start3A_227 = arith.constant 0 : i32
    %dma_start3A_228 = arith.constant 0 : i32
    %dma_start3A_229 = tpu.memref_slice %arg2[%min3A_211, %squeeze3A_213, %dma_start3A_227, %dma_start3A_228] : memref<1000x81x28x28xf32, #tpu.memory_space<hbm>> -> memref<1x1x28x28xf32, #tpu.memory_space<hbm>>
    %dma_start3A_230 = tpu.memref_squeeze %dma_start3A_229 : memref<1x1x28x28xf32, #tpu.memory_space<hbm>> -> memref<28x28xf32, #tpu.memory_space<hbm>>
    tpu.enqueue_dma source(%dma_start3A_230 : memref<28x28xf32, #tpu.memory_space<hbm>>) target(%dma_start3A_226 : memref<28x28xf32, #tpu.memory_space<vmem>>) target_semaphore(%arg7 : memref<!tpu.dma_semaphore, #tpu.memory_space<semaphore_mem>>)
    %add3A_231 = arith.constant 10 : i32
    %add3A_232 = arith.addi %mul3A_2, %add3A_231 : i32
    %min3A_233 = arith.constant 999 : i32
    %min3A_234 = arith.minsi %add3A_232, %min3A_233 : i32
    %slice3A_235 = vector.extract_strided_slice %get3A_4 {offsets = [10], sizes = [1], strides = [1]} : vector<16xi32> to vector<1xi32>
    %squeeze3A_236 = vector.extract %slice3A_235[0] : i32 from vector<1xi32>
    %dma_start3A_237 = arith.constant 10 : i32
    %dma_start3A_238 = arith.constant 0 : i32
    %dma_start3A_239 = arith.constant 0 : i32
    %dma_start3A_240 = tpu.memref_slice %arg6[%dma_start3A_237, %dma_start3A_238, %dma_start3A_239] : memref<16x28x28xf32, #tpu.memory_space<vmem>> -> memref<1x28x28xf32, #tpu.memory_space<vmem>>
    %dma_start3A_241 = tpu.memref_squeeze %dma_start3A_240 : memref<1x28x28xf32, #tpu.memory_space<vmem>> -> memref<28x28xf32, #tpu.memory_space<vmem>>
    %dma_start3A_242 = arith.constant 0 : i32
    %dma_start3A_243 = arith.constant 0 : i32
    %dma_start3A_244 = tpu.memref_slice %arg2[%min3A_234, %squeeze3A_236, %dma_start3A_242, %dma_start3A_243] : memref<1000x81x28x28xf32, #tpu.memory_space<hbm>> -> memref<1x1x28x28xf32, #tpu.memory_space<hbm>>
    %dma_start3A_245 = tpu.memref_squeeze %dma_start3A_244 : memref<1x1x28x28xf32, #tpu.memory_space<hbm>> -> memref<28x28xf32, #tpu.memory_space<hbm>>
    %dma_start3A_246 = arith.constant 0 : i32
    %dma_start3A_247 = arith.constant 0 : i32
    %dma_start3A_248 = tpu.memref_slice %arg6[%dma_start3A_237, %dma_start3A_246, %dma_start3A_247] : memref<16x28x28xf32, #tpu.memory_space<vmem>> -> memref<1x28x28xf32, #tpu.memory_space<vmem>>
    %dma_start3A_249 = tpu.memref_squeeze %dma_start3A_248 : memref<1x28x28xf32, #tpu.memory_space<vmem>> -> memref<28x28xf32, #tpu.memory_space<vmem>>
    %dma_start3A_250 = arith.constant 0 : i32
    %dma_start3A_251 = arith.constant 0 : i32
    %dma_start3A_252 = tpu.memref_slice %arg2[%min3A_234, %squeeze3A_236, %dma_start3A_250, %dma_start3A_251] : memref<1000x81x28x28xf32, #tpu.memory_space<hbm>> -> memref<1x1x28x28xf32, #tpu.memory_space<hbm>>
    %dma_start3A_253 = tpu.memref_squeeze %dma_start3A_252 : memref<1x1x28x28xf32, #tpu.memory_space<hbm>> -> memref<28x28xf32, #tpu.memory_space<hbm>>
    tpu.enqueue_dma source(%dma_start3A_253 : memref<28x28xf32, #tpu.memory_space<hbm>>) target(%dma_start3A_249 : memref<28x28xf32, #tpu.memory_space<vmem>>) target_semaphore(%arg7 : memref<!tpu.dma_semaphore, #tpu.memory_space<semaphore_mem>>)
    %add3A_254 = arith.constant 11 : i32
    %add3A_255 = arith.addi %mul3A_2, %add3A_254 : i32
    %min3A_256 = arith.constant 999 : i32
    %min3A_257 = arith.minsi %add3A_255, %min3A_256 : i32
    %slice3A_258 = vector.extract_strided_slice %get3A_4 {offsets = [11], sizes = [1], strides = [1]} : vector<16xi32> to vector<1xi32>
    %squeeze3A_259 = vector.extract %slice3A_258[0] : i32 from vector<1xi32>
    %dma_start3A_260 = arith.constant 11 : i32
    %dma_start3A_261 = arith.constant 0 : i32
    %dma_start3A_262 = arith.constant 0 : i32
    %dma_start3A_263 = tpu.memref_slice %arg6[%dma_start3A_260, %dma_start3A_261, %dma_start3A_262] : memref<16x28x28xf32, #tpu.memory_space<vmem>> -> memref<1x28x28xf32, #tpu.memory_space<vmem>>
    %dma_start3A_264 = tpu.memref_squeeze %dma_start3A_263 : memref<1x28x28xf32, #tpu.memory_space<vmem>> -> memref<28x28xf32, #tpu.memory_space<vmem>>
    %dma_start3A_265 = arith.constant 0 : i32
    %dma_start3A_266 = arith.constant 0 : i32
    %dma_start3A_267 = tpu.memref_slice %arg2[%min3A_257, %squeeze3A_259, %dma_start3A_265, %dma_start3A_266] : memref<1000x81x28x28xf32, #tpu.memory_space<hbm>> -> memref<1x1x28x28xf32, #tpu.memory_space<hbm>>
    %dma_start3A_268 = tpu.memref_squeeze %dma_start3A_267 : memref<1x1x28x28xf32, #tpu.memory_space<hbm>> -> memref<28x28xf32, #tpu.memory_space<hbm>>
    %dma_start3A_269 = arith.constant 0 : i32
    %dma_start3A_270 = arith.constant 0 : i32
    %dma_start3A_271 = tpu.memref_slice %arg6[%dma_start3A_260, %dma_start3A_269, %dma_start3A_270] : memref<16x28x28xf32, #tpu.memory_space<vmem>> -> memref<1x28x28xf32, #tpu.memory_space<vmem>>
    %dma_start3A_272 = tpu.memref_squeeze %dma_start3A_271 : memref<1x28x28xf32, #tpu.memory_space<vmem>> -> memref<28x28xf32, #tpu.memory_space<vmem>>
    %dma_start3A_273 = arith.constant 0 : i32
    %dma_start3A_274 = arith.constant 0 : i32
    %dma_start3A_275 = tpu.memref_slice %arg2[%min3A_257, %squeeze3A_259, %dma_start3A_273, %dma_start3A_274] : memref<1000x81x28x28xf32, #tpu.memory_space<hbm>> -> memref<1x1x28x28xf32, #tpu.memory_space<hbm>>
    %dma_start3A_276 = tpu.memref_squeeze %dma_start3A_275 : memref<1x1x28x28xf32, #tpu.memory_space<hbm>> -> memref<28x28xf32, #tpu.memory_space<hbm>>
    tpu.enqueue_dma source(%dma_start3A_276 : memref<28x28xf32, #tpu.memory_space<hbm>>) target(%dma_start3A_272 : memref<28x28xf32, #tpu.memory_space<vmem>>) target_semaphore(%arg7 : memref<!tpu.dma_semaphore, #tpu.memory_space<semaphore_mem>>)
    %add3A_277 = arith.constant 12 : i32
    %add3A_278 = arith.addi %mul3A_2, %add3A_277 : i32
    %min3A_279 = arith.constant 999 : i32
    %min3A_280 = arith.minsi %add3A_278, %min3A_279 : i32
    %slice3A_281 = vector.extract_strided_slice %get3A_4 {offsets = [12], sizes = [1], strides = [1]} : vector<16xi32> to vector<1xi32>
    %squeeze3A_282 = vector.extract %slice3A_281[0] : i32 from vector<1xi32>
    %dma_start3A_283 = arith.constant 12 : i32
    %dma_start3A_284 = arith.constant 0 : i32
    %dma_start3A_285 = arith.constant 0 : i32
    %dma_start3A_286 = tpu.memref_slice %arg6[%dma_start3A_283, %dma_start3A_284, %dma_start3A_285] : memref<16x28x28xf32, #tpu.memory_space<vmem>> -> memref<1x28x28xf32, #tpu.memory_space<vmem>>
    %dma_start3A_287 = tpu.memref_squeeze %dma_start3A_286 : memref<1x28x28xf32, #tpu.memory_space<vmem>> -> memref<28x28xf32, #tpu.memory_space<vmem>>
    %dma_start3A_288 = arith.constant 0 : i32
    %dma_start3A_289 = arith.constant 0 : i32
    %dma_start3A_290 = tpu.memref_slice %arg2[%min3A_280, %squeeze3A_282, %dma_start3A_288, %dma_start3A_289] : memref<1000x81x28x28xf32, #tpu.memory_space<hbm>> -> memref<1x1x28x28xf32, #tpu.memory_space<hbm>>
    %dma_start3A_291 = tpu.memref_squeeze %dma_start3A_290 : memref<1x1x28x28xf32, #tpu.memory_space<hbm>> -> memref<28x28xf32, #tpu.memory_space<hbm>>
    %dma_start3A_292 = arith.constant 0 : i32
    %dma_start3A_293 = arith.constant 0 : i32
    %dma_start3A_294 = tpu.memref_slice %arg6[%dma_start3A_283, %dma_start3A_292, %dma_start3A_293] : memref<16x28x28xf32, #tpu.memory_space<vmem>> -> memref<1x28x28xf32, #tpu.memory_space<vmem>>
    %dma_start3A_295 = tpu.memref_squeeze %dma_start3A_294 : memref<1x28x28xf32, #tpu.memory_space<vmem>> -> memref<28x28xf32, #tpu.memory_space<vmem>>
    %dma_start3A_296 = arith.constant 0 : i32
    %dma_start3A_297 = arith.constant 0 : i32
    %dma_start3A_298 = tpu.memref_slice %arg2[%min3A_280, %squeeze3A_282, %dma_start3A_296, %dma_start3A_297] : memref<1000x81x28x28xf32, #tpu.memory_space<hbm>> -> memref<1x1x28x28xf32, #tpu.memory_space<hbm>>
    %dma_start3A_299 = tpu.memref_squeeze %dma_start3A_298 : memref<1x1x28x28xf32, #tpu.memory_space<hbm>> -> memref<28x28xf32, #tpu.memory_space<hbm>>
    tpu.enqueue_dma source(%dma_start3A_299 : memref<28x28xf32, #tpu.memory_space<hbm>>) target(%dma_start3A_295 : memref<28x28xf32, #tpu.memory_space<vmem>>) target_semaphore(%arg7 : memref<!tpu.dma_semaphore, #tpu.memory_space<semaphore_mem>>)
    %add3A_300 = arith.constant 13 : i32
    %add3A_301 = arith.addi %mul3A_2, %add3A_300 : i32
    %min3A_302 = arith.constant 999 : i32
    %min3A_303 = arith.minsi %add3A_301, %min3A_302 : i32
    %slice3A_304 = vector.extract_strided_slice %get3A_4 {offsets = [13], sizes = [1], strides = [1]} : vector<16xi32> to vector<1xi32>
    %squeeze3A_305 = vector.extract %slice3A_304[0] : i32 from vector<1xi32>
    %dma_start3A_306 = arith.constant 13 : i32
    %dma_start3A_307 = arith.constant 0 : i32
    %dma_start3A_308 = arith.constant 0 : i32
    %dma_start3A_309 = tpu.memref_slice %arg6[%dma_start3A_306, %dma_start3A_307, %dma_start3A_308] : memref<16x28x28xf32, #tpu.memory_space<vmem>> -> memref<1x28x28xf32, #tpu.memory_space<vmem>>
    %dma_start3A_310 = tpu.memref_squeeze %dma_start3A_309 : memref<1x28x28xf32, #tpu.memory_space<vmem>> -> memref<28x28xf32, #tpu.memory_space<vmem>>
    %dma_start3A_311 = arith.constant 0 : i32
    %dma_start3A_312 = arith.constant 0 : i32
    %dma_start3A_313 = tpu.memref_slice %arg2[%min3A_303, %squeeze3A_305, %dma_start3A_311, %dma_start3A_312] : memref<1000x81x28x28xf32, #tpu.memory_space<hbm>> -> memref<1x1x28x28xf32, #tpu.memory_space<hbm>>
    %dma_start3A_314 = tpu.memref_squeeze %dma_start3A_313 : memref<1x1x28x28xf32, #tpu.memory_space<hbm>> -> memref<28x28xf32, #tpu.memory_space<hbm>>
    %dma_start3A_315 = arith.constant 0 : i32
    %dma_start3A_316 = arith.constant 0 : i32
    %dma_start3A_317 = tpu.memref_slice %arg6[%dma_start3A_306, %dma_start3A_315, %dma_start3A_316] : memref<16x28x28xf32, #tpu.memory_space<vmem>> -> memref<1x28x28xf32, #tpu.memory_space<vmem>>
    %dma_start3A_318 = tpu.memref_squeeze %dma_start3A_317 : memref<1x28x28xf32, #tpu.memory_space<vmem>> -> memref<28x28xf32, #tpu.memory_space<vmem>>
    %dma_start3A_319 = arith.constant 0 : i32
    %dma_start3A_320 = arith.constant 0 : i32
    %dma_start3A_321 = tpu.memref_slice %arg2[%min3A_303, %squeeze3A_305, %dma_start3A_319, %dma_start3A_320] : memref<1000x81x28x28xf32, #tpu.memory_space<hbm>> -> memref<1x1x28x28xf32, #tpu.memory_space<hbm>>
    %dma_start3A_322 = tpu.memref_squeeze %dma_start3A_321 : memref<1x1x28x28xf32, #tpu.memory_space<hbm>> -> memref<28x28xf32, #tpu.memory_space<hbm>>
    tpu.enqueue_dma source(%dma_start3A_322 : memref<28x28xf32, #tpu.memory_space<hbm>>) target(%dma_start3A_318 : memref<28x28xf32, #tpu.memory_space<vmem>>) target_semaphore(%arg7 : memref<!tpu.dma_semaphore, #tpu.memory_space<semaphore_mem>>)
    %add3A_323 = arith.constant 14 : i32
    %add3A_324 = arith.addi %mul3A_2, %add3A_323 : i32
    %min3A_325 = arith.constant 999 : i32
    %min3A_326 = arith.minsi %add3A_324, %min3A_325 : i32
    %slice3A_327 = vector.extract_strided_slice %get3A_4 {offsets = [14], sizes = [1], strides = [1]} : vector<16xi32> to vector<1xi32>
    %squeeze3A_328 = vector.extract %slice3A_327[0] : i32 from vector<1xi32>
    %dma_start3A_329 = arith.constant 14 : i32
    %dma_start3A_330 = arith.constant 0 : i32
    %dma_start3A_331 = arith.constant 0 : i32
    %dma_start3A_332 = tpu.memref_slice %arg6[%dma_start3A_329, %dma_start3A_330, %dma_start3A_331] : memref<16x28x28xf32, #tpu.memory_space<vmem>> -> memref<1x28x28xf32, #tpu.memory_space<vmem>>
    %dma_start3A_333 = tpu.memref_squeeze %dma_start3A_332 : memref<1x28x28xf32, #tpu.memory_space<vmem>> -> memref<28x28xf32, #tpu.memory_space<vmem>>
    %dma_start3A_334 = arith.constant 0 : i32
    %dma_start3A_335 = arith.constant 0 : i32
    %dma_start3A_336 = tpu.memref_slice %arg2[%min3A_326, %squeeze3A_328, %dma_start3A_334, %dma_start3A_335] : memref<1000x81x28x28xf32, #tpu.memory_space<hbm>> -> memref<1x1x28x28xf32, #tpu.memory_space<hbm>>
    %dma_start3A_337 = tpu.memref_squeeze %dma_start3A_336 : memref<1x1x28x28xf32, #tpu.memory_space<hbm>> -> memref<28x28xf32, #tpu.memory_space<hbm>>
    %dma_start3A_338 = arith.constant 0 : i32
    %dma_start3A_339 = arith.constant 0 : i32
    %dma_start3A_340 = tpu.memref_slice %arg6[%dma_start3A_329, %dma_start3A_338, %dma_start3A_339] : memref<16x28x28xf32, #tpu.memory_space<vmem>> -> memref<1x28x28xf32, #tpu.memory_space<vmem>>
    %dma_start3A_341 = tpu.memref_squeeze %dma_start3A_340 : memref<1x28x28xf32, #tpu.memory_space<vmem>> -> memref<28x28xf32, #tpu.memory_space<vmem>>
    %dma_start3A_342 = arith.constant 0 : i32
    %dma_start3A_343 = arith.constant 0 : i32
    %dma_start3A_344 = tpu.memref_slice %arg2[%min3A_326, %squeeze3A_328, %dma_start3A_342, %dma_start3A_343] : memref<1000x81x28x28xf32, #tpu.memory_space<hbm>> -> memref<1x1x28x28xf32, #tpu.memory_space<hbm>>
    %dma_start3A_345 = tpu.memref_squeeze %dma_start3A_344 : memref<1x1x28x28xf32, #tpu.memory_space<hbm>> -> memref<28x28xf32, #tpu.memory_space<hbm>>
    tpu.enqueue_dma source(%dma_start3A_345 : memref<28x28xf32, #tpu.memory_space<hbm>>) target(%dma_start3A_341 : memref<28x28xf32, #tpu.memory_space<vmem>>) target_semaphore(%arg7 : memref<!tpu.dma_semaphore, #tpu.memory_space<semaphore_mem>>)
    %add3A_346 = arith.constant 15 : i32
    %add3A_347 = arith.addi %mul3A_2, %add3A_346 : i32
    %min3A_348 = arith.constant 999 : i32
    %min3A_349 = arith.minsi %add3A_347, %min3A_348 : i32
    %slice3A_350 = vector.extract_strided_slice %get3A_4 {offsets = [15], sizes = [1], strides = [1]} : vector<16xi32> to vector<1xi32>
    %squeeze3A_351 = vector.extract %slice3A_350[0] : i32 from vector<1xi32>
    %dma_start3A_352 = arith.constant 15 : i32
    %dma_start3A_353 = arith.constant 0 : i32
    %dma_start3A_354 = arith.constant 0 : i32
    %dma_start3A_355 = tpu.memref_slice %arg6[%dma_start3A_352, %dma_start3A_353, %dma_start3A_354] : memref<16x28x28xf32, #tpu.memory_space<vmem>> -> memref<1x28x28xf32, #tpu.memory_space<vmem>>
    %dma_start3A_356 = tpu.memref_squeeze %dma_start3A_355 : memref<1x28x28xf32, #tpu.memory_space<vmem>> -> memref<28x28xf32, #tpu.memory_space<vmem>>
    %dma_start3A_357 = arith.constant 0 : i32
    %dma_start3A_358 = arith.constant 0 : i32
    %dma_start3A_359 = tpu.memref_slice %arg2[%min3A_349, %squeeze3A_351, %dma_start3A_357, %dma_start3A_358] : memref<1000x81x28x28xf32, #tpu.memory_space<hbm>> -> memref<1x1x28x28xf32, #tpu.memory_space<hbm>>
    %dma_start3A_360 = tpu.memref_squeeze %dma_start3A_359 : memref<1x1x28x28xf32, #tpu.memory_space<hbm>> -> memref<28x28xf32, #tpu.memory_space<hbm>>
    %dma_start3A_361 = arith.constant 0 : i32
    %dma_start3A_362 = arith.constant 0 : i32
    %dma_start3A_363 = tpu.memref_slice %arg6[%dma_start3A_352, %dma_start3A_361, %dma_start3A_362] : memref<16x28x28xf32, #tpu.memory_space<vmem>> -> memref<1x28x28xf32, #tpu.memory_space<vmem>>
    %dma_start3A_364 = tpu.memref_squeeze %dma_start3A_363 : memref<1x28x28xf32, #tpu.memory_space<vmem>> -> memref<28x28xf32, #tpu.memory_space<vmem>>
    %dma_start3A_365 = arith.constant 0 : i32
    %dma_start3A_366 = arith.constant 0 : i32
    %dma_start3A_367 = tpu.memref_slice %arg2[%min3A_349, %squeeze3A_351, %dma_start3A_365, %dma_start3A_366] : memref<1000x81x28x28xf32, #tpu.memory_space<hbm>> -> memref<1x1x28x28xf32, #tpu.memory_space<hbm>>
    %dma_start3A_368 = tpu.memref_squeeze %dma_start3A_367 : memref<1x1x28x28xf32, #tpu.memory_space<hbm>> -> memref<28x28xf32, #tpu.memory_space<hbm>>
    tpu.enqueue_dma source(%dma_start3A_368 : memref<28x28xf32, #tpu.memory_space<hbm>>) target(%dma_start3A_364 : memref<28x28xf32, #tpu.memory_space<vmem>>) target_semaphore(%arg7 : memref<!tpu.dma_semaphore, #tpu.memory_space<semaphore_mem>>)
    %scan3A = arith.constant 0 : i32
    %scan3A_369 = arith.constant 0 : i32
    %scan3A_370 = arith.constant 16 : i32
    %scan3A_371 = arith.addi %scan3A_369, %scan3A_370 : i32
    %scan3A_372 = arith.constant 1 : i32
    %scan3A_373 = scf.for %scan3A_771 = %scan3A_369 to %scan3A_371 step %scan3A_372 iter_args(%scan3A_772 = %scan3A) -> (i32)  : i32 {
      %dma_wait3A = arith.constant 0 : i32
      %dma_wait3A_773 = arith.constant 0 : i32
      %dma_wait3A_774 = arith.constant 0 : i32
      %dma_wait3A_775 = arith.constant 0 : i32
      %dma_wait3A_776 = arith.constant 0 : i32
      %dma_wait3A_777 = tpu.memref_slice %arg6[%dma_wait3A_774, %dma_wait3A_775, %dma_wait3A_776] : memref<16x28x28xf32, #tpu.memory_space<vmem>> -> memref<1x28x28xf32, #tpu.memory_space<vmem>>
      %dma_wait3A_778 = tpu.memref_squeeze %dma_wait3A_777 : memref<1x28x28xf32, #tpu.memory_space<vmem>> -> memref<28x28xf32, #tpu.memory_space<vmem>>
      %dma_wait3A_779 = arith.constant 0 : i32
      %dma_wait3A_780 = arith.constant 0 : i32
      %dma_wait3A_781 = tpu.memref_slice %arg2[%dma_wait3A, %dma_wait3A_773, %dma_wait3A_779, %dma_wait3A_780] : memref<1000x81x28x28xf32, #tpu.memory_space<hbm>> -> memref<1x1x28x28xf32, #tpu.memory_space<hbm>>
      %dma_wait3A_782 = tpu.memref_squeeze %dma_wait3A_781 : memref<1x1x28x28xf32, #tpu.memory_space<hbm>> -> memref<28x28xf32, #tpu.memory_space<hbm>>
      %dma_wait3A_783 = arith.constant 0 : i32
      %dma_wait3A_784 = arith.constant 0 : i32
      %dma_wait3A_785 = tpu.memref_slice %arg6[%dma_wait3A_774, %dma_wait3A_783, %dma_wait3A_784] : memref<16x28x28xf32, #tpu.memory_space<vmem>> -> memref<1x28x28xf32, #tpu.memory_space<vmem>>
      %dma_wait3A_786 = tpu.memref_squeeze %dma_wait3A_785 : memref<1x28x28xf32, #tpu.memory_space<vmem>> -> memref<28x28xf32, #tpu.memory_space<vmem>>
      %dma_wait3A_787 = arith.constant 0 : i32
      %dma_wait3A_788 = arith.constant 0 : i32
      %dma_wait3A_789 = tpu.memref_slice %arg2[%dma_wait3A, %dma_wait3A_773, %dma_wait3A_787, %dma_wait3A_788] : memref<1000x81x28x28xf32, #tpu.memory_space<hbm>> -> memref<1x1x28x28xf32, #tpu.memory_space<hbm>>
      %dma_wait3A_790 = tpu.memref_squeeze %dma_wait3A_789 : memref<1x1x28x28xf32, #tpu.memory_space<hbm>> -> memref<28x28xf32, #tpu.memory_space<hbm>>
      tpu.wait_dma2 semaphore(%arg7 : memref<!tpu.dma_semaphore, #tpu.memory_space<semaphore_mem>>) src(%dma_wait3A_790 : memref<28x28xf32, #tpu.memory_space<hbm>>) dst(%dma_wait3A_786 : memref<28x28xf32, #tpu.memory_space<vmem>>)
      %scan3A_791 = arith.constant 0 : i32
      scf.yield %scan3A_791 : i32
    }
    %scan3A_374 = arith.constant 16 : i32
    %scan3A_375 = arith.constant 0 : i32
    %scan3A_376 = arith.constant 0 : i32
    %scan3A_377 = arith.constant 16 : i32
    %scan3A_378 = arith.addi %scan3A_376, %scan3A_377 : i32
    %scan3A_379 = arith.constant 1 : i32
    %scan3A_380 = scf.for %scan3A_771 = %scan3A_376 to %scan3A_378 step %scan3A_379 iter_args(%scan3A_772 = %scan3A_375) -> (i32)  : i32 {
      %get3A_773 = arith.constant 0 : i32
      %get3A_774 = arith.index_cast %scan3A_771 : i32 to index
      %get3A_775 = arith.index_cast %get3A_773 : i32 to index
      %get3A_776 = arith.constant 0 : index
      %get3A_777 = tpu.vector_load %arg6[%get3A_774, %get3A_775, %get3A_776] {strides = array<i32>} : memref<16x28x28xf32, #tpu.memory_space<vmem>>, vector<1x1x16xf32>,
      %get3A_778 = vector.shape_cast %get3A_777 : vector<1x1x16xf32> to vector<16xf32>
      %get3A_779 = arith.constant 0 : i32
      %get3A_780 = arith.index_cast %scan3A_771 : i32 to index
      %get3A_781 = arith.index_cast %get3A_779 : i32 to index
      %get3A_782 = arith.constant 12 : index
      %get3A_783 = tpu.vector_load %arg6[%get3A_780, %get3A_781, %get3A_782] {strides = array<i32>} : memref<16x28x28xf32, #tpu.memory_space<vmem>>, vector<1x1x16xf32>,
      %get3A_784 = vector.shape_cast %get3A_783 : vector<1x1x16xf32> to vector<16xf32>
      %neg3A = arith.constant 0.000000e+00 : f32
      %neg3A_785 = vector.broadcast %neg3A : f32 to vector<16xf32>
      %neg3A_786 = arith.subf %neg3A_785, %get3A_778 : vector<16xf32>
      %exp3A = math.exp %neg3A_786 : vector<16xf32>
      %add3A_787 = arith.constant 1.000000e+00 : f32
      %add3A_788 = vector.broadcast %add3A_787 : f32 to vector<16xf32>
      %add3A_789 = arith.addf %add3A_788, %exp3A : vector<16xf32>
      %div3A = arith.constant 1.000000e+00 : f32
      %div3A_790 = vector.broadcast %div3A : f32 to vector<16xf32>
      %div3A_791 = arith.divf %div3A_790, %add3A_789 : vector<16xf32>
      %swap3A = arith.constant 0 : i32
      %swap3A_792 = arith.index_cast %scan3A_771 : i32 to index
      %swap3A_793 = arith.index_cast %swap3A : i32 to index
      %swap3A_794 = arith.constant 0 : index
      %swap3A_795 = tpu.vector_load %arg6[%swap3A_792, %swap3A_793, %swap3A_794] {strides = array<i32>} : memref<16x28x28xf32, #tpu.memory_space<vmem>>, vector<1x1x16xf32>,
      %swap3A_796 = vector.shape_cast %swap3A_795 : vector<1x1x16xf32> to vector<16xf32>
      %swap3A_797 = vector.shape_cast %div3A_791 : vector<16xf32> to vector<1x1x16xf32>
      tpu.vector_store %arg6[%swap3A_792, %swap3A_793, %swap3A_794], %swap3A_797 {strides = array<i32>} : memref<16x28x28xf32, #tpu.memory_space<vmem>>, vector<1x1x16xf32>,
      %neg3A_798 = arith.constant 0.000000e+00 : f32
      %neg3A_799 = vector.broadcast %neg3A_798 : f32 to vector<16xf32>
      %neg3A_800 = arith.subf %neg3A_799, %get3A_784 : vector<16xf32>
      %exp3A_801 = math.exp %neg3A_800 : vector<16xf32>
      %add3A_802 = arith.constant 1.000000e+00 : f32
      %add3A_803 = vector.broadcast %add3A_802 : f32 to vector<16xf32>
      %add3A_804 = arith.addf %add3A_803, %exp3A_801 : vector<16xf32>
      %div3A_805 = arith.constant 1.000000e+00 : f32
      %div3A_806 = vector.broadcast %div3A_805 : f32 to vector<16xf32>
      %div3A_807 = arith.divf %div3A_806, %add3A_804 : vector<16xf32>
      %swap3A_808 = arith.constant 0 : i32
      %swap3A_809 = arith.index_cast %scan3A_771 : i32 to index
      %swap3A_810 = arith.index_cast %swap3A_808 : i32 to index
      %swap3A_811 = arith.constant 12 : index
      %swap3A_812 = tpu.vector_load %arg6[%swap3A_809, %swap3A_810, %swap3A_811] {strides = array<i32>} : memref<16x28x28xf32, #tpu.memory_space<vmem>>, vector<1x1x16xf32>,
      %swap3A_813 = vector.shape_cast %swap3A_812 : vector<1x1x16xf32> to vector<16xf32>
      %swap3A_814 = vector.shape_cast %div3A_807 : vector<16xf32> to vector<1x1x16xf32>
      tpu.vector_store %arg6[%swap3A_809, %swap3A_810, %swap3A_811], %swap3A_814 {strides = array<i32>} : memref<16x28x28xf32, #tpu.memory_space<vmem>>, vector<1x1x16xf32>,
      %get3A_815 = arith.constant 1 : i32
      %get3A_816 = arith.index_cast %scan3A_771 : i32 to index
      %get3A_817 = arith.index_cast %get3A_815 : i32 to index
      %get3A_818 = arith.constant 0 : index
      %get3A_819 = tpu.vector_load %arg6[%get3A_816, %get3A_817, %get3A_818] {strides = array<i32>} : memref<16x28x28xf32, #tpu.memory_space<vmem>>, vector<1x1x16xf32>,
      %get3A_820 = vector.shape_cast %get3A_819 : vector<1x1x16xf32> to vector<16xf32>
      %get3A_821 = arith.constant 1 : i32
      %get3A_822 = arith.index_cast %scan3A_771 : i32 to index
      %get3A_823 = arith.index_cast %get3A_821 : i32 to index
      %get3A_824 = arith.constant 12 : index
      %get3A_825 = tpu.vector_load %arg6[%get3A_822, %get3A_823, %get3A_824] {strides = array<i32>} : memref<16x28x28xf32, #tpu.memory_space<vmem>>, vector<1x1x16xf32>,
      %get3A_826 = vector.shape_cast %get3A_825 : vector<1x1x16xf32> to vector<16xf32>
      %neg3A_827 = arith.constant 0.000000e+00 : f32
      %neg3A_828 = vector.broadcast %neg3A_827 : f32 to vector<16xf32>
      %neg3A_829 = arith.subf %neg3A_828, %get3A_820 : vector<16xf32>
      %exp3A_830 = math.exp %neg3A_829 : vector<16xf32>
      %add3A_831 = arith.constant 1.000000e+00 : f32
      %add3A_832 = vector.broadcast %add3A_831 : f32 to vector<16xf32>
      %add3A_833 = arith.addf %add3A_832, %exp3A_830 : vector<16xf32>
      %div3A_834 = arith.constant 1.000000e+00 : f32
      %div3A_835 = vector.broadcast %div3A_834 : f32 to vector<16xf32>
      %div3A_836 = arith.divf %div3A_835, %add3A_833 : vector<16xf32>
      %swap3A_837 = arith.constant 1 : i32
      %swap3A_838 = arith.index_cast %scan3A_771 : i32 to index
      %swap3A_839 = arith.index_cast %swap3A_837 : i32 to index
      %swap3A_840 = arith.constant 0 : index
      %swap3A_841 = tpu.vector_load %arg6[%swap3A_838, %swap3A_839, %swap3A_840] {strides = array<i32>} : memref<16x28x28xf32, #tpu.memory_space<vmem>>, vector<1x1x16xf32>,
      %swap3A_842 = vector.shape_cast %swap3A_841 : vector<1x1x16xf32> to vector<16xf32>
      %swap3A_843 = vector.shape_cast %div3A_836 : vector<16xf32> to vector<1x1x16xf32>
      tpu.vector_store %arg6[%swap3A_838, %swap3A_839, %swap3A_840], %swap3A_843 {strides = array<i32>} : memref<16x28x28xf32, #tpu.memory_space<vmem>>, vector<1x1x16xf32>,
      %neg3A_844 = arith.constant 0.000000e+00 : f32
      %neg3A_845 = vector.broadcast %neg3A_844 : f32 to vector<16xf32>
      %neg3A_846 = arith.subf %neg3A_845, %get3A_826 : vector<16xf32>
      %exp3A_847 = math.exp %neg3A_846 : vector<16xf32>
      %add3A_848 = arith.constant 1.000000e+00 : f32
      %add3A_849 = vector.broadcast %add3A_848 : f32 to vector<16xf32>
      %add3A_850 = arith.addf %add3A_849, %exp3A_847 : vector<16xf32>
      %div3A_851 = arith.constant 1.000000e+00 : f32
      %div3A_852 = vector.broadcast %div3A_851 : f32 to vector<16xf32>
      %div3A_853 = arith.divf %div3A_852, %add3A_850 : vector<16xf32>
      %swap3A_854 = arith.constant 1 : i32
      %swap3A_855 = arith.index_cast %scan3A_771 : i32 to index
      %swap3A_856 = arith.index_cast %swap3A_854 : i32 to index
      %swap3A_857 = arith.constant 12 : index
      %swap3A_858 = tpu.vector_load %arg6[%swap3A_855, %swap3A_856, %swap3A_857] {strides = array<i32>} : memref<16x28x28xf32, #tpu.memory_space<vmem>>, vector<1x1x16xf32>,
      %swap3A_859 = vector.shape_cast %swap3A_858 : vector<1x1x16xf32> to vector<16xf32>
      %swap3A_860 = vector.shape_cast %div3A_853 : vector<16xf32> to vector<1x1x16xf32>
      tpu.vector_store %arg6[%swap3A_855, %swap3A_856, %swap3A_857], %swap3A_860 {strides = array<i32>} : memref<16x28x28xf32, #tpu.memory_space<vmem>>, vector<1x1x16xf32>,
      %get3A_861 = arith.constant 2 : i32
      %get3A_862 = arith.index_cast %scan3A_771 : i32 to index
      %get3A_863 = arith.index_cast %get3A_861 : i32 to index
      %get3A_864 = arith.constant 0 : index
      %get3A_865 = tpu.vector_load %arg6[%get3A_862, %get3A_863, %get3A_864] {strides = array<i32>} : memref<16x28x28xf32, #tpu.memory_space<vmem>>, vector<1x1x16xf32>,
      %get3A_866 = vector.shape_cast %get3A_865 : vector<1x1x16xf32> to vector<16xf32>
      %get3A_867 = arith.constant 2 : i32
      %get3A_868 = arith.index_cast %scan3A_771 : i32 to index
      %get3A_869 = arith.index_cast %get3A_867 : i32 to index
      %get3A_870 = arith.constant 12 : index
      %get3A_871 = tpu.vector_load %arg6[%get3A_868, %get3A_869, %get3A_870] {strides = array<i32>} : memref<16x28x28xf32, #tpu.memory_space<vmem>>, vector<1x1x16xf32>,
      %get3A_872 = vector.shape_cast %get3A_871 : vector<1x1x16xf32> to vector<16xf32>
      %neg3A_873 = arith.constant 0.000000e+00 : f32
      %neg3A_874 = vector.broadcast %neg3A_873 : f32 to vector<16xf32>
      %neg3A_875 = arith.subf %neg3A_874, %get3A_866 : vector<16xf32>
      %exp3A_876 = math.exp %neg3A_875 : vector<16xf32>
      %add3A_877 = arith.constant 1.000000e+00 : f32
      %add3A_878 = vector.broadcast %add3A_877 : f32 to vector<16xf32>
      %add3A_879 = arith.addf %add3A_878, %exp3A_876 : vector<16xf32>
      %div3A_880 = arith.constant 1.000000e+00 : f32
      %div3A_881 = vector.broadcast %div3A_880 : f32 to vector<16xf32>
      %div3A_882 = arith.divf %div3A_881, %add3A_879 : vector<16xf32>
      %swap3A_883 = arith.constant 2 : i32
      %swap3A_884 = arith.index_cast %scan3A_771 : i32 to index
      %swap3A_885 = arith.index_cast %swap3A_883 : i32 to index
      %swap3A_886 = arith.constant 0 : index
      %swap3A_887 = tpu.vector_load %arg6[%swap3A_884, %swap3A_885, %swap3A_886] {strides = array<i32>} : memref<16x28x28xf32, #tpu.memory_space<vmem>>, vector<1x1x16xf32>,
      %swap3A_888 = vector.shape_cast %swap3A_887 : vector<1x1x16xf32> to vector<16xf32>
      %swap3A_889 = vector.shape_cast %div3A_882 : vector<16xf32> to vector<1x1x16xf32>
      tpu.vector_store %arg6[%swap3A_884, %swap3A_885, %swap3A_886], %swap3A_889 {strides = array<i32>} : memref<16x28x28xf32, #tpu.memory_space<vmem>>, vector<1x1x16xf32>,
      %neg3A_890 = arith.constant 0.000000e+00 : f32
      %neg3A_891 = vector.broadcast %neg3A_890 : f32 to vector<16xf32>
      %neg3A_892 = arith.subf %neg3A_891, %get3A_872 : vector<16xf32>
      %exp3A_893 = math.exp %neg3A_892 : vector<16xf32>
      %add3A_894 = arith.constant 1.000000e+00 : f32
      %add3A_895 = vector.broadcast %add3A_894 : f32 to vector<16xf32>
      %add3A_896 = arith.addf %add3A_895, %exp3A_893 : vector<16xf32>
      %div3A_897 = arith.constant 1.000000e+00 : f32
      %div3A_898 = vector.broadcast %div3A_897 : f32 to vector<16xf32>
      %div3A_899 = arith.divf %div3A_898, %add3A_896 : vector<16xf32>
      %swap3A_900 = arith.constant 2 : i32
      %swap3A_901 = arith.index_cast %scan3A_771 : i32 to index
      %swap3A_902 = arith.index_cast %swap3A_900 : i32 to index
      %swap3A_903 = arith.constant 12 : index
      %swap3A_904 = tpu.vector_load %arg6[%swap3A_901, %swap3A_902, %swap3A_903] {strides = array<i32>} : memref<16x28x28xf32, #tpu.memory_space<vmem>>, vector<1x1x16xf32>,
      %swap3A_905 = vector.shape_cast %swap3A_904 : vector<1x1x16xf32> to vector<16xf32>
      %swap3A_906 = vector.shape_cast %div3A_899 : vector<16xf32> to vector<1x1x16xf32>
      tpu.vector_store %arg6[%swap3A_901, %swap3A_902, %swap3A_903], %swap3A_906 {strides = array<i32>} : memref<16x28x28xf32, #tpu.memory_space<vmem>>, vector<1x1x16xf32>,
      %get3A_907 = arith.constant 3 : i32
      %get3A_908 = arith.index_cast %scan3A_771 : i32 to index
      %get3A_909 = arith.index_cast %get3A_907 : i32 to index
      %get3A_910 = arith.constant 0 : index
      %get3A_911 = tpu.vector_load %arg6[%get3A_908, %get3A_909, %get3A_910] {strides = array<i32>} : memref<16x28x28xf32, #tpu.memory_space<vmem>>, vector<1x1x16xf32>,
      %get3A_912 = vector.shape_cast %get3A_911 : vector<1x1x16xf32> to vector<16xf32>
      %get3A_913 = arith.constant 3 : i32
      %get3A_914 = arith.index_cast %scan3A_771 : i32 to index
      %get3A_915 = arith.index_cast %get3A_913 : i32 to index
      %get3A_916 = arith.constant 12 : index
      %get3A_917 = tpu.vector_load %arg6[%get3A_914, %get3A_915, %get3A_916] {strides = array<i32>} : memref<16x28x28xf32, #tpu.memory_space<vmem>>, vector<1x1x16xf32>,
      %get3A_918 = vector.shape_cast %get3A_917 : vector<1x1x16xf32> to vector<16xf32>
      %neg3A_919 = arith.constant 0.000000e+00 : f32
      %neg3A_920 = vector.broadcast %neg3A_919 : f32 to vector<16xf32>
      %neg3A_921 = arith.subf %neg3A_920, %get3A_912 : vector<16xf32>
      %exp3A_922 = math.exp %neg3A_921 : vector<16xf32>
      %add3A_923 = arith.constant 1.000000e+00 : f32
      %add3A_924 = vector.broadcast %add3A_923 : f32 to vector<16xf32>
      %add3A_925 = arith.addf %add3A_924, %exp3A_922 : vector<16xf32>
      %div3A_926 = arith.constant 1.000000e+00 : f32
      %div3A_927 = vector.broadcast %div3A_926 : f32 to vector<16xf32>
      %div3A_928 = arith.divf %div3A_927, %add3A_925 : vector<16xf32>
      %swap3A_929 = arith.constant 3 : i32
      %swap3A_930 = arith.index_cast %scan3A_771 : i32 to index
      %swap3A_931 = arith.index_cast %swap3A_929 : i32 to index
      %swap3A_932 = arith.constant 0 : index
      %swap3A_933 = tpu.vector_load %arg6[%swap3A_930, %swap3A_931, %swap3A_932] {strides = array<i32>} : memref<16x28x28xf32, #tpu.memory_space<vmem>>, vector<1x1x16xf32>,
      %swap3A_934 = vector.shape_cast %swap3A_933 : vector<1x1x16xf32> to vector<16xf32>
      %swap3A_935 = vector.shape_cast %div3A_928 : vector<16xf32> to vector<1x1x16xf32>
      tpu.vector_store %arg6[%swap3A_930, %swap3A_931, %swap3A_932], %swap3A_935 {strides = array<i32>} : memref<16x28x28xf32, #tpu.memory_space<vmem>>, vector<1x1x16xf32>,
      %neg3A_936 = arith.constant 0.000000e+00 : f32
      %neg3A_937 = vector.broadcast %neg3A_936 : f32 to vector<16xf32>
      %neg3A_938 = arith.subf %neg3A_937, %get3A_918 : vector<16xf32>
      %exp3A_939 = math.exp %neg3A_938 : vector<16xf32>
      %add3A_940 = arith.constant 1.000000e+00 : f32
      %add3A_941 = vector.broadcast %add3A_940 : f32 to vector<16xf32>
      %add3A_942 = arith.addf %add3A_941, %exp3A_939 : vector<16xf32>
      %div3A_943 = arith.constant 1.000000e+00 : f32
      %div3A_944 = vector.broadcast %div3A_943 : f32 to vector<16xf32>
      %div3A_945 = arith.divf %div3A_944, %add3A_942 : vector<16xf32>
      %swap3A_946 = arith.constant 3 : i32
      %swap3A_947 = arith.index_cast %scan3A_771 : i32 to index
      %swap3A_948 = arith.index_cast %swap3A_946 : i32 to index
      %swap3A_949 = arith.constant 12 : index
      %swap3A_950 = tpu.vector_load %arg6[%swap3A_947, %swap3A_948, %swap3A_949] {strides = array<i32>} : memref<16x28x28xf32, #tpu.memory_space<vmem>>, vector<1x1x16xf32>,
      %swap3A_951 = vector.shape_cast %swap3A_950 : vector<1x1x16xf32> to vector<16xf32>
      %swap3A_952 = vector.shape_cast %div3A_945 : vector<16xf32> to vector<1x1x16xf32>
      tpu.vector_store %arg6[%swap3A_947, %swap3A_948, %swap3A_949], %swap3A_952 {strides = array<i32>} : memref<16x28x28xf32, #tpu.memory_space<vmem>>, vector<1x1x16xf32>,
      %get3A_953 = arith.constant 4 : i32
      %get3A_954 = arith.index_cast %scan3A_771 : i32 to index
      %get3A_955 = arith.index_cast %get3A_953 : i32 to index
      %get3A_956 = arith.constant 0 : index
      %get3A_957 = tpu.vector_load %arg6[%get3A_954, %get3A_955, %get3A_956] {strides = array<i32>} : memref<16x28x28xf32, #tpu.memory_space<vmem>>, vector<1x1x16xf32>,
      %get3A_958 = vector.shape_cast %get3A_957 : vector<1x1x16xf32> to vector<16xf32>
      %get3A_959 = arith.constant 4 : i32
      %get3A_960 = arith.index_cast %scan3A_771 : i32 to index
      %get3A_961 = arith.index_cast %get3A_959 : i32 to index
      %get3A_962 = arith.constant 12 : index
      %get3A_963 = tpu.vector_load %arg6[%get3A_960, %get3A_961, %get3A_962] {strides = array<i32>} : memref<16x28x28xf32, #tpu.memory_space<vmem>>, vector<1x1x16xf32>,
      %get3A_964 = vector.shape_cast %get3A_963 : vector<1x1x16xf32> to vector<16xf32>
      %neg3A_965 = arith.constant 0.000000e+00 : f32
      %neg3A_966 = vector.broadcast %neg3A_965 : f32 to vector<16xf32>
      %neg3A_967 = arith.subf %neg3A_966, %get3A_958 : vector<16xf32>
      %exp3A_968 = math.exp %neg3A_967 : vector<16xf32>
      %add3A_969 = arith.constant 1.000000e+00 : f32
      %add3A_970 = vector.broadcast %add3A_969 : f32 to vector<16xf32>
      %add3A_971 = arith.addf %add3A_970, %exp3A_968 : vector<16xf32>
      %div3A_972 = arith.constant 1.000000e+00 : f32
      %div3A_973 = vector.broadcast %div3A_972 : f32 to vector<16xf32>
      %div3A_974 = arith.divf %div3A_973, %add3A_971 : vector<16xf32>
      %swap3A_975 = arith.constant 4 : i32
      %swap3A_976 = arith.index_cast %scan3A_771 : i32 to index
      %swap3A_977 = arith.index_cast %swap3A_975 : i32 to index
      %swap3A_978 = arith.constant 0 : index
      %swap3A_979 = tpu.vector_load %arg6[%swap3A_976, %swap3A_977, %swap3A_978] {strides = array<i32>} : memref<16x28x28xf32, #tpu.memory_space<vmem>>, vector<1x1x16xf32>,
      %swap3A_980 = vector.shape_cast %swap3A_979 : vector<1x1x16xf32> to vector<16xf32>
      %swap3A_981 = vector.shape_cast %div3A_974 : vector<16xf32> to vector<1x1x16xf32>
      tpu.vector_store %arg6[%swap3A_976, %swap3A_977, %swap3A_978], %swap3A_981 {strides = array<i32>} : memref<16x28x28xf32, #tpu.memory_space<vmem>>, vector<1x1x16xf32>,
      %neg3A_982 = arith.constant 0.000000e+00 : f32
      %neg3A_983 = vector.broadcast %neg3A_982 : f32 to vector<16xf32>
      %neg3A_984 = arith.subf %neg3A_983, %get3A_964 : vector<16xf32>
      %exp3A_985 = math.exp %neg3A_984 : vector<16xf32>
      %add3A_986 = arith.constant 1.000000e+00 : f32
      %add3A_987 = vector.broadcast %add3A_986 : f32 to vector<16xf32>
      %add3A_988 = arith.addf %add3A_987, %exp3A_985 : vector<16xf32>
      %div3A_989 = arith.constant 1.000000e+00 : f32
      %div3A_990 = vector.broadcast %div3A_989 : f32 to vector<16xf32>
      %div3A_991 = arith.divf %div3A_990, %add3A_988 : vector<16xf32>
      %swap3A_992 = arith.constant 4 : i32
      %swap3A_993 = arith.index_cast %scan3A_771 : i32 to index
      %swap3A_994 = arith.index_cast %swap3A_992 : i32 to index
      %swap3A_995 = arith.constant 12 : index
      %swap3A_996 = tpu.vector_load %arg6[%swap3A_993, %swap3A_994, %swap3A_995] {strides = array<i32>} : memref<16x28x28xf32, #tpu.memory_space<vmem>>, vector<1x1x16xf32>,
      %swap3A_997 = vector.shape_cast %swap3A_996 : vector<1x1x16xf32> to vector<16xf32>
      %swap3A_998 = vector.shape_cast %div3A_991 : vector<16xf32> to vector<1x1x16xf32>
      tpu.vector_store %arg6[%swap3A_993, %swap3A_994, %swap3A_995], %swap3A_998 {strides = array<i32>} : memref<16x28x28xf32, #tpu.memory_space<vmem>>, vector<1x1x16xf32>,
      %get3A_999 = arith.constant 5 : i32
      %get3A_1000 = arith.index_cast %scan3A_771 : i32 to index
      %get3A_1001 = arith.index_cast %get3A_999 : i32 to index
      %get3A_1002 = arith.constant 0 : index
      %get3A_1003 = tpu.vector_load %arg6[%get3A_1000, %get3A_1001, %get3A_1002] {strides = array<i32>} : memref<16x28x28xf32, #tpu.memory_space<vmem>>, vector<1x1x16xf32>,
      %get3A_1004 = vector.shape_cast %get3A_1003 : vector<1x1x16xf32> to vector<16xf32>
      %get3A_1005 = arith.constant 5 : i32
      %get3A_1006 = arith.index_cast %scan3A_771 : i32 to index
      %get3A_1007 = arith.index_cast %get3A_1005 : i32 to index
      %get3A_1008 = arith.constant 12 : index
      %get3A_1009 = tpu.vector_load %arg6[%get3A_1006, %get3A_1007, %get3A_1008] {strides = array<i32>} : memref<16x28x28xf32, #tpu.memory_space<vmem>>, vector<1x1x16xf32>,
      %get3A_1010 = vector.shape_cast %get3A_1009 : vector<1x1x16xf32> to vector<16xf32>
      %neg3A_1011 = arith.constant 0.000000e+00 : f32
      %neg3A_1012 = vector.broadcast %neg3A_1011 : f32 to vector<16xf32>
      %neg3A_1013 = arith.subf %neg3A_1012, %get3A_1004 : vector<16xf32>
      %exp3A_1014 = math.exp %neg3A_1013 : vector<16xf32>
      %add3A_1015 = arith.constant 1.000000e+00 : f32
      %add3A_1016 = vector.broadcast %add3A_1015 : f32 to vector<16xf32>
      %add3A_1017 = arith.addf %add3A_1016, %exp3A_1014 : vector<16xf32>
      %div3A_1018 = arith.constant 1.000000e+00 : f32
      %div3A_1019 = vector.broadcast %div3A_1018 : f32 to vector<16xf32>
      %div3A_1020 = arith.divf %div3A_1019, %add3A_1017 : vector<16xf32>
      %swap3A_1021 = arith.constant 5 : i32
      %swap3A_1022 = arith.index_cast %scan3A_771 : i32 to index
      %swap3A_1023 = arith.index_cast %swap3A_1021 : i32 to index
      %swap3A_1024 = arith.constant 0 : index
      %swap3A_1025 = tpu.vector_load %arg6[%swap3A_1022, %swap3A_1023, %swap3A_1024] {strides = array<i32>} : memref<16x28x28xf32, #tpu.memory_space<vmem>>, vector<1x1x16xf32>,
      %swap3A_1026 = vector.shape_cast %swap3A_1025 : vector<1x1x16xf32> to vector<16xf32>
      %swap3A_1027 = vector.shape_cast %div3A_1020 : vector<16xf32> to vector<1x1x16xf32>
      tpu.vector_store %arg6[%swap3A_1022, %swap3A_1023, %swap3A_1024], %swap3A_1027 {strides = array<i32>} : memref<16x28x28xf32, #tpu.memory_space<vmem>>, vector<1x1x16xf32>,
      %neg3A_1028 = arith.constant 0.000000e+00 : f32
      %neg3A_1029 = vector.broadcast %neg3A_1028 : f32 to vector<16xf32>
      %neg3A_1030 = arith.subf %neg3A_1029, %get3A_1010 : vector<16xf32>
      %exp3A_1031 = math.exp %neg3A_1030 : vector<16xf32>
      %add3A_1032 = arith.constant 1.000000e+00 : f32
      %add3A_1033 = vector.broadcast %add3A_1032 : f32 to vector<16xf32>
      %add3A_1034 = arith.addf %add3A_1033, %exp3A_1031 : vector<16xf32>
      %div3A_1035 = arith.constant 1.000000e+00 : f32
      %div3A_1036 = vector.broadcast %div3A_1035 : f32 to vector<16xf32>
      %div3A_1037 = arith.divf %div3A_1036, %add3A_1034 : vector<16xf32>
      %swap3A_1038 = arith.constant 5 : i32
      %swap3A_1039 = arith.index_cast %scan3A_771 : i32 to index
      %swap3A_1040 = arith.index_cast %swap3A_1038 : i32 to index
      %swap3A_1041 = arith.constant 12 : index
      %swap3A_1042 = tpu.vector_load %arg6[%swap3A_1039, %swap3A_1040, %swap3A_1041] {strides = array<i32>} : memref<16x28x28xf32, #tpu.memory_space<vmem>>, vector<1x1x16xf32>,
      %swap3A_1043 = vector.shape_cast %swap3A_1042 : vector<1x1x16xf32> to vector<16xf32>
      %swap3A_1044 = vector.shape_cast %div3A_1037 : vector<16xf32> to vector<1x1x16xf32>
      tpu.vector_store %arg6[%swap3A_1039, %swap3A_1040, %swap3A_1041], %swap3A_1044 {strides = array<i32>} : memref<16x28x28xf32, #tpu.memory_space<vmem>>, vector<1x1x16xf32>,
      %get3A_1045 = arith.constant 6 : i32
      %get3A_1046 = arith.index_cast %scan3A_771 : i32 to index
      %get3A_1047 = arith.index_cast %get3A_1045 : i32 to index
      %get3A_1048 = arith.constant 0 : index
      %get3A_1049 = tpu.vector_load %arg6[%get3A_1046, %get3A_1047, %get3A_1048] {strides = array<i32>} : memref<16x28x28xf32, #tpu.memory_space<vmem>>, vector<1x1x16xf32>,
      %get3A_1050 = vector.shape_cast %get3A_1049 : vector<1x1x16xf32> to vector<16xf32>
      %get3A_1051 = arith.constant 6 : i32
      %get3A_1052 = arith.index_cast %scan3A_771 : i32 to index
      %get3A_1053 = arith.index_cast %get3A_1051 : i32 to index
      %get3A_1054 = arith.constant 12 : index
      %get3A_1055 = tpu.vector_load %arg6[%get3A_1052, %get3A_1053, %get3A_1054] {strides = array<i32>} : memref<16x28x28xf32, #tpu.memory_space<vmem>>, vector<1x1x16xf32>,
      %get3A_1056 = vector.shape_cast %get3A_1055 : vector<1x1x16xf32> to vector<16xf32>
      %neg3A_1057 = arith.constant 0.000000e+00 : f32
      %neg3A_1058 = vector.broadcast %neg3A_1057 : f32 to vector<16xf32>
      %neg3A_1059 = arith.subf %neg3A_1058, %get3A_1050 : vector<16xf32>
      %exp3A_1060 = math.exp %neg3A_1059 : vector<16xf32>
      %add3A_1061 = arith.constant 1.000000e+00 : f32
      %add3A_1062 = vector.broadcast %add3A_1061 : f32 to vector<16xf32>
      %add3A_1063 = arith.addf %add3A_1062, %exp3A_1060 : vector<16xf32>
      %div3A_1064 = arith.constant 1.000000e+00 : f32
      %div3A_1065 = vector.broadcast %div3A_1064 : f32 to vector<16xf32>
      %div3A_1066 = arith.divf %div3A_1065, %add3A_1063 : vector<16xf32>
      %swap3A_1067 = arith.constant 6 : i32
      %swap3A_1068 = arith.index_cast %scan3A_771 : i32 to index
      %swap3A_1069 = arith.index_cast %swap3A_1067 : i32 to index
      %swap3A_1070 = arith.constant 0 : index
      %swap3A_1071 = tpu.vector_load %arg6[%swap3A_1068, %swap3A_1069, %swap3A_1070] {strides = array<i32>} : memref<16x28x28xf32, #tpu.memory_space<vmem>>, vector<1x1x16xf32>,
      %swap3A_1072 = vector.shape_cast %swap3A_1071 : vector<1x1x16xf32> to vector<16xf32>
      %swap3A_1073 = vector.shape_cast %div3A_1066 : vector<16xf32> to vector<1x1x16xf32>
      tpu.vector_store %arg6[%swap3A_1068, %swap3A_1069, %swap3A_1070], %swap3A_1073 {strides = array<i32>} : memref<16x28x28xf32, #tpu.memory_space<vmem>>, vector<1x1x16xf32>,
      %neg3A_1074 = arith.constant 0.000000e+00 : f32
      %neg3A_1075 = vector.broadcast %neg3A_1074 : f32 to vector<16xf32>
      %neg3A_1076 = arith.subf %neg3A_1075, %get3A_1056 : vector<16xf32>
      %exp3A_1077 = math.exp %neg3A_1076 : vector<16xf32>
      %add3A_1078 = arith.constant 1.000000e+00 : f32
      %add3A_1079 = vector.broadcast %add3A_1078 : f32 to vector<16xf32>
      %add3A_1080 = arith.addf %add3A_1079, %exp3A_1077 : vector<16xf32>
      %div3A_1081 = arith.constant 1.000000e+00 : f32
      %div3A_1082 = vector.broadcast %div3A_1081 : f32 to vector<16xf32>
      %div3A_1083 = arith.divf %div3A_1082, %add3A_1080 : vector<16xf32>
      %swap3A_1084 = arith.constant 6 : i32
      %swap3A_1085 = arith.index_cast %scan3A_771 : i32 to index
      %swap3A_1086 = arith.index_cast %swap3A_1084 : i32 to index
      %swap3A_1087 = arith.constant 12 : index
      %swap3A_1088 = tpu.vector_load %arg6[%swap3A_1085, %swap3A_1086, %swap3A_1087] {strides = array<i32>} : memref<16x28x28xf32, #tpu.memory_space<vmem>>, vector<1x1x16xf32>,
      %swap3A_1089 = vector.shape_cast %swap3A_1088 : vector<1x1x16xf32> to vector<16xf32>
      %swap3A_1090 = vector.shape_cast %div3A_1083 : vector<16xf32> to vector<1x1x16xf32>
      tpu.vector_store %arg6[%swap3A_1085, %swap3A_1086, %swap3A_1087], %swap3A_1090 {strides = array<i32>} : memref<16x28x28xf32, #tpu.memory_space<vmem>>, vector<1x1x16xf32>,
      %get3A_1091 = arith.constant 7 : i32
      %get3A_1092 = arith.index_cast %scan3A_771 : i32 to index
      %get3A_1093 = arith.index_cast %get3A_1091 : i32 to index
      %get3A_1094 = arith.constant 0 : index
      %get3A_1095 = tpu.vector_load %arg6[%get3A_1092, %get3A_1093, %get3A_1094] {strides = array<i32>} : memref<16x28x28xf32, #tpu.memory_space<vmem>>, vector<1x1x16xf32>,
      %get3A_1096 = vector.shape_cast %get3A_1095 : vector<1x1x16xf32> to vector<16xf32>
      %get3A_1097 = arith.constant 7 : i32
      %get3A_1098 = arith.index_cast %scan3A_771 : i32 to index
      %get3A_1099 = arith.index_cast %get3A_1097 : i32 to index
      %get3A_1100 = arith.constant 12 : index
      %get3A_1101 = tpu.vector_load %arg6[%get3A_1098, %get3A_1099, %get3A_1100] {strides = array<i32>} : memref<16x28x28xf32, #tpu.memory_space<vmem>>, vector<1x1x16xf32>,
      %get3A_1102 = vector.shape_cast %get3A_1101 : vector<1x1x16xf32> to vector<16xf32>
      %neg3A_1103 = arith.constant 0.000000e+00 : f32
      %neg3A_1104 = vector.broadcast %neg3A_1103 : f32 to vector<16xf32>
      %neg3A_1105 = arith.subf %neg3A_1104, %get3A_1096 : vector<16xf32>
      %exp3A_1106 = math.exp %neg3A_1105 : vector<16xf32>
      %add3A_1107 = arith.constant 1.000000e+00 : f32
      %add3A_1108 = vector.broadcast %add3A_1107 : f32 to vector<16xf32>
      %add3A_1109 = arith.addf %add3A_1108, %exp3A_1106 : vector<16xf32>
      %div3A_1110 = arith.constant 1.000000e+00 : f32
      %div3A_1111 = vector.broadcast %div3A_1110 : f32 to vector<16xf32>
      %div3A_1112 = arith.divf %div3A_1111, %add3A_1109 : vector<16xf32>
      %swap3A_1113 = arith.constant 7 : i32
      %swap3A_1114 = arith.index_cast %scan3A_771 : i32 to index
      %swap3A_1115 = arith.index_cast %swap3A_1113 : i32 to index
      %swap3A_1116 = arith.constant 0 : index
      %swap3A_1117 = tpu.vector_load %arg6[%swap3A_1114, %swap3A_1115, %swap3A_1116] {strides = array<i32>} : memref<16x28x28xf32, #tpu.memory_space<vmem>>, vector<1x1x16xf32>,
      %swap3A_1118 = vector.shape_cast %swap3A_1117 : vector<1x1x16xf32> to vector<16xf32>
      %swap3A_1119 = vector.shape_cast %div3A_1112 : vector<16xf32> to vector<1x1x16xf32>
      tpu.vector_store %arg6[%swap3A_1114, %swap3A_1115, %swap3A_1116], %swap3A_1119 {strides = array<i32>} : memref<16x28x28xf32, #tpu.memory_space<vmem>>, vector<1x1x16xf32>,
      %neg3A_1120 = arith.constant 0.000000e+00 : f32
      %neg3A_1121 = vector.broadcast %neg3A_1120 : f32 to vector<16xf32>
      %neg3A_1122 = arith.subf %neg3A_1121, %get3A_1102 : vector<16xf32>
      %exp3A_1123 = math.exp %neg3A_1122 : vector<16xf32>
      %add3A_1124 = arith.constant 1.000000e+00 : f32
      %add3A_1125 = vector.broadcast %add3A_1124 : f32 to vector<16xf32>
      %add3A_1126 = arith.addf %add3A_1125, %exp3A_1123 : vector<16xf32>
      %div3A_1127 = arith.constant 1.000000e+00 : f32
      %div3A_1128 = vector.broadcast %div3A_1127 : f32 to vector<16xf32>
      %div3A_1129 = arith.divf %div3A_1128, %add3A_1126 : vector<16xf32>
      %swap3A_1130 = arith.constant 7 : i32
      %swap3A_1131 = arith.index_cast %scan3A_771 : i32 to index
      %swap3A_1132 = arith.index_cast %swap3A_1130 : i32 to index
      %swap3A_1133 = arith.constant 12 : index
      %swap3A_1134 = tpu.vector_load %arg6[%swap3A_1131, %swap3A_1132, %swap3A_1133] {strides = array<i32>} : memref<16x28x28xf32, #tpu.memory_space<vmem>>, vector<1x1x16xf32>,
      %swap3A_1135 = vector.shape_cast %swap3A_1134 : vector<1x1x16xf32> to vector<16xf32>
      %swap3A_1136 = vector.shape_cast %div3A_1129 : vector<16xf32> to vector<1x1x16xf32>
      tpu.vector_store %arg6[%swap3A_1131, %swap3A_1132, %swap3A_1133], %swap3A_1136 {strides = array<i32>} : memref<16x28x28xf32, #tpu.memory_space<vmem>>, vector<1x1x16xf32>,
      %get3A_1137 = arith.constant 8 : i32
      %get3A_1138 = arith.index_cast %scan3A_771 : i32 to index
      %get3A_1139 = arith.index_cast %get3A_1137 : i32 to index
      %get3A_1140 = arith.constant 0 : index
      %get3A_1141 = tpu.vector_load %arg6[%get3A_1138, %get3A_1139, %get3A_1140] {strides = array<i32>} : memref<16x28x28xf32, #tpu.memory_space<vmem>>, vector<1x1x16xf32>,
      %get3A_1142 = vector.shape_cast %get3A_1141 : vector<1x1x16xf32> to vector<16xf32>
      %get3A_1143 = arith.constant 8 : i32
      %get3A_1144 = arith.index_cast %scan3A_771 : i32 to index
      %get3A_1145 = arith.index_cast %get3A_1143 : i32 to index
      %get3A_1146 = arith.constant 12 : index
      %get3A_1147 = tpu.vector_load %arg6[%get3A_1144, %get3A_1145, %get3A_1146] {strides = array<i32>} : memref<16x28x28xf32, #tpu.memory_space<vmem>>, vector<1x1x16xf32>,
      %get3A_1148 = vector.shape_cast %get3A_1147 : vector<1x1x16xf32> to vector<16xf32>
      %neg3A_1149 = arith.constant 0.000000e+00 : f32
      %neg3A_1150 = vector.broadcast %neg3A_1149 : f32 to vector<16xf32>
      %neg3A_1151 = arith.subf %neg3A_1150, %get3A_1142 : vector<16xf32>
      %exp3A_1152 = math.exp %neg3A_1151 : vector<16xf32>
      %add3A_1153 = arith.constant 1.000000e+00 : f32
      %add3A_1154 = vector.broadcast %add3A_1153 : f32 to vector<16xf32>
      %add3A_1155 = arith.addf %add3A_1154, %exp3A_1152 : vector<16xf32>
      %div3A_1156 = arith.constant 1.000000e+00 : f32
      %div3A_1157 = vector.broadcast %div3A_1156 : f32 to vector<16xf32>
      %div3A_1158 = arith.divf %div3A_1157, %add3A_1155 : vector<16xf32>
      %swap3A_1159 = arith.constant 8 : i32
      %swap3A_1160 = arith.index_cast %scan3A_771 : i32 to index
      %swap3A_1161 = arith.index_cast %swap3A_1159 : i32 to index
      %swap3A_1162 = arith.constant 0 : index
      %swap3A_1163 = tpu.vector_load %arg6[%swap3A_1160, %swap3A_1161, %swap3A_1162] {strides = array<i32>} : memref<16x28x28xf32, #tpu.memory_space<vmem>>, vector<1x1x16xf32>,
      %swap3A_1164 = vector.shape_cast %swap3A_1163 : vector<1x1x16xf32> to vector<16xf32>
      %swap3A_1165 = vector.shape_cast %div3A_1158 : vector<16xf32> to vector<1x1x16xf32>
      tpu.vector_store %arg6[%swap3A_1160, %swap3A_1161, %swap3A_1162], %swap3A_1165 {strides = array<i32>} : memref<16x28x28xf32, #tpu.memory_space<vmem>>, vector<1x1x16xf32>,
      %neg3A_1166 = arith.constant 0.000000e+00 : f32
      %neg3A_1167 = vector.broadcast %neg3A_1166 : f32 to vector<16xf32>
      %neg3A_1168 = arith.subf %neg3A_1167, %get3A_1148 : vector<16xf32>
      %exp3A_1169 = math.exp %neg3A_1168 : vector<16xf32>
      %add3A_1170 = arith.constant 1.000000e+00 : f32
      %add3A_1171 = vector.broadcast %add3A_1170 : f32 to vector<16xf32>
      %add3A_1172 = arith.addf %add3A_1171, %exp3A_1169 : vector<16xf32>
      %div3A_1173 = arith.constant 1.000000e+00 : f32
      %div3A_1174 = vector.broadcast %div3A_1173 : f32 to vector<16xf32>
      %div3A_1175 = arith.divf %div3A_1174, %add3A_1172 : vector<16xf32>
      %swap3A_1176 = arith.constant 8 : i32
      %swap3A_1177 = arith.index_cast %scan3A_771 : i32 to index
      %swap3A_1178 = arith.index_cast %swap3A_1176 : i32 to index
      %swap3A_1179 = arith.constant 12 : index
      %swap3A_1180 = tpu.vector_load %arg6[%swap3A_1177, %swap3A_1178, %swap3A_1179] {strides = array<i32>} : memref<16x28x28xf32, #tpu.memory_space<vmem>>, vector<1x1x16xf32>,
      %swap3A_1181 = vector.shape_cast %swap3A_1180 : vector<1x1x16xf32> to vector<16xf32>
      %swap3A_1182 = vector.shape_cast %div3A_1175 : vector<16xf32> to vector<1x1x16xf32>
      tpu.vector_store %arg6[%swap3A_1177, %swap3A_1178, %swap3A_1179], %swap3A_1182 {strides = array<i32>} : memref<16x28x28xf32, #tpu.memory_space<vmem>>, vector<1x1x16xf32>,
      %get3A_1183 = arith.constant 9 : i32
      %get3A_1184 = arith.index_cast %scan3A_771 : i32 to index
      %get3A_1185 = arith.index_cast %get3A_1183 : i32 to index
      %get3A_1186 = arith.constant 0 : index
      %get3A_1187 = tpu.vector_load %arg6[%get3A_1184, %get3A_1185, %get3A_1186] {strides = array<i32>} : memref<16x28x28xf32, #tpu.memory_space<vmem>>, vector<1x1x16xf32>,
      %get3A_1188 = vector.shape_cast %get3A_1187 : vector<1x1x16xf32> to vector<16xf32>
      %get3A_1189 = arith.constant 9 : i32
      %get3A_1190 = arith.index_cast %scan3A_771 : i32 to index
      %get3A_1191 = arith.index_cast %get3A_1189 : i32 to index
      %get3A_1192 = arith.constant 12 : index
      %get3A_1193 = tpu.vector_load %arg6[%get3A_1190, %get3A_1191, %get3A_1192] {strides = array<i32>} : memref<16x28x28xf32, #tpu.memory_space<vmem>>, vector<1x1x16xf32>,
      %get3A_1194 = vector.shape_cast %get3A_1193 : vector<1x1x16xf32> to vector<16xf32>
      %neg3A_1195 = arith.constant 0.000000e+00 : f32
      %neg3A_1196 = vector.broadcast %neg3A_1195 : f32 to vector<16xf32>
      %neg3A_1197 = arith.subf %neg3A_1196, %get3A_1188 : vector<16xf32>
      %exp3A_1198 = math.exp %neg3A_1197 : vector<16xf32>
      %add3A_1199 = arith.constant 1.000000e+00 : f32
      %add3A_1200 = vector.broadcast %add3A_1199 : f32 to vector<16xf32>
      %add3A_1201 = arith.addf %add3A_1200, %exp3A_1198 : vector<16xf32>
      %div3A_1202 = arith.constant 1.000000e+00 : f32
      %div3A_1203 = vector.broadcast %div3A_1202 : f32 to vector<16xf32>
      %div3A_1204 = arith.divf %div3A_1203, %add3A_1201 : vector<16xf32>
      %swap3A_1205 = arith.constant 9 : i32
      %swap3A_1206 = arith.index_cast %scan3A_771 : i32 to index
      %swap3A_1207 = arith.index_cast %swap3A_1205 : i32 to index
      %swap3A_1208 = arith.constant 0 : index
      %swap3A_1209 = tpu.vector_load %arg6[%swap3A_1206, %swap3A_1207, %swap3A_1208] {strides = array<i32>} : memref<16x28x28xf32, #tpu.memory_space<vmem>>, vector<1x1x16xf32>,
      %swap3A_1210 = vector.shape_cast %swap3A_1209 : vector<1x1x16xf32> to vector<16xf32>
      %swap3A_1211 = vector.shape_cast %div3A_1204 : vector<16xf32> to vector<1x1x16xf32>
      tpu.vector_store %arg6[%swap3A_1206, %swap3A_1207, %swap3A_1208], %swap3A_1211 {strides = array<i32>} : memref<16x28x28xf32, #tpu.memory_space<vmem>>, vector<1x1x16xf32>,
      %neg3A_1212 = arith.constant 0.000000e+00 : f32
      %neg3A_1213 = vector.broadcast %neg3A_1212 : f32 to vector<16xf32>
      %neg3A_1214 = arith.subf %neg3A_1213, %get3A_1194 : vector<16xf32>
      %exp3A_1215 = math.exp %neg3A_1214 : vector<16xf32>
      %add3A_1216 = arith.constant 1.000000e+00 : f32
      %add3A_1217 = vector.broadcast %add3A_1216 : f32 to vector<16xf32>
      %add3A_1218 = arith.addf %add3A_1217, %exp3A_1215 : vector<16xf32>
      %div3A_1219 = arith.constant 1.000000e+00 : f32
      %div3A_1220 = vector.broadcast %div3A_1219 : f32 to vector<16xf32>
      %div3A_1221 = arith.divf %div3A_1220, %add3A_1218 : vector<16xf32>
      %swap3A_1222 = arith.constant 9 : i32
      %swap3A_1223 = arith.index_cast %scan3A_771 : i32 to index
      %swap3A_1224 = arith.index_cast %swap3A_1222 : i32 to index
      %swap3A_1225 = arith.constant 12 : index
      %swap3A_1226 = tpu.vector_load %arg6[%swap3A_1223, %swap3A_1224, %swap3A_1225] {strides = array<i32>} : memref<16x28x28xf32, #tpu.memory_space<vmem>>, vector<1x1x16xf32>,
      %swap3A_1227 = vector.shape_cast %swap3A_1226 : vector<1x1x16xf32> to vector<16xf32>
      %swap3A_1228 = vector.shape_cast %div3A_1221 : vector<16xf32> to vector<1x1x16xf32>
      tpu.vector_store %arg6[%swap3A_1223, %swap3A_1224, %swap3A_1225], %swap3A_1228 {strides = array<i32>} : memref<16x28x28xf32, #tpu.memory_space<vmem>>, vector<1x1x16xf32>,
      %get3A_1229 = arith.constant 10 : i32
      %get3A_1230 = arith.index_cast %scan3A_771 : i32 to index
      %get3A_1231 = arith.index_cast %get3A_1229 : i32 to index
      %get3A_1232 = arith.constant 0 : index
      %get3A_1233 = tpu.vector_load %arg6[%get3A_1230, %get3A_1231, %get3A_1232] {strides = array<i32>} : memref<16x28x28xf32, #tpu.memory_space<vmem>>, vector<1x1x16xf32>,
      %get3A_1234 = vector.shape_cast %get3A_1233 : vector<1x1x16xf32> to vector<16xf32>
      %get3A_1235 = arith.constant 10 : i32
      %get3A_1236 = arith.index_cast %scan3A_771 : i32 to index
      %get3A_1237 = arith.index_cast %get3A_1235 : i32 to index
      %get3A_1238 = arith.constant 12 : index
      %get3A_1239 = tpu.vector_load %arg6[%get3A_1236, %get3A_1237, %get3A_1238] {strides = array<i32>} : memref<16x28x28xf32, #tpu.memory_space<vmem>>, vector<1x1x16xf32>,
      %get3A_1240 = vector.shape_cast %get3A_1239 : vector<1x1x16xf32> to vector<16xf32>
      %neg3A_1241 = arith.constant 0.000000e+00 : f32
      %neg3A_1242 = vector.broadcast %neg3A_1241 : f32 to vector<16xf32>
      %neg3A_1243 = arith.subf %neg3A_1242, %get3A_1234 : vector<16xf32>
      %exp3A_1244 = math.exp %neg3A_1243 : vector<16xf32>
      %add3A_1245 = arith.constant 1.000000e+00 : f32
      %add3A_1246 = vector.broadcast %add3A_1245 : f32 to vector<16xf32>
      %add3A_1247 = arith.addf %add3A_1246, %exp3A_1244 : vector<16xf32>
      %div3A_1248 = arith.constant 1.000000e+00 : f32
      %div3A_1249 = vector.broadcast %div3A_1248 : f32 to vector<16xf32>
      %div3A_1250 = arith.divf %div3A_1249, %add3A_1247 : vector<16xf32>
      %swap3A_1251 = arith.constant 10 : i32
      %swap3A_1252 = arith.index_cast %scan3A_771 : i32 to index
      %swap3A_1253 = arith.index_cast %swap3A_1251 : i32 to index
      %swap3A_1254 = arith.constant 0 : index
      %swap3A_1255 = tpu.vector_load %arg6[%swap3A_1252, %swap3A_1253, %swap3A_1254] {strides = array<i32>} : memref<16x28x28xf32, #tpu.memory_space<vmem>>, vector<1x1x16xf32>,
      %swap3A_1256 = vector.shape_cast %swap3A_1255 : vector<1x1x16xf32> to vector<16xf32>
      %swap3A_1257 = vector.shape_cast %div3A_1250 : vector<16xf32> to vector<1x1x16xf32>
      tpu.vector_store %arg6[%swap3A_1252, %swap3A_1253, %swap3A_1254], %swap3A_1257 {strides = array<i32>} : memref<16x28x28xf32, #tpu.memory_space<vmem>>, vector<1x1x16xf32>,
      %neg3A_1258 = arith.constant 0.000000e+00 : f32
      %neg3A_1259 = vector.broadcast %neg3A_1258 : f32 to vector<16xf32>
      %neg3A_1260 = arith.subf %neg3A_1259, %get3A_1240 : vector<16xf32>
      %exp3A_1261 = math.exp %neg3A_1260 : vector<16xf32>
      %add3A_1262 = arith.constant 1.000000e+00 : f32
      %add3A_1263 = vector.broadcast %add3A_1262 : f32 to vector<16xf32>
      %add3A_1264 = arith.addf %add3A_1263, %exp3A_1261 : vector<16xf32>
      %div3A_1265 = arith.constant 1.000000e+00 : f32
      %div3A_1266 = vector.broadcast %div3A_1265 : f32 to vector<16xf32>
      %div3A_1267 = arith.divf %div3A_1266, %add3A_1264 : vector<16xf32>
      %swap3A_1268 = arith.constant 10 : i32
      %swap3A_1269 = arith.index_cast %scan3A_771 : i32 to index
      %swap3A_1270 = arith.index_cast %swap3A_1268 : i32 to index
      %swap3A_1271 = arith.constant 12 : index
      %swap3A_1272 = tpu.vector_load %arg6[%swap3A_1269, %swap3A_1270, %swap3A_1271] {strides = array<i32>} : memref<16x28x28xf32, #tpu.memory_space<vmem>>, vector<1x1x16xf32>,
      %swap3A_1273 = vector.shape_cast %swap3A_1272 : vector<1x1x16xf32> to vector<16xf32>
      %swap3A_1274 = vector.shape_cast %div3A_1267 : vector<16xf32> to vector<1x1x16xf32>
      tpu.vector_store %arg6[%swap3A_1269, %swap3A_1270, %swap3A_1271], %swap3A_1274 {strides = array<i32>} : memref<16x28x28xf32, #tpu.memory_space<vmem>>, vector<1x1x16xf32>,
      %get3A_1275 = arith.constant 11 : i32
      %get3A_1276 = arith.index_cast %scan3A_771 : i32 to index
      %get3A_1277 = arith.index_cast %get3A_1275 : i32 to index
      %get3A_1278 = arith.constant 0 : index
      %get3A_1279 = tpu.vector_load %arg6[%get3A_1276, %get3A_1277, %get3A_1278] {strides = array<i32>} : memref<16x28x28xf32, #tpu.memory_space<vmem>>, vector<1x1x16xf32>,
      %get3A_1280 = vector.shape_cast %get3A_1279 : vector<1x1x16xf32> to vector<16xf32>
      %get3A_1281 = arith.constant 11 : i32
      %get3A_1282 = arith.index_cast %scan3A_771 : i32 to index
      %get3A_1283 = arith.index_cast %get3A_1281 : i32 to index
      %get3A_1284 = arith.constant 12 : index
      %get3A_1285 = tpu.vector_load %arg6[%get3A_1282, %get3A_1283, %get3A_1284] {strides = array<i32>} : memref<16x28x28xf32, #tpu.memory_space<vmem>>, vector<1x1x16xf32>,
      %get3A_1286 = vector.shape_cast %get3A_1285 : vector<1x1x16xf32> to vector<16xf32>
      %neg3A_1287 = arith.constant 0.000000e+00 : f32
      %neg3A_1288 = vector.broadcast %neg3A_1287 : f32 to vector<16xf32>
      %neg3A_1289 = arith.subf %neg3A_1288, %get3A_1280 : vector<16xf32>
      %exp3A_1290 = math.exp %neg3A_1289 : vector<16xf32>
      %add3A_1291 = arith.constant 1.000000e+00 : f32
      %add3A_1292 = vector.broadcast %add3A_1291 : f32 to vector<16xf32>
      %add3A_1293 = arith.addf %add3A_1292, %exp3A_1290 : vector<16xf32>
      %div3A_1294 = arith.constant 1.000000e+00 : f32
      %div3A_1295 = vector.broadcast %div3A_1294 : f32 to vector<16xf32>
      %div3A_1296 = arith.divf %div3A_1295, %add3A_1293 : vector<16xf32>
      %swap3A_1297 = arith.constant 11 : i32
      %swap3A_1298 = arith.index_cast %scan3A_771 : i32 to index
      %swap3A_1299 = arith.index_cast %swap3A_1297 : i32 to index
      %swap3A_1300 = arith.constant 0 : index
      %swap3A_1301 = tpu.vector_load %arg6[%swap3A_1298, %swap3A_1299, %swap3A_1300] {strides = array<i32>} : memref<16x28x28xf32, #tpu.memory_space<vmem>>, vector<1x1x16xf32>,
      %swap3A_1302 = vector.shape_cast %swap3A_1301 : vector<1x1x16xf32> to vector<16xf32>
      %swap3A_1303 = vector.shape_cast %div3A_1296 : vector<16xf32> to vector<1x1x16xf32>
      tpu.vector_store %arg6[%swap3A_1298, %swap3A_1299, %swap3A_1300], %swap3A_1303 {strides = array<i32>} : memref<16x28x28xf32, #tpu.memory_space<vmem>>, vector<1x1x16xf32>,
      %neg3A_1304 = arith.constant 0.000000e+00 : f32
      %neg3A_1305 = vector.broadcast %neg3A_1304 : f32 to vector<16xf32>
      %neg3A_1306 = arith.subf %neg3A_1305, %get3A_1286 : vector<16xf32>
      %exp3A_1307 = math.exp %neg3A_1306 : vector<16xf32>
      %add3A_1308 = arith.constant 1.000000e+00 : f32
      %add3A_1309 = vector.broadcast %add3A_1308 : f32 to vector<16xf32>
      %add3A_1310 = arith.addf %add3A_1309, %exp3A_1307 : vector<16xf32>
      %div3A_1311 = arith.constant 1.000000e+00 : f32
      %div3A_1312 = vector.broadcast %div3A_1311 : f32 to vector<16xf32>
      %div3A_1313 = arith.divf %div3A_1312, %add3A_1310 : vector<16xf32>
      %swap3A_1314 = arith.constant 11 : i32
      %swap3A_1315 = arith.index_cast %scan3A_771 : i32 to index
      %swap3A_1316 = arith.index_cast %swap3A_1314 : i32 to index
      %swap3A_1317 = arith.constant 12 : index
      %swap3A_1318 = tpu.vector_load %arg6[%swap3A_1315, %swap3A_1316, %swap3A_1317] {strides = array<i32>} : memref<16x28x28xf32, #tpu.memory_space<vmem>>, vector<1x1x16xf32>,
      %swap3A_1319 = vector.shape_cast %swap3A_1318 : vector<1x1x16xf32> to vector<16xf32>
      %swap3A_1320 = vector.shape_cast %div3A_1313 : vector<16xf32> to vector<1x1x16xf32>
      tpu.vector_store %arg6[%swap3A_1315, %swap3A_1316, %swap3A_1317], %swap3A_1320 {strides = array<i32>} : memref<16x28x28xf32, #tpu.memory_space<vmem>>, vector<1x1x16xf32>,
      %get3A_1321 = arith.constant 12 : i32
      %get3A_1322 = arith.index_cast %scan3A_771 : i32 to index
      %get3A_1323 = arith.index_cast %get3A_1321 : i32 to index
      %get3A_1324 = arith.constant 0 : index
      %get3A_1325 = tpu.vector_load %arg6[%get3A_1322, %get3A_1323, %get3A_1324] {strides = array<i32>} : memref<16x28x28xf32, #tpu.memory_space<vmem>>, vector<1x1x16xf32>,
      %get3A_1326 = vector.shape_cast %get3A_1325 : vector<1x1x16xf32> to vector<16xf32>
      %get3A_1327 = arith.constant 12 : i32
      %get3A_1328 = arith.index_cast %scan3A_771 : i32 to index
      %get3A_1329 = arith.index_cast %get3A_1327 : i32 to index
      %get3A_1330 = arith.constant 12 : index
      %get3A_1331 = tpu.vector_load %arg6[%get3A_1328, %get3A_1329, %get3A_1330] {strides = array<i32>} : memref<16x28x28xf32, #tpu.memory_space<vmem>>, vector<1x1x16xf32>,
      %get3A_1332 = vector.shape_cast %get3A_1331 : vector<1x1x16xf32> to vector<16xf32>
      %neg3A_1333 = arith.constant 0.000000e+00 : f32
      %neg3A_1334 = vector.broadcast %neg3A_1333 : f32 to vector<16xf32>
      %neg3A_1335 = arith.subf %neg3A_1334, %get3A_1326 : vector<16xf32>
      %exp3A_1336 = math.exp %neg3A_1335 : vector<16xf32>
      %add3A_1337 = arith.constant 1.000000e+00 : f32
      %add3A_1338 = vector.broadcast %add3A_1337 : f32 to vector<16xf32>
      %add3A_1339 = arith.addf %add3A_1338, %exp3A_1336 : vector<16xf32>
      %div3A_1340 = arith.constant 1.000000e+00 : f32
      %div3A_1341 = vector.broadcast %div3A_1340 : f32 to vector<16xf32>
      %div3A_1342 = arith.divf %div3A_1341, %add3A_1339 : vector<16xf32>
      %swap3A_1343 = arith.constant 12 : i32
      %swap3A_1344 = arith.index_cast %scan3A_771 : i32 to index
      %swap3A_1345 = arith.index_cast %swap3A_1343 : i32 to index
      %swap3A_1346 = arith.constant 0 : index
      %swap3A_1347 = tpu.vector_load %arg6[%swap3A_1344, %swap3A_1345, %swap3A_1346] {strides = array<i32>} : memref<16x28x28xf32, #tpu.memory_space<vmem>>, vector<1x1x16xf32>,
      %swap3A_1348 = vector.shape_cast %swap3A_1347 : vector<1x1x16xf32> to vector<16xf32>
      %swap3A_1349 = vector.shape_cast %div3A_1342 : vector<16xf32> to vector<1x1x16xf32>
      tpu.vector_store %arg6[%swap3A_1344, %swap3A_1345, %swap3A_1346], %swap3A_1349 {strides = array<i32>} : memref<16x28x28xf32, #tpu.memory_space<vmem>>, vector<1x1x16xf32>,
      %neg3A_1350 = arith.constant 0.000000e+00 : f32
      %neg3A_1351 = vector.broadcast %neg3A_1350 : f32 to vector<16xf32>
      %neg3A_1352 = arith.subf %neg3A_1351, %get3A_1332 : vector<16xf32>
      %exp3A_1353 = math.exp %neg3A_1352 : vector<16xf32>
      %add3A_1354 = arith.constant 1.000000e+00 : f32
      %add3A_1355 = vector.broadcast %add3A_1354 : f32 to vector<16xf32>
      %add3A_1356 = arith.addf %add3A_1355, %exp3A_1353 : vector<16xf32>
      %div3A_1357 = arith.constant 1.000000e+00 : f32
      %div3A_1358 = vector.broadcast %div3A_1357 : f32 to vector<16xf32>
      %div3A_1359 = arith.divf %div3A_1358, %add3A_1356 : vector<16xf32>
      %swap3A_1360 = arith.constant 12 : i32
      %swap3A_1361 = arith.index_cast %scan3A_771 : i32 to index
      %swap3A_1362 = arith.index_cast %swap3A_1360 : i32 to index
      %swap3A_1363 = arith.constant 12 : index
      %swap3A_1364 = tpu.vector_load %arg6[%swap3A_1361, %swap3A_1362, %swap3A_1363] {strides = array<i32>} : memref<16x28x28xf32, #tpu.memory_space<vmem>>, vector<1x1x16xf32>,
      %swap3A_1365 = vector.shape_cast %swap3A_1364 : vector<1x1x16xf32> to vector<16xf32>
      %swap3A_1366 = vector.shape_cast %div3A_1359 : vector<16xf32> to vector<1x1x16xf32>
      tpu.vector_store %arg6[%swap3A_1361, %swap3A_1362, %swap3A_1363], %swap3A_1366 {strides = array<i32>} : memref<16x28x28xf32, #tpu.memory_space<vmem>>, vector<1x1x16xf32>,
      %get3A_1367 = arith.constant 13 : i32
      %get3A_1368 = arith.index_cast %scan3A_771 : i32 to index
      %get3A_1369 = arith.index_cast %get3A_1367 : i32 to index
      %get3A_1370 = arith.constant 0 : index
      %get3A_1371 = tpu.vector_load %arg6[%get3A_1368, %get3A_1369, %get3A_1370] {strides = array<i32>} : memref<16x28x28xf32, #tpu.memory_space<vmem>>, vector<1x1x16xf32>,
      %get3A_1372 = vector.shape_cast %get3A_1371 : vector<1x1x16xf32> to vector<16xf32>
      %get3A_1373 = arith.constant 13 : i32
      %get3A_1374 = arith.index_cast %scan3A_771 : i32 to index
      %get3A_1375 = arith.index_cast %get3A_1373 : i32 to index
      %get3A_1376 = arith.constant 12 : index
      %get3A_1377 = tpu.vector_load %arg6[%get3A_1374, %get3A_1375, %get3A_1376] {strides = array<i32>} : memref<16x28x28xf32, #tpu.memory_space<vmem>>, vector<1x1x16xf32>,
      %get3A_1378 = vector.shape_cast %get3A_1377 : vector<1x1x16xf32> to vector<16xf32>
      %neg3A_1379 = arith.constant 0.000000e+00 : f32
      %neg3A_1380 = vector.broadcast %neg3A_1379 : f32 to vector<16xf32>
      %neg3A_1381 = arith.subf %neg3A_1380, %get3A_1372 : vector<16xf32>
      %exp3A_1382 = math.exp %neg3A_1381 : vector<16xf32>
      %add3A_1383 = arith.constant 1.000000e+00 : f32
      %add3A_1384 = vector.broadcast %add3A_1383 : f32 to vector<16xf32>
      %add3A_1385 = arith.addf %add3A_1384, %exp3A_1382 : vector<16xf32>
      %div3A_1386 = arith.constant 1.000000e+00 : f32
      %div3A_1387 = vector.broadcast %div3A_1386 : f32 to vector<16xf32>
      %div3A_1388 = arith.divf %div3A_1387, %add3A_1385 : vector<16xf32>
      %swap3A_1389 = arith.constant 13 : i32
      %swap3A_1390 = arith.index_cast %scan3A_771 : i32 to index
      %swap3A_1391 = arith.index_cast %swap3A_1389 : i32 to index
      %swap3A_1392 = arith.constant 0 : index
      %swap3A_1393 = tpu.vector_load %arg6[%swap3A_1390, %swap3A_1391, %swap3A_1392] {strides = array<i32>} : memref<16x28x28xf32, #tpu.memory_space<vmem>>, vector<1x1x16xf32>,
      %swap3A_1394 = vector.shape_cast %swap3A_1393 : vector<1x1x16xf32> to vector<16xf32>
      %swap3A_1395 = vector.shape_cast %div3A_1388 : vector<16xf32> to vector<1x1x16xf32>
      tpu.vector_store %arg6[%swap3A_1390, %swap3A_1391, %swap3A_1392], %swap3A_1395 {strides = array<i32>} : memref<16x28x28xf32, #tpu.memory_space<vmem>>, vector<1x1x16xf32>,
      %neg3A_1396 = arith.constant 0.000000e+00 : f32
      %neg3A_1397 = vector.broadcast %neg3A_1396 : f32 to vector<16xf32>
      %neg3A_1398 = arith.subf %neg3A_1397, %get3A_1378 : vector<16xf32>
      %exp3A_1399 = math.exp %neg3A_1398 : vector<16xf32>
      %add3A_1400 = arith.constant 1.000000e+00 : f32
      %add3A_1401 = vector.broadcast %add3A_1400 : f32 to vector<16xf32>
      %add3A_1402 = arith.addf %add3A_1401, %exp3A_1399 : vector<16xf32>
      %div3A_1403 = arith.constant 1.000000e+00 : f32
      %div3A_1404 = vector.broadcast %div3A_1403 : f32 to vector<16xf32>
      %div3A_1405 = arith.divf %div3A_1404, %add3A_1402 : vector<16xf32>
      %swap3A_1406 = arith.constant 13 : i32
      %swap3A_1407 = arith.index_cast %scan3A_771 : i32 to index
      %swap3A_1408 = arith.index_cast %swap3A_1406 : i32 to index
      %swap3A_1409 = arith.constant 12 : index
      %swap3A_1410 = tpu.vector_load %arg6[%swap3A_1407, %swap3A_1408, %swap3A_1409] {strides = array<i32>} : memref<16x28x28xf32, #tpu.memory_space<vmem>>, vector<1x1x16xf32>,
      %swap3A_1411 = vector.shape_cast %swap3A_1410 : vector<1x1x16xf32> to vector<16xf32>
      %swap3A_1412 = vector.shape_cast %div3A_1405 : vector<16xf32> to vector<1x1x16xf32>
      tpu.vector_store %arg6[%swap3A_1407, %swap3A_1408, %swap3A_1409], %swap3A_1412 {strides = array<i32>} : memref<16x28x28xf32, #tpu.memory_space<vmem>>, vector<1x1x16xf32>,
      %get3A_1413 = arith.constant 14 : i32
      %get3A_1414 = arith.index_cast %scan3A_771 : i32 to index
      %get3A_1415 = arith.index_cast %get3A_1413 : i32 to index
      %get3A_1416 = arith.constant 0 : index
      %get3A_1417 = tpu.vector_load %arg6[%get3A_1414, %get3A_1415, %get3A_1416] {strides = array<i32>} : memref<16x28x28xf32, #tpu.memory_space<vmem>>, vector<1x1x16xf32>,
      %get3A_1418 = vector.shape_cast %get3A_1417 : vector<1x1x16xf32> to vector<16xf32>
      %get3A_1419 = arith.constant 14 : i32
      %get3A_1420 = arith.index_cast %scan3A_771 : i32 to index
      %get3A_1421 = arith.index_cast %get3A_1419 : i32 to index
      %get3A_1422 = arith.constant 12 : index
      %get3A_1423 = tpu.vector_load %arg6[%get3A_1420, %get3A_1421, %get3A_1422] {strides = array<i32>} : memref<16x28x28xf32, #tpu.memory_space<vmem>>, vector<1x1x16xf32>,
      %get3A_1424 = vector.shape_cast %get3A_1423 : vector<1x1x16xf32> to vector<16xf32>
      %neg3A_1425 = arith.constant 0.000000e+00 : f32
      %neg3A_1426 = vector.broadcast %neg3A_1425 : f32 to vector<16xf32>
      %neg3A_1427 = arith.subf %neg3A_1426, %get3A_1418 : vector<16xf32>
      %exp3A_1428 = math.exp %neg3A_1427 : vector<16xf32>
      %add3A_1429 = arith.constant 1.000000e+00 : f32
      %add3A_1430 = vector.broadcast %add3A_1429 : f32 to vector<16xf32>
      %add3A_1431 = arith.addf %add3A_1430, %exp3A_1428 : vector<16xf32>
      %div3A_1432 = arith.constant 1.000000e+00 : f32
      %div3A_1433 = vector.broadcast %div3A_1432 : f32 to vector<16xf32>
      %div3A_1434 = arith.divf %div3A_1433, %add3A_1431 : vector<16xf32>
      %swap3A_1435 = arith.constant 14 : i32
      %swap3A_1436 = arith.index_cast %scan3A_771 : i32 to index
      %swap3A_1437 = arith.index_cast %swap3A_1435 : i32 to index
      %swap3A_1438 = arith.constant 0 : index
      %swap3A_1439 = tpu.vector_load %arg6[%swap3A_1436, %swap3A_1437, %swap3A_1438] {strides = array<i32>} : memref<16x28x28xf32, #tpu.memory_space<vmem>>, vector<1x1x16xf32>,
      %swap3A_1440 = vector.shape_cast %swap3A_1439 : vector<1x1x16xf32> to vector<16xf32>
      %swap3A_1441 = vector.shape_cast %div3A_1434 : vector<16xf32> to vector<1x1x16xf32>
      tpu.vector_store %arg6[%swap3A_1436, %swap3A_1437, %swap3A_1438], %swap3A_1441 {strides = array<i32>} : memref<16x28x28xf32, #tpu.memory_space<vmem>>, vector<1x1x16xf32>,
      %neg3A_1442 = arith.constant 0.000000e+00 : f32
      %neg3A_1443 = vector.broadcast %neg3A_1442 : f32 to vector<16xf32>
      %neg3A_1444 = arith.subf %neg3A_1443, %get3A_1424 : vector<16xf32>
      %exp3A_1445 = math.exp %neg3A_1444 : vector<16xf32>
      %add3A_1446 = arith.constant 1.000000e+00 : f32
      %add3A_1447 = vector.broadcast %add3A_1446 : f32 to vector<16xf32>
      %add3A_1448 = arith.addf %add3A_1447, %exp3A_1445 : vector<16xf32>
      %div3A_1449 = arith.constant 1.000000e+00 : f32
      %div3A_1450 = vector.broadcast %div3A_1449 : f32 to vector<16xf32>
      %div3A_1451 = arith.divf %div3A_1450, %add3A_1448 : vector<16xf32>
      %swap3A_1452 = arith.constant 14 : i32
      %swap3A_1453 = arith.index_cast %scan3A_771 : i32 to index
      %swap3A_1454 = arith.index_cast %swap3A_1452 : i32 to index
      %swap3A_1455 = arith.constant 12 : index
      %swap3A_1456 = tpu.vector_load %arg6[%swap3A_1453, %swap3A_1454, %swap3A_1455] {strides = array<i32>} : memref<16x28x28xf32, #tpu.memory_space<vmem>>, vector<1x1x16xf32>,
      %swap3A_1457 = vector.shape_cast %swap3A_1456 : vector<1x1x16xf32> to vector<16xf32>
      %swap3A_1458 = vector.shape_cast %div3A_1451 : vector<16xf32> to vector<1x1x16xf32>
      tpu.vector_store %arg6[%swap3A_1453, %swap3A_1454, %swap3A_1455], %swap3A_1458 {strides = array<i32>} : memref<16x28x28xf32, #tpu.memory_space<vmem>>, vector<1x1x16xf32>,
      %get3A_1459 = arith.constant 15 : i32
      %get3A_1460 = arith.index_cast %scan3A_771 : i32 to index
      %get3A_1461 = arith.index_cast %get3A_1459 : i32 to index
      %get3A_1462 = arith.constant 0 : index
      %get3A_1463 = tpu.vector_load %arg6[%get3A_1460, %get3A_1461, %get3A_1462] {strides = array<i32>} : memref<16x28x28xf32, #tpu.memory_space<vmem>>, vector<1x1x16xf32>,
      %get3A_1464 = vector.shape_cast %get3A_1463 : vector<1x1x16xf32> to vector<16xf32>
      %get3A_1465 = arith.constant 15 : i32
      %get3A_1466 = arith.index_cast %scan3A_771 : i32 to index
      %get3A_1467 = arith.index_cast %get3A_1465 : i32 to index
      %get3A_1468 = arith.constant 12 : index
      %get3A_1469 = tpu.vector_load %arg6[%get3A_1466, %get3A_1467, %get3A_1468] {strides = array<i32>} : memref<16x28x28xf32, #tpu.memory_space<vmem>>, vector<1x1x16xf32>,
      %get3A_1470 = vector.shape_cast %get3A_1469 : vector<1x1x16xf32> to vector<16xf32>
      %neg3A_1471 = arith.constant 0.000000e+00 : f32
      %neg3A_1472 = vector.broadcast %neg3A_1471 : f32 to vector<16xf32>
      %neg3A_1473 = arith.subf %neg3A_1472, %get3A_1464 : vector<16xf32>
      %exp3A_1474 = math.exp %neg3A_1473 : vector<16xf32>
      %add3A_1475 = arith.constant 1.000000e+00 : f32
      %add3A_1476 = vector.broadcast %add3A_1475 : f32 to vector<16xf32>
      %add3A_1477 = arith.addf %add3A_1476, %exp3A_1474 : vector<16xf32>
      %div3A_1478 = arith.constant 1.000000e+00 : f32
      %div3A_1479 = vector.broadcast %div3A_1478 : f32 to vector<16xf32>
      %div3A_1480 = arith.divf %div3A_1479, %add3A_1477 : vector<16xf32>
      %swap3A_1481 = arith.constant 15 : i32
      %swap3A_1482 = arith.index_cast %scan3A_771 : i32 to index
      %swap3A_1483 = arith.index_cast %swap3A_1481 : i32 to index
      %swap3A_1484 = arith.constant 0 : index
      %swap3A_1485 = tpu.vector_load %arg6[%swap3A_1482, %swap3A_1483, %swap3A_1484] {strides = array<i32>} : memref<16x28x28xf32, #tpu.memory_space<vmem>>, vector<1x1x16xf32>,
      %swap3A_1486 = vector.shape_cast %swap3A_1485 : vector<1x1x16xf32> to vector<16xf32>
      %swap3A_1487 = vector.shape_cast %div3A_1480 : vector<16xf32> to vector<1x1x16xf32>
      tpu.vector_store %arg6[%swap3A_1482, %swap3A_1483, %swap3A_1484], %swap3A_1487 {strides = array<i32>} : memref<16x28x28xf32, #tpu.memory_space<vmem>>, vector<1x1x16xf32>,
      %neg3A_1488 = arith.constant 0.000000e+00 : f32
      %neg3A_1489 = vector.broadcast %neg3A_1488 : f32 to vector<16xf32>
      %neg3A_1490 = arith.subf %neg3A_1489, %get3A_1470 : vector<16xf32>
      %exp3A_1491 = math.exp %neg3A_1490 : vector<16xf32>
      %add3A_1492 = arith.constant 1.000000e+00 : f32
      %add3A_1493 = vector.broadcast %add3A_1492 : f32 to vector<16xf32>
      %add3A_1494 = arith.addf %add3A_1493, %exp3A_1491 : vector<16xf32>
      %div3A_1495 = arith.constant 1.000000e+00 : f32
      %div3A_1496 = vector.broadcast %div3A_1495 : f32 to vector<16xf32>
      %div3A_1497 = arith.divf %div3A_1496, %add3A_1494 : vector<16xf32>
      %swap3A_1498 = arith.constant 15 : i32
      %swap3A_1499 = arith.index_cast %scan3A_771 : i32 to index
      %swap3A_1500 = arith.index_cast %swap3A_1498 : i32 to index
      %swap3A_1501 = arith.constant 12 : index
      %swap3A_1502 = tpu.vector_load %arg6[%swap3A_1499, %swap3A_1500, %swap3A_1501] {strides = array<i32>} : memref<16x28x28xf32, #tpu.memory_space<vmem>>, vector<1x1x16xf32>,
      %swap3A_1503 = vector.shape_cast %swap3A_1502 : vector<1x1x16xf32> to vector<16xf32>
      %swap3A_1504 = vector.shape_cast %div3A_1497 : vector<16xf32> to vector<1x1x16xf32>
      tpu.vector_store %arg6[%swap3A_1499, %swap3A_1500, %swap3A_1501], %swap3A_1504 {strides = array<i32>} : memref<16x28x28xf32, #tpu.memory_space<vmem>>, vector<1x1x16xf32>,
      %get3A_1505 = arith.constant 16 : i32
      %get3A_1506 = arith.index_cast %scan3A_771 : i32 to index
      %get3A_1507 = arith.index_cast %get3A_1505 : i32 to index
      %get3A_1508 = arith.constant 0 : index
      %get3A_1509 = tpu.vector_load %arg6[%get3A_1506, %get3A_1507, %get3A_1508] {strides = array<i32>} : memref<16x28x28xf32, #tpu.memory_space<vmem>>, vector<1x1x16xf32>,
      %get3A_1510 = vector.shape_cast %get3A_1509 : vector<1x1x16xf32> to vector<16xf32>
      %get3A_1511 = arith.constant 16 : i32
      %get3A_1512 = arith.index_cast %scan3A_771 : i32 to index
      %get3A_1513 = arith.index_cast %get3A_1511 : i32 to index
      %get3A_1514 = arith.constant 12 : index
      %get3A_1515 = tpu.vector_load %arg6[%get3A_1512, %get3A_1513, %get3A_1514] {strides = array<i32>} : memref<16x28x28xf32, #tpu.memory_space<vmem>>, vector<1x1x16xf32>,
      %get3A_1516 = vector.shape_cast %get3A_1515 : vector<1x1x16xf32> to vector<16xf32>
      %neg3A_1517 = arith.constant 0.000000e+00 : f32
      %neg3A_1518 = vector.broadcast %neg3A_1517 : f32 to vector<16xf32>
      %neg3A_1519 = arith.subf %neg3A_1518, %get3A_1510 : vector<16xf32>
      %exp3A_1520 = math.exp %neg3A_1519 : vector<16xf32>
      %add3A_1521 = arith.constant 1.000000e+00 : f32
      %add3A_1522 = vector.broadcast %add3A_1521 : f32 to vector<16xf32>
      %add3A_1523 = arith.addf %add3A_1522, %exp3A_1520 : vector<16xf32>
      %div3A_1524 = arith.constant 1.000000e+00 : f32
      %div3A_1525 = vector.broadcast %div3A_1524 : f32 to vector<16xf32>
      %div3A_1526 = arith.divf %div3A_1525, %add3A_1523 : vector<16xf32>
      %swap3A_1527 = arith.constant 16 : i32
      %swap3A_1528 = arith.index_cast %scan3A_771 : i32 to index
      %swap3A_1529 = arith.index_cast %swap3A_1527 : i32 to index
      %swap3A_1530 = arith.constant 0 : index
      %swap3A_1531 = tpu.vector_load %arg6[%swap3A_1528, %swap3A_1529, %swap3A_1530] {strides = array<i32>} : memref<16x28x28xf32, #tpu.memory_space<vmem>>, vector<1x1x16xf32>,
      %swap3A_1532 = vector.shape_cast %swap3A_1531 : vector<1x1x16xf32> to vector<16xf32>
      %swap3A_1533 = vector.shape_cast %div3A_1526 : vector<16xf32> to vector<1x1x16xf32>
      tpu.vector_store %arg6[%swap3A_1528, %swap3A_1529, %swap3A_1530], %swap3A_1533 {strides = array<i32>} : memref<16x28x28xf32, #tpu.memory_space<vmem>>, vector<1x1x16xf32>,
      %neg3A_1534 = arith.constant 0.000000e+00 : f32
      %neg3A_1535 = vector.broadcast %neg3A_1534 : f32 to vector<16xf32>
      %neg3A_1536 = arith.subf %neg3A_1535, %get3A_1516 : vector<16xf32>
      %exp3A_1537 = math.exp %neg3A_1536 : vector<16xf32>
      %add3A_1538 = arith.constant 1.000000e+00 : f32
      %add3A_1539 = vector.broadcast %add3A_1538 : f32 to vector<16xf32>
      %add3A_1540 = arith.addf %add3A_1539, %exp3A_1537 : vector<16xf32>
      %div3A_1541 = arith.constant 1.000000e+00 : f32
      %div3A_1542 = vector.broadcast %div3A_1541 : f32 to vector<16xf32>
      %div3A_1543 = arith.divf %div3A_1542, %add3A_1540 : vector<16xf32>
      %swap3A_1544 = arith.constant 16 : i32
      %swap3A_1545 = arith.index_cast %scan3A_771 : i32 to index
      %swap3A_1546 = arith.index_cast %swap3A_1544 : i32 to index
      %swap3A_1547 = arith.constant 12 : index
      %swap3A_1548 = tpu.vector_load %arg6[%swap3A_1545, %swap3A_1546, %swap3A_1547] {strides = array<i32>} : memref<16x28x28xf32, #tpu.memory_space<vmem>>, vector<1x1x16xf32>,
      %swap3A_1549 = vector.shape_cast %swap3A_1548 : vector<1x1x16xf32> to vector<16xf32>
      %swap3A_1550 = vector.shape_cast %div3A_1543 : vector<16xf32> to vector<1x1x16xf32>
      tpu.vector_store %arg6[%swap3A_1545, %swap3A_1546, %swap3A_1547], %swap3A_1550 {strides = array<i32>} : memref<16x28x28xf32, #tpu.memory_space<vmem>>, vector<1x1x16xf32>,
      %get3A_1551 = arith.constant 17 : i32
      %get3A_1552 = arith.index_cast %scan3A_771 : i32 to index
      %get3A_1553 = arith.index_cast %get3A_1551 : i32 to index
      %get3A_1554 = arith.constant 0 : index
      %get3A_1555 = tpu.vector_load %arg6[%get3A_1552, %get3A_1553, %get3A_1554] {strides = array<i32>} : memref<16x28x28xf32, #tpu.memory_space<vmem>>, vector<1x1x16xf32>,
      %get3A_1556 = vector.shape_cast %get3A_1555 : vector<1x1x16xf32> to vector<16xf32>
      %get3A_1557 = arith.constant 17 : i32
      %get3A_1558 = arith.index_cast %scan3A_771 : i32 to index
      %get3A_1559 = arith.index_cast %get3A_1557 : i32 to index
      %get3A_1560 = arith.constant 12 : index
      %get3A_1561 = tpu.vector_load %arg6[%get3A_1558, %get3A_1559, %get3A_1560] {strides = array<i32>} : memref<16x28x28xf32, #tpu.memory_space<vmem>>, vector<1x1x16xf32>,
      %get3A_1562 = vector.shape_cast %get3A_1561 : vector<1x1x16xf32> to vector<16xf32>
      %neg3A_1563 = arith.constant 0.000000e+00 : f32
      %neg3A_1564 = vector.broadcast %neg3A_1563 : f32 to vector<16xf32>
      %neg3A_1565 = arith.subf %neg3A_1564, %get3A_1556 : vector<16xf32>
      %exp3A_1566 = math.exp %neg3A_1565 : vector<16xf32>
      %add3A_1567 = arith.constant 1.000000e+00 : f32
      %add3A_1568 = vector.broadcast %add3A_1567 : f32 to vector<16xf32>
      %add3A_1569 = arith.addf %add3A_1568, %exp3A_1566 : vector<16xf32>
      %div3A_1570 = arith.constant 1.000000e+00 : f32
      %div3A_1571 = vector.broadcast %div3A_1570 : f32 to vector<16xf32>
      %div3A_1572 = arith.divf %div3A_1571, %add3A_1569 : vector<16xf32>
      %swap3A_1573 = arith.constant 17 : i32
      %swap3A_1574 = arith.index_cast %scan3A_771 : i32 to index
      %swap3A_1575 = arith.index_cast %swap3A_1573 : i32 to index
      %swap3A_1576 = arith.constant 0 : index
      %swap3A_1577 = tpu.vector_load %arg6[%swap3A_1574, %swap3A_1575, %swap3A_1576] {strides = array<i32>} : memref<16x28x28xf32, #tpu.memory_space<vmem>>, vector<1x1x16xf32>,
      %swap3A_1578 = vector.shape_cast %swap3A_1577 : vector<1x1x16xf32> to vector<16xf32>
      %swap3A_1579 = vector.shape_cast %div3A_1572 : vector<16xf32> to vector<1x1x16xf32>
      tpu.vector_store %arg6[%swap3A_1574, %swap3A_1575, %swap3A_1576], %swap3A_1579 {strides = array<i32>} : memref<16x28x28xf32, #tpu.memory_space<vmem>>, vector<1x1x16xf32>,
      %neg3A_1580 = arith.constant 0.000000e+00 : f32
      %neg3A_1581 = vector.broadcast %neg3A_1580 : f32 to vector<16xf32>
      %neg3A_1582 = arith.subf %neg3A_1581, %get3A_1562 : vector<16xf32>
      %exp3A_1583 = math.exp %neg3A_1582 : vector<16xf32>
      %add3A_1584 = arith.constant 1.000000e+00 : f32
      %add3A_1585 = vector.broadcast %add3A_1584 : f32 to vector<16xf32>
      %add3A_1586 = arith.addf %add3A_1585, %exp3A_1583 : vector<16xf32>
      %div3A_1587 = arith.constant 1.000000e+00 : f32
      %div3A_1588 = vector.broadcast %div3A_1587 : f32 to vector<16xf32>
      %div3A_1589 = arith.divf %div3A_1588, %add3A_1586 : vector<16xf32>
      %swap3A_1590 = arith.constant 17 : i32
      %swap3A_1591 = arith.index_cast %scan3A_771 : i32 to index
      %swap3A_1592 = arith.index_cast %swap3A_1590 : i32 to index
      %swap3A_1593 = arith.constant 12 : index
      %swap3A_1594 = tpu.vector_load %arg6[%swap3A_1591, %swap3A_1592, %swap3A_1593] {strides = array<i32>} : memref<16x28x28xf32, #tpu.memory_space<vmem>>, vector<1x1x16xf32>,
      %swap3A_1595 = vector.shape_cast %swap3A_1594 : vector<1x1x16xf32> to vector<16xf32>
      %swap3A_1596 = vector.shape_cast %div3A_1589 : vector<16xf32> to vector<1x1x16xf32>
      tpu.vector_store %arg6[%swap3A_1591, %swap3A_1592, %swap3A_1593], %swap3A_1596 {strides = array<i32>} : memref<16x28x28xf32, #tpu.memory_space<vmem>>, vector<1x1x16xf32>,
      %get3A_1597 = arith.constant 18 : i32
      %get3A_1598 = arith.index_cast %scan3A_771 : i32 to index
      %get3A_1599 = arith.index_cast %get3A_1597 : i32 to index
      %get3A_1600 = arith.constant 0 : index
      %get3A_1601 = tpu.vector_load %arg6[%get3A_1598, %get3A_1599, %get3A_1600] {strides = array<i32>} : memref<16x28x28xf32, #tpu.memory_space<vmem>>, vector<1x1x16xf32>,
      %get3A_1602 = vector.shape_cast %get3A_1601 : vector<1x1x16xf32> to vector<16xf32>
      %get3A_1603 = arith.constant 18 : i32
      %get3A_1604 = arith.index_cast %scan3A_771 : i32 to index
      %get3A_1605 = arith.index_cast %get3A_1603 : i32 to index
      %get3A_1606 = arith.constant 12 : index
      %get3A_1607 = tpu.vector_load %arg6[%get3A_1604, %get3A_1605, %get3A_1606] {strides = array<i32>} : memref<16x28x28xf32, #tpu.memory_space<vmem>>, vector<1x1x16xf32>,
      %get3A_1608 = vector.shape_cast %get3A_1607 : vector<1x1x16xf32> to vector<16xf32>
      %neg3A_1609 = arith.constant 0.000000e+00 : f32
      %neg3A_1610 = vector.broadcast %neg3A_1609 : f32 to vector<16xf32>
      %neg3A_1611 = arith.subf %neg3A_1610, %get3A_1602 : vector<16xf32>
      %exp3A_1612 = math.exp %neg3A_1611 : vector<16xf32>
      %add3A_1613 = arith.constant 1.000000e+00 : f32
      %add3A_1614 = vector.broadcast %add3A_1613 : f32 to vector<16xf32>
      %add3A_1615 = arith.addf %add3A_1614, %exp3A_1612 : vector<16xf32>
      %div3A_1616 = arith.constant 1.000000e+00 : f32
      %div3A_1617 = vector.broadcast %div3A_1616 : f32 to vector<16xf32>
      %div3A_1618 = arith.divf %div3A_1617, %add3A_1615 : vector<16xf32>
      %swap3A_1619 = arith.constant 18 : i32
      %swap3A_1620 = arith.index_cast %scan3A_771 : i32 to index
      %swap3A_1621 = arith.index_cast %swap3A_1619 : i32 to index
      %swap3A_1622 = arith.constant 0 : index
      %swap3A_1623 = tpu.vector_load %arg6[%swap3A_1620, %swap3A_1621, %swap3A_1622] {strides = array<i32>} : memref<16x28x28xf32, #tpu.memory_space<vmem>>, vector<1x1x16xf32>,
      %swap3A_1624 = vector.shape_cast %swap3A_1623 : vector<1x1x16xf32> to vector<16xf32>
      %swap3A_1625 = vector.shape_cast %div3A_1618 : vector<16xf32> to vector<1x1x16xf32>
      tpu.vector_store %arg6[%swap3A_1620, %swap3A_1621, %swap3A_1622], %swap3A_1625 {strides = array<i32>} : memref<16x28x28xf32, #tpu.memory_space<vmem>>, vector<1x1x16xf32>,
      %neg3A_1626 = arith.constant 0.000000e+00 : f32
      %neg3A_1627 = vector.broadcast %neg3A_1626 : f32 to vector<16xf32>
      %neg3A_1628 = arith.subf %neg3A_1627, %get3A_1608 : vector<16xf32>
      %exp3A_1629 = math.exp %neg3A_1628 : vector<16xf32>
      %add3A_1630 = arith.constant 1.000000e+00 : f32
      %add3A_1631 = vector.broadcast %add3A_1630 : f32 to vector<16xf32>
      %add3A_1632 = arith.addf %add3A_1631, %exp3A_1629 : vector<16xf32>
      %div3A_1633 = arith.constant 1.000000e+00 : f32
      %div3A_1634 = vector.broadcast %div3A_1633 : f32 to vector<16xf32>
      %div3A_1635 = arith.divf %div3A_1634, %add3A_1632 : vector<16xf32>
      %swap3A_1636 = arith.constant 18 : i32
      %swap3A_1637 = arith.index_cast %scan3A_771 : i32 to index
      %swap3A_1638 = arith.index_cast %swap3A_1636 : i32 to index
      %swap3A_1639 = arith.constant 12 : index
      %swap3A_1640 = tpu.vector_load %arg6[%swap3A_1637, %swap3A_1638, %swap3A_1639] {strides = array<i32>} : memref<16x28x28xf32, #tpu.memory_space<vmem>>, vector<1x1x16xf32>,
      %swap3A_1641 = vector.shape_cast %swap3A_1640 : vector<1x1x16xf32> to vector<16xf32>
      %swap3A_1642 = vector.shape_cast %div3A_1635 : vector<16xf32> to vector<1x1x16xf32>
      tpu.vector_store %arg6[%swap3A_1637, %swap3A_1638, %swap3A_1639], %swap3A_1642 {strides = array<i32>} : memref<16x28x28xf32, #tpu.memory_space<vmem>>, vector<1x1x16xf32>,
      %get3A_1643 = arith.constant 19 : i32
      %get3A_1644 = arith.index_cast %scan3A_771 : i32 to index
      %get3A_1645 = arith.index_cast %get3A_1643 : i32 to index
      %get3A_1646 = arith.constant 0 : index
      %get3A_1647 = tpu.vector_load %arg6[%get3A_1644, %get3A_1645, %get3A_1646] {strides = array<i32>} : memref<16x28x28xf32, #tpu.memory_space<vmem>>, vector<1x1x16xf32>,
      %get3A_1648 = vector.shape_cast %get3A_1647 : vector<1x1x16xf32> to vector<16xf32>
      %get3A_1649 = arith.constant 19 : i32
      %get3A_1650 = arith.index_cast %scan3A_771 : i32 to index
      %get3A_1651 = arith.index_cast %get3A_1649 : i32 to index
      %get3A_1652 = arith.constant 12 : index
      %get3A_1653 = tpu.vector_load %arg6[%get3A_1650, %get3A_1651, %get3A_1652] {strides = array<i32>} : memref<16x28x28xf32, #tpu.memory_space<vmem>>, vector<1x1x16xf32>,
      %get3A_1654 = vector.shape_cast %get3A_1653 : vector<1x1x16xf32> to vector<16xf32>
      %neg3A_1655 = arith.constant 0.000000e+00 : f32
      %neg3A_1656 = vector.broadcast %neg3A_1655 : f32 to vector<16xf32>
      %neg3A_1657 = arith.subf %neg3A_1656, %get3A_1648 : vector<16xf32>
      %exp3A_1658 = math.exp %neg3A_1657 : vector<16xf32>
      %add3A_1659 = arith.constant 1.000000e+00 : f32
      %add3A_1660 = vector.broadcast %add3A_1659 : f32 to vector<16xf32>
      %add3A_1661 = arith.addf %add3A_1660, %exp3A_1658 : vector<16xf32>
      %div3A_1662 = arith.constant 1.000000e+00 : f32
      %div3A_1663 = vector.broadcast %div3A_1662 : f32 to vector<16xf32>
      %div3A_1664 = arith.divf %div3A_1663, %add3A_1661 : vector<16xf32>
      %swap3A_1665 = arith.constant 19 : i32
      %swap3A_1666 = arith.index_cast %scan3A_771 : i32 to index
      %swap3A_1667 = arith.index_cast %swap3A_1665 : i32 to index
      %swap3A_1668 = arith.constant 0 : index
      %swap3A_1669 = tpu.vector_load %arg6[%swap3A_1666, %swap3A_1667, %swap3A_1668] {strides = array<i32>} : memref<16x28x28xf32, #tpu.memory_space<vmem>>, vector<1x1x16xf32>,
      %swap3A_1670 = vector.shape_cast %swap3A_1669 : vector<1x1x16xf32> to vector<16xf32>
      %swap3A_1671 = vector.shape_cast %div3A_1664 : vector<16xf32> to vector<1x1x16xf32>
      tpu.vector_store %arg6[%swap3A_1666, %swap3A_1667, %swap3A_1668], %swap3A_1671 {strides = array<i32>} : memref<16x28x28xf32, #tpu.memory_space<vmem>>, vector<1x1x16xf32>,
      %neg3A_1672 = arith.constant 0.000000e+00 : f32
      %neg3A_1673 = vector.broadcast %neg3A_1672 : f32 to vector<16xf32>
      %neg3A_1674 = arith.subf %neg3A_1673, %get3A_1654 : vector<16xf32>
      %exp3A_1675 = math.exp %neg3A_1674 : vector<16xf32>
      %add3A_1676 = arith.constant 1.000000e+00 : f32
      %add3A_1677 = vector.broadcast %add3A_1676 : f32 to vector<16xf32>
      %add3A_1678 = arith.addf %add3A_1677, %exp3A_1675 : vector<16xf32>
      %div3A_1679 = arith.constant 1.000000e+00 : f32
      %div3A_1680 = vector.broadcast %div3A_1679 : f32 to vector<16xf32>
      %div3A_1681 = arith.divf %div3A_1680, %add3A_1678 : vector<16xf32>
      %swap3A_1682 = arith.constant 19 : i32
      %swap3A_1683 = arith.index_cast %scan3A_771 : i32 to index
      %swap3A_1684 = arith.index_cast %swap3A_1682 : i32 to index
      %swap3A_1685 = arith.constant 12 : index
      %swap3A_1686 = tpu.vector_load %arg6[%swap3A_1683, %swap3A_1684, %swap3A_1685] {strides = array<i32>} : memref<16x28x28xf32, #tpu.memory_space<vmem>>, vector<1x1x16xf32>,
      %swap3A_1687 = vector.shape_cast %swap3A_1686 : vector<1x1x16xf32> to vector<16xf32>
      %swap3A_1688 = vector.shape_cast %div3A_1681 : vector<16xf32> to vector<1x1x16xf32>
      tpu.vector_store %arg6[%swap3A_1683, %swap3A_1684, %swap3A_1685], %swap3A_1688 {strides = array<i32>} : memref<16x28x28xf32, #tpu.memory_space<vmem>>, vector<1x1x16xf32>,
      %get3A_1689 = arith.constant 20 : i32
      %get3A_1690 = arith.index_cast %scan3A_771 : i32 to index
      %get3A_1691 = arith.index_cast %get3A_1689 : i32 to index
      %get3A_1692 = arith.constant 0 : index
      %get3A_1693 = tpu.vector_load %arg6[%get3A_1690, %get3A_1691, %get3A_1692] {strides = array<i32>} : memref<16x28x28xf32, #tpu.memory_space<vmem>>, vector<1x1x16xf32>,
      %get3A_1694 = vector.shape_cast %get3A_1693 : vector<1x1x16xf32> to vector<16xf32>
      %get3A_1695 = arith.constant 20 : i32
      %get3A_1696 = arith.index_cast %scan3A_771 : i32 to index
      %get3A_1697 = arith.index_cast %get3A_1695 : i32 to index
      %get3A_1698 = arith.constant 12 : index
      %get3A_1699 = tpu.vector_load %arg6[%get3A_1696, %get3A_1697, %get3A_1698] {strides = array<i32>} : memref<16x28x28xf32, #tpu.memory_space<vmem>>, vector<1x1x16xf32>,
      %get3A_1700 = vector.shape_cast %get3A_1699 : vector<1x1x16xf32> to vector<16xf32>
      %neg3A_1701 = arith.constant 0.000000e+00 : f32
      %neg3A_1702 = vector.broadcast %neg3A_1701 : f32 to vector<16xf32>
      %neg3A_1703 = arith.subf %neg3A_1702, %get3A_1694 : vector<16xf32>
      %exp3A_1704 = math.exp %neg3A_1703 : vector<16xf32>
      %add3A_1705 = arith.constant 1.000000e+00 : f32
      %add3A_1706 = vector.broadcast %add3A_1705 : f32 to vector<16xf32>
      %add3A_1707 = arith.addf %add3A_1706, %exp3A_1704 : vector<16xf32>
      %div3A_1708 = arith.constant 1.000000e+00 : f32
      %div3A_1709 = vector.broadcast %div3A_1708 : f32 to vector<16xf32>
      %div3A_1710 = arith.divf %div3A_1709, %add3A_1707 : vector<16xf32>
      %swap3A_1711 = arith.constant 20 : i32
      %swap3A_1712 = arith.index_cast %scan3A_771 : i32 to index
      %swap3A_1713 = arith.index_cast %swap3A_1711 : i32 to index
      %swap3A_1714 = arith.constant 0 : index
      %swap3A_1715 = tpu.vector_load %arg6[%swap3A_1712, %swap3A_1713, %swap3A_1714] {strides = array<i32>} : memref<16x28x28xf32, #tpu.memory_space<vmem>>, vector<1x1x16xf32>,
      %swap3A_1716 = vector.shape_cast %swap3A_1715 : vector<1x1x16xf32> to vector<16xf32>
      %swap3A_1717 = vector.shape_cast %div3A_1710 : vector<16xf32> to vector<1x1x16xf32>
      tpu.vector_store %arg6[%swap3A_1712, %swap3A_1713, %swap3A_1714], %swap3A_1717 {strides = array<i32>} : memref<16x28x28xf32, #tpu.memory_space<vmem>>, vector<1x1x16xf32>,
      %neg3A_1718 = arith.constant 0.000000e+00 : f32
      %neg3A_1719 = vector.broadcast %neg3A_1718 : f32 to vector<16xf32>
      %neg3A_1720 = arith.subf %neg3A_1719, %get3A_1700 : vector<16xf32>
      %exp3A_1721 = math.exp %neg3A_1720 : vector<16xf32>
      %add3A_1722 = arith.constant 1.000000e+00 : f32
      %add3A_1723 = vector.broadcast %add3A_1722 : f32 to vector<16xf32>
      %add3A_1724 = arith.addf %add3A_1723, %exp3A_1721 : vector<16xf32>
      %div3A_1725 = arith.constant 1.000000e+00 : f32
      %div3A_1726 = vector.broadcast %div3A_1725 : f32 to vector<16xf32>
      %div3A_1727 = arith.divf %div3A_1726, %add3A_1724 : vector<16xf32>
      %swap3A_1728 = arith.constant 20 : i32
      %swap3A_1729 = arith.index_cast %scan3A_771 : i32 to index
      %swap3A_1730 = arith.index_cast %swap3A_1728 : i32 to index
      %swap3A_1731 = arith.constant 12 : index
      %swap3A_1732 = tpu.vector_load %arg6[%swap3A_1729, %swap3A_1730, %swap3A_1731] {strides = array<i32>} : memref<16x28x28xf32, #tpu.memory_space<vmem>>, vector<1x1x16xf32>,
      %swap3A_1733 = vector.shape_cast %swap3A_1732 : vector<1x1x16xf32> to vector<16xf32>
      %swap3A_1734 = vector.shape_cast %div3A_1727 : vector<16xf32> to vector<1x1x16xf32>
      tpu.vector_store %arg6[%swap3A_1729, %swap3A_1730, %swap3A_1731], %swap3A_1734 {strides = array<i32>} : memref<16x28x28xf32, #tpu.memory_space<vmem>>, vector<1x1x16xf32>,
      %get3A_1735 = arith.constant 21 : i32
      %get3A_1736 = arith.index_cast %scan3A_771 : i32 to index
      %get3A_1737 = arith.index_cast %get3A_1735 : i32 to index
      %get3A_1738 = arith.constant 0 : index
      %get3A_1739 = tpu.vector_load %arg6[%get3A_1736, %get3A_1737, %get3A_1738] {strides = array<i32>} : memref<16x28x28xf32, #tpu.memory_space<vmem>>, vector<1x1x16xf32>,
      %get3A_1740 = vector.shape_cast %get3A_1739 : vector<1x1x16xf32> to vector<16xf32>
      %get3A_1741 = arith.constant 21 : i32
      %get3A_1742 = arith.index_cast %scan3A_771 : i32 to index
      %get3A_1743 = arith.index_cast %get3A_1741 : i32 to index
      %get3A_1744 = arith.constant 12 : index
      %get3A_1745 = tpu.vector_load %arg6[%get3A_1742, %get3A_1743, %get3A_1744] {strides = array<i32>} : memref<16x28x28xf32, #tpu.memory_space<vmem>>, vector<1x1x16xf32>,
      %get3A_1746 = vector.shape_cast %get3A_1745 : vector<1x1x16xf32> to vector<16xf32>
      %neg3A_1747 = arith.constant 0.000000e+00 : f32
      %neg3A_1748 = vector.broadcast %neg3A_1747 : f32 to vector<16xf32>
      %neg3A_1749 = arith.subf %neg3A_1748, %get3A_1740 : vector<16xf32>
      %exp3A_1750 = math.exp %neg3A_1749 : vector<16xf32>
      %add3A_1751 = arith.constant 1.000000e+00 : f32
      %add3A_1752 = vector.broadcast %add3A_1751 : f32 to vector<16xf32>
      %add3A_1753 = arith.addf %add3A_1752, %exp3A_1750 : vector<16xf32>
      %div3A_1754 = arith.constant 1.000000e+00 : f32
      %div3A_1755 = vector.broadcast %div3A_1754 : f32 to vector<16xf32>
      %div3A_1756 = arith.divf %div3A_1755, %add3A_1753 : vector<16xf32>
      %swap3A_1757 = arith.constant 21 : i32
      %swap3A_1758 = arith.index_cast %scan3A_771 : i32 to index
      %swap3A_1759 = arith.index_cast %swap3A_1757 : i32 to index
      %swap3A_1760 = arith.constant 0 : index
      %swap3A_1761 = tpu.vector_load %arg6[%swap3A_1758, %swap3A_1759, %swap3A_1760] {strides = array<i32>} : memref<16x28x28xf32, #tpu.memory_space<vmem>>, vector<1x1x16xf32>,
      %swap3A_1762 = vector.shape_cast %swap3A_1761 : vector<1x1x16xf32> to vector<16xf32>
      %swap3A_1763 = vector.shape_cast %div3A_1756 : vector<16xf32> to vector<1x1x16xf32>
      tpu.vector_store %arg6[%swap3A_1758, %swap3A_1759, %swap3A_1760], %swap3A_1763 {strides = array<i32>} : memref<16x28x28xf32, #tpu.memory_space<vmem>>, vector<1x1x16xf32>,
      %neg3A_1764 = arith.constant 0.000000e+00 : f32
      %neg3A_1765 = vector.broadcast %neg3A_1764 : f32 to vector<16xf32>
      %neg3A_1766 = arith.subf %neg3A_1765, %get3A_1746 : vector<16xf32>
      %exp3A_1767 = math.exp %neg3A_1766 : vector<16xf32>
      %add3A_1768 = arith.constant 1.000000e+00 : f32
      %add3A_1769 = vector.broadcast %add3A_1768 : f32 to vector<16xf32>
      %add3A_1770 = arith.addf %add3A_1769, %exp3A_1767 : vector<16xf32>
      %div3A_1771 = arith.constant 1.000000e+00 : f32
      %div3A_1772 = vector.broadcast %div3A_1771 : f32 to vector<16xf32>
      %div3A_1773 = arith.divf %div3A_1772, %add3A_1770 : vector<16xf32>
      %swap3A_1774 = arith.constant 21 : i32
      %swap3A_1775 = arith.index_cast %scan3A_771 : i32 to index
      %swap3A_1776 = arith.index_cast %swap3A_1774 : i32 to index
      %swap3A_1777 = arith.constant 12 : index
      %swap3A_1778 = tpu.vector_load %arg6[%swap3A_1775, %swap3A_1776, %swap3A_1777] {strides = array<i32>} : memref<16x28x28xf32, #tpu.memory_space<vmem>>, vector<1x1x16xf32>,
      %swap3A_1779 = vector.shape_cast %swap3A_1778 : vector<1x1x16xf32> to vector<16xf32>
      %swap3A_1780 = vector.shape_cast %div3A_1773 : vector<16xf32> to vector<1x1x16xf32>
      tpu.vector_store %arg6[%swap3A_1775, %swap3A_1776, %swap3A_1777], %swap3A_1780 {strides = array<i32>} : memref<16x28x28xf32, #tpu.memory_space<vmem>>, vector<1x1x16xf32>,
      %get3A_1781 = arith.constant 22 : i32
      %get3A_1782 = arith.index_cast %scan3A_771 : i32 to index
      %get3A_1783 = arith.index_cast %get3A_1781 : i32 to index
      %get3A_1784 = arith.constant 0 : index
      %get3A_1785 = tpu.vector_load %arg6[%get3A_1782, %get3A_1783, %get3A_1784] {strides = array<i32>} : memref<16x28x28xf32, #tpu.memory_space<vmem>>, vector<1x1x16xf32>,
      %get3A_1786 = vector.shape_cast %get3A_1785 : vector<1x1x16xf32> to vector<16xf32>
      %get3A_1787 = arith.constant 22 : i32
      %get3A_1788 = arith.index_cast %scan3A_771 : i32 to index
      %get3A_1789 = arith.index_cast %get3A_1787 : i32 to index
      %get3A_1790 = arith.constant 12 : index
      %get3A_1791 = tpu.vector_load %arg6[%get3A_1788, %get3A_1789, %get3A_1790] {strides = array<i32>} : memref<16x28x28xf32, #tpu.memory_space<vmem>>, vector<1x1x16xf32>,
      %get3A_1792 = vector.shape_cast %get3A_1791 : vector<1x1x16xf32> to vector<16xf32>
      %neg3A_1793 = arith.constant 0.000000e+00 : f32
      %neg3A_1794 = vector.broadcast %neg3A_1793 : f32 to vector<16xf32>
      %neg3A_1795 = arith.subf %neg3A_1794, %get3A_1786 : vector<16xf32>
      %exp3A_1796 = math.exp %neg3A_1795 : vector<16xf32>
      %add3A_1797 = arith.constant 1.000000e+00 : f32
      %add3A_1798 = vector.broadcast %add3A_1797 : f32 to vector<16xf32>
      %add3A_1799 = arith.addf %add3A_1798, %exp3A_1796 : vector<16xf32>
      %div3A_1800 = arith.constant 1.000000e+00 : f32
      %div3A_1801 = vector.broadcast %div3A_1800 : f32 to vector<16xf32>
      %div3A_1802 = arith.divf %div3A_1801, %add3A_1799 : vector<16xf32>
      %swap3A_1803 = arith.constant 22 : i32
      %swap3A_1804 = arith.index_cast %scan3A_771 : i32 to index
      %swap3A_1805 = arith.index_cast %swap3A_1803 : i32 to index
      %swap3A_1806 = arith.constant 0 : index
      %swap3A_1807 = tpu.vector_load %arg6[%swap3A_1804, %swap3A_1805, %swap3A_1806] {strides = array<i32>} : memref<16x28x28xf32, #tpu.memory_space<vmem>>, vector<1x1x16xf32>,
      %swap3A_1808 = vector.shape_cast %swap3A_1807 : vector<1x1x16xf32> to vector<16xf32>
      %swap3A_1809 = vector.shape_cast %div3A_1802 : vector<16xf32> to vector<1x1x16xf32>
      tpu.vector_store %arg6[%swap3A_1804, %swap3A_1805, %swap3A_1806], %swap3A_1809 {strides = array<i32>} : memref<16x28x28xf32, #tpu.memory_space<vmem>>, vector<1x1x16xf32>,
      %neg3A_1810 = arith.constant 0.000000e+00 : f32
      %neg3A_1811 = vector.broadcast %neg3A_1810 : f32 to vector<16xf32>
      %neg3A_1812 = arith.subf %neg3A_1811, %get3A_1792 : vector<16xf32>
      %exp3A_1813 = math.exp %neg3A_1812 : vector<16xf32>
      %add3A_1814 = arith.constant 1.000000e+00 : f32
      %add3A_1815 = vector.broadcast %add3A_1814 : f32 to vector<16xf32>
      %add3A_1816 = arith.addf %add3A_1815, %exp3A_1813 : vector<16xf32>
      %div3A_1817 = arith.constant 1.000000e+00 : f32
      %div3A_1818 = vector.broadcast %div3A_1817 : f32 to vector<16xf32>
      %div3A_1819 = arith.divf %div3A_1818, %add3A_1816 : vector<16xf32>
      %swap3A_1820 = arith.constant 22 : i32
      %swap3A_1821 = arith.index_cast %scan3A_771 : i32 to index
      %swap3A_1822 = arith.index_cast %swap3A_1820 : i32 to index
      %swap3A_1823 = arith.constant 12 : index
      %swap3A_1824 = tpu.vector_load %arg6[%swap3A_1821, %swap3A_1822, %swap3A_1823] {strides = array<i32>} : memref<16x28x28xf32, #tpu.memory_space<vmem>>, vector<1x1x16xf32>,
      %swap3A_1825 = vector.shape_cast %swap3A_1824 : vector<1x1x16xf32> to vector<16xf32>
      %swap3A_1826 = vector.shape_cast %div3A_1819 : vector<16xf32> to vector<1x1x16xf32>
      tpu.vector_store %arg6[%swap3A_1821, %swap3A_1822, %swap3A_1823], %swap3A_1826 {strides = array<i32>} : memref<16x28x28xf32, #tpu.memory_space<vmem>>, vector<1x1x16xf32>,
      %get3A_1827 = arith.constant 23 : i32
      %get3A_1828 = arith.index_cast %scan3A_771 : i32 to index
      %get3A_1829 = arith.index_cast %get3A_1827 : i32 to index
      %get3A_1830 = arith.constant 0 : index
      %get3A_1831 = tpu.vector_load %arg6[%get3A_1828, %get3A_1829, %get3A_1830] {strides = array<i32>} : memref<16x28x28xf32, #tpu.memory_space<vmem>>, vector<1x1x16xf32>,
      %get3A_1832 = vector.shape_cast %get3A_1831 : vector<1x1x16xf32> to vector<16xf32>
      %get3A_1833 = arith.constant 23 : i32
      %get3A_1834 = arith.index_cast %scan3A_771 : i32 to index
      %get3A_1835 = arith.index_cast %get3A_1833 : i32 to index
      %get3A_1836 = arith.constant 12 : index
      %get3A_1837 = tpu.vector_load %arg6[%get3A_1834, %get3A_1835, %get3A_1836] {strides = array<i32>} : memref<16x28x28xf32, #tpu.memory_space<vmem>>, vector<1x1x16xf32>,
      %get3A_1838 = vector.shape_cast %get3A_1837 : vector<1x1x16xf32> to vector<16xf32>
      %neg3A_1839 = arith.constant 0.000000e+00 : f32
      %neg3A_1840 = vector.broadcast %neg3A_1839 : f32 to vector<16xf32>
      %neg3A_1841 = arith.subf %neg3A_1840, %get3A_1832 : vector<16xf32>
      %exp3A_1842 = math.exp %neg3A_1841 : vector<16xf32>
      %add3A_1843 = arith.constant 1.000000e+00 : f32
      %add3A_1844 = vector.broadcast %add3A_1843 : f32 to vector<16xf32>
      %add3A_1845 = arith.addf %add3A_1844, %exp3A_1842 : vector<16xf32>
      %div3A_1846 = arith.constant 1.000000e+00 : f32
      %div3A_1847 = vector.broadcast %div3A_1846 : f32 to vector<16xf32>
      %div3A_1848 = arith.divf %div3A_1847, %add3A_1845 : vector<16xf32>
      %swap3A_1849 = arith.constant 23 : i32
      %swap3A_1850 = arith.index_cast %scan3A_771 : i32 to index
      %swap3A_1851 = arith.index_cast %swap3A_1849 : i32 to index
      %swap3A_1852 = arith.constant 0 : index
      %swap3A_1853 = tpu.vector_load %arg6[%swap3A_1850, %swap3A_1851, %swap3A_1852] {strides = array<i32>} : memref<16x28x28xf32, #tpu.memory_space<vmem>>, vector<1x1x16xf32>,
      %swap3A_1854 = vector.shape_cast %swap3A_1853 : vector<1x1x16xf32> to vector<16xf32>
      %swap3A_1855 = vector.shape_cast %div3A_1848 : vector<16xf32> to vector<1x1x16xf32>
      tpu.vector_store %arg6[%swap3A_1850, %swap3A_1851, %swap3A_1852], %swap3A_1855 {strides = array<i32>} : memref<16x28x28xf32, #tpu.memory_space<vmem>>, vector<1x1x16xf32>,
      %neg3A_1856 = arith.constant 0.000000e+00 : f32
      %neg3A_1857 = vector.broadcast %neg3A_1856 : f32 to vector<16xf32>
      %neg3A_1858 = arith.subf %neg3A_1857, %get3A_1838 : vector<16xf32>
      %exp3A_1859 = math.exp %neg3A_1858 : vector<16xf32>
      %add3A_1860 = arith.constant 1.000000e+00 : f32
      %add3A_1861 = vector.broadcast %add3A_1860 : f32 to vector<16xf32>
      %add3A_1862 = arith.addf %add3A_1861, %exp3A_1859 : vector<16xf32>
      %div3A_1863 = arith.constant 1.000000e+00 : f32
      %div3A_1864 = vector.broadcast %div3A_1863 : f32 to vector<16xf32>
      %div3A_1865 = arith.divf %div3A_1864, %add3A_1862 : vector<16xf32>
      %swap3A_1866 = arith.constant 23 : i32
      %swap3A_1867 = arith.index_cast %scan3A_771 : i32 to index
      %swap3A_1868 = arith.index_cast %swap3A_1866 : i32 to index
      %swap3A_1869 = arith.constant 12 : index
      %swap3A_1870 = tpu.vector_load %arg6[%swap3A_1867, %swap3A_1868, %swap3A_1869] {strides = array<i32>} : memref<16x28x28xf32, #tpu.memory_space<vmem>>, vector<1x1x16xf32>,
      %swap3A_1871 = vector.shape_cast %swap3A_1870 : vector<1x1x16xf32> to vector<16xf32>
      %swap3A_1872 = vector.shape_cast %div3A_1865 : vector<16xf32> to vector<1x1x16xf32>
      tpu.vector_store %arg6[%swap3A_1867, %swap3A_1868, %swap3A_1869], %swap3A_1872 {strides = array<i32>} : memref<16x28x28xf32, #tpu.memory_space<vmem>>, vector<1x1x16xf32>,
      %get3A_1873 = arith.constant 24 : i32
      %get3A_1874 = arith.index_cast %scan3A_771 : i32 to index
      %get3A_1875 = arith.index_cast %get3A_1873 : i32 to index
      %get3A_1876 = arith.constant 0 : index
      %get3A_1877 = tpu.vector_load %arg6[%get3A_1874, %get3A_1875, %get3A_1876] {strides = array<i32>} : memref<16x28x28xf32, #tpu.memory_space<vmem>>, vector<1x1x16xf32>,
      %get3A_1878 = vector.shape_cast %get3A_1877 : vector<1x1x16xf32> to vector<16xf32>
      %get3A_1879 = arith.constant 24 : i32
      %get3A_1880 = arith.index_cast %scan3A_771 : i32 to index
      %get3A_1881 = arith.index_cast %get3A_1879 : i32 to index
      %get3A_1882 = arith.constant 12 : index
      %get3A_1883 = tpu.vector_load %arg6[%get3A_1880, %get3A_1881, %get3A_1882] {strides = array<i32>} : memref<16x28x28xf32, #tpu.memory_space<vmem>>, vector<1x1x16xf32>,
      %get3A_1884 = vector.shape_cast %get3A_1883 : vector<1x1x16xf32> to vector<16xf32>
      %neg3A_1885 = arith.constant 0.000000e+00 : f32
      %neg3A_1886 = vector.broadcast %neg3A_1885 : f32 to vector<16xf32>
      %neg3A_1887 = arith.subf %neg3A_1886, %get3A_1878 : vector<16xf32>
      %exp3A_1888 = math.exp %neg3A_1887 : vector<16xf32>
      %add3A_1889 = arith.constant 1.000000e+00 : f32
      %add3A_1890 = vector.broadcast %add3A_1889 : f32 to vector<16xf32>
      %add3A_1891 = arith.addf %add3A_1890, %exp3A_1888 : vector<16xf32>
      %div3A_1892 = arith.constant 1.000000e+00 : f32
      %div3A_1893 = vector.broadcast %div3A_1892 : f32 to vector<16xf32>
      %div3A_1894 = arith.divf %div3A_1893, %add3A_1891 : vector<16xf32>
      %swap3A_1895 = arith.constant 24 : i32
      %swap3A_1896 = arith.index_cast %scan3A_771 : i32 to index
      %swap3A_1897 = arith.index_cast %swap3A_1895 : i32 to index
      %swap3A_1898 = arith.constant 0 : index
      %swap3A_1899 = tpu.vector_load %arg6[%swap3A_1896, %swap3A_1897, %swap3A_1898] {strides = array<i32>} : memref<16x28x28xf32, #tpu.memory_space<vmem>>, vector<1x1x16xf32>,
      %swap3A_1900 = vector.shape_cast %swap3A_1899 : vector<1x1x16xf32> to vector<16xf32>
      %swap3A_1901 = vector.shape_cast %div3A_1894 : vector<16xf32> to vector<1x1x16xf32>
      tpu.vector_store %arg6[%swap3A_1896, %swap3A_1897, %swap3A_1898], %swap3A_1901 {strides = array<i32>} : memref<16x28x28xf32, #tpu.memory_space<vmem>>, vector<1x1x16xf32>,
      %neg3A_1902 = arith.constant 0.000000e+00 : f32
      %neg3A_1903 = vector.broadcast %neg3A_1902 : f32 to vector<16xf32>
      %neg3A_1904 = arith.subf %neg3A_1903, %get3A_1884 : vector<16xf32>
      %exp3A_1905 = math.exp %neg3A_1904 : vector<16xf32>
      %add3A_1906 = arith.constant 1.000000e+00 : f32
      %add3A_1907 = vector.broadcast %add3A_1906 : f32 to vector<16xf32>
      %add3A_1908 = arith.addf %add3A_1907, %exp3A_1905 : vector<16xf32>
      %div3A_1909 = arith.constant 1.000000e+00 : f32
      %div3A_1910 = vector.broadcast %div3A_1909 : f32 to vector<16xf32>
      %div3A_1911 = arith.divf %div3A_1910, %add3A_1908 : vector<16xf32>
      %swap3A_1912 = arith.constant 24 : i32
      %swap3A_1913 = arith.index_cast %scan3A_771 : i32 to index
      %swap3A_1914 = arith.index_cast %swap3A_1912 : i32 to index
      %swap3A_1915 = arith.constant 12 : index
      %swap3A_1916 = tpu.vector_load %arg6[%swap3A_1913, %swap3A_1914, %swap3A_1915] {strides = array<i32>} : memref<16x28x28xf32, #tpu.memory_space<vmem>>, vector<1x1x16xf32>,
      %swap3A_1917 = vector.shape_cast %swap3A_1916 : vector<1x1x16xf32> to vector<16xf32>
      %swap3A_1918 = vector.shape_cast %div3A_1911 : vector<16xf32> to vector<1x1x16xf32>
      tpu.vector_store %arg6[%swap3A_1913, %swap3A_1914, %swap3A_1915], %swap3A_1918 {strides = array<i32>} : memref<16x28x28xf32, #tpu.memory_space<vmem>>, vector<1x1x16xf32>,
      %get3A_1919 = arith.constant 25 : i32
      %get3A_1920 = arith.index_cast %scan3A_771 : i32 to index
      %get3A_1921 = arith.index_cast %get3A_1919 : i32 to index
      %get3A_1922 = arith.constant 0 : index
      %get3A_1923 = tpu.vector_load %arg6[%get3A_1920, %get3A_1921, %get3A_1922] {strides = array<i32>} : memref<16x28x28xf32, #tpu.memory_space<vmem>>, vector<1x1x16xf32>,
      %get3A_1924 = vector.shape_cast %get3A_1923 : vector<1x1x16xf32> to vector<16xf32>
      %get3A_1925 = arith.constant 25 : i32
      %get3A_1926 = arith.index_cast %scan3A_771 : i32 to index
      %get3A_1927 = arith.index_cast %get3A_1925 : i32 to index
      %get3A_1928 = arith.constant 12 : index
      %get3A_1929 = tpu.vector_load %arg6[%get3A_1926, %get3A_1927, %get3A_1928] {strides = array<i32>} : memref<16x28x28xf32, #tpu.memory_space<vmem>>, vector<1x1x16xf32>,
      %get3A_1930 = vector.shape_cast %get3A_1929 : vector<1x1x16xf32> to vector<16xf32>
      %neg3A_1931 = arith.constant 0.000000e+00 : f32
      %neg3A_1932 = vector.broadcast %neg3A_1931 : f32 to vector<16xf32>
      %neg3A_1933 = arith.subf %neg3A_1932, %get3A_1924 : vector<16xf32>
      %exp3A_1934 = math.exp %neg3A_1933 : vector<16xf32>
      %add3A_1935 = arith.constant 1.000000e+00 : f32
      %add3A_1936 = vector.broadcast %add3A_1935 : f32 to vector<16xf32>
      %add3A_1937 = arith.addf %add3A_1936, %exp3A_1934 : vector<16xf32>
      %div3A_1938 = arith.constant 1.000000e+00 : f32
      %div3A_1939 = vector.broadcast %div3A_1938 : f32 to vector<16xf32>
      %div3A_1940 = arith.divf %div3A_1939, %add3A_1937 : vector<16xf32>
      %swap3A_1941 = arith.constant 25 : i32
      %swap3A_1942 = arith.index_cast %scan3A_771 : i32 to index
      %swap3A_1943 = arith.index_cast %swap3A_1941 : i32 to index
      %swap3A_1944 = arith.constant 0 : index
      %swap3A_1945 = tpu.vector_load %arg6[%swap3A_1942, %swap3A_1943, %swap3A_1944] {strides = array<i32>} : memref<16x28x28xf32, #tpu.memory_space<vmem>>, vector<1x1x16xf32>,
      %swap3A_1946 = vector.shape_cast %swap3A_1945 : vector<1x1x16xf32> to vector<16xf32>
      %swap3A_1947 = vector.shape_cast %div3A_1940 : vector<16xf32> to vector<1x1x16xf32>
      tpu.vector_store %arg6[%swap3A_1942, %swap3A_1943, %swap3A_1944], %swap3A_1947 {strides = array<i32>} : memref<16x28x28xf32, #tpu.memory_space<vmem>>, vector<1x1x16xf32>,
      %neg3A_1948 = arith.constant 0.000000e+00 : f32
      %neg3A_1949 = vector.broadcast %neg3A_1948 : f32 to vector<16xf32>
      %neg3A_1950 = arith.subf %neg3A_1949, %get3A_1930 : vector<16xf32>
      %exp3A_1951 = math.exp %neg3A_1950 : vector<16xf32>
      %add3A_1952 = arith.constant 1.000000e+00 : f32
      %add3A_1953 = vector.broadcast %add3A_1952 : f32 to vector<16xf32>
      %add3A_1954 = arith.addf %add3A_1953, %exp3A_1951 : vector<16xf32>
      %div3A_1955 = arith.constant 1.000000e+00 : f32
      %div3A_1956 = vector.broadcast %div3A_1955 : f32 to vector<16xf32>
      %div3A_1957 = arith.divf %div3A_1956, %add3A_1954 : vector<16xf32>
      %swap3A_1958 = arith.constant 25 : i32
      %swap3A_1959 = arith.index_cast %scan3A_771 : i32 to index
      %swap3A_1960 = arith.index_cast %swap3A_1958 : i32 to index
      %swap3A_1961 = arith.constant 12 : index
      %swap3A_1962 = tpu.vector_load %arg6[%swap3A_1959, %swap3A_1960, %swap3A_1961] {strides = array<i32>} : memref<16x28x28xf32, #tpu.memory_space<vmem>>, vector<1x1x16xf32>,
      %swap3A_1963 = vector.shape_cast %swap3A_1962 : vector<1x1x16xf32> to vector<16xf32>
      %swap3A_1964 = vector.shape_cast %div3A_1957 : vector<16xf32> to vector<1x1x16xf32>
      tpu.vector_store %arg6[%swap3A_1959, %swap3A_1960, %swap3A_1961], %swap3A_1964 {strides = array<i32>} : memref<16x28x28xf32, #tpu.memory_space<vmem>>, vector<1x1x16xf32>,
      %get3A_1965 = arith.constant 26 : i32
      %get3A_1966 = arith.index_cast %scan3A_771 : i32 to index
      %get3A_1967 = arith.index_cast %get3A_1965 : i32 to index
      %get3A_1968 = arith.constant 0 : index
      %get3A_1969 = tpu.vector_load %arg6[%get3A_1966, %get3A_1967, %get3A_1968] {strides = array<i32>} : memref<16x28x28xf32, #tpu.memory_space<vmem>>, vector<1x1x16xf32>,
      %get3A_1970 = vector.shape_cast %get3A_1969 : vector<1x1x16xf32> to vector<16xf32>
      %get3A_1971 = arith.constant 26 : i32
      %get3A_1972 = arith.index_cast %scan3A_771 : i32 to index
      %get3A_1973 = arith.index_cast %get3A_1971 : i32 to index
      %get3A_1974 = arith.constant 12 : index
      %get3A_1975 = tpu.vector_load %arg6[%get3A_1972, %get3A_1973, %get3A_1974] {strides = array<i32>} : memref<16x28x28xf32, #tpu.memory_space<vmem>>, vector<1x1x16xf32>,
      %get3A_1976 = vector.shape_cast %get3A_1975 : vector<1x1x16xf32> to vector<16xf32>
      %neg3A_1977 = arith.constant 0.000000e+00 : f32
      %neg3A_1978 = vector.broadcast %neg3A_1977 : f32 to vector<16xf32>
      %neg3A_1979 = arith.subf %neg3A_1978, %get3A_1970 : vector<16xf32>
      %exp3A_1980 = math.exp %neg3A_1979 : vector<16xf32>
      %add3A_1981 = arith.constant 1.000000e+00 : f32
      %add3A_1982 = vector.broadcast %add3A_1981 : f32 to vector<16xf32>
      %add3A_1983 = arith.addf %add3A_1982, %exp3A_1980 : vector<16xf32>
      %div3A_1984 = arith.constant 1.000000e+00 : f32
      %div3A_1985 = vector.broadcast %div3A_1984 : f32 to vector<16xf32>
      %div3A_1986 = arith.divf %div3A_1985, %add3A_1983 : vector<16xf32>
      %swap3A_1987 = arith.constant 26 : i32
      %swap3A_1988 = arith.index_cast %scan3A_771 : i32 to index
      %swap3A_1989 = arith.index_cast %swap3A_1987 : i32 to index
      %swap3A_1990 = arith.constant 0 : index
      %swap3A_1991 = tpu.vector_load %arg6[%swap3A_1988, %swap3A_1989, %swap3A_1990] {strides = array<i32>} : memref<16x28x28xf32, #tpu.memory_space<vmem>>, vector<1x1x16xf32>,
      %swap3A_1992 = vector.shape_cast %swap3A_1991 : vector<1x1x16xf32> to vector<16xf32>
      %swap3A_1993 = vector.shape_cast %div3A_1986 : vector<16xf32> to vector<1x1x16xf32>
      tpu.vector_store %arg6[%swap3A_1988, %swap3A_1989, %swap3A_1990], %swap3A_1993 {strides = array<i32>} : memref<16x28x28xf32, #tpu.memory_space<vmem>>, vector<1x1x16xf32>,
      %neg3A_1994 = arith.constant 0.000000e+00 : f32
      %neg3A_1995 = vector.broadcast %neg3A_1994 : f32 to vector<16xf32>
      %neg3A_1996 = arith.subf %neg3A_1995, %get3A_1976 : vector<16xf32>
      %exp3A_1997 = math.exp %neg3A_1996 : vector<16xf32>
      %add3A_1998 = arith.constant 1.000000e+00 : f32
      %add3A_1999 = vector.broadcast %add3A_1998 : f32 to vector<16xf32>
      %add3A_2000 = arith.addf %add3A_1999, %exp3A_1997 : vector<16xf32>
      %div3A_2001 = arith.constant 1.000000e+00 : f32
      %div3A_2002 = vector.broadcast %div3A_2001 : f32 to vector<16xf32>
      %div3A_2003 = arith.divf %div3A_2002, %add3A_2000 : vector<16xf32>
      %swap3A_2004 = arith.constant 26 : i32
      %swap3A_2005 = arith.index_cast %scan3A_771 : i32 to index
      %swap3A_2006 = arith.index_cast %swap3A_2004 : i32 to index
      %swap3A_2007 = arith.constant 12 : index
      %swap3A_2008 = tpu.vector_load %arg6[%swap3A_2005, %swap3A_2006, %swap3A_2007] {strides = array<i32>} : memref<16x28x28xf32, #tpu.memory_space<vmem>>, vector<1x1x16xf32>,
      %swap3A_2009 = vector.shape_cast %swap3A_2008 : vector<1x1x16xf32> to vector<16xf32>
      %swap3A_2010 = vector.shape_cast %div3A_2003 : vector<16xf32> to vector<1x1x16xf32>
      tpu.vector_store %arg6[%swap3A_2005, %swap3A_2006, %swap3A_2007], %swap3A_2010 {strides = array<i32>} : memref<16x28x28xf32, #tpu.memory_space<vmem>>, vector<1x1x16xf32>,
      %get3A_2011 = arith.constant 27 : i32
      %get3A_2012 = arith.index_cast %scan3A_771 : i32 to index
      %get3A_2013 = arith.index_cast %get3A_2011 : i32 to index
      %get3A_2014 = arith.constant 0 : index
      %get3A_2015 = tpu.vector_load %arg6[%get3A_2012, %get3A_2013, %get3A_2014] {strides = array<i32>} : memref<16x28x28xf32, #tpu.memory_space<vmem>>, vector<1x1x16xf32>,
      %get3A_2016 = vector.shape_cast %get3A_2015 : vector<1x1x16xf32> to vector<16xf32>
      %get3A_2017 = arith.constant 27 : i32
      %get3A_2018 = arith.index_cast %scan3A_771 : i32 to index
      %get3A_2019 = arith.index_cast %get3A_2017 : i32 to index
      %get3A_2020 = arith.constant 12 : index
      %get3A_2021 = tpu.vector_load %arg6[%get3A_2018, %get3A_2019, %get3A_2020] {strides = array<i32>} : memref<16x28x28xf32, #tpu.memory_space<vmem>>, vector<1x1x16xf32>,
      %get3A_2022 = vector.shape_cast %get3A_2021 : vector<1x1x16xf32> to vector<16xf32>
      %neg3A_2023 = arith.constant 0.000000e+00 : f32
      %neg3A_2024 = vector.broadcast %neg3A_2023 : f32 to vector<16xf32>
      %neg3A_2025 = arith.subf %neg3A_2024, %get3A_2016 : vector<16xf32>
      %exp3A_2026 = math.exp %neg3A_2025 : vector<16xf32>
      %add3A_2027 = arith.constant 1.000000e+00 : f32
      %add3A_2028 = vector.broadcast %add3A_2027 : f32 to vector<16xf32>
      %add3A_2029 = arith.addf %add3A_2028, %exp3A_2026 : vector<16xf32>
      %div3A_2030 = arith.constant 1.000000e+00 : f32
      %div3A_2031 = vector.broadcast %div3A_2030 : f32 to vector<16xf32>
      %div3A_2032 = arith.divf %div3A_2031, %add3A_2029 : vector<16xf32>
      %swap3A_2033 = arith.constant 27 : i32
      %swap3A_2034 = arith.index_cast %scan3A_771 : i32 to index
      %swap3A_2035 = arith.index_cast %swap3A_2033 : i32 to index
      %swap3A_2036 = arith.constant 0 : index
      %swap3A_2037 = tpu.vector_load %arg6[%swap3A_2034, %swap3A_2035, %swap3A_2036] {strides = array<i32>} : memref<16x28x28xf32, #tpu.memory_space<vmem>>, vector<1x1x16xf32>,
      %swap3A_2038 = vector.shape_cast %swap3A_2037 : vector<1x1x16xf32> to vector<16xf32>
      %swap3A_2039 = vector.shape_cast %div3A_2032 : vector<16xf32> to vector<1x1x16xf32>
      tpu.vector_store %arg6[%swap3A_2034, %swap3A_2035, %swap3A_2036], %swap3A_2039 {strides = array<i32>} : memref<16x28x28xf32, #tpu.memory_space<vmem>>, vector<1x1x16xf32>,
      %neg3A_2040 = arith.constant 0.000000e+00 : f32
      %neg3A_2041 = vector.broadcast %neg3A_2040 : f32 to vector<16xf32>
      %neg3A_2042 = arith.subf %neg3A_2041, %get3A_2022 : vector<16xf32>
      %exp3A_2043 = math.exp %neg3A_2042 : vector<16xf32>
      %add3A_2044 = arith.constant 1.000000e+00 : f32
      %add3A_2045 = vector.broadcast %add3A_2044 : f32 to vector<16xf32>
      %add3A_2046 = arith.addf %add3A_2045, %exp3A_2043 : vector<16xf32>
      %div3A_2047 = arith.constant 1.000000e+00 : f32
      %div3A_2048 = vector.broadcast %div3A_2047 : f32 to vector<16xf32>
      %div3A_2049 = arith.divf %div3A_2048, %add3A_2046 : vector<16xf32>
      %swap3A_2050 = arith.constant 27 : i32
      %swap3A_2051 = arith.index_cast %scan3A_771 : i32 to index
      %swap3A_2052 = arith.index_cast %swap3A_2050 : i32 to index
      %swap3A_2053 = arith.constant 12 : index
      %swap3A_2054 = tpu.vector_load %arg6[%swap3A_2051, %swap3A_2052, %swap3A_2053] {strides = array<i32>} : memref<16x28x28xf32, #tpu.memory_space<vmem>>, vector<1x1x16xf32>,
      %swap3A_2055 = vector.shape_cast %swap3A_2054 : vector<1x1x16xf32> to vector<16xf32>
      %swap3A_2056 = vector.shape_cast %div3A_2049 : vector<16xf32> to vector<1x1x16xf32>
      tpu.vector_store %arg6[%swap3A_2051, %swap3A_2052, %swap3A_2053], %swap3A_2056 {strides = array<i32>} : memref<16x28x28xf32, #tpu.memory_space<vmem>>, vector<1x1x16xf32>,
      %scan3A_2057 = arith.constant 0 : i32
      scf.yield %scan3A_2057 : i32
    }
    %scan3A_381 = arith.constant 16 : i32
    %add3A_382 = arith.constant 0 : i32
    %add3A_383 = arith.addi %mul3A_2, %add3A_382 : i32
    "tpu.region"() ({
      %run_scoped3A = tpu.sem_alloc : memref<!tpu.dma_semaphore, #tpu.memory_space<semaphore_mem>>
      %dma_start3A_771 = arith.constant 0 : i32
      %dma_start3A_772 = arith.constant 0 : i32
      %dma_start3A_773 = tpu.memref_slice %arg4[%add3A_383, %dma_start3A_771, %dma_start3A_772] : memref<1024x28x28xf32, #tpu.memory_space<hbm>> -> memref<16x28x28xf32, #tpu.memory_space<hbm>>
      %dma_start3A_774 = arith.constant 0 : i32
      %dma_start3A_775 = arith.constant 0 : i32
      %dma_start3A_776 = tpu.memref_slice %arg4[%add3A_383, %dma_start3A_774, %dma_start3A_775] : memref<1024x28x28xf32, #tpu.memory_space<hbm>> -> memref<16x28x28xf32, #tpu.memory_space<hbm>>
      tpu.enqueue_dma source(%arg6 : memref<16x28x28xf32, #tpu.memory_space<vmem>>) target(%dma_start3A_776 : memref<16x28x28xf32, #tpu.memory_space<hbm>>) target_semaphore(%run_scoped3A : memref<!tpu.dma_semaphore, #tpu.memory_space<semaphore_mem>>)
      %dma_wait3A = arith.constant 0 : i32
      %dma_wait3A_777 = arith.constant 0 : i32
      %dma_wait3A_778 = tpu.memref_slice %arg4[%add3A_383, %dma_wait3A, %dma_wait3A_777] : memref<1024x28x28xf32, #tpu.memory_space<hbm>> -> memref<16x28x28xf32, #tpu.memory_space<hbm>>
      %dma_wait3A_779 = arith.constant 0 : i32
      %dma_wait3A_780 = arith.constant 0 : i32
      %dma_wait3A_781 = tpu.memref_slice %arg4[%add3A_383, %dma_wait3A_779, %dma_wait3A_780] : memref<1024x28x28xf32, #tpu.memory_space<hbm>> -> memref<16x28x28xf32, #tpu.memory_space<hbm>>
      tpu.wait_dma2 semaphore(%run_scoped3A : memref<!tpu.dma_semaphore, #tpu.memory_space<semaphore_mem>>) src(%arg6 : memref<16x28x28xf32, #tpu.memory_space<vmem>>) dst(%dma_wait3A_781 : memref<16x28x28xf32, #tpu.memory_space<hbm>>)
      tpu.yield
    }) : () -> ()
    %get3A_384 = arith.constant 16 : index
    %get3A_385 = tpu.vector_load %arg5[%get3A_384] {strides = array<i32>} : memref<32xi32, #tpu.memory_space<vmem>>, vector<16xi32>,
    %get3A_386 = vector.shape_cast %get3A_385 : vector<16xi32> to vector<16xi32>
    %add3A_387 = arith.constant 16 : i32
    %add3A_388 = arith.addi %mul3A_2, %add3A_387 : i32
    %min3A_389 = arith.constant 999 : i32
    %min3A_390 = arith.minsi %add3A_388, %min3A_389 : i32
    %slice3A_391 = vector.extract_strided_slice %get3A_386 {offsets = [0], sizes = [1], strides = [1]} : vector<16xi32> to vector<1xi32>
    %squeeze3A_392 = vector.extract %slice3A_391[0] : i32 from vector<1xi32>
    %dma_start3A_393 = arith.constant 0 : i32
    %dma_start3A_394 = arith.constant 0 : i32
    %dma_start3A_395 = arith.constant 0 : i32
    %dma_start3A_396 = tpu.memref_slice %arg6[%dma_start3A_393, %dma_start3A_394, %dma_start3A_395] : memref<16x28x28xf32, #tpu.memory_space<vmem>> -> memref<1x28x28xf32, #tpu.memory_space<vmem>>
    %dma_start3A_397 = tpu.memref_squeeze %dma_start3A_396 : memref<1x28x28xf32, #tpu.memory_space<vmem>> -> memref<28x28xf32, #tpu.memory_space<vmem>>
    %dma_start3A_398 = arith.constant 0 : i32
    %dma_start3A_399 = arith.constant 0 : i32
    %dma_start3A_400 = tpu.memref_slice %arg2[%min3A_390, %squeeze3A_392, %dma_start3A_398, %dma_start3A_399] : memref<1000x81x28x28xf32, #tpu.memory_space<hbm>> -> memref<1x1x28x28xf32, #tpu.memory_space<hbm>>
    %dma_start3A_401 = tpu.memref_squeeze %dma_start3A_400 : memref<1x1x28x28xf32, #tpu.memory_space<hbm>> -> memref<28x28xf32, #tpu.memory_space<hbm>>
    %dma_start3A_402 = arith.constant 0 : i32
    %dma_start3A_403 = arith.constant 0 : i32
    %dma_start3A_404 = tpu.memref_slice %arg6[%dma_start3A_393, %dma_start3A_402, %dma_start3A_403] : memref<16x28x28xf32, #tpu.memory_space<vmem>> -> memref<1x28x28xf32, #tpu.memory_space<vmem>>
    %dma_start3A_405 = tpu.memref_squeeze %dma_start3A_404 : memref<1x28x28xf32, #tpu.memory_space<vmem>> -> memref<28x28xf32, #tpu.memory_space<vmem>>
    %dma_start3A_406 = arith.constant 0 : i32
    %dma_start3A_407 = arith.constant 0 : i32
    %dma_start3A_408 = tpu.memref_slice %arg2[%min3A_390, %squeeze3A_392, %dma_start3A_406, %dma_start3A_407] : memref<1000x81x28x28xf32, #tpu.memory_space<hbm>> -> memref<1x1x28x28xf32, #tpu.memory_space<hbm>>
    %dma_start3A_409 = tpu.memref_squeeze %dma_start3A_408 : memref<1x1x28x28xf32, #tpu.memory_space<hbm>> -> memref<28x28xf32, #tpu.memory_space<hbm>>
    tpu.enqueue_dma source(%dma_start3A_409 : memref<28x28xf32, #tpu.memory_space<hbm>>) target(%dma_start3A_405 : memref<28x28xf32, #tpu.memory_space<vmem>>) target_semaphore(%arg7 : memref<!tpu.dma_semaphore, #tpu.memory_space<semaphore_mem>>)
    %add3A_410 = arith.constant 17 : i32
    %add3A_411 = arith.addi %mul3A_2, %add3A_410 : i32
    %min3A_412 = arith.constant 999 : i32
    %min3A_413 = arith.minsi %add3A_411, %min3A_412 : i32
    %slice3A_414 = vector.extract_strided_slice %get3A_386 {offsets = [1], sizes = [1], strides = [1]} : vector<16xi32> to vector<1xi32>
    %squeeze3A_415 = vector.extract %slice3A_414[0] : i32 from vector<1xi32>
    %dma_start3A_416 = arith.constant 1 : i32
    %dma_start3A_417 = arith.constant 0 : i32
    %dma_start3A_418 = arith.constant 0 : i32
    %dma_start3A_419 = tpu.memref_slice %arg6[%dma_start3A_416, %dma_start3A_417, %dma_start3A_418] : memref<16x28x28xf32, #tpu.memory_space<vmem>> -> memref<1x28x28xf32, #tpu.memory_space<vmem>>
    %dma_start3A_420 = tpu.memref_squeeze %dma_start3A_419 : memref<1x28x28xf32, #tpu.memory_space<vmem>> -> memref<28x28xf32, #tpu.memory_space<vmem>>
    %dma_start3A_421 = arith.constant 0 : i32
    %dma_start3A_422 = arith.constant 0 : i32
    %dma_start3A_423 = tpu.memref_slice %arg2[%min3A_413, %squeeze3A_415, %dma_start3A_421, %dma_start3A_422] : memref<1000x81x28x28xf32, #tpu.memory_space<hbm>> -> memref<1x1x28x28xf32, #tpu.memory_space<hbm>>
    %dma_start3A_424 = tpu.memref_squeeze %dma_start3A_423 : memref<1x1x28x28xf32, #tpu.memory_space<hbm>> -> memref<28x28xf32, #tpu.memory_space<hbm>>
    %dma_start3A_425 = arith.constant 0 : i32
    %dma_start3A_426 = arith.constant 0 : i32
    %dma_start3A_427 = tpu.memref_slice %arg6[%dma_start3A_416, %dma_start3A_425, %dma_start3A_426] : memref<16x28x28xf32, #tpu.memory_space<vmem>> -> memref<1x28x28xf32, #tpu.memory_space<vmem>>
    %dma_start3A_428 = tpu.memref_squeeze %dma_start3A_427 : memref<1x28x28xf32, #tpu.memory_space<vmem>> -> memref<28x28xf32, #tpu.memory_space<vmem>>
    %dma_start3A_429 = arith.constant 0 : i32
    %dma_start3A_430 = arith.constant 0 : i32
    %dma_start3A_431 = tpu.memref_slice %arg2[%min3A_413, %squeeze3A_415, %dma_start3A_429, %dma_start3A_430] : memref<1000x81x28x28xf32, #tpu.memory_space<hbm>> -> memref<1x1x28x28xf32, #tpu.memory_space<hbm>>
    %dma_start3A_432 = tpu.memref_squeeze %dma_start3A_431 : memref<1x1x28x28xf32, #tpu.memory_space<hbm>> -> memref<28x28xf32, #tpu.memory_space<hbm>>
    tpu.enqueue_dma source(%dma_start3A_432 : memref<28x28xf32, #tpu.memory_space<hbm>>) target(%dma_start3A_428 : memref<28x28xf32, #tpu.memory_space<vmem>>) target_semaphore(%arg7 : memref<!tpu.dma_semaphore, #tpu.memory_space<semaphore_mem>>)
    %add3A_433 = arith.constant 18 : i32
    %add3A_434 = arith.addi %mul3A_2, %add3A_433 : i32
    %min3A_435 = arith.constant 999 : i32
    %min3A_436 = arith.minsi %add3A_434, %min3A_435 : i32
    %slice3A_437 = vector.extract_strided_slice %get3A_386 {offsets = [2], sizes = [1], strides = [1]} : vector<16xi32> to vector<1xi32>
    %squeeze3A_438 = vector.extract %slice3A_437[0] : i32 from vector<1xi32>
    %dma_start3A_439 = arith.constant 2 : i32
    %dma_start3A_440 = arith.constant 0 : i32
    %dma_start3A_441 = arith.constant 0 : i32
    %dma_start3A_442 = tpu.memref_slice %arg6[%dma_start3A_439, %dma_start3A_440, %dma_start3A_441] : memref<16x28x28xf32, #tpu.memory_space<vmem>> -> memref<1x28x28xf32, #tpu.memory_space<vmem>>
    %dma_start3A_443 = tpu.memref_squeeze %dma_start3A_442 : memref<1x28x28xf32, #tpu.memory_space<vmem>> -> memref<28x28xf32, #tpu.memory_space<vmem>>
    %dma_start3A_444 = arith.constant 0 : i32
    %dma_start3A_445 = arith.constant 0 : i32
    %dma_start3A_446 = tpu.memref_slice %arg2[%min3A_436, %squeeze3A_438, %dma_start3A_444, %dma_start3A_445] : memref<1000x81x28x28xf32, #tpu.memory_space<hbm>> -> memref<1x1x28x28xf32, #tpu.memory_space<hbm>>
    %dma_start3A_447 = tpu.memref_squeeze %dma_start3A_446 : memref<1x1x28x28xf32, #tpu.memory_space<hbm>> -> memref<28x28xf32, #tpu.memory_space<hbm>>
    %dma_start3A_448 = arith.constant 0 : i32
    %dma_start3A_449 = arith.constant 0 : i32
    %dma_start3A_450 = tpu.memref_slice %arg6[%dma_start3A_439, %dma_start3A_448, %dma_start3A_449] : memref<16x28x28xf32, #tpu.memory_space<vmem>> -> memref<1x28x28xf32, #tpu.memory_space<vmem>>
    %dma_start3A_451 = tpu.memref_squeeze %dma_start3A_450 : memref<1x28x28xf32, #tpu.memory_space<vmem>> -> memref<28x28xf32, #tpu.memory_space<vmem>>
    %dma_start3A_452 = arith.constant 0 : i32
    %dma_start3A_453 = arith.constant 0 : i32
    %dma_start3A_454 = tpu.memref_slice %arg2[%min3A_436, %squeeze3A_438, %dma_start3A_452, %dma_start3A_453] : memref<1000x81x28x28xf32, #tpu.memory_space<hbm>> -> memref<1x1x28x28xf32, #tpu.memory_space<hbm>>
    %dma_start3A_455 = tpu.memref_squeeze %dma_start3A_454 : memref<1x1x28x28xf32, #tpu.memory_space<hbm>> -> memref<28x28xf32, #tpu.memory_space<hbm>>
    tpu.enqueue_dma source(%dma_start3A_455 : memref<28x28xf32, #tpu.memory_space<hbm>>) target(%dma_start3A_451 : memref<28x28xf32, #tpu.memory_space<vmem>>) target_semaphore(%arg7 : memref<!tpu.dma_semaphore, #tpu.memory_space<semaphore_mem>>)
    %add3A_456 = arith.constant 19 : i32
    %add3A_457 = arith.addi %mul3A_2, %add3A_456 : i32
    %min3A_458 = arith.constant 999 : i32
    %min3A_459 = arith.minsi %add3A_457, %min3A_458 : i32
    %slice3A_460 = vector.extract_strided_slice %get3A_386 {offsets = [3], sizes = [1], strides = [1]} : vector<16xi32> to vector<1xi32>
    %squeeze3A_461 = vector.extract %slice3A_460[0] : i32 from vector<1xi32>
    %dma_start3A_462 = arith.constant 3 : i32
    %dma_start3A_463 = arith.constant 0 : i32
    %dma_start3A_464 = arith.constant 0 : i32
    %dma_start3A_465 = tpu.memref_slice %arg6[%dma_start3A_462, %dma_start3A_463, %dma_start3A_464] : memref<16x28x28xf32, #tpu.memory_space<vmem>> -> memref<1x28x28xf32, #tpu.memory_space<vmem>>
    %dma_start3A_466 = tpu.memref_squeeze %dma_start3A_465 : memref<1x28x28xf32, #tpu.memory_space<vmem>> -> memref<28x28xf32, #tpu.memory_space<vmem>>
    %dma_start3A_467 = arith.constant 0 : i32
    %dma_start3A_468 = arith.constant 0 : i32
    %dma_start3A_469 = tpu.memref_slice %arg2[%min3A_459, %squeeze3A_461, %dma_start3A_467, %dma_start3A_468] : memref<1000x81x28x28xf32, #tpu.memory_space<hbm>> -> memref<1x1x28x28xf32, #tpu.memory_space<hbm>>
    %dma_start3A_470 = tpu.memref_squeeze %dma_start3A_469 : memref<1x1x28x28xf32, #tpu.memory_space<hbm>> -> memref<28x28xf32, #tpu.memory_space<hbm>>
    %dma_start3A_471 = arith.constant 0 : i32
    %dma_start3A_472 = arith.constant 0 : i32
    %dma_start3A_473 = tpu.memref_slice %arg6[%dma_start3A_462, %dma_start3A_471, %dma_start3A_472] : memref<16x28x28xf32, #tpu.memory_space<vmem>> -> memref<1x28x28xf32, #tpu.memory_space<vmem>>
    %dma_start3A_474 = tpu.memref_squeeze %dma_start3A_473 : memref<1x28x28xf32, #tpu.memory_space<vmem>> -> memref<28x28xf32, #tpu.memory_space<vmem>>
    %dma_start3A_475 = arith.constant 0 : i32
    %dma_start3A_476 = arith.constant 0 : i32
    %dma_start3A_477 = tpu.memref_slice %arg2[%min3A_459, %squeeze3A_461, %dma_start3A_475, %dma_start3A_476] : memref<1000x81x28x28xf32, #tpu.memory_space<hbm>> -> memref<1x1x28x28xf32, #tpu.memory_space<hbm>>
    %dma_start3A_478 = tpu.memref_squeeze %dma_start3A_477 : memref<1x1x28x28xf32, #tpu.memory_space<hbm>> -> memref<28x28xf32, #tpu.memory_space<hbm>>
    tpu.enqueue_dma source(%dma_start3A_478 : memref<28x28xf32, #tpu.memory_space<hbm>>) target(%dma_start3A_474 : memref<28x28xf32, #tpu.memory_space<vmem>>) target_semaphore(%arg7 : memref<!tpu.dma_semaphore, #tpu.memory_space<semaphore_mem>>)
    %add3A_479 = arith.constant 20 : i32
    %add3A_480 = arith.addi %mul3A_2, %add3A_479 : i32
    %min3A_481 = arith.constant 999 : i32
    %min3A_482 = arith.minsi %add3A_480, %min3A_481 : i32
    %slice3A_483 = vector.extract_strided_slice %get3A_386 {offsets = [4], sizes = [1], strides = [1]} : vector<16xi32> to vector<1xi32>
    %squeeze3A_484 = vector.extract %slice3A_483[0] : i32 from vector<1xi32>
    %dma_start3A_485 = arith.constant 4 : i32
    %dma_start3A_486 = arith.constant 0 : i32
    %dma_start3A_487 = arith.constant 0 : i32
    %dma_start3A_488 = tpu.memref_slice %arg6[%dma_start3A_485, %dma_start3A_486, %dma_start3A_487] : memref<16x28x28xf32, #tpu.memory_space<vmem>> -> memref<1x28x28xf32, #tpu.memory_space<vmem>>
    %dma_start3A_489 = tpu.memref_squeeze %dma_start3A_488 : memref<1x28x28xf32, #tpu.memory_space<vmem>> -> memref<28x28xf32, #tpu.memory_space<vmem>>
    %dma_start3A_490 = arith.constant 0 : i32
    %dma_start3A_491 = arith.constant 0 : i32
    %dma_start3A_492 = tpu.memref_slice %arg2[%min3A_482, %squeeze3A_484, %dma_start3A_490, %dma_start3A_491] : memref<1000x81x28x28xf32, #tpu.memory_space<hbm>> -> memref<1x1x28x28xf32, #tpu.memory_space<hbm>>
    %dma_start3A_493 = tpu.memref_squeeze %dma_start3A_492 : memref<1x1x28x28xf32, #tpu.memory_space<hbm>> -> memref<28x28xf32, #tpu.memory_space<hbm>>
    %dma_start3A_494 = arith.constant 0 : i32
    %dma_start3A_495 = arith.constant 0 : i32
    %dma_start3A_496 = tpu.memref_slice %arg6[%dma_start3A_485, %dma_start3A_494, %dma_start3A_495] : memref<16x28x28xf32, #tpu.memory_space<vmem>> -> memref<1x28x28xf32, #tpu.memory_space<vmem>>
    %dma_start3A_497 = tpu.memref_squeeze %dma_start3A_496 : memref<1x28x28xf32, #tpu.memory_space<vmem>> -> memref<28x28xf32, #tpu.memory_space<vmem>>
    %dma_start3A_498 = arith.constant 0 : i32
    %dma_start3A_499 = arith.constant 0 : i32
    %dma_start3A_500 = tpu.memref_slice %arg2[%min3A_482, %squeeze3A_484, %dma_start3A_498, %dma_start3A_499] : memref<1000x81x28x28xf32, #tpu.memory_space<hbm>> -> memref<1x1x28x28xf32, #tpu.memory_space<hbm>>
    %dma_start3A_501 = tpu.memref_squeeze %dma_start3A_500 : memref<1x1x28x28xf32, #tpu.memory_space<hbm>> -> memref<28x28xf32, #tpu.memory_space<hbm>>
    tpu.enqueue_dma source(%dma_start3A_501 : memref<28x28xf32, #tpu.memory_space<hbm>>) target(%dma_start3A_497 : memref<28x28xf32, #tpu.memory_space<vmem>>) target_semaphore(%arg7 : memref<!tpu.dma_semaphore, #tpu.memory_space<semaphore_mem>>)
    %add3A_502 = arith.constant 21 : i32
    %add3A_503 = arith.addi %mul3A_2, %add3A_502 : i32
    %min3A_504 = arith.constant 999 : i32
    %min3A_505 = arith.minsi %add3A_503, %min3A_504 : i32
    %slice3A_506 = vector.extract_strided_slice %get3A_386 {offsets = [5], sizes = [1], strides = [1]} : vector<16xi32> to vector<1xi32>
    %squeeze3A_507 = vector.extract %slice3A_506[0] : i32 from vector<1xi32>
    %dma_start3A_508 = arith.constant 5 : i32
    %dma_start3A_509 = arith.constant 0 : i32
    %dma_start3A_510 = arith.constant 0 : i32
    %dma_start3A_511 = tpu.memref_slice %arg6[%dma_start3A_508, %dma_start3A_509, %dma_start3A_510] : memref<16x28x28xf32, #tpu.memory_space<vmem>> -> memref<1x28x28xf32, #tpu.memory_space<vmem>>
    %dma_start3A_512 = tpu.memref_squeeze %dma_start3A_511 : memref<1x28x28xf32, #tpu.memory_space<vmem>> -> memref<28x28xf32, #tpu.memory_space<vmem>>
    %dma_start3A_513 = arith.constant 0 : i32
    %dma_start3A_514 = arith.constant 0 : i32
    %dma_start3A_515 = tpu.memref_slice %arg2[%min3A_505, %squeeze3A_507, %dma_start3A_513, %dma_start3A_514] : memref<1000x81x28x28xf32, #tpu.memory_space<hbm>> -> memref<1x1x28x28xf32, #tpu.memory_space<hbm>>
    %dma_start3A_516 = tpu.memref_squeeze %dma_start3A_515 : memref<1x1x28x28xf32, #tpu.memory_space<hbm>> -> memref<28x28xf32, #tpu.memory_space<hbm>>
    %dma_start3A_517 = arith.constant 0 : i32
    %dma_start3A_518 = arith.constant 0 : i32
    %dma_start3A_519 = tpu.memref_slice %arg6[%dma_start3A_508, %dma_start3A_517, %dma_start3A_518] : memref<16x28x28xf32, #tpu.memory_space<vmem>> -> memref<1x28x28xf32, #tpu.memory_space<vmem>>
    %dma_start3A_520 = tpu.memref_squeeze %dma_start3A_519 : memref<1x28x28xf32, #tpu.memory_space<vmem>> -> memref<28x28xf32, #tpu.memory_space<vmem>>
    %dma_start3A_521 = arith.constant 0 : i32
    %dma_start3A_522 = arith.constant 0 : i32
    %dma_start3A_523 = tpu.memref_slice %arg2[%min3A_505, %squeeze3A_507, %dma_start3A_521, %dma_start3A_522] : memref<1000x81x28x28xf32, #tpu.memory_space<hbm>> -> memref<1x1x28x28xf32, #tpu.memory_space<hbm>>
    %dma_start3A_524 = tpu.memref_squeeze %dma_start3A_523 : memref<1x1x28x28xf32, #tpu.memory_space<hbm>> -> memref<28x28xf32, #tpu.memory_space<hbm>>
    tpu.enqueue_dma source(%dma_start3A_524 : memref<28x28xf32, #tpu.memory_space<hbm>>) target(%dma_start3A_520 : memref<28x28xf32, #tpu.memory_space<vmem>>) target_semaphore(%arg7 : memref<!tpu.dma_semaphore, #tpu.memory_space<semaphore_mem>>)
    %add3A_525 = arith.constant 22 : i32
    %add3A_526 = arith.addi %mul3A_2, %add3A_525 : i32
    %min3A_527 = arith.constant 999 : i32
    %min3A_528 = arith.minsi %add3A_526, %min3A_527 : i32
    %slice3A_529 = vector.extract_strided_slice %get3A_386 {offsets = [6], sizes = [1], strides = [1]} : vector<16xi32> to vector<1xi32>
    %squeeze3A_530 = vector.extract %slice3A_529[0] : i32 from vector<1xi32>
    %dma_start3A_531 = arith.constant 6 : i32
    %dma_start3A_532 = arith.constant 0 : i32
    %dma_start3A_533 = arith.constant 0 : i32
    %dma_start3A_534 = tpu.memref_slice %arg6[%dma_start3A_531, %dma_start3A_532, %dma_start3A_533] : memref<16x28x28xf32, #tpu.memory_space<vmem>> -> memref<1x28x28xf32, #tpu.memory_space<vmem>>
    %dma_start3A_535 = tpu.memref_squeeze %dma_start3A_534 : memref<1x28x28xf32, #tpu.memory_space<vmem>> -> memref<28x28xf32, #tpu.memory_space<vmem>>
    %dma_start3A_536 = arith.constant 0 : i32
    %dma_start3A_537 = arith.constant 0 : i32
    %dma_start3A_538 = tpu.memref_slice %arg2[%min3A_528, %squeeze3A_530, %dma_start3A_536, %dma_start3A_537] : memref<1000x81x28x28xf32, #tpu.memory_space<hbm>> -> memref<1x1x28x28xf32, #tpu.memory_space<hbm>>
    %dma_start3A_539 = tpu.memref_squeeze %dma_start3A_538 : memref<1x1x28x28xf32, #tpu.memory_space<hbm>> -> memref<28x28xf32, #tpu.memory_space<hbm>>
    %dma_start3A_540 = arith.constant 0 : i32
    %dma_start3A_541 = arith.constant 0 : i32
    %dma_start3A_542 = tpu.memref_slice %arg6[%dma_start3A_531, %dma_start3A_540, %dma_start3A_541] : memref<16x28x28xf32, #tpu.memory_space<vmem>> -> memref<1x28x28xf32, #tpu.memory_space<vmem>>
    %dma_start3A_543 = tpu.memref_squeeze %dma_start3A_542 : memref<1x28x28xf32, #tpu.memory_space<vmem>> -> memref<28x28xf32, #tpu.memory_space<vmem>>
    %dma_start3A_544 = arith.constant 0 : i32
    %dma_start3A_545 = arith.constant 0 : i32
    %dma_start3A_546 = tpu.memref_slice %arg2[%min3A_528, %squeeze3A_530, %dma_start3A_544, %dma_start3A_545] : memref<1000x81x28x28xf32, #tpu.memory_space<hbm>> -> memref<1x1x28x28xf32, #tpu.memory_space<hbm>>
    %dma_start3A_547 = tpu.memref_squeeze %dma_start3A_546 : memref<1x1x28x28xf32, #tpu.memory_space<hbm>> -> memref<28x28xf32, #tpu.memory_space<hbm>>
    tpu.enqueue_dma source(%dma_start3A_547 : memref<28x28xf32, #tpu.memory_space<hbm>>) target(%dma_start3A_543 : memref<28x28xf32, #tpu.memory_space<vmem>>) target_semaphore(%arg7 : memref<!tpu.dma_semaphore, #tpu.memory_space<semaphore_mem>>)
    %add3A_548 = arith.constant 23 : i32
    %add3A_549 = arith.addi %mul3A_2, %add3A_548 : i32
    %min3A_550 = arith.constant 999 : i32
    %min3A_551 = arith.minsi %add3A_549, %min3A_550 : i32
    %slice3A_552 = vector.extract_strided_slice %get3A_386 {offsets = [7], sizes = [1], strides = [1]} : vector<16xi32> to vector<1xi32>
    %squeeze3A_553 = vector.extract %slice3A_552[0] : i32 from vector<1xi32>
    %dma_start3A_554 = arith.constant 7 : i32
    %dma_start3A_555 = arith.constant 0 : i32
    %dma_start3A_556 = arith.constant 0 : i32
    %dma_start3A_557 = tpu.memref_slice %arg6[%dma_start3A_554, %dma_start3A_555, %dma_start3A_556] : memref<16x28x28xf32, #tpu.memory_space<vmem>> -> memref<1x28x28xf32, #tpu.memory_space<vmem>>
    %dma_start3A_558 = tpu.memref_squeeze %dma_start3A_557 : memref<1x28x28xf32, #tpu.memory_space<vmem>> -> memref<28x28xf32, #tpu.memory_space<vmem>>
    %dma_start3A_559 = arith.constant 0 : i32
    %dma_start3A_560 = arith.constant 0 : i32
    %dma_start3A_561 = tpu.memref_slice %arg2[%min3A_551, %squeeze3A_553, %dma_start3A_559, %dma_start3A_560] : memref<1000x81x28x28xf32, #tpu.memory_space<hbm>> -> memref<1x1x28x28xf32, #tpu.memory_space<hbm>>
    %dma_start3A_562 = tpu.memref_squeeze %dma_start3A_561 : memref<1x1x28x28xf32, #tpu.memory_space<hbm>> -> memref<28x28xf32, #tpu.memory_space<hbm>>
    %dma_start3A_563 = arith.constant 0 : i32
    %dma_start3A_564 = arith.constant 0 : i32
    %dma_start3A_565 = tpu.memref_slice %arg6[%dma_start3A_554, %dma_start3A_563, %dma_start3A_564] : memref<16x28x28xf32, #tpu.memory_space<vmem>> -> memref<1x28x28xf32, #tpu.memory_space<vmem>>
    %dma_start3A_566 = tpu.memref_squeeze %dma_start3A_565 : memref<1x28x28xf32, #tpu.memory_space<vmem>> -> memref<28x28xf32, #tpu.memory_space<vmem>>
    %dma_start3A_567 = arith.constant 0 : i32
    %dma_start3A_568 = arith.constant 0 : i32
    %dma_start3A_569 = tpu.memref_slice %arg2[%min3A_551, %squeeze3A_553, %dma_start3A_567, %dma_start3A_568] : memref<1000x81x28x28xf32, #tpu.memory_space<hbm>> -> memref<1x1x28x28xf32, #tpu.memory_space<hbm>>
    %dma_start3A_570 = tpu.memref_squeeze %dma_start3A_569 : memref<1x1x28x28xf32, #tpu.memory_space<hbm>> -> memref<28x28xf32, #tpu.memory_space<hbm>>
    tpu.enqueue_dma source(%dma_start3A_570 : memref<28x28xf32, #tpu.memory_space<hbm>>) target(%dma_start3A_566 : memref<28x28xf32, #tpu.memory_space<vmem>>) target_semaphore(%arg7 : memref<!tpu.dma_semaphore, #tpu.memory_space<semaphore_mem>>)
    %add3A_571 = arith.constant 24 : i32
    %add3A_572 = arith.addi %mul3A_2, %add3A_571 : i32
    %min3A_573 = arith.constant 999 : i32
    %min3A_574 = arith.minsi %add3A_572, %min3A_573 : i32
    %slice3A_575 = vector.extract_strided_slice %get3A_386 {offsets = [8], sizes = [1], strides = [1]} : vector<16xi32> to vector<1xi32>
    %squeeze3A_576 = vector.extract %slice3A_575[0] : i32 from vector<1xi32>
    %dma_start3A_577 = arith.constant 8 : i32
    %dma_start3A_578 = arith.constant 0 : i32
    %dma_start3A_579 = arith.constant 0 : i32
    %dma_start3A_580 = tpu.memref_slice %arg6[%dma_start3A_577, %dma_start3A_578, %dma_start3A_579] : memref<16x28x28xf32, #tpu.memory_space<vmem>> -> memref<1x28x28xf32, #tpu.memory_space<vmem>>
    %dma_start3A_581 = tpu.memref_squeeze %dma_start3A_580 : memref<1x28x28xf32, #tpu.memory_space<vmem>> -> memref<28x28xf32, #tpu.memory_space<vmem>>
    %dma_start3A_582 = arith.constant 0 : i32
    %dma_start3A_583 = arith.constant 0 : i32
    %dma_start3A_584 = tpu.memref_slice %arg2[%min3A_574, %squeeze3A_576, %dma_start3A_582, %dma_start3A_583] : memref<1000x81x28x28xf32, #tpu.memory_space<hbm>> -> memref<1x1x28x28xf32, #tpu.memory_space<hbm>>
    %dma_start3A_585 = tpu.memref_squeeze %dma_start3A_584 : memref<1x1x28x28xf32, #tpu.memory_space<hbm>> -> memref<28x28xf32, #tpu.memory_space<hbm>>
    %dma_start3A_586 = arith.constant 0 : i32
    %dma_start3A_587 = arith.constant 0 : i32
    %dma_start3A_588 = tpu.memref_slice %arg6[%dma_start3A_577, %dma_start3A_586, %dma_start3A_587] : memref<16x28x28xf32, #tpu.memory_space<vmem>> -> memref<1x28x28xf32, #tpu.memory_space<vmem>>
    %dma_start3A_589 = tpu.memref_squeeze %dma_start3A_588 : memref<1x28x28xf32, #tpu.memory_space<vmem>> -> memref<28x28xf32, #tpu.memory_space<vmem>>
    %dma_start3A_590 = arith.constant 0 : i32
    %dma_start3A_591 = arith.constant 0 : i32
    %dma_start3A_592 = tpu.memref_slice %arg2[%min3A_574, %squeeze3A_576, %dma_start3A_590, %dma_start3A_591] : memref<1000x81x28x28xf32, #tpu.memory_space<hbm>> -> memref<1x1x28x28xf32, #tpu.memory_space<hbm>>
    %dma_start3A_593 = tpu.memref_squeeze %dma_start3A_592 : memref<1x1x28x28xf32, #tpu.memory_space<hbm>> -> memref<28x28xf32, #tpu.memory_space<hbm>>
    tpu.enqueue_dma source(%dma_start3A_593 : memref<28x28xf32, #tpu.memory_space<hbm>>) target(%dma_start3A_589 : memref<28x28xf32, #tpu.memory_space<vmem>>) target_semaphore(%arg7 : memref<!tpu.dma_semaphore, #tpu.memory_space<semaphore_mem>>)
    %add3A_594 = arith.constant 25 : i32
    %add3A_595 = arith.addi %mul3A_2, %add3A_594 : i32
    %min3A_596 = arith.constant 999 : i32
    %min3A_597 = arith.minsi %add3A_595, %min3A_596 : i32
    %slice3A_598 = vector.extract_strided_slice %get3A_386 {offsets = [9], sizes = [1], strides = [1]} : vector<16xi32> to vector<1xi32>
    %squeeze3A_599 = vector.extract %slice3A_598[0] : i32 from vector<1xi32>
    %dma_start3A_600 = arith.constant 9 : i32
    %dma_start3A_601 = arith.constant 0 : i32
    %dma_start3A_602 = arith.constant 0 : i32
    %dma_start3A_603 = tpu.memref_slice %arg6[%dma_start3A_600, %dma_start3A_601, %dma_start3A_602] : memref<16x28x28xf32, #tpu.memory_space<vmem>> -> memref<1x28x28xf32, #tpu.memory_space<vmem>>
    %dma_start3A_604 = tpu.memref_squeeze %dma_start3A_603 : memref<1x28x28xf32, #tpu.memory_space<vmem>> -> memref<28x28xf32, #tpu.memory_space<vmem>>
    %dma_start3A_605 = arith.constant 0 : i32
    %dma_start3A_606 = arith.constant 0 : i32
    %dma_start3A_607 = tpu.memref_slice %arg2[%min3A_597, %squeeze3A_599, %dma_start3A_605, %dma_start3A_606] : memref<1000x81x28x28xf32, #tpu.memory_space<hbm>> -> memref<1x1x28x28xf32, #tpu.memory_space<hbm>>
    %dma_start3A_608 = tpu.memref_squeeze %dma_start3A_607 : memref<1x1x28x28xf32, #tpu.memory_space<hbm>> -> memref<28x28xf32, #tpu.memory_space<hbm>>
    %dma_start3A_609 = arith.constant 0 : i32
    %dma_start3A_610 = arith.constant 0 : i32
    %dma_start3A_611 = tpu.memref_slice %arg6[%dma_start3A_600, %dma_start3A_609, %dma_start3A_610] : memref<16x28x28xf32, #tpu.memory_space<vmem>> -> memref<1x28x28xf32, #tpu.memory_space<vmem>>
    %dma_start3A_612 = tpu.memref_squeeze %dma_start3A_611 : memref<1x28x28xf32, #tpu.memory_space<vmem>> -> memref<28x28xf32, #tpu.memory_space<vmem>>
    %dma_start3A_613 = arith.constant 0 : i32
    %dma_start3A_614 = arith.constant 0 : i32
    %dma_start3A_615 = tpu.memref_slice %arg2[%min3A_597, %squeeze3A_599, %dma_start3A_613, %dma_start3A_614] : memref<1000x81x28x28xf32, #tpu.memory_space<hbm>> -> memref<1x1x28x28xf32, #tpu.memory_space<hbm>>
    %dma_start3A_616 = tpu.memref_squeeze %dma_start3A_615 : memref<1x1x28x28xf32, #tpu.memory_space<hbm>> -> memref<28x28xf32, #tpu.memory_space<hbm>>
    tpu.enqueue_dma source(%dma_start3A_616 : memref<28x28xf32, #tpu.memory_space<hbm>>) target(%dma_start3A_612 : memref<28x28xf32, #tpu.memory_space<vmem>>) target_semaphore(%arg7 : memref<!tpu.dma_semaphore, #tpu.memory_space<semaphore_mem>>)
    %add3A_617 = arith.constant 26 : i32
    %add3A_618 = arith.addi %mul3A_2, %add3A_617 : i32
    %min3A_619 = arith.constant 999 : i32
    %min3A_620 = arith.minsi %add3A_618, %min3A_619 : i32
    %slice3A_621 = vector.extract_strided_slice %get3A_386 {offsets = [10], sizes = [1], strides = [1]} : vector<16xi32> to vector<1xi32>
    %squeeze3A_622 = vector.extract %slice3A_621[0] : i32 from vector<1xi32>
    %dma_start3A_623 = arith.constant 10 : i32
    %dma_start3A_624 = arith.constant 0 : i32
    %dma_start3A_625 = arith.constant 0 : i32
    %dma_start3A_626 = tpu.memref_slice %arg6[%dma_start3A_623, %dma_start3A_624, %dma_start3A_625] : memref<16x28x28xf32, #tpu.memory_space<vmem>> -> memref<1x28x28xf32, #tpu.memory_space<vmem>>
    %dma_start3A_627 = tpu.memref_squeeze %dma_start3A_626 : memref<1x28x28xf32, #tpu.memory_space<vmem>> -> memref<28x28xf32, #tpu.memory_space<vmem>>
    %dma_start3A_628 = arith.constant 0 : i32
    %dma_start3A_629 = arith.constant 0 : i32
    %dma_start3A_630 = tpu.memref_slice %arg2[%min3A_620, %squeeze3A_622, %dma_start3A_628, %dma_start3A_629] : memref<1000x81x28x28xf32, #tpu.memory_space<hbm>> -> memref<1x1x28x28xf32, #tpu.memory_space<hbm>>
    %dma_start3A_631 = tpu.memref_squeeze %dma_start3A_630 : memref<1x1x28x28xf32, #tpu.memory_space<hbm>> -> memref<28x28xf32, #tpu.memory_space<hbm>>
    %dma_start3A_632 = arith.constant 0 : i32
    %dma_start3A_633 = arith.constant 0 : i32
    %dma_start3A_634 = tpu.memref_slice %arg6[%dma_start3A_623, %dma_start3A_632, %dma_start3A_633] : memref<16x28x28xf32, #tpu.memory_space<vmem>> -> memref<1x28x28xf32, #tpu.memory_space<vmem>>
    %dma_start3A_635 = tpu.memref_squeeze %dma_start3A_634 : memref<1x28x28xf32, #tpu.memory_space<vmem>> -> memref<28x28xf32, #tpu.memory_space<vmem>>
    %dma_start3A_636 = arith.constant 0 : i32
    %dma_start3A_637 = arith.constant 0 : i32
    %dma_start3A_638 = tpu.memref_slice %arg2[%min3A_620, %squeeze3A_622, %dma_start3A_636, %dma_start3A_637] : memref<1000x81x28x28xf32, #tpu.memory_space<hbm>> -> memref<1x1x28x28xf32, #tpu.memory_space<hbm>>
    %dma_start3A_639 = tpu.memref_squeeze %dma_start3A_638 : memref<1x1x28x28xf32, #tpu.memory_space<hbm>> -> memref<28x28xf32, #tpu.memory_space<hbm>>
    tpu.enqueue_dma source(%dma_start3A_639 : memref<28x28xf32, #tpu.memory_space<hbm>>) target(%dma_start3A_635 : memref<28x28xf32, #tpu.memory_space<vmem>>) target_semaphore(%arg7 : memref<!tpu.dma_semaphore, #tpu.memory_space<semaphore_mem>>)
    %add3A_640 = arith.constant 27 : i32
    %add3A_641 = arith.addi %mul3A_2, %add3A_640 : i32
    %min3A_642 = arith.constant 999 : i32
    %min3A_643 = arith.minsi %add3A_641, %min3A_642 : i32
    %slice3A_644 = vector.extract_strided_slice %get3A_386 {offsets = [11], sizes = [1], strides = [1]} : vector<16xi32> to vector<1xi32>
    %squeeze3A_645 = vector.extract %slice3A_644[0] : i32 from vector<1xi32>
    %dma_start3A_646 = arith.constant 11 : i32
    %dma_start3A_647 = arith.constant 0 : i32
    %dma_start3A_648 = arith.constant 0 : i32
    %dma_start3A_649 = tpu.memref_slice %arg6[%dma_start3A_646, %dma_start3A_647, %dma_start3A_648] : memref<16x28x28xf32, #tpu.memory_space<vmem>> -> memref<1x28x28xf32, #tpu.memory_space<vmem>>
    %dma_start3A_650 = tpu.memref_squeeze %dma_start3A_649 : memref<1x28x28xf32, #tpu.memory_space<vmem>> -> memref<28x28xf32, #tpu.memory_space<vmem>>
    %dma_start3A_651 = arith.constant 0 : i32
    %dma_start3A_652 = arith.constant 0 : i32
    %dma_start3A_653 = tpu.memref_slice %arg2[%min3A_643, %squeeze3A_645, %dma_start3A_651, %dma_start3A_652] : memref<1000x81x28x28xf32, #tpu.memory_space<hbm>> -> memref<1x1x28x28xf32, #tpu.memory_space<hbm>>
    %dma_start3A_654 = tpu.memref_squeeze %dma_start3A_653 : memref<1x1x28x28xf32, #tpu.memory_space<hbm>> -> memref<28x28xf32, #tpu.memory_space<hbm>>
    %dma_start3A_655 = arith.constant 0 : i32
    %dma_start3A_656 = arith.constant 0 : i32
    %dma_start3A_657 = tpu.memref_slice %arg6[%dma_start3A_646, %dma_start3A_655, %dma_start3A_656] : memref<16x28x28xf32, #tpu.memory_space<vmem>> -> memref<1x28x28xf32, #tpu.memory_space<vmem>>
    %dma_start3A_658 = tpu.memref_squeeze %dma_start3A_657 : memref<1x28x28xf32, #tpu.memory_space<vmem>> -> memref<28x28xf32, #tpu.memory_space<vmem>>
    %dma_start3A_659 = arith.constant 0 : i32
    %dma_start3A_660 = arith.constant 0 : i32
    %dma_start3A_661 = tpu.memref_slice %arg2[%min3A_643, %squeeze3A_645, %dma_start3A_659, %dma_start3A_660] : memref<1000x81x28x28xf32, #tpu.memory_space<hbm>> -> memref<1x1x28x28xf32, #tpu.memory_space<hbm>>
    %dma_start3A_662 = tpu.memref_squeeze %dma_start3A_661 : memref<1x1x28x28xf32, #tpu.memory_space<hbm>> -> memref<28x28xf32, #tpu.memory_space<hbm>>
    tpu.enqueue_dma source(%dma_start3A_662 : memref<28x28xf32, #tpu.memory_space<hbm>>) target(%dma_start3A_658 : memref<28x28xf32, #tpu.memory_space<vmem>>) target_semaphore(%arg7 : memref<!tpu.dma_semaphore, #tpu.memory_space<semaphore_mem>>)
    %add3A_663 = arith.constant 28 : i32
    %add3A_664 = arith.addi %mul3A_2, %add3A_663 : i32
    %min3A_665 = arith.constant 999 : i32
    %min3A_666 = arith.minsi %add3A_664, %min3A_665 : i32
    %slice3A_667 = vector.extract_strided_slice %get3A_386 {offsets = [12], sizes = [1], strides = [1]} : vector<16xi32> to vector<1xi32>
    %squeeze3A_668 = vector.extract %slice3A_667[0] : i32 from vector<1xi32>
    %dma_start3A_669 = arith.constant 12 : i32
    %dma_start3A_670 = arith.constant 0 : i32
    %dma_start3A_671 = arith.constant 0 : i32
    %dma_start3A_672 = tpu.memref_slice %arg6[%dma_start3A_669, %dma_start3A_670, %dma_start3A_671] : memref<16x28x28xf32, #tpu.memory_space<vmem>> -> memref<1x28x28xf32, #tpu.memory_space<vmem>>
    %dma_start3A_673 = tpu.memref_squeeze %dma_start3A_672 : memref<1x28x28xf32, #tpu.memory_space<vmem>> -> memref<28x28xf32, #tpu.memory_space<vmem>>
    %dma_start3A_674 = arith.constant 0 : i32
    %dma_start3A_675 = arith.constant 0 : i32
    %dma_start3A_676 = tpu.memref_slice %arg2[%min3A_666, %squeeze3A_668, %dma_start3A_674, %dma_start3A_675] : memref<1000x81x28x28xf32, #tpu.memory_space<hbm>> -> memref<1x1x28x28xf32, #tpu.memory_space<hbm>>
    %dma_start3A_677 = tpu.memref_squeeze %dma_start3A_676 : memref<1x1x28x28xf32, #tpu.memory_space<hbm>> -> memref<28x28xf32, #tpu.memory_space<hbm>>
    %dma_start3A_678 = arith.constant 0 : i32
    %dma_start3A_679 = arith.constant 0 : i32
    %dma_start3A_680 = tpu.memref_slice %arg6[%dma_start3A_669, %dma_start3A_678, %dma_start3A_679] : memref<16x28x28xf32, #tpu.memory_space<vmem>> -> memref<1x28x28xf32, #tpu.memory_space<vmem>>
    %dma_start3A_681 = tpu.memref_squeeze %dma_start3A_680 : memref<1x28x28xf32, #tpu.memory_space<vmem>> -> memref<28x28xf32, #tpu.memory_space<vmem>>
    %dma_start3A_682 = arith.constant 0 : i32
    %dma_start3A_683 = arith.constant 0 : i32
    %dma_start3A_684 = tpu.memref_slice %arg2[%min3A_666, %squeeze3A_668, %dma_start3A_682, %dma_start3A_683] : memref<1000x81x28x28xf32, #tpu.memory_space<hbm>> -> memref<1x1x28x28xf32, #tpu.memory_space<hbm>>
    %dma_start3A_685 = tpu.memref_squeeze %dma_start3A_684 : memref<1x1x28x28xf32, #tpu.memory_space<hbm>> -> memref<28x28xf32, #tpu.memory_space<hbm>>
    tpu.enqueue_dma source(%dma_start3A_685 : memref<28x28xf32, #tpu.memory_space<hbm>>) target(%dma_start3A_681 : memref<28x28xf32, #tpu.memory_space<vmem>>) target_semaphore(%arg7 : memref<!tpu.dma_semaphore, #tpu.memory_space<semaphore_mem>>)
    %add3A_686 = arith.constant 29 : i32
    %add3A_687 = arith.addi %mul3A_2, %add3A_686 : i32
    %min3A_688 = arith.constant 999 : i32
    %min3A_689 = arith.minsi %add3A_687, %min3A_688 : i32
    %slice3A_690 = vector.extract_strided_slice %get3A_386 {offsets = [13], sizes = [1], strides = [1]} : vector<16xi32> to vector<1xi32>
    %squeeze3A_691 = vector.extract %slice3A_690[0] : i32 from vector<1xi32>
    %dma_start3A_692 = arith.constant 13 : i32
    %dma_start3A_693 = arith.constant 0 : i32
    %dma_start3A_694 = arith.constant 0 : i32
    %dma_start3A_695 = tpu.memref_slice %arg6[%dma_start3A_692, %dma_start3A_693, %dma_start3A_694] : memref<16x28x28xf32, #tpu.memory_space<vmem>> -> memref<1x28x28xf32, #tpu.memory_space<vmem>>
    %dma_start3A_696 = tpu.memref_squeeze %dma_start3A_695 : memref<1x28x28xf32, #tpu.memory_space<vmem>> -> memref<28x28xf32, #tpu.memory_space<vmem>>
    %dma_start3A_697 = arith.constant 0 : i32
    %dma_start3A_698 = arith.constant 0 : i32
    %dma_start3A_699 = tpu.memref_slice %arg2[%min3A_689, %squeeze3A_691, %dma_start3A_697, %dma_start3A_698] : memref<1000x81x28x28xf32, #tpu.memory_space<hbm>> -> memref<1x1x28x28xf32, #tpu.memory_space<hbm>>
    %dma_start3A_700 = tpu.memref_squeeze %dma_start3A_699 : memref<1x1x28x28xf32, #tpu.memory_space<hbm>> -> memref<28x28xf32, #tpu.memory_space<hbm>>
    %dma_start3A_701 = arith.constant 0 : i32
    %dma_start3A_702 = arith.constant 0 : i32
    %dma_start3A_703 = tpu.memref_slice %arg6[%dma_start3A_692, %dma_start3A_701, %dma_start3A_702] : memref<16x28x28xf32, #tpu.memory_space<vmem>> -> memref<1x28x28xf32, #tpu.memory_space<vmem>>
    %dma_start3A_704 = tpu.memref_squeeze %dma_start3A_703 : memref<1x28x28xf32, #tpu.memory_space<vmem>> -> memref<28x28xf32, #tpu.memory_space<vmem>>
    %dma_start3A_705 = arith.constant 0 : i32
    %dma_start3A_706 = arith.constant 0 : i32
    %dma_start3A_707 = tpu.memref_slice %arg2[%min3A_689, %squeeze3A_691, %dma_start3A_705, %dma_start3A_706] : memref<1000x81x28x28xf32, #tpu.memory_space<hbm>> -> memref<1x1x28x28xf32, #tpu.memory_space<hbm>>
    %dma_start3A_708 = tpu.memref_squeeze %dma_start3A_707 : memref<1x1x28x28xf32, #tpu.memory_space<hbm>> -> memref<28x28xf32, #tpu.memory_space<hbm>>
    tpu.enqueue_dma source(%dma_start3A_708 : memref<28x28xf32, #tpu.memory_space<hbm>>) target(%dma_start3A_704 : memref<28x28xf32, #tpu.memory_space<vmem>>) target_semaphore(%arg7 : memref<!tpu.dma_semaphore, #tpu.memory_space<semaphore_mem>>)
    %add3A_709 = arith.constant 30 : i32
    %add3A_710 = arith.addi %mul3A_2, %add3A_709 : i32
    %min3A_711 = arith.constant 999 : i32
    %min3A_712 = arith.minsi %add3A_710, %min3A_711 : i32
    %slice3A_713 = vector.extract_strided_slice %get3A_386 {offsets = [14], sizes = [1], strides = [1]} : vector<16xi32> to vector<1xi32>
    %squeeze3A_714 = vector.extract %slice3A_713[0] : i32 from vector<1xi32>
    %dma_start3A_715 = arith.constant 14 : i32
    %dma_start3A_716 = arith.constant 0 : i32
    %dma_start3A_717 = arith.constant 0 : i32
    %dma_start3A_718 = tpu.memref_slice %arg6[%dma_start3A_715, %dma_start3A_716, %dma_start3A_717] : memref<16x28x28xf32, #tpu.memory_space<vmem>> -> memref<1x28x28xf32, #tpu.memory_space<vmem>>
    %dma_start3A_719 = tpu.memref_squeeze %dma_start3A_718 : memref<1x28x28xf32, #tpu.memory_space<vmem>> -> memref<28x28xf32, #tpu.memory_space<vmem>>
    %dma_start3A_720 = arith.constant 0 : i32
    %dma_start3A_721 = arith.constant 0 : i32
    %dma_start3A_722 = tpu.memref_slice %arg2[%min3A_712, %squeeze3A_714, %dma_start3A_720, %dma_start3A_721] : memref<1000x81x28x28xf32, #tpu.memory_space<hbm>> -> memref<1x1x28x28xf32, #tpu.memory_space<hbm>>
    %dma_start3A_723 = tpu.memref_squeeze %dma_start3A_722 : memref<1x1x28x28xf32, #tpu.memory_space<hbm>> -> memref<28x28xf32, #tpu.memory_space<hbm>>
    %dma_start3A_724 = arith.constant 0 : i32
    %dma_start3A_725 = arith.constant 0 : i32
    %dma_start3A_726 = tpu.memref_slice %arg6[%dma_start3A_715, %dma_start3A_724, %dma_start3A_725] : memref<16x28x28xf32, #tpu.memory_space<vmem>> -> memref<1x28x28xf32, #tpu.memory_space<vmem>>
    %dma_start3A_727 = tpu.memref_squeeze %dma_start3A_726 : memref<1x28x28xf32, #tpu.memory_space<vmem>> -> memref<28x28xf32, #tpu.memory_space<vmem>>
    %dma_start3A_728 = arith.constant 0 : i32
    %dma_start3A_729 = arith.constant 0 : i32
    %dma_start3A_730 = tpu.memref_slice %arg2[%min3A_712, %squeeze3A_714, %dma_start3A_728, %dma_start3A_729] : memref<1000x81x28x28xf32, #tpu.memory_space<hbm>> -> memref<1x1x28x28xf32, #tpu.memory_space<hbm>>
    %dma_start3A_731 = tpu.memref_squeeze %dma_start3A_730 : memref<1x1x28x28xf32, #tpu.memory_space<hbm>> -> memref<28x28xf32, #tpu.memory_space<hbm>>
    tpu.enqueue_dma source(%dma_start3A_731 : memref<28x28xf32, #tpu.memory_space<hbm>>) target(%dma_start3A_727 : memref<28x28xf32, #tpu.memory_space<vmem>>) target_semaphore(%arg7 : memref<!tpu.dma_semaphore, #tpu.memory_space<semaphore_mem>>)
    %add3A_732 = arith.constant 31 : i32
    %add3A_733 = arith.addi %mul3A_2, %add3A_732 : i32
    %min3A_734 = arith.constant 999 : i32
    %min3A_735 = arith.minsi %add3A_733, %min3A_734 : i32
    %slice3A_736 = vector.extract_strided_slice %get3A_386 {offsets = [15], sizes = [1], strides = [1]} : vector<16xi32> to vector<1xi32>
    %squeeze3A_737 = vector.extract %slice3A_736[0] : i32 from vector<1xi32>
    %dma_start3A_738 = arith.constant 15 : i32
    %dma_start3A_739 = arith.constant 0 : i32
    %dma_start3A_740 = arith.constant 0 : i32
    %dma_start3A_741 = tpu.memref_slice %arg6[%dma_start3A_738, %dma_start3A_739, %dma_start3A_740] : memref<16x28x28xf32, #tpu.memory_space<vmem>> -> memref<1x28x28xf32, #tpu.memory_space<vmem>>
    %dma_start3A_742 = tpu.memref_squeeze %dma_start3A_741 : memref<1x28x28xf32, #tpu.memory_space<vmem>> -> memref<28x28xf32, #tpu.memory_space<vmem>>
    %dma_start3A_743 = arith.constant 0 : i32
    %dma_start3A_744 = arith.constant 0 : i32
    %dma_start3A_745 = tpu.memref_slice %arg2[%min3A_735, %squeeze3A_737, %dma_start3A_743, %dma_start3A_744] : memref<1000x81x28x28xf32, #tpu.memory_space<hbm>> -> memref<1x1x28x28xf32, #tpu.memory_space<hbm>>
    %dma_start3A_746 = tpu.memref_squeeze %dma_start3A_745 : memref<1x1x28x28xf32, #tpu.memory_space<hbm>> -> memref<28x28xf32, #tpu.memory_space<hbm>>
    %dma_start3A_747 = arith.constant 0 : i32
    %dma_start3A_748 = arith.constant 0 : i32
    %dma_start3A_749 = tpu.memref_slice %arg6[%dma_start3A_738, %dma_start3A_747, %dma_start3A_748] : memref<16x28x28xf32, #tpu.memory_space<vmem>> -> memref<1x28x28xf32, #tpu.memory_space<vmem>>
    %dma_start3A_750 = tpu.memref_squeeze %dma_start3A_749 : memref<1x28x28xf32, #tpu.memory_space<vmem>> -> memref<28x28xf32, #tpu.memory_space<vmem>>
    %dma_start3A_751 = arith.constant 0 : i32
    %dma_start3A_752 = arith.constant 0 : i32
    %dma_start3A_753 = tpu.memref_slice %arg2[%min3A_735, %squeeze3A_737, %dma_start3A_751, %dma_start3A_752] : memref<1000x81x28x28xf32, #tpu.memory_space<hbm>> -> memref<1x1x28x28xf32, #tpu.memory_space<hbm>>
    %dma_start3A_754 = tpu.memref_squeeze %dma_start3A_753 : memref<1x1x28x28xf32, #tpu.memory_space<hbm>> -> memref<28x28xf32, #tpu.memory_space<hbm>>
    tpu.enqueue_dma source(%dma_start3A_754 : memref<28x28xf32, #tpu.memory_space<hbm>>) target(%dma_start3A_750 : memref<28x28xf32, #tpu.memory_space<vmem>>) target_semaphore(%arg7 : memref<!tpu.dma_semaphore, #tpu.memory_space<semaphore_mem>>)
    %scan3A_755 = arith.constant 0 : i32
    %scan3A_756 = arith.constant 0 : i32
    %scan3A_757 = arith.constant 16 : i32
    %scan3A_758 = arith.addi %scan3A_756, %scan3A_757 : i32
    %scan3A_759 = arith.constant 1 : i32
    %scan3A_760 = scf.for %scan3A_771 = %scan3A_756 to %scan3A_758 step %scan3A_759 iter_args(%scan3A_772 = %scan3A_755) -> (i32)  : i32 {
      %dma_wait3A = arith.constant 0 : i32
      %dma_wait3A_773 = arith.constant 0 : i32
      %dma_wait3A_774 = arith.constant 0 : i32
      %dma_wait3A_775 = arith.constant 0 : i32
      %dma_wait3A_776 = arith.constant 0 : i32
      %dma_wait3A_777 = tpu.memref_slice %arg6[%dma_wait3A_774, %dma_wait3A_775, %dma_wait3A_776] : memref<16x28x28xf32, #tpu.memory_space<vmem>> -> memref<1x28x28xf32, #tpu.memory_space<vmem>>
      %dma_wait3A_778 = tpu.memref_squeeze %dma_wait3A_777 : memref<1x28x28xf32, #tpu.memory_space<vmem>> -> memref<28x28xf32, #tpu.memory_space<vmem>>
      %dma_wait3A_779 = arith.constant 0 : i32
      %dma_wait3A_780 = arith.constant 0 : i32
      %dma_wait3A_781 = tpu.memref_slice %arg2[%dma_wait3A, %dma_wait3A_773, %dma_wait3A_779, %dma_wait3A_780] : memref<1000x81x28x28xf32, #tpu.memory_space<hbm>> -> memref<1x1x28x28xf32, #tpu.memory_space<hbm>>
      %dma_wait3A_782 = tpu.memref_squeeze %dma_wait3A_781 : memref<1x1x28x28xf32, #tpu.memory_space<hbm>> -> memref<28x28xf32, #tpu.memory_space<hbm>>
      %dma_wait3A_783 = arith.constant 0 : i32
      %dma_wait3A_784 = arith.constant 0 : i32
      %dma_wait3A_785 = tpu.memref_slice %arg6[%dma_wait3A_774, %dma_wait3A_783, %dma_wait3A_784] : memref<16x28x28xf32, #tpu.memory_space<vmem>> -> memref<1x28x28xf32, #tpu.memory_space<vmem>>
      %dma_wait3A_786 = tpu.memref_squeeze %dma_wait3A_785 : memref<1x28x28xf32, #tpu.memory_space<vmem>> -> memref<28x28xf32, #tpu.memory_space<vmem>>
      %dma_wait3A_787 = arith.constant 0 : i32
      %dma_wait3A_788 = arith.constant 0 : i32
      %dma_wait3A_789 = tpu.memref_slice %arg2[%dma_wait3A, %dma_wait3A_773, %dma_wait3A_787, %dma_wait3A_788] : memref<1000x81x28x28xf32, #tpu.memory_space<hbm>> -> memref<1x1x28x28xf32, #tpu.memory_space<hbm>>
      %dma_wait3A_790 = tpu.memref_squeeze %dma_wait3A_789 : memref<1x1x28x28xf32, #tpu.memory_space<hbm>> -> memref<28x28xf32, #tpu.memory_space<hbm>>
      tpu.wait_dma2 semaphore(%arg7 : memref<!tpu.dma_semaphore, #tpu.memory_space<semaphore_mem>>) src(%dma_wait3A_790 : memref<28x28xf32, #tpu.memory_space<hbm>>) dst(%dma_wait3A_786 : memref<28x28xf32, #tpu.memory_space<vmem>>)
      %scan3A_791 = arith.constant 0 : i32
      scf.yield %scan3A_791 : i32
    }
    %scan3A_761 = arith.constant 16 : i32
    %scan3A_762 = arith.constant 0 : i32
    %scan3A_763 = arith.constant 0 : i32
    %scan3A_764 = arith.constant 16 : i32
    %scan3A_765 = arith.addi %scan3A_763, %scan3A_764 : i32
    %scan3A_766 = arith.constant 1 : i32
    %scan3A_767 = scf.for %scan3A_771 = %scan3A_763 to %scan3A_765 step %scan3A_766 iter_args(%scan3A_772 = %scan3A_762) -> (i32)  : i32 {
      %get3A_773 = arith.constant 0 : i32
      %get3A_774 = arith.index_cast %scan3A_771 : i32 to index
      %get3A_775 = arith.index_cast %get3A_773 : i32 to index
      %get3A_776 = arith.constant 0 : index
      %get3A_777 = tpu.vector_load %arg6[%get3A_774, %get3A_775, %get3A_776] {strides = array<i32>} : memref<16x28x28xf32, #tpu.memory_space<vmem>>, vector<1x1x16xf32>,
      %get3A_778 = vector.shape_cast %get3A_777 : vector<1x1x16xf32> to vector<16xf32>
      %get3A_779 = arith.constant 0 : i32
      %get3A_780 = arith.index_cast %scan3A_771 : i32 to index
      %get3A_781 = arith.index_cast %get3A_779 : i32 to index
      %get3A_782 = arith.constant 12 : index
      %get3A_783 = tpu.vector_load %arg6[%get3A_780, %get3A_781, %get3A_782] {strides = array<i32>} : memref<16x28x28xf32, #tpu.memory_space<vmem>>, vector<1x1x16xf32>,
      %get3A_784 = vector.shape_cast %get3A_783 : vector<1x1x16xf32> to vector<16xf32>
      %neg3A = arith.constant 0.000000e+00 : f32
      %neg3A_785 = vector.broadcast %neg3A : f32 to vector<16xf32>
      %neg3A_786 = arith.subf %neg3A_785, %get3A_778 : vector<16xf32>
      %exp3A = math.exp %neg3A_786 : vector<16xf32>
      %add3A_787 = arith.constant 1.000000e+00 : f32
      %add3A_788 = vector.broadcast %add3A_787 : f32 to vector<16xf32>
      %add3A_789 = arith.addf %add3A_788, %exp3A : vector<16xf32>
      %div3A = arith.constant 1.000000e+00 : f32
      %div3A_790 = vector.broadcast %div3A : f32 to vector<16xf32>
      %div3A_791 = arith.divf %div3A_790, %add3A_789 : vector<16xf32>
      %swap3A = arith.constant 0 : i32
      %swap3A_792 = arith.index_cast %scan3A_771 : i32 to index
      %swap3A_793 = arith.index_cast %swap3A : i32 to index
      %swap3A_794 = arith.constant 0 : index
      %swap3A_795 = tpu.vector_load %arg6[%swap3A_792, %swap3A_793, %swap3A_794] {strides = array<i32>} : memref<16x28x28xf32, #tpu.memory_space<vmem>>, vector<1x1x16xf32>,
      %swap3A_796 = vector.shape_cast %swap3A_795 : vector<1x1x16xf32> to vector<16xf32>
      %swap3A_797 = vector.shape_cast %div3A_791 : vector<16xf32> to vector<1x1x16xf32>
      tpu.vector_store %arg6[%swap3A_792, %swap3A_793, %swap3A_794], %swap3A_797 {strides = array<i32>} : memref<16x28x28xf32, #tpu.memory_space<vmem>>, vector<1x1x16xf32>,
      %neg3A_798 = arith.constant 0.000000e+00 : f32
      %neg3A_799 = vector.broadcast %neg3A_798 : f32 to vector<16xf32>
      %neg3A_800 = arith.subf %neg3A_799, %get3A_784 : vector<16xf32>
      %exp3A_801 = math.exp %neg3A_800 : vector<16xf32>
      %add3A_802 = arith.constant 1.000000e+00 : f32
      %add3A_803 = vector.broadcast %add3A_802 : f32 to vector<16xf32>
      %add3A_804 = arith.addf %add3A_803, %exp3A_801 : vector<16xf32>
      %div3A_805 = arith.constant 1.000000e+00 : f32
      %div3A_806 = vector.broadcast %div3A_805 : f32 to vector<16xf32>
      %div3A_807 = arith.divf %div3A_806, %add3A_804 : vector<16xf32>
      %swap3A_808 = arith.constant 0 : i32
      %swap3A_809 = arith.index_cast %scan3A_771 : i32 to index
      %swap3A_810 = arith.index_cast %swap3A_808 : i32 to index
      %swap3A_811 = arith.constant 12 : index
      %swap3A_812 = tpu.vector_load %arg6[%swap3A_809, %swap3A_810, %swap3A_811] {strides = array<i32>} : memref<16x28x28xf32, #tpu.memory_space<vmem>>, vector<1x1x16xf32>,
      %swap3A_813 = vector.shape_cast %swap3A_812 : vector<1x1x16xf32> to vector<16xf32>
      %swap3A_814 = vector.shape_cast %div3A_807 : vector<16xf32> to vector<1x1x16xf32>
      tpu.vector_store %arg6[%swap3A_809, %swap3A_810, %swap3A_811], %swap3A_814 {strides = array<i32>} : memref<16x28x28xf32, #tpu.memory_space<vmem>>, vector<1x1x16xf32>,
      %get3A_815 = arith.constant 1 : i32
      %get3A_816 = arith.index_cast %scan3A_771 : i32 to index
      %get3A_817 = arith.index_cast %get3A_815 : i32 to index
      %get3A_818 = arith.constant 0 : index
      %get3A_819 = tpu.vector_load %arg6[%get3A_816, %get3A_817, %get3A_818] {strides = array<i32>} : memref<16x28x28xf32, #tpu.memory_space<vmem>>, vector<1x1x16xf32>,
      %get3A_820 = vector.shape_cast %get3A_819 : vector<1x1x16xf32> to vector<16xf32>
      %get3A_821 = arith.constant 1 : i32
      %get3A_822 = arith.index_cast %scan3A_771 : i32 to index
      %get3A_823 = arith.index_cast %get3A_821 : i32 to index
      %get3A_824 = arith.constant 12 : index
      %get3A_825 = tpu.vector_load %arg6[%get3A_822, %get3A_823, %get3A_824] {strides = array<i32>} : memref<16x28x28xf32, #tpu.memory_space<vmem>>, vector<1x1x16xf32>,
      %get3A_826 = vector.shape_cast %get3A_825 : vector<1x1x16xf32> to vector<16xf32>
      %neg3A_827 = arith.constant 0.000000e+00 : f32
      %neg3A_828 = vector.broadcast %neg3A_827 : f32 to vector<16xf32>
      %neg3A_829 = arith.subf %neg3A_828, %get3A_820 : vector<16xf32>
      %exp3A_830 = math.exp %neg3A_829 : vector<16xf32>
      %add3A_831 = arith.constant 1.000000e+00 : f32
      %add3A_832 = vector.broadcast %add3A_831 : f32 to vector<16xf32>
      %add3A_833 = arith.addf %add3A_832, %exp3A_830 : vector<16xf32>
      %div3A_834 = arith.constant 1.000000e+00 : f32
      %div3A_835 = vector.broadcast %div3A_834 : f32 to vector<16xf32>
      %div3A_836 = arith.divf %div3A_835, %add3A_833 : vector<16xf32>
      %swap3A_837 = arith.constant 1 : i32
      %swap3A_838 = arith.index_cast %scan3A_771 : i32 to index
      %swap3A_839 = arith.index_cast %swap3A_837 : i32 to index
      %swap3A_840 = arith.constant 0 : index
      %swap3A_841 = tpu.vector_load %arg6[%swap3A_838, %swap3A_839, %swap3A_840] {strides = array<i32>} : memref<16x28x28xf32, #tpu.memory_space<vmem>>, vector<1x1x16xf32>,
      %swap3A_842 = vector.shape_cast %swap3A_841 : vector<1x1x16xf32> to vector<16xf32>
      %swap3A_843 = vector.shape_cast %div3A_836 : vector<16xf32> to vector<1x1x16xf32>
      tpu.vector_store %arg6[%swap3A_838, %swap3A_839, %swap3A_840], %swap3A_843 {strides = array<i32>} : memref<16x28x28xf32, #tpu.memory_space<vmem>>, vector<1x1x16xf32>,
      %neg3A_844 = arith.constant 0.000000e+00 : f32
      %neg3A_845 = vector.broadcast %neg3A_844 : f32 to vector<16xf32>
      %neg3A_846 = arith.subf %neg3A_845, %get3A_826 : vector<16xf32>
      %exp3A_847 = math.exp %neg3A_846 : vector<16xf32>
      %add3A_848 = arith.constant 1.000000e+00 : f32
      %add3A_849 = vector.broadcast %add3A_848 : f32 to vector<16xf32>
      %add3A_850 = arith.addf %add3A_849, %exp3A_847 : vector<16xf32>
      %div3A_851 = arith.constant 1.000000e+00 : f32
      %div3A_852 = vector.broadcast %div3A_851 : f32 to vector<16xf32>
      %div3A_853 = arith.divf %div3A_852, %add3A_850 : vector<16xf32>
      %swap3A_854 = arith.constant 1 : i32
      %swap3A_855 = arith.index_cast %scan3A_771 : i32 to index
      %swap3A_856 = arith.index_cast %swap3A_854 : i32 to index
      %swap3A_857 = arith.constant 12 : index
      %swap3A_858 = tpu.vector_load %arg6[%swap3A_855, %swap3A_856, %swap3A_857] {strides = array<i32>} : memref<16x28x28xf32, #tpu.memory_space<vmem>>, vector<1x1x16xf32>,
      %swap3A_859 = vector.shape_cast %swap3A_858 : vector<1x1x16xf32> to vector<16xf32>
      %swap3A_860 = vector.shape_cast %div3A_853 : vector<16xf32> to vector<1x1x16xf32>
      tpu.vector_store %arg6[%swap3A_855, %swap3A_856, %swap3A_857], %swap3A_860 {strides = array<i32>} : memref<16x28x28xf32, #tpu.memory_space<vmem>>, vector<1x1x16xf32>,
      %get3A_861 = arith.constant 2 : i32
      %get3A_862 = arith.index_cast %scan3A_771 : i32 to index
      %get3A_863 = arith.index_cast %get3A_861 : i32 to index
      %get3A_864 = arith.constant 0 : index
      %get3A_865 = tpu.vector_load %arg6[%get3A_862, %get3A_863, %get3A_864] {strides = array<i32>} : memref<16x28x28xf32, #tpu.memory_space<vmem>>, vector<1x1x16xf32>,
      %get3A_866 = vector.shape_cast %get3A_865 : vector<1x1x16xf32> to vector<16xf32>
      %get3A_867 = arith.constant 2 : i32
      %get3A_868 = arith.index_cast %scan3A_771 : i32 to index
      %get3A_869 = arith.index_cast %get3A_867 : i32 to index
      %get3A_870 = arith.constant 12 : index
      %get3A_871 = tpu.vector_load %arg6[%get3A_868, %get3A_869, %get3A_870] {strides = array<i32>} : memref<16x28x28xf32, #tpu.memory_space<vmem>>, vector<1x1x16xf32>,
      %get3A_872 = vector.shape_cast %get3A_871 : vector<1x1x16xf32> to vector<16xf32>
      %neg3A_873 = arith.constant 0.000000e+00 : f32
      %neg3A_874 = vector.broadcast %neg3A_873 : f32 to vector<16xf32>
      %neg3A_875 = arith.subf %neg3A_874, %get3A_866 : vector<16xf32>
      %exp3A_876 = math.exp %neg3A_875 : vector<16xf32>
      %add3A_877 = arith.constant 1.000000e+00 : f32
      %add3A_878 = vector.broadcast %add3A_877 : f32 to vector<16xf32>
      %add3A_879 = arith.addf %add3A_878, %exp3A_876 : vector<16xf32>
      %div3A_880 = arith.constant 1.000000e+00 : f32
      %div3A_881 = vector.broadcast %div3A_880 : f32 to vector<16xf32>
      %div3A_882 = arith.divf %div3A_881, %add3A_879 : vector<16xf32>
      %swap3A_883 = arith.constant 2 : i32
      %swap3A_884 = arith.index_cast %scan3A_771 : i32 to index
      %swap3A_885 = arith.index_cast %swap3A_883 : i32 to index
      %swap3A_886 = arith.constant 0 : index
      %swap3A_887 = tpu.vector_load %arg6[%swap3A_884, %swap3A_885, %swap3A_886] {strides = array<i32>} : memref<16x28x28xf32, #tpu.memory_space<vmem>>, vector<1x1x16xf32>,
      %swap3A_888 = vector.shape_cast %swap3A_887 : vector<1x1x16xf32> to vector<16xf32>
      %swap3A_889 = vector.shape_cast %div3A_882 : vector<16xf32> to vector<1x1x16xf32>
      tpu.vector_store %arg6[%swap3A_884, %swap3A_885, %swap3A_886], %swap3A_889 {strides = array<i32>} : memref<16x28x28xf32, #tpu.memory_space<vmem>>, vector<1x1x16xf32>,
      %neg3A_890 = arith.constant 0.000000e+00 : f32
      %neg3A_891 = vector.broadcast %neg3A_890 : f32 to vector<16xf32>
      %neg3A_892 = arith.subf %neg3A_891, %get3A_872 : vector<16xf32>
      %exp3A_893 = math.exp %neg3A_892 : vector<16xf32>
      %add3A_894 = arith.constant 1.000000e+00 : f32
      %add3A_895 = vector.broadcast %add3A_894 : f32 to vector<16xf32>
      %add3A_896 = arith.addf %add3A_895, %exp3A_893 : vector<16xf32>
      %div3A_897 = arith.constant 1.000000e+00 : f32
      %div3A_898 = vector.broadcast %div3A_897 : f32 to vector<16xf32>
      %div3A_899 = arith.divf %div3A_898, %add3A_896 : vector<16xf32>
      %swap3A_900 = arith.constant 2 : i32
      %swap3A_901 = arith.index_cast %scan3A_771 : i32 to index
      %swap3A_902 = arith.index_cast %swap3A_900 : i32 to index
      %swap3A_903 = arith.constant 12 : index
      %swap3A_904 = tpu.vector_load %arg6[%swap3A_901, %swap3A_902, %swap3A_903] {strides = array<i32>} : memref<16x28x28xf32, #tpu.memory_space<vmem>>, vector<1x1x16xf32>,
      %swap3A_905 = vector.shape_cast %swap3A_904 : vector<1x1x16xf32> to vector<16xf32>
      %swap3A_906 = vector.shape_cast %div3A_899 : vector<16xf32> to vector<1x1x16xf32>
      tpu.vector_store %arg6[%swap3A_901, %swap3A_902, %swap3A_903], %swap3A_906 {strides = array<i32>} : memref<16x28x28xf32, #tpu.memory_space<vmem>>, vector<1x1x16xf32>,
      %get3A_907 = arith.constant 3 : i32
      %get3A_908 = arith.index_cast %scan3A_771 : i32 to index
      %get3A_909 = arith.index_cast %get3A_907 : i32 to index
      %get3A_910 = arith.constant 0 : index
      %get3A_911 = tpu.vector_load %arg6[%get3A_908, %get3A_909, %get3A_910] {strides = array<i32>} : memref<16x28x28xf32, #tpu.memory_space<vmem>>, vector<1x1x16xf32>,
      %get3A_912 = vector.shape_cast %get3A_911 : vector<1x1x16xf32> to vector<16xf32>
      %get3A_913 = arith.constant 3 : i32
      %get3A_914 = arith.index_cast %scan3A_771 : i32 to index
      %get3A_915 = arith.index_cast %get3A_913 : i32 to index
      %get3A_916 = arith.constant 12 : index
      %get3A_917 = tpu.vector_load %arg6[%get3A_914, %get3A_915, %get3A_916] {strides = array<i32>} : memref<16x28x28xf32, #tpu.memory_space<vmem>>, vector<1x1x16xf32>,
      %get3A_918 = vector.shape_cast %get3A_917 : vector<1x1x16xf32> to vector<16xf32>
      %neg3A_919 = arith.constant 0.000000e+00 : f32
      %neg3A_920 = vector.broadcast %neg3A_919 : f32 to vector<16xf32>
      %neg3A_921 = arith.subf %neg3A_920, %get3A_912 : vector<16xf32>
      %exp3A_922 = math.exp %neg3A_921 : vector<16xf32>
      %add3A_923 = arith.constant 1.000000e+00 : f32
      %add3A_924 = vector.broadcast %add3A_923 : f32 to vector<16xf32>
      %add3A_925 = arith.addf %add3A_924, %exp3A_922 : vector<16xf32>
      %div3A_926 = arith.constant 1.000000e+00 : f32
      %div3A_927 = vector.broadcast %div3A_926 : f32 to vector<16xf32>
      %div3A_928 = arith.divf %div3A_927, %add3A_925 : vector<16xf32>
      %swap3A_929 = arith.constant 3 : i32
      %swap3A_930 = arith.index_cast %scan3A_771 : i32 to index
      %swap3A_931 = arith.index_cast %swap3A_929 : i32 to index
      %swap3A_932 = arith.constant 0 : index
      %swap3A_933 = tpu.vector_load %arg6[%swap3A_930, %swap3A_931, %swap3A_932] {strides = array<i32>} : memref<16x28x28xf32, #tpu.memory_space<vmem>>, vector<1x1x16xf32>,
      %swap3A_934 = vector.shape_cast %swap3A_933 : vector<1x1x16xf32> to vector<16xf32>
      %swap3A_935 = vector.shape_cast %div3A_928 : vector<16xf32> to vector<1x1x16xf32>
      tpu.vector_store %arg6[%swap3A_930, %swap3A_931, %swap3A_932], %swap3A_935 {strides = array<i32>} : memref<16x28x28xf32, #tpu.memory_space<vmem>>, vector<1x1x16xf32>,
      %neg3A_936 = arith.constant 0.000000e+00 : f32
      %neg3A_937 = vector.broadcast %neg3A_936 : f32 to vector<16xf32>
      %neg3A_938 = arith.subf %neg3A_937, %get3A_918 : vector<16xf32>
      %exp3A_939 = math.exp %neg3A_938 : vector<16xf32>
      %add3A_940 = arith.constant 1.000000e+00 : f32
      %add3A_941 = vector.broadcast %add3A_940 : f32 to vector<16xf32>
      %add3A_942 = arith.addf %add3A_941, %exp3A_939 : vector<16xf32>
      %div3A_943 = arith.constant 1.000000e+00 : f32
      %div3A_944 = vector.broadcast %div3A_943 : f32 to vector<16xf32>
      %div3A_945 = arith.divf %div3A_944, %add3A_942 : vector<16xf32>
      %swap3A_946 = arith.constant 3 : i32
      %swap3A_947 = arith.index_cast %scan3A_771 : i32 to index
      %swap3A_948 = arith.index_cast %swap3A_946 : i32 to index
      %swap3A_949 = arith.constant 12 : index
      %swap3A_950 = tpu.vector_load %arg6[%swap3A_947, %swap3A_948, %swap3A_949] {strides = array<i32>} : memref<16x28x28xf32, #tpu.memory_space<vmem>>, vector<1x1x16xf32>,
      %swap3A_951 = vector.shape_cast %swap3A_950 : vector<1x1x16xf32> to vector<16xf32>
      %swap3A_952 = vector.shape_cast %div3A_945 : vector<16xf32> to vector<1x1x16xf32>
      tpu.vector_store %arg6[%swap3A_947, %swap3A_948, %swap3A_949], %swap3A_952 {strides = array<i32>} : memref<16x28x28xf32, #tpu.memory_space<vmem>>, vector<1x1x16xf32>,
      %get3A_953 = arith.constant 4 : i32
      %get3A_954 = arith.index_cast %scan3A_771 : i32 to index
      %get3A_955 = arith.index_cast %get3A_953 : i32 to index
      %get3A_956 = arith.constant 0 : index
      %get3A_957 = tpu.vector_load %arg6[%get3A_954, %get3A_955, %get3A_956] {strides = array<i32>} : memref<16x28x28xf32, #tpu.memory_space<vmem>>, vector<1x1x16xf32>,
      %get3A_958 = vector.shape_cast %get3A_957 : vector<1x1x16xf32> to vector<16xf32>
      %get3A_959 = arith.constant 4 : i32
      %get3A_960 = arith.index_cast %scan3A_771 : i32 to index
      %get3A_961 = arith.index_cast %get3A_959 : i32 to index
      %get3A_962 = arith.constant 12 : index
      %get3A_963 = tpu.vector_load %arg6[%get3A_960, %get3A_961, %get3A_962] {strides = array<i32>} : memref<16x28x28xf32, #tpu.memory_space<vmem>>, vector<1x1x16xf32>,
      %get3A_964 = vector.shape_cast %get3A_963 : vector<1x1x16xf32> to vector<16xf32>
      %neg3A_965 = arith.constant 0.000000e+00 : f32
      %neg3A_966 = vector.broadcast %neg3A_965 : f32 to vector<16xf32>
      %neg3A_967 = arith.subf %neg3A_966, %get3A_958 : vector<16xf32>
      %exp3A_968 = math.exp %neg3A_967 : vector<16xf32>
      %add3A_969 = arith.constant 1.000000e+00 : f32
      %add3A_970 = vector.broadcast %add3A_969 : f32 to vector<16xf32>
      %add3A_971 = arith.addf %add3A_970, %exp3A_968 : vector<16xf32>
      %div3A_972 = arith.constant 1.000000e+00 : f32
      %div3A_973 = vector.broadcast %div3A_972 : f32 to vector<16xf32>
      %div3A_974 = arith.divf %div3A_973, %add3A_971 : vector<16xf32>
      %swap3A_975 = arith.constant 4 : i32
      %swap3A_976 = arith.index_cast %scan3A_771 : i32 to index
      %swap3A_977 = arith.index_cast %swap3A_975 : i32 to index
      %swap3A_978 = arith.constant 0 : index
      %swap3A_979 = tpu.vector_load %arg6[%swap3A_976, %swap3A_977, %swap3A_978] {strides = array<i32>} : memref<16x28x28xf32, #tpu.memory_space<vmem>>, vector<1x1x16xf32>,
      %swap3A_980 = vector.shape_cast %swap3A_979 : vector<1x1x16xf32> to vector<16xf32>
      %swap3A_981 = vector.shape_cast %div3A_974 : vector<16xf32> to vector<1x1x16xf32>
      tpu.vector_store %arg6[%swap3A_976, %swap3A_977, %swap3A_978], %swap3A_981 {strides = array<i32>} : memref<16x28x28xf32, #tpu.memory_space<vmem>>, vector<1x1x16xf32>,
      %neg3A_982 = arith.constant 0.000000e+00 : f32
      %neg3A_983 = vector.broadcast %neg3A_982 : f32 to vector<16xf32>
      %neg3A_984 = arith.subf %neg3A_983, %get3A_964 : vector<16xf32>
      %exp3A_985 = math.exp %neg3A_984 : vector<16xf32>
      %add3A_986 = arith.constant 1.000000e+00 : f32
      %add3A_987 = vector.broadcast %add3A_986 : f32 to vector<16xf32>
      %add3A_988 = arith.addf %add3A_987, %exp3A_985 : vector<16xf32>
      %div3A_989 = arith.constant 1.000000e+00 : f32
      %div3A_990 = vector.broadcast %div3A_989 : f32 to vector<16xf32>
      %div3A_991 = arith.divf %div3A_990, %add3A_988 : vector<16xf32>
      %swap3A_992 = arith.constant 4 : i32
      %swap3A_993 = arith.index_cast %scan3A_771 : i32 to index
      %swap3A_994 = arith.index_cast %swap3A_992 : i32 to index
      %swap3A_995 = arith.constant 12 : index
      %swap3A_996 = tpu.vector_load %arg6[%swap3A_993, %swap3A_994, %swap3A_995] {strides = array<i32>} : memref<16x28x28xf32, #tpu.memory_space<vmem>>, vector<1x1x16xf32>,
      %swap3A_997 = vector.shape_cast %swap3A_996 : vector<1x1x16xf32> to vector<16xf32>
      %swap3A_998 = vector.shape_cast %div3A_991 : vector<16xf32> to vector<1x1x16xf32>
      tpu.vector_store %arg6[%swap3A_993, %swap3A_994, %swap3A_995], %swap3A_998 {strides = array<i32>} : memref<16x28x28xf32, #tpu.memory_space<vmem>>, vector<1x1x16xf32>,
      %get3A_999 = arith.constant 5 : i32
      %get3A_1000 = arith.index_cast %scan3A_771 : i32 to index
      %get3A_1001 = arith.index_cast %get3A_999 : i32 to index
      %get3A_1002 = arith.constant 0 : index
      %get3A_1003 = tpu.vector_load %arg6[%get3A_1000, %get3A_1001, %get3A_1002] {strides = array<i32>} : memref<16x28x28xf32, #tpu.memory_space<vmem>>, vector<1x1x16xf32>,
      %get3A_1004 = vector.shape_cast %get3A_1003 : vector<1x1x16xf32> to vector<16xf32>
      %get3A_1005 = arith.constant 5 : i32
      %get3A_1006 = arith.index_cast %scan3A_771 : i32 to index
      %get3A_1007 = arith.index_cast %get3A_1005 : i32 to index
      %get3A_1008 = arith.constant 12 : index
      %get3A_1009 = tpu.vector_load %arg6[%get3A_1006, %get3A_1007, %get3A_1008] {strides = array<i32>} : memref<16x28x28xf32, #tpu.memory_space<vmem>>, vector<1x1x16xf32>,
      %get3A_1010 = vector.shape_cast %get3A_1009 : vector<1x1x16xf32> to vector<16xf32>
      %neg3A_1011 = arith.constant 0.000000e+00 : f32
      %neg3A_1012 = vector.broadcast %neg3A_1011 : f32 to vector<16xf32>
      %neg3A_1013 = arith.subf %neg3A_1012, %get3A_1004 : vector<16xf32>
      %exp3A_1014 = math.exp %neg3A_1013 : vector<16xf32>
      %add3A_1015 = arith.constant 1.000000e+00 : f32
      %add3A_1016 = vector.broadcast %add3A_1015 : f32 to vector<16xf32>
      %add3A_1017 = arith.addf %add3A_1016, %exp3A_1014 : vector<16xf32>
      %div3A_1018 = arith.constant 1.000000e+00 : f32
      %div3A_1019 = vector.broadcast %div3A_1018 : f32 to vector<16xf32>
      %div3A_1020 = arith.divf %div3A_1019, %add3A_1017 : vector<16xf32>
      %swap3A_1021 = arith.constant 5 : i32
      %swap3A_1022 = arith.index_cast %scan3A_771 : i32 to index
      %swap3A_1023 = arith.index_cast %swap3A_1021 : i32 to index
      %swap3A_1024 = arith.constant 0 : index
      %swap3A_1025 = tpu.vector_load %arg6[%swap3A_1022, %swap3A_1023, %swap3A_1024] {strides = array<i32>} : memref<16x28x28xf32, #tpu.memory_space<vmem>>, vector<1x1x16xf32>,
      %swap3A_1026 = vector.shape_cast %swap3A_1025 : vector<1x1x16xf32> to vector<16xf32>
      %swap3A_1027 = vector.shape_cast %div3A_1020 : vector<16xf32> to vector<1x1x16xf32>
      tpu.vector_store %arg6[%swap3A_1022, %swap3A_1023, %swap3A_1024], %swap3A_1027 {strides = array<i32>} : memref<16x28x28xf32, #tpu.memory_space<vmem>>, vector<1x1x16xf32>,
      %neg3A_1028 = arith.constant 0.000000e+00 : f32
      %neg3A_1029 = vector.broadcast %neg3A_1028 : f32 to vector<16xf32>
      %neg3A_1030 = arith.subf %neg3A_1029, %get3A_1010 : vector<16xf32>
      %exp3A_1031 = math.exp %neg3A_1030 : vector<16xf32>
      %add3A_1032 = arith.constant 1.000000e+00 : f32
      %add3A_1033 = vector.broadcast %add3A_1032 : f32 to vector<16xf32>
      %add3A_1034 = arith.addf %add3A_1033, %exp3A_1031 : vector<16xf32>
      %div3A_1035 = arith.constant 1.000000e+00 : f32
      %div3A_1036 = vector.broadcast %div3A_1035 : f32 to vector<16xf32>
      %div3A_1037 = arith.divf %div3A_1036, %add3A_1034 : vector<16xf32>
      %swap3A_1038 = arith.constant 5 : i32
      %swap3A_1039 = arith.index_cast %scan3A_771 : i32 to index
      %swap3A_1040 = arith.index_cast %swap3A_1038 : i32 to index
      %swap3A_1041 = arith.constant 12 : index
      %swap3A_1042 = tpu.vector_load %arg6[%swap3A_1039, %swap3A_1040, %swap3A_1041] {strides = array<i32>} : memref<16x28x28xf32, #tpu.memory_space<vmem>>, vector<1x1x16xf32>,
      %swap3A_1043 = vector.shape_cast %swap3A_1042 : vector<1x1x16xf32> to vector<16xf32>
      %swap3A_1044 = vector.shape_cast %div3A_1037 : vector<16xf32> to vector<1x1x16xf32>
      tpu.vector_store %arg6[%swap3A_1039, %swap3A_1040, %swap3A_1041], %swap3A_1044 {strides = array<i32>} : memref<16x28x28xf32, #tpu.memory_space<vmem>>, vector<1x1x16xf32>,
      %get3A_1045 = arith.constant 6 : i32
      %get3A_1046 = arith.index_cast %scan3A_771 : i32 to index
      %get3A_1047 = arith.index_cast %get3A_1045 : i32 to index
      %get3A_1048 = arith.constant 0 : index
      %get3A_1049 = tpu.vector_load %arg6[%get3A_1046, %get3A_1047, %get3A_1048] {strides = array<i32>} : memref<16x28x28xf32, #tpu.memory_space<vmem>>, vector<1x1x16xf32>,
      %get3A_1050 = vector.shape_cast %get3A_1049 : vector<1x1x16xf32> to vector<16xf32>
      %get3A_1051 = arith.constant 6 : i32
      %get3A_1052 = arith.index_cast %scan3A_771 : i32 to index
      %get3A_1053 = arith.index_cast %get3A_1051 : i32 to index
      %get3A_1054 = arith.constant 12 : index
      %get3A_1055 = tpu.vector_load %arg6[%get3A_1052, %get3A_1053, %get3A_1054] {strides = array<i32>} : memref<16x28x28xf32, #tpu.memory_space<vmem>>, vector<1x1x16xf32>,
      %get3A_1056 = vector.shape_cast %get3A_1055 : vector<1x1x16xf32> to vector<16xf32>
      %neg3A_1057 = arith.constant 0.000000e+00 : f32
      %neg3A_1058 = vector.broadcast %neg3A_1057 : f32 to vector<16xf32>
      %neg3A_1059 = arith.subf %neg3A_1058, %get3A_1050 : vector<16xf32>
      %exp3A_1060 = math.exp %neg3A_1059 : vector<16xf32>
      %add3A_1061 = arith.constant 1.000000e+00 : f32
      %add3A_1062 = vector.broadcast %add3A_1061 : f32 to vector<16xf32>
      %add3A_1063 = arith.addf %add3A_1062, %exp3A_1060 : vector<16xf32>
      %div3A_1064 = arith.constant 1.000000e+00 : f32
      %div3A_1065 = vector.broadcast %div3A_1064 : f32 to vector<16xf32>
      %div3A_1066 = arith.divf %div3A_1065, %add3A_1063 : vector<16xf32>
      %swap3A_1067 = arith.constant 6 : i32
      %swap3A_1068 = arith.index_cast %scan3A_771 : i32 to index
      %swap3A_1069 = arith.index_cast %swap3A_1067 : i32 to index
      %swap3A_1070 = arith.constant 0 : index
      %swap3A_1071 = tpu.vector_load %arg6[%swap3A_1068, %swap3A_1069, %swap3A_1070] {strides = array<i32>} : memref<16x28x28xf32, #tpu.memory_space<vmem>>, vector<1x1x16xf32>,
      %swap3A_1072 = vector.shape_cast %swap3A_1071 : vector<1x1x16xf32> to vector<16xf32>
      %swap3A_1073 = vector.shape_cast %div3A_1066 : vector<16xf32> to vector<1x1x16xf32>
      tpu.vector_store %arg6[%swap3A_1068, %swap3A_1069, %swap3A_1070], %swap3A_1073 {strides = array<i32>} : memref<16x28x28xf32, #tpu.memory_space<vmem>>, vector<1x1x16xf32>,
      %neg3A_1074 = arith.constant 0.000000e+00 : f32
      %neg3A_1075 = vector.broadcast %neg3A_1074 : f32 to vector<16xf32>
      %neg3A_1076 = arith.subf %neg3A_1075, %get3A_1056 : vector<16xf32>
      %exp3A_1077 = math.exp %neg3A_1076 : vector<16xf32>
      %add3A_1078 = arith.constant 1.000000e+00 : f32
      %add3A_1079 = vector.broadcast %add3A_1078 : f32 to vector<16xf32>
      %add3A_1080 = arith.addf %add3A_1079, %exp3A_1077 : vector<16xf32>
      %div3A_1081 = arith.constant 1.000000e+00 : f32
      %div3A_1082 = vector.broadcast %div3A_1081 : f32 to vector<16xf32>
      %div3A_1083 = arith.divf %div3A_1082, %add3A_1080 : vector<16xf32>
      %swap3A_1084 = arith.constant 6 : i32
      %swap3A_1085 = arith.index_cast %scan3A_771 : i32 to index
      %swap3A_1086 = arith.index_cast %swap3A_1084 : i32 to index
      %swap3A_1087 = arith.constant 12 : index
      %swap3A_1088 = tpu.vector_load %arg6[%swap3A_1085, %swap3A_1086, %swap3A_1087] {strides = array<i32>} : memref<16x28x28xf32, #tpu.memory_space<vmem>>, vector<1x1x16xf32>,
      %swap3A_1089 = vector.shape_cast %swap3A_1088 : vector<1x1x16xf32> to vector<16xf32>
      %swap3A_1090 = vector.shape_cast %div3A_1083 : vector<16xf32> to vector<1x1x16xf32>
      tpu.vector_store %arg6[%swap3A_1085, %swap3A_1086, %swap3A_1087], %swap3A_1090 {strides = array<i32>} : memref<16x28x28xf32, #tpu.memory_space<vmem>>, vector<1x1x16xf32>,
      %get3A_1091 = arith.constant 7 : i32
      %get3A_1092 = arith.index_cast %scan3A_771 : i32 to index
      %get3A_1093 = arith.index_cast %get3A_1091 : i32 to index
      %get3A_1094 = arith.constant 0 : index
      %get3A_1095 = tpu.vector_load %arg6[%get3A_1092, %get3A_1093, %get3A_1094] {strides = array<i32>} : memref<16x28x28xf32, #tpu.memory_space<vmem>>, vector<1x1x16xf32>,
      %get3A_1096 = vector.shape_cast %get3A_1095 : vector<1x1x16xf32> to vector<16xf32>
      %get3A_1097 = arith.constant 7 : i32
      %get3A_1098 = arith.index_cast %scan3A_771 : i32 to index
      %get3A_1099 = arith.index_cast %get3A_1097 : i32 to index
      %get3A_1100 = arith.constant 12 : index
      %get3A_1101 = tpu.vector_load %arg6[%get3A_1098, %get3A_1099, %get3A_1100] {strides = array<i32>} : memref<16x28x28xf32, #tpu.memory_space<vmem>>, vector<1x1x16xf32>,
      %get3A_1102 = vector.shape_cast %get3A_1101 : vector<1x1x16xf32> to vector<16xf32>
      %neg3A_1103 = arith.constant 0.000000e+00 : f32
      %neg3A_1104 = vector.broadcast %neg3A_1103 : f32 to vector<16xf32>
      %neg3A_1105 = arith.subf %neg3A_1104, %get3A_1096 : vector<16xf32>
      %exp3A_1106 = math.exp %neg3A_1105 : vector<16xf32>
      %add3A_1107 = arith.constant 1.000000e+00 : f32
      %add3A_1108 = vector.broadcast %add3A_1107 : f32 to vector<16xf32>
      %add3A_1109 = arith.addf %add3A_1108, %exp3A_1106 : vector<16xf32>
      %div3A_1110 = arith.constant 1.000000e+00 : f32
      %div3A_1111 = vector.broadcast %div3A_1110 : f32 to vector<16xf32>
      %div3A_1112 = arith.divf %div3A_1111, %add3A_1109 : vector<16xf32>
      %swap3A_1113 = arith.constant 7 : i32
      %swap3A_1114 = arith.index_cast %scan3A_771 : i32 to index
      %swap3A_1115 = arith.index_cast %swap3A_1113 : i32 to index
      %swap3A_1116 = arith.constant 0 : index
      %swap3A_1117 = tpu.vector_load %arg6[%swap3A_1114, %swap3A_1115, %swap3A_1116] {strides = array<i32>} : memref<16x28x28xf32, #tpu.memory_space<vmem>>, vector<1x1x16xf32>,
      %swap3A_1118 = vector.shape_cast %swap3A_1117 : vector<1x1x16xf32> to vector<16xf32>
      %swap3A_1119 = vector.shape_cast %div3A_1112 : vector<16xf32> to vector<1x1x16xf32>
      tpu.vector_store %arg6[%swap3A_1114, %swap3A_1115, %swap3A_1116], %swap3A_1119 {strides = array<i32>} : memref<16x28x28xf32, #tpu.memory_space<vmem>>, vector<1x1x16xf32>,
      %neg3A_1120 = arith.constant 0.000000e+00 : f32
      %neg3A_1121 = vector.broadcast %neg3A_1120 : f32 to vector<16xf32>
      %neg3A_1122 = arith.subf %neg3A_1121, %get3A_1102 : vector<16xf32>
      %exp3A_1123 = math.exp %neg3A_1122 : vector<16xf32>
      %add3A_1124 = arith.constant 1.000000e+00 : f32
      %add3A_1125 = vector.broadcast %add3A_1124 : f32 to vector<16xf32>
      %add3A_1126 = arith.addf %add3A_1125, %exp3A_1123 : vector<16xf32>
      %div3A_1127 = arith.constant 1.000000e+00 : f32
      %div3A_1128 = vector.broadcast %div3A_1127 : f32 to vector<16xf32>
      %div3A_1129 = arith.divf %div3A_1128, %add3A_1126 : vector<16xf32>
      %swap3A_1130 = arith.constant 7 : i32
      %swap3A_1131 = arith.index_cast %scan3A_771 : i32 to index
      %swap3A_1132 = arith.index_cast %swap3A_1130 : i32 to index
      %swap3A_1133 = arith.constant 12 : index
      %swap3A_1134 = tpu.vector_load %arg6[%swap3A_1131, %swap3A_1132, %swap3A_1133] {strides = array<i32>} : memref<16x28x28xf32, #tpu.memory_space<vmem>>, vector<1x1x16xf32>,
      %swap3A_1135 = vector.shape_cast %swap3A_1134 : vector<1x1x16xf32> to vector<16xf32>
      %swap3A_1136 = vector.shape_cast %div3A_1129 : vector<16xf32> to vector<1x1x16xf32>
      tpu.vector_store %arg6[%swap3A_1131, %swap3A_1132, %swap3A_1133], %swap3A_1136 {strides = array<i32>} : memref<16x28x28xf32, #tpu.memory_space<vmem>>, vector<1x1x16xf32>,
      %get3A_1137 = arith.constant 8 : i32
      %get3A_1138 = arith.index_cast %scan3A_771 : i32 to index
      %get3A_1139 = arith.index_cast %get3A_1137 : i32 to index
      %get3A_1140 = arith.constant 0 : index
      %get3A_1141 = tpu.vector_load %arg6[%get3A_1138, %get3A_1139, %get3A_1140] {strides = array<i32>} : memref<16x28x28xf32, #tpu.memory_space<vmem>>, vector<1x1x16xf32>,
      %get3A_1142 = vector.shape_cast %get3A_1141 : vector<1x1x16xf32> to vector<16xf32>
      %get3A_1143 = arith.constant 8 : i32
      %get3A_1144 = arith.index_cast %scan3A_771 : i32 to index
      %get3A_1145 = arith.index_cast %get3A_1143 : i32 to index
      %get3A_1146 = arith.constant 12 : index
      %get3A_1147 = tpu.vector_load %arg6[%get3A_1144, %get3A_1145, %get3A_1146] {strides = array<i32>} : memref<16x28x28xf32, #tpu.memory_space<vmem>>, vector<1x1x16xf32>,
      %get3A_1148 = vector.shape_cast %get3A_1147 : vector<1x1x16xf32> to vector<16xf32>
      %neg3A_1149 = arith.constant 0.000000e+00 : f32
      %neg3A_1150 = vector.broadcast %neg3A_1149 : f32 to vector<16xf32>
      %neg3A_1151 = arith.subf %neg3A_1150, %get3A_1142 : vector<16xf32>
      %exp3A_1152 = math.exp %neg3A_1151 : vector<16xf32>
      %add3A_1153 = arith.constant 1.000000e+00 : f32
      %add3A_1154 = vector.broadcast %add3A_1153 : f32 to vector<16xf32>
      %add3A_1155 = arith.addf %add3A_1154, %exp3A_1152 : vector<16xf32>
      %div3A_1156 = arith.constant 1.000000e+00 : f32
      %div3A_1157 = vector.broadcast %div3A_1156 : f32 to vector<16xf32>
      %div3A_1158 = arith.divf %div3A_1157, %add3A_1155 : vector<16xf32>
      %swap3A_1159 = arith.constant 8 : i32
      %swap3A_1160 = arith.index_cast %scan3A_771 : i32 to index
      %swap3A_1161 = arith.index_cast %swap3A_1159 : i32 to index
      %swap3A_1162 = arith.constant 0 : index
      %swap3A_1163 = tpu.vector_load %arg6[%swap3A_1160, %swap3A_1161, %swap3A_1162] {strides = array<i32>} : memref<16x28x28xf32, #tpu.memory_space<vmem>>, vector<1x1x16xf32>,
      %swap3A_1164 = vector.shape_cast %swap3A_1163 : vector<1x1x16xf32> to vector<16xf32>
      %swap3A_1165 = vector.shape_cast %div3A_1158 : vector<16xf32> to vector<1x1x16xf32>
      tpu.vector_store %arg6[%swap3A_1160, %swap3A_1161, %swap3A_1162], %swap3A_1165 {strides = array<i32>} : memref<16x28x28xf32, #tpu.memory_space<vmem>>, vector<1x1x16xf32>,
      %neg3A_1166 = arith.constant 0.000000e+00 : f32
      %neg3A_1167 = vector.broadcast %neg3A_1166 : f32 to vector<16xf32>
      %neg3A_1168 = arith.subf %neg3A_1167, %get3A_1148 : vector<16xf32>
      %exp3A_1169 = math.exp %neg3A_1168 : vector<16xf32>
      %add3A_1170 = arith.constant 1.000000e+00 : f32
      %add3A_1171 = vector.broadcast %add3A_1170 : f32 to vector<16xf32>
      %add3A_1172 = arith.addf %add3A_1171, %exp3A_1169 : vector<16xf32>
      %div3A_1173 = arith.constant 1.000000e+00 : f32
      %div3A_1174 = vector.broadcast %div3A_1173 : f32 to vector<16xf32>
      %div3A_1175 = arith.divf %div3A_1174, %add3A_1172 : vector<16xf32>
      %swap3A_1176 = arith.constant 8 : i32
      %swap3A_1177 = arith.index_cast %scan3A_771 : i32 to index
      %swap3A_1178 = arith.index_cast %swap3A_1176 : i32 to index
      %swap3A_1179 = arith.constant 12 : index
      %swap3A_1180 = tpu.vector_load %arg6[%swap3A_1177, %swap3A_1178, %swap3A_1179] {strides = array<i32>} : memref<16x28x28xf32, #tpu.memory_space<vmem>>, vector<1x1x16xf32>,
      %swap3A_1181 = vector.shape_cast %swap3A_1180 : vector<1x1x16xf32> to vector<16xf32>
      %swap3A_1182 = vector.shape_cast %div3A_1175 : vector<16xf32> to vector<1x1x16xf32>
      tpu.vector_store %arg6[%swap3A_1177, %swap3A_1178, %swap3A_1179], %swap3A_1182 {strides = array<i32>} : memref<16x28x28xf32, #tpu.memory_space<vmem>>, vector<1x1x16xf32>,
      %get3A_1183 = arith.constant 9 : i32
      %get3A_1184 = arith.index_cast %scan3A_771 : i32 to index
      %get3A_1185 = arith.index_cast %get3A_1183 : i32 to index
      %get3A_1186 = arith.constant 0 : index
      %get3A_1187 = tpu.vector_load %arg6[%get3A_1184, %get3A_1185, %get3A_1186] {strides = array<i32>} : memref<16x28x28xf32, #tpu.memory_space<vmem>>, vector<1x1x16xf32>,
      %get3A_1188 = vector.shape_cast %get3A_1187 : vector<1x1x16xf32> to vector<16xf32>
      %get3A_1189 = arith.constant 9 : i32
      %get3A_1190 = arith.index_cast %scan3A_771 : i32 to index
      %get3A_1191 = arith.index_cast %get3A_1189 : i32 to index
      %get3A_1192 = arith.constant 12 : index
      %get3A_1193 = tpu.vector_load %arg6[%get3A_1190, %get3A_1191, %get3A_1192] {strides = array<i32>} : memref<16x28x28xf32, #tpu.memory_space<vmem>>, vector<1x1x16xf32>,
      %get3A_1194 = vector.shape_cast %get3A_1193 : vector<1x1x16xf32> to vector<16xf32>
      %neg3A_1195 = arith.constant 0.000000e+00 : f32
      %neg3A_1196 = vector.broadcast %neg3A_1195 : f32 to vector<16xf32>
      %neg3A_1197 = arith.subf %neg3A_1196, %get3A_1188 : vector<16xf32>
      %exp3A_1198 = math.exp %neg3A_1197 : vector<16xf32>
      %add3A_1199 = arith.constant 1.000000e+00 : f32
      %add3A_1200 = vector.broadcast %add3A_1199 : f32 to vector<16xf32>
      %add3A_1201 = arith.addf %add3A_1200, %exp3A_1198 : vector<16xf32>
      %div3A_1202 = arith.constant 1.000000e+00 : f32
      %div3A_1203 = vector.broadcast %div3A_1202 : f32 to vector<16xf32>
      %div3A_1204 = arith.divf %div3A_1203, %add3A_1201 : vector<16xf32>
      %swap3A_1205 = arith.constant 9 : i32
      %swap3A_1206 = arith.index_cast %scan3A_771 : i32 to index
      %swap3A_1207 = arith.index_cast %swap3A_1205 : i32 to index
      %swap3A_1208 = arith.constant 0 : index
      %swap3A_1209 = tpu.vector_load %arg6[%swap3A_1206, %swap3A_1207, %swap3A_1208] {strides = array<i32>} : memref<16x28x28xf32, #tpu.memory_space<vmem>>, vector<1x1x16xf32>,
      %swap3A_1210 = vector.shape_cast %swap3A_1209 : vector<1x1x16xf32> to vector<16xf32>
      %swap3A_1211 = vector.shape_cast %div3A_1204 : vector<16xf32> to vector<1x1x16xf32>
      tpu.vector_store %arg6[%swap3A_1206, %swap3A_1207, %swap3A_1208], %swap3A_1211 {strides = array<i32>} : memref<16x28x28xf32, #tpu.memory_space<vmem>>, vector<1x1x16xf32>,
      %neg3A_1212 = arith.constant 0.000000e+00 : f32
      %neg3A_1213 = vector.broadcast %neg3A_1212 : f32 to vector<16xf32>
      %neg3A_1214 = arith.subf %neg3A_1213, %get3A_1194 : vector<16xf32>
      %exp3A_1215 = math.exp %neg3A_1214 : vector<16xf32>
      %add3A_1216 = arith.constant 1.000000e+00 : f32
      %add3A_1217 = vector.broadcast %add3A_1216 : f32 to vector<16xf32>
      %add3A_1218 = arith.addf %add3A_1217, %exp3A_1215 : vector<16xf32>
      %div3A_1219 = arith.constant 1.000000e+00 : f32
      %div3A_1220 = vector.broadcast %div3A_1219 : f32 to vector<16xf32>
      %div3A_1221 = arith.divf %div3A_1220, %add3A_1218 : vector<16xf32>
      %swap3A_1222 = arith.constant 9 : i32
      %swap3A_1223 = arith.index_cast %scan3A_771 : i32 to index
      %swap3A_1224 = arith.index_cast %swap3A_1222 : i32 to index
      %swap3A_1225 = arith.constant 12 : index
      %swap3A_1226 = tpu.vector_load %arg6[%swap3A_1223, %swap3A_1224, %swap3A_1225] {strides = array<i32>} : memref<16x28x28xf32, #tpu.memory_space<vmem>>, vector<1x1x16xf32>,
      %swap3A_1227 = vector.shape_cast %swap3A_1226 : vector<1x1x16xf32> to vector<16xf32>
      %swap3A_1228 = vector.shape_cast %div3A_1221 : vector<16xf32> to vector<1x1x16xf32>
      tpu.vector_store %arg6[%swap3A_1223, %swap3A_1224, %swap3A_1225], %swap3A_1228 {strides = array<i32>} : memref<16x28x28xf32, #tpu.memory_space<vmem>>, vector<1x1x16xf32>,
      %get3A_1229 = arith.constant 10 : i32
      %get3A_1230 = arith.index_cast %scan3A_771 : i32 to index
      %get3A_1231 = arith.index_cast %get3A_1229 : i32 to index
      %get3A_1232 = arith.constant 0 : index
      %get3A_1233 = tpu.vector_load %arg6[%get3A_1230, %get3A_1231, %get3A_1232] {strides = array<i32>} : memref<16x28x28xf32, #tpu.memory_space<vmem>>, vector<1x1x16xf32>,
      %get3A_1234 = vector.shape_cast %get3A_1233 : vector<1x1x16xf32> to vector<16xf32>
      %get3A_1235 = arith.constant 10 : i32
      %get3A_1236 = arith.index_cast %scan3A_771 : i32 to index
      %get3A_1237 = arith.index_cast %get3A_1235 : i32 to index
      %get3A_1238 = arith.constant 12 : index
      %get3A_1239 = tpu.vector_load %arg6[%get3A_1236, %get3A_1237, %get3A_1238] {strides = array<i32>} : memref<16x28x28xf32, #tpu.memory_space<vmem>>, vector<1x1x16xf32>,
      %get3A_1240 = vector.shape_cast %get3A_1239 : vector<1x1x16xf32> to vector<16xf32>
      %neg3A_1241 = arith.constant 0.000000e+00 : f32
      %neg3A_1242 = vector.broadcast %neg3A_1241 : f32 to vector<16xf32>
      %neg3A_1243 = arith.subf %neg3A_1242, %get3A_1234 : vector<16xf32>
      %exp3A_1244 = math.exp %neg3A_1243 : vector<16xf32>
      %add3A_1245 = arith.constant 1.000000e+00 : f32
      %add3A_1246 = vector.broadcast %add3A_1245 : f32 to vector<16xf32>
      %add3A_1247 = arith.addf %add3A_1246, %exp3A_1244 : vector<16xf32>
      %div3A_1248 = arith.constant 1.000000e+00 : f32
      %div3A_1249 = vector.broadcast %div3A_1248 : f32 to vector<16xf32>
      %div3A_1250 = arith.divf %div3A_1249, %add3A_1247 : vector<16xf32>
      %swap3A_1251 = arith.constant 10 : i32
      %swap3A_1252 = arith.index_cast %scan3A_771 : i32 to index
      %swap3A_1253 = arith.index_cast %swap3A_1251 : i32 to index
      %swap3A_1254 = arith.constant 0 : index
      %swap3A_1255 = tpu.vector_load %arg6[%swap3A_1252, %swap3A_1253, %swap3A_1254] {strides = array<i32>} : memref<16x28x28xf32, #tpu.memory_space<vmem>>, vector<1x1x16xf32>,
      %swap3A_1256 = vector.shape_cast %swap3A_1255 : vector<1x1x16xf32> to vector<16xf32>
      %swap3A_1257 = vector.shape_cast %div3A_1250 : vector<16xf32> to vector<1x1x16xf32>
      tpu.vector_store %arg6[%swap3A_1252, %swap3A_1253, %swap3A_1254], %swap3A_1257 {strides = array<i32>} : memref<16x28x28xf32, #tpu.memory_space<vmem>>, vector<1x1x16xf32>,
      %neg3A_1258 = arith.constant 0.000000e+00 : f32
      %neg3A_1259 = vector.broadcast %neg3A_1258 : f32 to vector<16xf32>
      %neg3A_1260 = arith.subf %neg3A_1259, %get3A_1240 : vector<16xf32>
      %exp3A_1261 = math.exp %neg3A_1260 : vector<16xf32>
      %add3A_1262 = arith.constant 1.000000e+00 : f32
      %add3A_1263 = vector.broadcast %add3A_1262 : f32 to vector<16xf32>
      %add3A_1264 = arith.addf %add3A_1263, %exp3A_1261 : vector<16xf32>
      %div3A_1265 = arith.constant 1.000000e+00 : f32
      %div3A_1266 = vector.broadcast %div3A_1265 : f32 to vector<16xf32>
      %div3A_1267 = arith.divf %div3A_1266, %add3A_1264 : vector<16xf32>
      %swap3A_1268 = arith.constant 10 : i32
      %swap3A_1269 = arith.index_cast %scan3A_771 : i32 to index
      %swap3A_1270 = arith.index_cast %swap3A_1268 : i32 to index
      %swap3A_1271 = arith.constant 12 : index
      %swap3A_1272 = tpu.vector_load %arg6[%swap3A_1269, %swap3A_1270, %swap3A_1271] {strides = array<i32>} : memref<16x28x28xf32, #tpu.memory_space<vmem>>, vector<1x1x16xf32>,
      %swap3A_1273 = vector.shape_cast %swap3A_1272 : vector<1x1x16xf32> to vector<16xf32>
      %swap3A_1274 = vector.shape_cast %div3A_1267 : vector<16xf32> to vector<1x1x16xf32>
      tpu.vector_store %arg6[%swap3A_1269, %swap3A_1270, %swap3A_1271], %swap3A_1274 {strides = array<i32>} : memref<16x28x28xf32, #tpu.memory_space<vmem>>, vector<1x1x16xf32>,
      %get3A_1275 = arith.constant 11 : i32
      %get3A_1276 = arith.index_cast %scan3A_771 : i32 to index
      %get3A_1277 = arith.index_cast %get3A_1275 : i32 to index
      %get3A_1278 = arith.constant 0 : index
      %get3A_1279 = tpu.vector_load %arg6[%get3A_1276, %get3A_1277, %get3A_1278] {strides = array<i32>} : memref<16x28x28xf32, #tpu.memory_space<vmem>>, vector<1x1x16xf32>,
      %get3A_1280 = vector.shape_cast %get3A_1279 : vector<1x1x16xf32> to vector<16xf32>
      %get3A_1281 = arith.constant 11 : i32
      %get3A_1282 = arith.index_cast %scan3A_771 : i32 to index
      %get3A_1283 = arith.index_cast %get3A_1281 : i32 to index
      %get3A_1284 = arith.constant 12 : index
      %get3A_1285 = tpu.vector_load %arg6[%get3A_1282, %get3A_1283, %get3A_1284] {strides = array<i32>} : memref<16x28x28xf32, #tpu.memory_space<vmem>>, vector<1x1x16xf32>,
      %get3A_1286 = vector.shape_cast %get3A_1285 : vector<1x1x16xf32> to vector<16xf32>
      %neg3A_1287 = arith.constant 0.000000e+00 : f32
      %neg3A_1288 = vector.broadcast %neg3A_1287 : f32 to vector<16xf32>
      %neg3A_1289 = arith.subf %neg3A_1288, %get3A_1280 : vector<16xf32>
      %exp3A_1290 = math.exp %neg3A_1289 : vector<16xf32>
      %add3A_1291 = arith.constant 1.000000e+00 : f32
      %add3A_1292 = vector.broadcast %add3A_1291 : f32 to vector<16xf32>
      %add3A_1293 = arith.addf %add3A_1292, %exp3A_1290 : vector<16xf32>
      %div3A_1294 = arith.constant 1.000000e+00 : f32
      %div3A_1295 = vector.broadcast %div3A_1294 : f32 to vector<16xf32>
      %div3A_1296 = arith.divf %div3A_1295, %add3A_1293 : vector<16xf32>
      %swap3A_1297 = arith.constant 11 : i32
      %swap3A_1298 = arith.index_cast %scan3A_771 : i32 to index
      %swap3A_1299 = arith.index_cast %swap3A_1297 : i32 to index
      %swap3A_1300 = arith.constant 0 : index
      %swap3A_1301 = tpu.vector_load %arg6[%swap3A_1298, %swap3A_1299, %swap3A_1300] {strides = array<i32>} : memref<16x28x28xf32, #tpu.memory_space<vmem>>, vector<1x1x16xf32>,
      %swap3A_1302 = vector.shape_cast %swap3A_1301 : vector<1x1x16xf32> to vector<16xf32>
      %swap3A_1303 = vector.shape_cast %div3A_1296 : vector<16xf32> to vector<1x1x16xf32>
      tpu.vector_store %arg6[%swap3A_1298, %swap3A_1299, %swap3A_1300], %swap3A_1303 {strides = array<i32>} : memref<16x28x28xf32, #tpu.memory_space<vmem>>, vector<1x1x16xf32>,
      %neg3A_1304 = arith.constant 0.000000e+00 : f32
      %neg3A_1305 = vector.broadcast %neg3A_1304 : f32 to vector<16xf32>
      %neg3A_1306 = arith.subf %neg3A_1305, %get3A_1286 : vector<16xf32>
      %exp3A_1307 = math.exp %neg3A_1306 : vector<16xf32>
      %add3A_1308 = arith.constant 1.000000e+00 : f32
      %add3A_1309 = vector.broadcast %add3A_1308 : f32 to vector<16xf32>
      %add3A_1310 = arith.addf %add3A_1309, %exp3A_1307 : vector<16xf32>
      %div3A_1311 = arith.constant 1.000000e+00 : f32
      %div3A_1312 = vector.broadcast %div3A_1311 : f32 to vector<16xf32>
      %div3A_1313 = arith.divf %div3A_1312, %add3A_1310 : vector<16xf32>
      %swap3A_1314 = arith.constant 11 : i32
      %swap3A_1315 = arith.index_cast %scan3A_771 : i32 to index
      %swap3A_1316 = arith.index_cast %swap3A_1314 : i32 to index
      %swap3A_1317 = arith.constant 12 : index
      %swap3A_1318 = tpu.vector_load %arg6[%swap3A_1315, %swap3A_1316, %swap3A_1317] {strides = array<i32>} : memref<16x28x28xf32, #tpu.memory_space<vmem>>, vector<1x1x16xf32>,
      %swap3A_1319 = vector.shape_cast %swap3A_1318 : vector<1x1x16xf32> to vector<16xf32>
      %swap3A_1320 = vector.shape_cast %div3A_1313 : vector<16xf32> to vector<1x1x16xf32>
      tpu.vector_store %arg6[%swap3A_1315, %swap3A_1316, %swap3A_1317], %swap3A_1320 {strides = array<i32>} : memref<16x28x28xf32, #tpu.memory_space<vmem>>, vector<1x1x16xf32>,
      %get3A_1321 = arith.constant 12 : i32
      %get3A_1322 = arith.index_cast %scan3A_771 : i32 to index
      %get3A_1323 = arith.index_cast %get3A_1321 : i32 to index
      %get3A_1324 = arith.constant 0 : index
      %get3A_1325 = tpu.vector_load %arg6[%get3A_1322, %get3A_1323, %get3A_1324] {strides = array<i32>} : memref<16x28x28xf32, #tpu.memory_space<vmem>>, vector<1x1x16xf32>,
      %get3A_1326 = vector.shape_cast %get3A_1325 : vector<1x1x16xf32> to vector<16xf32>
      %get3A_1327 = arith.constant 12 : i32
      %get3A_1328 = arith.index_cast %scan3A_771 : i32 to index
      %get3A_1329 = arith.index_cast %get3A_1327 : i32 to index
      %get3A_1330 = arith.constant 12 : index
      %get3A_1331 = tpu.vector_load %arg6[%get3A_1328, %get3A_1329, %get3A_1330] {strides = array<i32>} : memref<16x28x28xf32, #tpu.memory_space<vmem>>, vector<1x1x16xf32>,
      %get3A_1332 = vector.shape_cast %get3A_1331 : vector<1x1x16xf32> to vector<16xf32>
      %neg3A_1333 = arith.constant 0.000000e+00 : f32
      %neg3A_1334 = vector.broadcast %neg3A_1333 : f32 to vector<16xf32>
      %neg3A_1335 = arith.subf %neg3A_1334, %get3A_1326 : vector<16xf32>
      %exp3A_1336 = math.exp %neg3A_1335 : vector<16xf32>
      %add3A_1337 = arith.constant 1.000000e+00 : f32
      %add3A_1338 = vector.broadcast %add3A_1337 : f32 to vector<16xf32>
      %add3A_1339 = arith.addf %add3A_1338, %exp3A_1336 : vector<16xf32>
      %div3A_1340 = arith.constant 1.000000e+00 : f32
      %div3A_1341 = vector.broadcast %div3A_1340 : f32 to vector<16xf32>
      %div3A_1342 = arith.divf %div3A_1341, %add3A_1339 : vector<16xf32>
      %swap3A_1343 = arith.constant 12 : i32
      %swap3A_1344 = arith.index_cast %scan3A_771 : i32 to index
      %swap3A_1345 = arith.index_cast %swap3A_1343 : i32 to index
      %swap3A_1346 = arith.constant 0 : index
      %swap3A_1347 = tpu.vector_load %arg6[%swap3A_1344, %swap3A_1345, %swap3A_1346] {strides = array<i32>} : memref<16x28x28xf32, #tpu.memory_space<vmem>>, vector<1x1x16xf32>,
      %swap3A_1348 = vector.shape_cast %swap3A_1347 : vector<1x1x16xf32> to vector<16xf32>
      %swap3A_1349 = vector.shape_cast %div3A_1342 : vector<16xf32> to vector<1x1x16xf32>
      tpu.vector_store %arg6[%swap3A_1344, %swap3A_1345, %swap3A_1346], %swap3A_1349 {strides = array<i32>} : memref<16x28x28xf32, #tpu.memory_space<vmem>>, vector<1x1x16xf32>,
      %neg3A_1350 = arith.constant 0.000000e+00 : f32
      %neg3A_1351 = vector.broadcast %neg3A_1350 : f32 to vector<16xf32>
      %neg3A_1352 = arith.subf %neg3A_1351, %get3A_1332 : vector<16xf32>
      %exp3A_1353 = math.exp %neg3A_1352 : vector<16xf32>
      %add3A_1354 = arith.constant 1.000000e+00 : f32
      %add3A_1355 = vector.broadcast %add3A_1354 : f32 to vector<16xf32>
      %add3A_1356 = arith.addf %add3A_1355, %exp3A_1353 : vector<16xf32>
      %div3A_1357 = arith.constant 1.000000e+00 : f32
      %div3A_1358 = vector.broadcast %div3A_1357 : f32 to vector<16xf32>
      %div3A_1359 = arith.divf %div3A_1358, %add3A_1356 : vector<16xf32>
      %swap3A_1360 = arith.constant 12 : i32
      %swap3A_1361 = arith.index_cast %scan3A_771 : i32 to index
      %swap3A_1362 = arith.index_cast %swap3A_1360 : i32 to index
      %swap3A_1363 = arith.constant 12 : index
      %swap3A_1364 = tpu.vector_load %arg6[%swap3A_1361, %swap3A_1362, %swap3A_1363] {strides = array<i32>} : memref<16x28x28xf32, #tpu.memory_space<vmem>>, vector<1x1x16xf32>,
      %swap3A_1365 = vector.shape_cast %swap3A_1364 : vector<1x1x16xf32> to vector<16xf32>
      %swap3A_1366 = vector.shape_cast %div3A_1359 : vector<16xf32> to vector<1x1x16xf32>
      tpu.vector_store %arg6[%swap3A_1361, %swap3A_1362, %swap3A_1363], %swap3A_1366 {strides = array<i32>} : memref<16x28x28xf32, #tpu.memory_space<vmem>>, vector<1x1x16xf32>,
      %get3A_1367 = arith.constant 13 : i32
      %get3A_1368 = arith.index_cast %scan3A_771 : i32 to index
      %get3A_1369 = arith.index_cast %get3A_1367 : i32 to index
      %get3A_1370 = arith.constant 0 : index
      %get3A_1371 = tpu.vector_load %arg6[%get3A_1368, %get3A_1369, %get3A_1370] {strides = array<i32>} : memref<16x28x28xf32, #tpu.memory_space<vmem>>, vector<1x1x16xf32>,
      %get3A_1372 = vector.shape_cast %get3A_1371 : vector<1x1x16xf32> to vector<16xf32>
      %get3A_1373 = arith.constant 13 : i32
      %get3A_1374 = arith.index_cast %scan3A_771 : i32 to index
      %get3A_1375 = arith.index_cast %get3A_1373 : i32 to index
      %get3A_1376 = arith.constant 12 : index
      %get3A_1377 = tpu.vector_load %arg6[%get3A_1374, %get3A_1375, %get3A_1376] {strides = array<i32>} : memref<16x28x28xf32, #tpu.memory_space<vmem>>, vector<1x1x16xf32>,
      %get3A_1378 = vector.shape_cast %get3A_1377 : vector<1x1x16xf32> to vector<16xf32>
      %neg3A_1379 = arith.constant 0.000000e+00 : f32
      %neg3A_1380 = vector.broadcast %neg3A_1379 : f32 to vector<16xf32>
      %neg3A_1381 = arith.subf %neg3A_1380, %get3A_1372 : vector<16xf32>
      %exp3A_1382 = math.exp %neg3A_1381 : vector<16xf32>
      %add3A_1383 = arith.constant 1.000000e+00 : f32
      %add3A_1384 = vector.broadcast %add3A_1383 : f32 to vector<16xf32>
      %add3A_1385 = arith.addf %add3A_1384, %exp3A_1382 : vector<16xf32>
      %div3A_1386 = arith.constant 1.000000e+00 : f32
      %div3A_1387 = vector.broadcast %div3A_1386 : f32 to vector<16xf32>
      %div3A_1388 = arith.divf %div3A_1387, %add3A_1385 : vector<16xf32>
      %swap3A_1389 = arith.constant 13 : i32
      %swap3A_1390 = arith.index_cast %scan3A_771 : i32 to index
      %swap3A_1391 = arith.index_cast %swap3A_1389 : i32 to index
      %swap3A_1392 = arith.constant 0 : index
      %swap3A_1393 = tpu.vector_load %arg6[%swap3A_1390, %swap3A_1391, %swap3A_1392] {strides = array<i32>} : memref<16x28x28xf32, #tpu.memory_space<vmem>>, vector<1x1x16xf32>,
      %swap3A_1394 = vector.shape_cast %swap3A_1393 : vector<1x1x16xf32> to vector<16xf32>
      %swap3A_1395 = vector.shape_cast %div3A_1388 : vector<16xf32> to vector<1x1x16xf32>
      tpu.vector_store %arg6[%swap3A_1390, %swap3A_1391, %swap3A_1392], %swap3A_1395 {strides = array<i32>} : memref<16x28x28xf32, #tpu.memory_space<vmem>>, vector<1x1x16xf32>,
      %neg3A_1396 = arith.constant 0.000000e+00 : f32
      %neg3A_1397 = vector.broadcast %neg3A_1396 : f32 to vector<16xf32>
      %neg3A_1398 = arith.subf %neg3A_1397, %get3A_1378 : vector<16xf32>
      %exp3A_1399 = math.exp %neg3A_1398 : vector<16xf32>
      %add3A_1400 = arith.constant 1.000000e+00 : f32
      %add3A_1401 = vector.broadcast %add3A_1400 : f32 to vector<16xf32>
      %add3A_1402 = arith.addf %add3A_1401, %exp3A_1399 : vector<16xf32>
      %div3A_1403 = arith.constant 1.000000e+00 : f32
      %div3A_1404 = vector.broadcast %div3A_1403 : f32 to vector<16xf32>
      %div3A_1405 = arith.divf %div3A_1404, %add3A_1402 : vector<16xf32>
      %swap3A_1406 = arith.constant 13 : i32
      %swap3A_1407 = arith.index_cast %scan3A_771 : i32 to index
      %swap3A_1408 = arith.index_cast %swap3A_1406 : i32 to index
      %swap3A_1409 = arith.constant 12 : index
      %swap3A_1410 = tpu.vector_load %arg6[%swap3A_1407, %swap3A_1408, %swap3A_1409] {strides = array<i32>} : memref<16x28x28xf32, #tpu.memory_space<vmem>>, vector<1x1x16xf32>,
      %swap3A_1411 = vector.shape_cast %swap3A_1410 : vector<1x1x16xf32> to vector<16xf32>
      %swap3A_1412 = vector.shape_cast %div3A_1405 : vector<16xf32> to vector<1x1x16xf32>
      tpu.vector_store %arg6[%swap3A_1407, %swap3A_1408, %swap3A_1409], %swap3A_1412 {strides = array<i32>} : memref<16x28x28xf32, #tpu.memory_space<vmem>>, vector<1x1x16xf32>,
      %get3A_1413 = arith.constant 14 : i32
      %get3A_1414 = arith.index_cast %scan3A_771 : i32 to index
      %get3A_1415 = arith.index_cast %get3A_1413 : i32 to index
      %get3A_1416 = arith.constant 0 : index
      %get3A_1417 = tpu.vector_load %arg6[%get3A_1414, %get3A_1415, %get3A_1416] {strides = array<i32>} : memref<16x28x28xf32, #tpu.memory_space<vmem>>, vector<1x1x16xf32>,
      %get3A_1418 = vector.shape_cast %get3A_1417 : vector<1x1x16xf32> to vector<16xf32>
      %get3A_1419 = arith.constant 14 : i32
      %get3A_1420 = arith.index_cast %scan3A_771 : i32 to index
      %get3A_1421 = arith.index_cast %get3A_1419 : i32 to index
      %get3A_1422 = arith.constant 12 : index
      %get3A_1423 = tpu.vector_load %arg6[%get3A_1420, %get3A_1421, %get3A_1422] {strides = array<i32>} : memref<16x28x28xf32, #tpu.memory_space<vmem>>, vector<1x1x16xf32>,
      %get3A_1424 = vector.shape_cast %get3A_1423 : vector<1x1x16xf32> to vector<16xf32>
      %neg3A_1425 = arith.constant 0.000000e+00 : f32
      %neg3A_1426 = vector.broadcast %neg3A_1425 : f32 to vector<16xf32>
      %neg3A_1427 = arith.subf %neg3A_1426, %get3A_1418 : vector<16xf32>
      %exp3A_1428 = math.exp %neg3A_1427 : vector<16xf32>
      %add3A_1429 = arith.constant 1.000000e+00 : f32
      %add3A_1430 = vector.broadcast %add3A_1429 : f32 to vector<16xf32>
      %add3A_1431 = arith.addf %add3A_1430, %exp3A_1428 : vector<16xf32>
      %div3A_1432 = arith.constant 1.000000e+00 : f32
      %div3A_1433 = vector.broadcast %div3A_1432 : f32 to vector<16xf32>
      %div3A_1434 = arith.divf %div3A_1433, %add3A_1431 : vector<16xf32>
      %swap3A_1435 = arith.constant 14 : i32
      %swap3A_1436 = arith.index_cast %scan3A_771 : i32 to index
      %swap3A_1437 = arith.index_cast %swap3A_1435 : i32 to index
      %swap3A_1438 = arith.constant 0 : index
      %swap3A_1439 = tpu.vector_load %arg6[%swap3A_1436, %swap3A_1437, %swap3A_1438] {strides = array<i32>} : memref<16x28x28xf32, #tpu.memory_space<vmem>>, vector<1x1x16xf32>,
      %swap3A_1440 = vector.shape_cast %swap3A_1439 : vector<1x1x16xf32> to vector<16xf32>
      %swap3A_1441 = vector.shape_cast %div3A_1434 : vector<16xf32> to vector<1x1x16xf32>
      tpu.vector_store %arg6[%swap3A_1436, %swap3A_1437, %swap3A_1438], %swap3A_1441 {strides = array<i32>} : memref<16x28x28xf32, #tpu.memory_space<vmem>>, vector<1x1x16xf32>,
      %neg3A_1442 = arith.constant 0.000000e+00 : f32
      %neg3A_1443 = vector.broadcast %neg3A_1442 : f32 to vector<16xf32>
      %neg3A_1444 = arith.subf %neg3A_1443, %get3A_1424 : vector<16xf32>
      %exp3A_1445 = math.exp %neg3A_1444 : vector<16xf32>
      %add3A_1446 = arith.constant 1.000000e+00 : f32
      %add3A_1447 = vector.broadcast %add3A_1446 : f32 to vector<16xf32>
      %add3A_1448 = arith.addf %add3A_1447, %exp3A_1445 : vector<16xf32>
      %div3A_1449 = arith.constant 1.000000e+00 : f32
      %div3A_1450 = vector.broadcast %div3A_1449 : f32 to vector<16xf32>
      %div3A_1451 = arith.divf %div3A_1450, %add3A_1448 : vector<16xf32>
      %swap3A_1452 = arith.constant 14 : i32
      %swap3A_1453 = arith.index_cast %scan3A_771 : i32 to index
      %swap3A_1454 = arith.index_cast %swap3A_1452 : i32 to index
      %swap3A_1455 = arith.constant 12 : index
      %swap3A_1456 = tpu.vector_load %arg6[%swap3A_1453, %swap3A_1454, %swap3A_1455] {strides = array<i32>} : memref<16x28x28xf32, #tpu.memory_space<vmem>>, vector<1x1x16xf32>,
      %swap3A_1457 = vector.shape_cast %swap3A_1456 : vector<1x1x16xf32> to vector<16xf32>
      %swap3A_1458 = vector.shape_cast %div3A_1451 : vector<16xf32> to vector<1x1x16xf32>
      tpu.vector_store %arg6[%swap3A_1453, %swap3A_1454, %swap3A_1455], %swap3A_1458 {strides = array<i32>} : memref<16x28x28xf32, #tpu.memory_space<vmem>>, vector<1x1x16xf32>,
      %get3A_1459 = arith.constant 15 : i32
      %get3A_1460 = arith.index_cast %scan3A_771 : i32 to index
      %get3A_1461 = arith.index_cast %get3A_1459 : i32 to index
      %get3A_1462 = arith.constant 0 : index
      %get3A_1463 = tpu.vector_load %arg6[%get3A_1460, %get3A_1461, %get3A_1462] {strides = array<i32>} : memref<16x28x28xf32, #tpu.memory_space<vmem>>, vector<1x1x16xf32>,
      %get3A_1464 = vector.shape_cast %get3A_1463 : vector<1x1x16xf32> to vector<16xf32>
      %get3A_1465 = arith.constant 15 : i32
      %get3A_1466 = arith.index_cast %scan3A_771 : i32 to index
      %get3A_1467 = arith.index_cast %get3A_1465 : i32 to index
      %get3A_1468 = arith.constant 12 : index
      %get3A_1469 = tpu.vector_load %arg6[%get3A_1466, %get3A_1467, %get3A_1468] {strides = array<i32>} : memref<16x28x28xf32, #tpu.memory_space<vmem>>, vector<1x1x16xf32>,
      %get3A_1470 = vector.shape_cast %get3A_1469 : vector<1x1x16xf32> to vector<16xf32>
      %neg3A_1471 = arith.constant 0.000000e+00 : f32
      %neg3A_1472 = vector.broadcast %neg3A_1471 : f32 to vector<16xf32>
      %neg3A_1473 = arith.subf %neg3A_1472, %get3A_1464 : vector<16xf32>
      %exp3A_1474 = math.exp %neg3A_1473 : vector<16xf32>
      %add3A_1475 = arith.constant 1.000000e+00 : f32
      %add3A_1476 = vector.broadcast %add3A_1475 : f32 to vector<16xf32>
      %add3A_1477 = arith.addf %add3A_1476, %exp3A_1474 : vector<16xf32>
      %div3A_1478 = arith.constant 1.000000e+00 : f32
      %div3A_1479 = vector.broadcast %div3A_1478 : f32 to vector<16xf32>
      %div3A_1480 = arith.divf %div3A_1479, %add3A_1477 : vector<16xf32>
      %swap3A_1481 = arith.constant 15 : i32
      %swap3A_1482 = arith.index_cast %scan3A_771 : i32 to index
      %swap3A_1483 = arith.index_cast %swap3A_1481 : i32 to index
      %swap3A_1484 = arith.constant 0 : index
      %swap3A_1485 = tpu.vector_load %arg6[%swap3A_1482, %swap3A_1483, %swap3A_1484] {strides = array<i32>} : memref<16x28x28xf32, #tpu.memory_space<vmem>>, vector<1x1x16xf32>,
      %swap3A_1486 = vector.shape_cast %swap3A_1485 : vector<1x1x16xf32> to vector<16xf32>
      %swap3A_1487 = vector.shape_cast %div3A_1480 : vector<16xf32> to vector<1x1x16xf32>
      tpu.vector_store %arg6[%swap3A_1482, %swap3A_1483, %swap3A_1484], %swap3A_1487 {strides = array<i32>} : memref<16x28x28xf32, #tpu.memory_space<vmem>>, vector<1x1x16xf32>,
      %neg3A_1488 = arith.constant 0.000000e+00 : f32
      %neg3A_1489 = vector.broadcast %neg3A_1488 : f32 to vector<16xf32>
      %neg3A_1490 = arith.subf %neg3A_1489, %get3A_1470 : vector<16xf32>
      %exp3A_1491 = math.exp %neg3A_1490 : vector<16xf32>
      %add3A_1492 = arith.constant 1.000000e+00 : f32
      %add3A_1493 = vector.broadcast %add3A_1492 : f32 to vector<16xf32>
      %add3A_1494 = arith.addf %add3A_1493, %exp3A_1491 : vector<16xf32>
      %div3A_1495 = arith.constant 1.000000e+00 : f32
      %div3A_1496 = vector.broadcast %div3A_1495 : f32 to vector<16xf32>
      %div3A_1497 = arith.divf %div3A_1496, %add3A_1494 : vector<16xf32>
      %swap3A_1498 = arith.constant 15 : i32
      %swap3A_1499 = arith.index_cast %scan3A_771 : i32 to index
      %swap3A_1500 = arith.index_cast %swap3A_1498 : i32 to index
      %swap3A_1501 = arith.constant 12 : index
      %swap3A_1502 = tpu.vector_load %arg6[%swap3A_1499, %swap3A_1500, %swap3A_1501] {strides = array<i32>} : memref<16x28x28xf32, #tpu.memory_space<vmem>>, vector<1x1x16xf32>,
      %swap3A_1503 = vector.shape_cast %swap3A_1502 : vector<1x1x16xf32> to vector<16xf32>
      %swap3A_1504 = vector.shape_cast %div3A_1497 : vector<16xf32> to vector<1x1x16xf32>
      tpu.vector_store %arg6[%swap3A_1499, %swap3A_1500, %swap3A_1501], %swap3A_1504 {strides = array<i32>} : memref<16x28x28xf32, #tpu.memory_space<vmem>>, vector<1x1x16xf32>,
      %get3A_1505 = arith.constant 16 : i32
      %get3A_1506 = arith.index_cast %scan3A_771 : i32 to index
      %get3A_1507 = arith.index_cast %get3A_1505 : i32 to index
      %get3A_1508 = arith.constant 0 : index
      %get3A_1509 = tpu.vector_load %arg6[%get3A_1506, %get3A_1507, %get3A_1508] {strides = array<i32>} : memref<16x28x28xf32, #tpu.memory_space<vmem>>, vector<1x1x16xf32>,
      %get3A_1510 = vector.shape_cast %get3A_1509 : vector<1x1x16xf32> to vector<16xf32>
      %get3A_1511 = arith.constant 16 : i32
      %get3A_1512 = arith.index_cast %scan3A_771 : i32 to index
      %get3A_1513 = arith.index_cast %get3A_1511 : i32 to index
      %get3A_1514 = arith.constant 12 : index
      %get3A_1515 = tpu.vector_load %arg6[%get3A_1512, %get3A_1513, %get3A_1514] {strides = array<i32>} : memref<16x28x28xf32, #tpu.memory_space<vmem>>, vector<1x1x16xf32>,
      %get3A_1516 = vector.shape_cast %get3A_1515 : vector<1x1x16xf32> to vector<16xf32>
      %neg3A_1517 = arith.constant 0.000000e+00 : f32
      %neg3A_1518 = vector.broadcast %neg3A_1517 : f32 to vector<16xf32>
      %neg3A_1519 = arith.subf %neg3A_1518, %get3A_1510 : vector<16xf32>
      %exp3A_1520 = math.exp %neg3A_1519 : vector<16xf32>
      %add3A_1521 = arith.constant 1.000000e+00 : f32
      %add3A_1522 = vector.broadcast %add3A_1521 : f32 to vector<16xf32>
      %add3A_1523 = arith.addf %add3A_1522, %exp3A_1520 : vector<16xf32>
      %div3A_1524 = arith.constant 1.000000e+00 : f32
      %div3A_1525 = vector.broadcast %div3A_1524 : f32 to vector<16xf32>
      %div3A_1526 = arith.divf %div3A_1525, %add3A_1523 : vector<16xf32>
      %swap3A_1527 = arith.constant 16 : i32
      %swap3A_1528 = arith.index_cast %scan3A_771 : i32 to index
      %swap3A_1529 = arith.index_cast %swap3A_1527 : i32 to index
      %swap3A_1530 = arith.constant 0 : index
      %swap3A_1531 = tpu.vector_load %arg6[%swap3A_1528, %swap3A_1529, %swap3A_1530] {strides = array<i32>} : memref<16x28x28xf32, #tpu.memory_space<vmem>>, vector<1x1x16xf32>,
      %swap3A_1532 = vector.shape_cast %swap3A_1531 : vector<1x1x16xf32> to vector<16xf32>
      %swap3A_1533 = vector.shape_cast %div3A_1526 : vector<16xf32> to vector<1x1x16xf32>
      tpu.vector_store %arg6[%swap3A_1528, %swap3A_1529, %swap3A_1530], %swap3A_1533 {strides = array<i32>} : memref<16x28x28xf32, #tpu.memory_space<vmem>>, vector<1x1x16xf32>,
      %neg3A_1534 = arith.constant 0.000000e+00 : f32
      %neg3A_1535 = vector.broadcast %neg3A_1534 : f32 to vector<16xf32>
      %neg3A_1536 = arith.subf %neg3A_1535, %get3A_1516 : vector<16xf32>
      %exp3A_1537 = math.exp %neg3A_1536 : vector<16xf32>
      %add3A_1538 = arith.constant 1.000000e+00 : f32
      %add3A_1539 = vector.broadcast %add3A_1538 : f32 to vector<16xf32>
      %add3A_1540 = arith.addf %add3A_1539, %exp3A_1537 : vector<16xf32>
      %div3A_1541 = arith.constant 1.000000e+00 : f32
      %div3A_1542 = vector.broadcast %div3A_1541 : f32 to vector<16xf32>
      %div3A_1543 = arith.divf %div3A_1542, %add3A_1540 : vector<16xf32>
      %swap3A_1544 = arith.constant 16 : i32
      %swap3A_1545 = arith.index_cast %scan3A_771 : i32 to index
      %swap3A_1546 = arith.index_cast %swap3A_1544 : i32 to index
      %swap3A_1547 = arith.constant 12 : index
      %swap3A_1548 = tpu.vector_load %arg6[%swap3A_1545, %swap3A_1546, %swap3A_1547] {strides = array<i32>} : memref<16x28x28xf32, #tpu.memory_space<vmem>>, vector<1x1x16xf32>,
      %swap3A_1549 = vector.shape_cast %swap3A_1548 : vector<1x1x16xf32> to vector<16xf32>
      %swap3A_1550 = vector.shape_cast %div3A_1543 : vector<16xf32> to vector<1x1x16xf32>
      tpu.vector_store %arg6[%swap3A_1545, %swap3A_1546, %swap3A_1547], %swap3A_1550 {strides = array<i32>} : memref<16x28x28xf32, #tpu.memory_space<vmem>>, vector<1x1x16xf32>,
      %get3A_1551 = arith.constant 17 : i32
      %get3A_1552 = arith.index_cast %scan3A_771 : i32 to index
      %get3A_1553 = arith.index_cast %get3A_1551 : i32 to index
      %get3A_1554 = arith.constant 0 : index
      %get3A_1555 = tpu.vector_load %arg6[%get3A_1552, %get3A_1553, %get3A_1554] {strides = array<i32>} : memref<16x28x28xf32, #tpu.memory_space<vmem>>, vector<1x1x16xf32>,
      %get3A_1556 = vector.shape_cast %get3A_1555 : vector<1x1x16xf32> to vector<16xf32>
      %get3A_1557 = arith.constant 17 : i32
      %get3A_1558 = arith.index_cast %scan3A_771 : i32 to index
      %get3A_1559 = arith.index_cast %get3A_1557 : i32 to index
      %get3A_1560 = arith.constant 12 : index
      %get3A_1561 = tpu.vector_load %arg6[%get3A_1558, %get3A_1559, %get3A_1560] {strides = array<i32>} : memref<16x28x28xf32, #tpu.memory_space<vmem>>, vector<1x1x16xf32>,
      %get3A_1562 = vector.shape_cast %get3A_1561 : vector<1x1x16xf32> to vector<16xf32>
      %neg3A_1563 = arith.constant 0.000000e+00 : f32
      %neg3A_1564 = vector.broadcast %neg3A_1563 : f32 to vector<16xf32>
      %neg3A_1565 = arith.subf %neg3A_1564, %get3A_1556 : vector<16xf32>
      %exp3A_1566 = math.exp %neg3A_1565 : vector<16xf32>
      %add3A_1567 = arith.constant 1.000000e+00 : f32
      %add3A_1568 = vector.broadcast %add3A_1567 : f32 to vector<16xf32>
      %add3A_1569 = arith.addf %add3A_1568, %exp3A_1566 : vector<16xf32>
      %div3A_1570 = arith.constant 1.000000e+00 : f32
      %div3A_1571 = vector.broadcast %div3A_1570 : f32 to vector<16xf32>
      %div3A_1572 = arith.divf %div3A_1571, %add3A_1569 : vector<16xf32>
      %swap3A_1573 = arith.constant 17 : i32
      %swap3A_1574 = arith.index_cast %scan3A_771 : i32 to index
      %swap3A_1575 = arith.index_cast %swap3A_1573 : i32 to index
      %swap3A_1576 = arith.constant 0 : index
      %swap3A_1577 = tpu.vector_load %arg6[%swap3A_1574, %swap3A_1575, %swap3A_1576] {strides = array<i32>} : memref<16x28x28xf32, #tpu.memory_space<vmem>>, vector<1x1x16xf32>,
      %swap3A_1578 = vector.shape_cast %swap3A_1577 : vector<1x1x16xf32> to vector<16xf32>
      %swap3A_1579 = vector.shape_cast %div3A_1572 : vector<16xf32> to vector<1x1x16xf32>
      tpu.vector_store %arg6[%swap3A_1574, %swap3A_1575, %swap3A_1576], %swap3A_1579 {strides = array<i32>} : memref<16x28x28xf32, #tpu.memory_space<vmem>>, vector<1x1x16xf32>,
      %neg3A_1580 = arith.constant 0.000000e+00 : f32
      %neg3A_1581 = vector.broadcast %neg3A_1580 : f32 to vector<16xf32>
      %neg3A_1582 = arith.subf %neg3A_1581, %get3A_1562 : vector<16xf32>
      %exp3A_1583 = math.exp %neg3A_1582 : vector<16xf32>
      %add3A_1584 = arith.constant 1.000000e+00 : f32
      %add3A_1585 = vector.broadcast %add3A_1584 : f32 to vector<16xf32>
      %add3A_1586 = arith.addf %add3A_1585, %exp3A_1583 : vector<16xf32>
      %div3A_1587 = arith.constant 1.000000e+00 : f32
      %div3A_1588 = vector.broadcast %div3A_1587 : f32 to vector<16xf32>
      %div3A_1589 = arith.divf %div3A_1588, %add3A_1586 : vector<16xf32>
      %swap3A_1590 = arith.constant 17 : i32
      %swap3A_1591 = arith.index_cast %scan3A_771 : i32 to index
      %swap3A_1592 = arith.index_cast %swap3A_1590 : i32 to index
      %swap3A_1593 = arith.constant 12 : index
      %swap3A_1594 = tpu.vector_load %arg6[%swap3A_1591, %swap3A_1592, %swap3A_1593] {strides = array<i32>} : memref<16x28x28xf32, #tpu.memory_space<vmem>>, vector<1x1x16xf32>,
      %swap3A_1595 = vector.shape_cast %swap3A_1594 : vector<1x1x16xf32> to vector<16xf32>
      %swap3A_1596 = vector.shape_cast %div3A_1589 : vector<16xf32> to vector<1x1x16xf32>
      tpu.vector_store %arg6[%swap3A_1591, %swap3A_1592, %swap3A_1593], %swap3A_1596 {strides = array<i32>} : memref<16x28x28xf32, #tpu.memory_space<vmem>>, vector<1x1x16xf32>,
      %get3A_1597 = arith.constant 18 : i32
      %get3A_1598 = arith.index_cast %scan3A_771 : i32 to index
      %get3A_1599 = arith.index_cast %get3A_1597 : i32 to index
      %get3A_1600 = arith.constant 0 : index
      %get3A_1601 = tpu.vector_load %arg6[%get3A_1598, %get3A_1599, %get3A_1600] {strides = array<i32>} : memref<16x28x28xf32, #tpu.memory_space<vmem>>, vector<1x1x16xf32>,
      %get3A_1602 = vector.shape_cast %get3A_1601 : vector<1x1x16xf32> to vector<16xf32>
      %get3A_1603 = arith.constant 18 : i32
      %get3A_1604 = arith.index_cast %scan3A_771 : i32 to index
      %get3A_1605 = arith.index_cast %get3A_1603 : i32 to index
      %get3A_1606 = arith.constant 12 : index
      %get3A_1607 = tpu.vector_load %arg6[%get3A_1604, %get3A_1605, %get3A_1606] {strides = array<i32>} : memref<16x28x28xf32, #tpu.memory_space<vmem>>, vector<1x1x16xf32>,
      %get3A_1608 = vector.shape_cast %get3A_1607 : vector<1x1x16xf32> to vector<16xf32>
      %neg3A_1609 = arith.constant 0.000000e+00 : f32
      %neg3A_1610 = vector.broadcast %neg3A_1609 : f32 to vector<16xf32>
      %neg3A_1611 = arith.subf %neg3A_1610, %get3A_1602 : vector<16xf32>
      %exp3A_1612 = math.exp %neg3A_1611 : vector<16xf32>
      %add3A_1613 = arith.constant 1.000000e+00 : f32
      %add3A_1614 = vector.broadcast %add3A_1613 : f32 to vector<16xf32>
      %add3A_1615 = arith.addf %add3A_1614, %exp3A_1612 : vector<16xf32>
      %div3A_1616 = arith.constant 1.000000e+00 : f32
      %div3A_1617 = vector.broadcast %div3A_1616 : f32 to vector<16xf32>
      %div3A_1618 = arith.divf %div3A_1617, %add3A_1615 : vector<16xf32>
      %swap3A_1619 = arith.constant 18 : i32
      %swap3A_1620 = arith.index_cast %scan3A_771 : i32 to index
      %swap3A_1621 = arith.index_cast %swap3A_1619 : i32 to index
      %swap3A_1622 = arith.constant 0 : index
      %swap3A_1623 = tpu.vector_load %arg6[%swap3A_1620, %swap3A_1621, %swap3A_1622] {strides = array<i32>} : memref<16x28x28xf32, #tpu.memory_space<vmem>>, vector<1x1x16xf32>,
      %swap3A_1624 = vector.shape_cast %swap3A_1623 : vector<1x1x16xf32> to vector<16xf32>
      %swap3A_1625 = vector.shape_cast %div3A_1618 : vector<16xf32> to vector<1x1x16xf32>
      tpu.vector_store %arg6[%swap3A_1620, %swap3A_1621, %swap3A_1622], %swap3A_1625 {strides = array<i32>} : memref<16x28x28xf32, #tpu.memory_space<vmem>>, vector<1x1x16xf32>,
      %neg3A_1626 = arith.constant 0.000000e+00 : f32
      %neg3A_1627 = vector.broadcast %neg3A_1626 : f32 to vector<16xf32>
      %neg3A_1628 = arith.subf %neg3A_1627, %get3A_1608 : vector<16xf32>
      %exp3A_1629 = math.exp %neg3A_1628 : vector<16xf32>
      %add3A_1630 = arith.constant 1.000000e+00 : f32
      %add3A_1631 = vector.broadcast %add3A_1630 : f32 to vector<16xf32>
      %add3A_1632 = arith.addf %add3A_1631, %exp3A_1629 : vector<16xf32>
      %div3A_1633 = arith.constant 1.000000e+00 : f32
      %div3A_1634 = vector.broadcast %div3A_1633 : f32 to vector<16xf32>
      %div3A_1635 = arith.divf %div3A_1634, %add3A_1632 : vector<16xf32>
      %swap3A_1636 = arith.constant 18 : i32
      %swap3A_1637 = arith.index_cast %scan3A_771 : i32 to index
      %swap3A_1638 = arith.index_cast %swap3A_1636 : i32 to index
      %swap3A_1639 = arith.constant 12 : index
      %swap3A_1640 = tpu.vector_load %arg6[%swap3A_1637, %swap3A_1638, %swap3A_1639] {strides = array<i32>} : memref<16x28x28xf32, #tpu.memory_space<vmem>>, vector<1x1x16xf32>,
      %swap3A_1641 = vector.shape_cast %swap3A_1640 : vector<1x1x16xf32> to vector<16xf32>
      %swap3A_1642 = vector.shape_cast %div3A_1635 : vector<16xf32> to vector<1x1x16xf32>
      tpu.vector_store %arg6[%swap3A_1637, %swap3A_1638, %swap3A_1639], %swap3A_1642 {strides = array<i32>} : memref<16x28x28xf32, #tpu.memory_space<vmem>>, vector<1x1x16xf32>,
      %get3A_1643 = arith.constant 19 : i32
      %get3A_1644 = arith.index_cast %scan3A_771 : i32 to index
      %get3A_1645 = arith.index_cast %get3A_1643 : i32 to index
      %get3A_1646 = arith.constant 0 : index
      %get3A_1647 = tpu.vector_load %arg6[%get3A_1644, %get3A_1645, %get3A_1646] {strides = array<i32>} : memref<16x28x28xf32, #tpu.memory_space<vmem>>, vector<1x1x16xf32>,
      %get3A_1648 = vector.shape_cast %get3A_1647 : vector<1x1x16xf32> to vector<16xf32>
      %get3A_1649 = arith.constant 19 : i32
      %get3A_1650 = arith.index_cast %scan3A_771 : i32 to index
      %get3A_1651 = arith.index_cast %get3A_1649 : i32 to index
      %get3A_1652 = arith.constant 12 : index
      %get3A_1653 = tpu.vector_load %arg6[%get3A_1650, %get3A_1651, %get3A_1652] {strides = array<i32>} : memref<16x28x28xf32, #tpu.memory_space<vmem>>, vector<1x1x16xf32>,
      %get3A_1654 = vector.shape_cast %get3A_1653 : vector<1x1x16xf32> to vector<16xf32>
      %neg3A_1655 = arith.constant 0.000000e+00 : f32
      %neg3A_1656 = vector.broadcast %neg3A_1655 : f32 to vector<16xf32>
      %neg3A_1657 = arith.subf %neg3A_1656, %get3A_1648 : vector<16xf32>
      %exp3A_1658 = math.exp %neg3A_1657 : vector<16xf32>
      %add3A_1659 = arith.constant 1.000000e+00 : f32
      %add3A_1660 = vector.broadcast %add3A_1659 : f32 to vector<16xf32>
      %add3A_1661 = arith.addf %add3A_1660, %exp3A_1658 : vector<16xf32>
      %div3A_1662 = arith.constant 1.000000e+00 : f32
      %div3A_1663 = vector.broadcast %div3A_1662 : f32 to vector<16xf32>
      %div3A_1664 = arith.divf %div3A_1663, %add3A_1661 : vector<16xf32>
      %swap3A_1665 = arith.constant 19 : i32
      %swap3A_1666 = arith.index_cast %scan3A_771 : i32 to index
      %swap3A_1667 = arith.index_cast %swap3A_1665 : i32 to index
      %swap3A_1668 = arith.constant 0 : index
      %swap3A_1669 = tpu.vector_load %arg6[%swap3A_1666, %swap3A_1667, %swap3A_1668] {strides = array<i32>} : memref<16x28x28xf32, #tpu.memory_space<vmem>>, vector<1x1x16xf32>,
      %swap3A_1670 = vector.shape_cast %swap3A_1669 : vector<1x1x16xf32> to vector<16xf32>
      %swap3A_1671 = vector.shape_cast %div3A_1664 : vector<16xf32> to vector<1x1x16xf32>
      tpu.vector_store %arg6[%swap3A_1666, %swap3A_1667, %swap3A_1668], %swap3A_1671 {strides = array<i32>} : memref<16x28x28xf32, #tpu.memory_space<vmem>>, vector<1x1x16xf32>,
      %neg3A_1672 = arith.constant 0.000000e+00 : f32
      %neg3A_1673 = vector.broadcast %neg3A_1672 : f32 to vector<16xf32>
      %neg3A_1674 = arith.subf %neg3A_1673, %get3A_1654 : vector<16xf32>
      %exp3A_1675 = math.exp %neg3A_1674 : vector<16xf32>
      %add3A_1676 = arith.constant 1.000000e+00 : f32
      %add3A_1677 = vector.broadcast %add3A_1676 : f32 to vector<16xf32>
      %add3A_1678 = arith.addf %add3A_1677, %exp3A_1675 : vector<16xf32>
      %div3A_1679 = arith.constant 1.000000e+00 : f32
      %div3A_1680 = vector.broadcast %div3A_1679 : f32 to vector<16xf32>
      %div3A_1681 = arith.divf %div3A_1680, %add3A_1678 : vector<16xf32>
      %swap3A_1682 = arith.constant 19 : i32
      %swap3A_1683 = arith.index_cast %scan3A_771 : i32 to index
      %swap3A_1684 = arith.index_cast %swap3A_1682 : i32 to index
      %swap3A_1685 = arith.constant 12 : index
      %swap3A_1686 = tpu.vector_load %arg6[%swap3A_1683, %swap3A_1684, %swap3A_1685] {strides = array<i32>} : memref<16x28x28xf32, #tpu.memory_space<vmem>>, vector<1x1x16xf32>,
      %swap3A_1687 = vector.shape_cast %swap3A_1686 : vector<1x1x16xf32> to vector<16xf32>
      %swap3A_1688 = vector.shape_cast %div3A_1681 : vector<16xf32> to vector<1x1x16xf32>
      tpu.vector_store %arg6[%swap3A_1683, %swap3A_1684, %swap3A_1685], %swap3A_1688 {strides = array<i32>} : memref<16x28x28xf32, #tpu.memory_space<vmem>>, vector<1x1x16xf32>,
      %get3A_1689 = arith.constant 20 : i32
      %get3A_1690 = arith.index_cast %scan3A_771 : i32 to index
      %get3A_1691 = arith.index_cast %get3A_1689 : i32 to index
      %get3A_1692 = arith.constant 0 : index
      %get3A_1693 = tpu.vector_load %arg6[%get3A_1690, %get3A_1691, %get3A_1692] {strides = array<i32>} : memref<16x28x28xf32, #tpu.memory_space<vmem>>, vector<1x1x16xf32>,
      %get3A_1694 = vector.shape_cast %get3A_1693 : vector<1x1x16xf32> to vector<16xf32>
      %get3A_1695 = arith.constant 20 : i32
      %get3A_1696 = arith.index_cast %scan3A_771 : i32 to index
      %get3A_1697 = arith.index_cast %get3A_1695 : i32 to index
      %get3A_1698 = arith.constant 12 : index
      %get3A_1699 = tpu.vector_load %arg6[%get3A_1696, %get3A_1697, %get3A_1698] {strides = array<i32>} : memref<16x28x28xf32, #tpu.memory_space<vmem>>, vector<1x1x16xf32>,
      %get3A_1700 = vector.shape_cast %get3A_1699 : vector<1x1x16xf32> to vector<16xf32>
      %neg3A_1701 = arith.constant 0.000000e+00 : f32
      %neg3A_1702 = vector.broadcast %neg3A_1701 : f32 to vector<16xf32>
      %neg3A_1703 = arith.subf %neg3A_1702, %get3A_1694 : vector<16xf32>
      %exp3A_1704 = math.exp %neg3A_1703 : vector<16xf32>
      %add3A_1705 = arith.constant 1.000000e+00 : f32
      %add3A_1706 = vector.broadcast %add3A_1705 : f32 to vector<16xf32>
      %add3A_1707 = arith.addf %add3A_1706, %exp3A_1704 : vector<16xf32>
      %div3A_1708 = arith.constant 1.000000e+00 : f32
      %div3A_1709 = vector.broadcast %div3A_1708 : f32 to vector<16xf32>
      %div3A_1710 = arith.divf %div3A_1709, %add3A_1707 : vector<16xf32>
      %swap3A_1711 = arith.constant 20 : i32
      %swap3A_1712 = arith.index_cast %scan3A_771 : i32 to index
      %swap3A_1713 = arith.index_cast %swap3A_1711 : i32 to index
      %swap3A_1714 = arith.constant 0 : index
      %swap3A_1715 = tpu.vector_load %arg6[%swap3A_1712, %swap3A_1713, %swap3A_1714] {strides = array<i32>} : memref<16x28x28xf32, #tpu.memory_space<vmem>>, vector<1x1x16xf32>,
      %swap3A_1716 = vector.shape_cast %swap3A_1715 : vector<1x1x16xf32> to vector<16xf32>
      %swap3A_1717 = vector.shape_cast %div3A_1710 : vector<16xf32> to vector<1x1x16xf32>
      tpu.vector_store %arg6[%swap3A_1712, %swap3A_1713, %swap3A_1714], %swap3A_1717 {strides = array<i32>} : memref<16x28x28xf32, #tpu.memory_space<vmem>>, vector<1x1x16xf32>,
      %neg3A_1718 = arith.constant 0.000000e+00 : f32
      %neg3A_1719 = vector.broadcast %neg3A_1718 : f32 to vector<16xf32>
      %neg3A_1720 = arith.subf %neg3A_1719, %get3A_1700 : vector<16xf32>
      %exp3A_1721 = math.exp %neg3A_1720 : vector<16xf32>
      %add3A_1722 = arith.constant 1.000000e+00 : f32
      %add3A_1723 = vector.broadcast %add3A_1722 : f32 to vector<16xf32>
      %add3A_1724 = arith.addf %add3A_1723, %exp3A_1721 : vector<16xf32>
      %div3A_1725 = arith.constant 1.000000e+00 : f32
      %div3A_1726 = vector.broadcast %div3A_1725 : f32 to vector<16xf32>
      %div3A_1727 = arith.divf %div3A_1726, %add3A_1724 : vector<16xf32>
      %swap3A_1728 = arith.constant 20 : i32
      %swap3A_1729 = arith.index_cast %scan3A_771 : i32 to index
      %swap3A_1730 = arith.index_cast %swap3A_1728 : i32 to index
      %swap3A_1731 = arith.constant 12 : index
      %swap3A_1732 = tpu.vector_load %arg6[%swap3A_1729, %swap3A_1730, %swap3A_1731] {strides = array<i32>} : memref<16x28x28xf32, #tpu.memory_space<vmem>>, vector<1x1x16xf32>,
      %swap3A_1733 = vector.shape_cast %swap3A_1732 : vector<1x1x16xf32> to vector<16xf32>
      %swap3A_1734 = vector.shape_cast %div3A_1727 : vector<16xf32> to vector<1x1x16xf32>
      tpu.vector_store %arg6[%swap3A_1729, %swap3A_1730, %swap3A_1731], %swap3A_1734 {strides = array<i32>} : memref<16x28x28xf32, #tpu.memory_space<vmem>>, vector<1x1x16xf32>,
      %get3A_1735 = arith.constant 21 : i32
      %get3A_1736 = arith.index_cast %scan3A_771 : i32 to index
      %get3A_1737 = arith.index_cast %get3A_1735 : i32 to index
      %get3A_1738 = arith.constant 0 : index
      %get3A_1739 = tpu.vector_load %arg6[%get3A_1736, %get3A_1737, %get3A_1738] {strides = array<i32>} : memref<16x28x28xf32, #tpu.memory_space<vmem>>, vector<1x1x16xf32>,
      %get3A_1740 = vector.shape_cast %get3A_1739 : vector<1x1x16xf32> to vector<16xf32>
      %get3A_1741 = arith.constant 21 : i32
      %get3A_1742 = arith.index_cast %scan3A_771 : i32 to index
      %get3A_1743 = arith.index_cast %get3A_1741 : i32 to index
      %get3A_1744 = arith.constant 12 : index
      %get3A_1745 = tpu.vector_load %arg6[%get3A_1742, %get3A_1743, %get3A_1744] {strides = array<i32>} : memref<16x28x28xf32, #tpu.memory_space<vmem>>, vector<1x1x16xf32>,
      %get3A_1746 = vector.shape_cast %get3A_1745 : vector<1x1x16xf32> to vector<16xf32>
      %neg3A_1747 = arith.constant 0.000000e+00 : f32
      %neg3A_1748 = vector.broadcast %neg3A_1747 : f32 to vector<16xf32>
      %neg3A_1749 = arith.subf %neg3A_1748, %get3A_1740 : vector<16xf32>
      %exp3A_1750 = math.exp %neg3A_1749 : vector<16xf32>
      %add3A_1751 = arith.constant 1.000000e+00 : f32
      %add3A_1752 = vector.broadcast %add3A_1751 : f32 to vector<16xf32>
      %add3A_1753 = arith.addf %add3A_1752, %exp3A_1750 : vector<16xf32>
      %div3A_1754 = arith.constant 1.000000e+00 : f32
      %div3A_1755 = vector.broadcast %div3A_1754 : f32 to vector<16xf32>
      %div3A_1756 = arith.divf %div3A_1755, %add3A_1753 : vector<16xf32>
      %swap3A_1757 = arith.constant 21 : i32
      %swap3A_1758 = arith.index_cast %scan3A_771 : i32 to index
      %swap3A_1759 = arith.index_cast %swap3A_1757 : i32 to index
      %swap3A_1760 = arith.constant 0 : index
      %swap3A_1761 = tpu.vector_load %arg6[%swap3A_1758, %swap3A_1759, %swap3A_1760] {strides = array<i32>} : memref<16x28x28xf32, #tpu.memory_space<vmem>>, vector<1x1x16xf32>,
      %swap3A_1762 = vector.shape_cast %swap3A_1761 : vector<1x1x16xf32> to vector<16xf32>
      %swap3A_1763 = vector.shape_cast %div3A_1756 : vector<16xf32> to vector<1x1x16xf32>
      tpu.vector_store %arg6[%swap3A_1758, %swap3A_1759, %swap3A_1760], %swap3A_1763 {strides = array<i32>} : memref<16x28x28xf32, #tpu.memory_space<vmem>>, vector<1x1x16xf32>,
      %neg3A_1764 = arith.constant 0.000000e+00 : f32
      %neg3A_1765 = vector.broadcast %neg3A_1764 : f32 to vector<16xf32>
      %neg3A_1766 = arith.subf %neg3A_1765, %get3A_1746 : vector<16xf32>
      %exp3A_1767 = math.exp %neg3A_1766 : vector<16xf32>
      %add3A_1768 = arith.constant 1.000000e+00 : f32
      %add3A_1769 = vector.broadcast %add3A_1768 : f32 to vector<16xf32>
      %add3A_1770 = arith.addf %add3A_1769, %exp3A_1767 : vector<16xf32>
      %div3A_1771 = arith.constant 1.000000e+00 : f32
      %div3A_1772 = vector.broadcast %div3A_1771 : f32 to vector<16xf32>
      %div3A_1773 = arith.divf %div3A_1772, %add3A_1770 : vector<16xf32>
      %swap3A_1774 = arith.constant 21 : i32
      %swap3A_1775 = arith.index_cast %scan3A_771 : i32 to index
      %swap3A_1776 = arith.index_cast %swap3A_1774 : i32 to index
      %swap3A_1777 = arith.constant 12 : index
      %swap3A_1778 = tpu.vector_load %arg6[%swap3A_1775, %swap3A_1776, %swap3A_1777] {strides = array<i32>} : memref<16x28x28xf32, #tpu.memory_space<vmem>>, vector<1x1x16xf32>,
      %swap3A_1779 = vector.shape_cast %swap3A_1778 : vector<1x1x16xf32> to vector<16xf32>
      %swap3A_1780 = vector.shape_cast %div3A_1773 : vector<16xf32> to vector<1x1x16xf32>
      tpu.vector_store %arg6[%swap3A_1775, %swap3A_1776, %swap3A_1777], %swap3A_1780 {strides = array<i32>} : memref<16x28x28xf32, #tpu.memory_space<vmem>>, vector<1x1x16xf32>,
      %get3A_1781 = arith.constant 22 : i32
      %get3A_1782 = arith.index_cast %scan3A_771 : i32 to index
      %get3A_1783 = arith.index_cast %get3A_1781 : i32 to index
      %get3A_1784 = arith.constant 0 : index
      %get3A_1785 = tpu.vector_load %arg6[%get3A_1782, %get3A_1783, %get3A_1784] {strides = array<i32>} : memref<16x28x28xf32, #tpu.memory_space<vmem>>, vector<1x1x16xf32>,
      %get3A_1786 = vector.shape_cast %get3A_1785 : vector<1x1x16xf32> to vector<16xf32>
      %get3A_1787 = arith.constant 22 : i32
      %get3A_1788 = arith.index_cast %scan3A_771 : i32 to index
      %get3A_1789 = arith.index_cast %get3A_1787 : i32 to index
      %get3A_1790 = arith.constant 12 : index
      %get3A_1791 = tpu.vector_load %arg6[%get3A_1788, %get3A_1789, %get3A_1790] {strides = array<i32>} : memref<16x28x28xf32, #tpu.memory_space<vmem>>, vector<1x1x16xf32>,
      %get3A_1792 = vector.shape_cast %get3A_1791 : vector<1x1x16xf32> to vector<16xf32>
      %neg3A_1793 = arith.constant 0.000000e+00 : f32
      %neg3A_1794 = vector.broadcast %neg3A_1793 : f32 to vector<16xf32>
      %neg3A_1795 = arith.subf %neg3A_1794, %get3A_1786 : vector<16xf32>
      %exp3A_1796 = math.exp %neg3A_1795 : vector<16xf32>
      %add3A_1797 = arith.constant 1.000000e+00 : f32
      %add3A_1798 = vector.broadcast %add3A_1797 : f32 to vector<16xf32>
      %add3A_1799 = arith.addf %add3A_1798, %exp3A_1796 : vector<16xf32>
      %div3A_1800 = arith.constant 1.000000e+00 : f32
      %div3A_1801 = vector.broadcast %div3A_1800 : f32 to vector<16xf32>
      %div3A_1802 = arith.divf %div3A_1801, %add3A_1799 : vector<16xf32>
      %swap3A_1803 = arith.constant 22 : i32
      %swap3A_1804 = arith.index_cast %scan3A_771 : i32 to index
      %swap3A_1805 = arith.index_cast %swap3A_1803 : i32 to index
      %swap3A_1806 = arith.constant 0 : index
      %swap3A_1807 = tpu.vector_load %arg6[%swap3A_1804, %swap3A_1805, %swap3A_1806] {strides = array<i32>} : memref<16x28x28xf32, #tpu.memory_space<vmem>>, vector<1x1x16xf32>,
      %swap3A_1808 = vector.shape_cast %swap3A_1807 : vector<1x1x16xf32> to vector<16xf32>
      %swap3A_1809 = vector.shape_cast %div3A_1802 : vector<16xf32> to vector<1x1x16xf32>
      tpu.vector_store %arg6[%swap3A_1804, %swap3A_1805, %swap3A_1806], %swap3A_1809 {strides = array<i32>} : memref<16x28x28xf32, #tpu.memory_space<vmem>>, vector<1x1x16xf32>,
      %neg3A_1810 = arith.constant 0.000000e+00 : f32
      %neg3A_1811 = vector.broadcast %neg3A_1810 : f32 to vector<16xf32>
      %neg3A_1812 = arith.subf %neg3A_1811, %get3A_1792 : vector<16xf32>
      %exp3A_1813 = math.exp %neg3A_1812 : vector<16xf32>
      %add3A_1814 = arith.constant 1.000000e+00 : f32
      %add3A_1815 = vector.broadcast %add3A_1814 : f32 to vector<16xf32>
      %add3A_1816 = arith.addf %add3A_1815, %exp3A_1813 : vector<16xf32>
      %div3A_1817 = arith.constant 1.000000e+00 : f32
      %div3A_1818 = vector.broadcast %div3A_1817 : f32 to vector<16xf32>
      %div3A_1819 = arith.divf %div3A_1818, %add3A_1816 : vector<16xf32>
      %swap3A_1820 = arith.constant 22 : i32
      %swap3A_1821 = arith.index_cast %scan3A_771 : i32 to index
      %swap3A_1822 = arith.index_cast %swap3A_1820 : i32 to index
      %swap3A_1823 = arith.constant 12 : index
      %swap3A_1824 = tpu.vector_load %arg6[%swap3A_1821, %swap3A_1822, %swap3A_1823] {strides = array<i32>} : memref<16x28x28xf32, #tpu.memory_space<vmem>>, vector<1x1x16xf32>,
      %swap3A_1825 = vector.shape_cast %swap3A_1824 : vector<1x1x16xf32> to vector<16xf32>
      %swap3A_1826 = vector.shape_cast %div3A_1819 : vector<16xf32> to vector<1x1x16xf32>
      tpu.vector_store %arg6[%swap3A_1821, %swap3A_1822, %swap3A_1823], %swap3A_1826 {strides = array<i32>} : memref<16x28x28xf32, #tpu.memory_space<vmem>>, vector<1x1x16xf32>,
      %get3A_1827 = arith.constant 23 : i32
      %get3A_1828 = arith.index_cast %scan3A_771 : i32 to index
      %get3A_1829 = arith.index_cast %get3A_1827 : i32 to index
      %get3A_1830 = arith.constant 0 : index
      %get3A_1831 = tpu.vector_load %arg6[%get3A_1828, %get3A_1829, %get3A_1830] {strides = array<i32>} : memref<16x28x28xf32, #tpu.memory_space<vmem>>, vector<1x1x16xf32>,
      %get3A_1832 = vector.shape_cast %get3A_1831 : vector<1x1x16xf32> to vector<16xf32>
      %get3A_1833 = arith.constant 23 : i32
      %get3A_1834 = arith.index_cast %scan3A_771 : i32 to index
      %get3A_1835 = arith.index_cast %get3A_1833 : i32 to index
      %get3A_1836 = arith.constant 12 : index
      %get3A_1837 = tpu.vector_load %arg6[%get3A_1834, %get3A_1835, %get3A_1836] {strides = array<i32>} : memref<16x28x28xf32, #tpu.memory_space<vmem>>, vector<1x1x16xf32>,
      %get3A_1838 = vector.shape_cast %get3A_1837 : vector<1x1x16xf32> to vector<16xf32>
      %neg3A_1839 = arith.constant 0.000000e+00 : f32
      %neg3A_1840 = vector.broadcast %neg3A_1839 : f32 to vector<16xf32>
      %neg3A_1841 = arith.subf %neg3A_1840, %get3A_1832 : vector<16xf32>
      %exp3A_1842 = math.exp %neg3A_1841 : vector<16xf32>
      %add3A_1843 = arith.constant 1.000000e+00 : f32
      %add3A_1844 = vector.broadcast %add3A_1843 : f32 to vector<16xf32>
      %add3A_1845 = arith.addf %add3A_1844, %exp3A_1842 : vector<16xf32>
      %div3A_1846 = arith.constant 1.000000e+00 : f32
      %div3A_1847 = vector.broadcast %div3A_1846 : f32 to vector<16xf32>
      %div3A_1848 = arith.divf %div3A_1847, %add3A_1845 : vector<16xf32>
      %swap3A_1849 = arith.constant 23 : i32
      %swap3A_1850 = arith.index_cast %scan3A_771 : i32 to index
      %swap3A_1851 = arith.index_cast %swap3A_1849 : i32 to index
      %swap3A_1852 = arith.constant 0 : index
      %swap3A_1853 = tpu.vector_load %arg6[%swap3A_1850, %swap3A_1851, %swap3A_1852] {strides = array<i32>} : memref<16x28x28xf32, #tpu.memory_space<vmem>>, vector<1x1x16xf32>,
      %swap3A_1854 = vector.shape_cast %swap3A_1853 : vector<1x1x16xf32> to vector<16xf32>
      %swap3A_1855 = vector.shape_cast %div3A_1848 : vector<16xf32> to vector<1x1x16xf32>
      tpu.vector_store %arg6[%swap3A_1850, %swap3A_1851, %swap3A_1852], %swap3A_1855 {strides = array<i32>} : memref<16x28x28xf32, #tpu.memory_space<vmem>>, vector<1x1x16xf32>,
      %neg3A_1856 = arith.constant 0.000000e+00 : f32
      %neg3A_1857 = vector.broadcast %neg3A_1856 : f32 to vector<16xf32>
      %neg3A_1858 = arith.subf %neg3A_1857, %get3A_1838 : vector<16xf32>
      %exp3A_1859 = math.exp %neg3A_1858 : vector<16xf32>
      %add3A_1860 = arith.constant 1.000000e+00 : f32
      %add3A_1861 = vector.broadcast %add3A_1860 : f32 to vector<16xf32>
      %add3A_1862 = arith.addf %add3A_1861, %exp3A_1859 : vector<16xf32>
      %div3A_1863 = arith.constant 1.000000e+00 : f32
      %div3A_1864 = vector.broadcast %div3A_1863 : f32 to vector<16xf32>
      %div3A_1865 = arith.divf %div3A_1864, %add3A_1862 : vector<16xf32>
      %swap3A_1866 = arith.constant 23 : i32
      %swap3A_1867 = arith.index_cast %scan3A_771 : i32 to index
      %swap3A_1868 = arith.index_cast %swap3A_1866 : i32 to index
      %swap3A_1869 = arith.constant 12 : index
      %swap3A_1870 = tpu.vector_load %arg6[%swap3A_1867, %swap3A_1868, %swap3A_1869] {strides = array<i32>} : memref<16x28x28xf32, #tpu.memory_space<vmem>>, vector<1x1x16xf32>,
      %swap3A_1871 = vector.shape_cast %swap3A_1870 : vector<1x1x16xf32> to vector<16xf32>
      %swap3A_1872 = vector.shape_cast %div3A_1865 : vector<16xf32> to vector<1x1x16xf32>
      tpu.vector_store %arg6[%swap3A_1867, %swap3A_1868, %swap3A_1869], %swap3A_1872 {strides = array<i32>} : memref<16x28x28xf32, #tpu.memory_space<vmem>>, vector<1x1x16xf32>,
      %get3A_1873 = arith.constant 24 : i32
      %get3A_1874 = arith.index_cast %scan3A_771 : i32 to index
      %get3A_1875 = arith.index_cast %get3A_1873 : i32 to index
      %get3A_1876 = arith.constant 0 : index
      %get3A_1877 = tpu.vector_load %arg6[%get3A_1874, %get3A_1875, %get3A_1876] {strides = array<i32>} : memref<16x28x28xf32, #tpu.memory_space<vmem>>, vector<1x1x16xf32>,
      %get3A_1878 = vector.shape_cast %get3A_1877 : vector<1x1x16xf32> to vector<16xf32>
      %get3A_1879 = arith.constant 24 : i32
      %get3A_1880 = arith.index_cast %scan3A_771 : i32 to index
      %get3A_1881 = arith.index_cast %get3A_1879 : i32 to index
      %get3A_1882 = arith.constant 12 : index
      %get3A_1883 = tpu.vector_load %arg6[%get3A_1880, %get3A_1881, %get3A_1882] {strides = array<i32>} : memref<16x28x28xf32, #tpu.memory_space<vmem>>, vector<1x1x16xf32>,
      %get3A_1884 = vector.shape_cast %get3A_1883 : vector<1x1x16xf32> to vector<16xf32>
      %neg3A_1885 = arith.constant 0.000000e+00 : f32
      %neg3A_1886 = vector.broadcast %neg3A_1885 : f32 to vector<16xf32>
      %neg3A_1887 = arith.subf %neg3A_1886, %get3A_1878 : vector<16xf32>
      %exp3A_1888 = math.exp %neg3A_1887 : vector<16xf32>
      %add3A_1889 = arith.constant 1.000000e+00 : f32
      %add3A_1890 = vector.broadcast %add3A_1889 : f32 to vector<16xf32>
      %add3A_1891 = arith.addf %add3A_1890, %exp3A_1888 : vector<16xf32>
      %div3A_1892 = arith.constant 1.000000e+00 : f32
      %div3A_1893 = vector.broadcast %div3A_1892 : f32 to vector<16xf32>
      %div3A_1894 = arith.divf %div3A_1893, %add3A_1891 : vector<16xf32>
      %swap3A_1895 = arith.constant 24 : i32
      %swap3A_1896 = arith.index_cast %scan3A_771 : i32 to index
      %swap3A_1897 = arith.index_cast %swap3A_1895 : i32 to index
      %swap3A_1898 = arith.constant 0 : index
      %swap3A_1899 = tpu.vector_load %arg6[%swap3A_1896, %swap3A_1897, %swap3A_1898] {strides = array<i32>} : memref<16x28x28xf32, #tpu.memory_space<vmem>>, vector<1x1x16xf32>,
      %swap3A_1900 = vector.shape_cast %swap3A_1899 : vector<1x1x16xf32> to vector<16xf32>
      %swap3A_1901 = vector.shape_cast %div3A_1894 : vector<16xf32> to vector<1x1x16xf32>
      tpu.vector_store %arg6[%swap3A_1896, %swap3A_1897, %swap3A_1898], %swap3A_1901 {strides = array<i32>} : memref<16x28x28xf32, #tpu.memory_space<vmem>>, vector<1x1x16xf32>,
      %neg3A_1902 = arith.constant 0.000000e+00 : f32
      %neg3A_1903 = vector.broadcast %neg3A_1902 : f32 to vector<16xf32>
      %neg3A_1904 = arith.subf %neg3A_1903, %get3A_1884 : vector<16xf32>
      %exp3A_1905 = math.exp %neg3A_1904 : vector<16xf32>
      %add3A_1906 = arith.constant 1.000000e+00 : f32
      %add3A_1907 = vector.broadcast %add3A_1906 : f32 to vector<16xf32>
      %add3A_1908 = arith.addf %add3A_1907, %exp3A_1905 : vector<16xf32>
      %div3A_1909 = arith.constant 1.000000e+00 : f32
      %div3A_1910 = vector.broadcast %div3A_1909 : f32 to vector<16xf32>
      %div3A_1911 = arith.divf %div3A_1910, %add3A_1908 : vector<16xf32>
      %swap3A_1912 = arith.constant 24 : i32
      %swap3A_1913 = arith.index_cast %scan3A_771 : i32 to index
      %swap3A_1914 = arith.index_cast %swap3A_1912 : i32 to index
      %swap3A_1915 = arith.constant 12 : index
      %swap3A_1916 = tpu.vector_load %arg6[%swap3A_1913, %swap3A_1914, %swap3A_1915] {strides = array<i32>} : memref<16x28x28xf32, #tpu.memory_space<vmem>>, vector<1x1x16xf32>,
      %swap3A_1917 = vector.shape_cast %swap3A_1916 : vector<1x1x16xf32> to vector<16xf32>
      %swap3A_1918 = vector.shape_cast %div3A_1911 : vector<16xf32> to vector<1x1x16xf32>
      tpu.vector_store %arg6[%swap3A_1913, %swap3A_1914, %swap3A_1915], %swap3A_1918 {strides = array<i32>} : memref<16x28x28xf32, #tpu.memory_space<vmem>>, vector<1x1x16xf32>,
      %get3A_1919 = arith.constant 25 : i32
      %get3A_1920 = arith.index_cast %scan3A_771 : i32 to index
      %get3A_1921 = arith.index_cast %get3A_1919 : i32 to index
      %get3A_1922 = arith.constant 0 : index
      %get3A_1923 = tpu.vector_load %arg6[%get3A_1920, %get3A_1921, %get3A_1922] {strides = array<i32>} : memref<16x28x28xf32, #tpu.memory_space<vmem>>, vector<1x1x16xf32>,
      %get3A_1924 = vector.shape_cast %get3A_1923 : vector<1x1x16xf32> to vector<16xf32>
      %get3A_1925 = arith.constant 25 : i32
      %get3A_1926 = arith.index_cast %scan3A_771 : i32 to index
      %get3A_1927 = arith.index_cast %get3A_1925 : i32 to index
      %get3A_1928 = arith.constant 12 : index
      %get3A_1929 = tpu.vector_load %arg6[%get3A_1926, %get3A_1927, %get3A_1928] {strides = array<i32>} : memref<16x28x28xf32, #tpu.memory_space<vmem>>, vector<1x1x16xf32>,
      %get3A_1930 = vector.shape_cast %get3A_1929 : vector<1x1x16xf32> to vector<16xf32>
      %neg3A_1931 = arith.constant 0.000000e+00 : f32
      %neg3A_1932 = vector.broadcast %neg3A_1931 : f32 to vector<16xf32>
      %neg3A_1933 = arith.subf %neg3A_1932, %get3A_1924 : vector<16xf32>
      %exp3A_1934 = math.exp %neg3A_1933 : vector<16xf32>
      %add3A_1935 = arith.constant 1.000000e+00 : f32
      %add3A_1936 = vector.broadcast %add3A_1935 : f32 to vector<16xf32>
      %add3A_1937 = arith.addf %add3A_1936, %exp3A_1934 : vector<16xf32>
      %div3A_1938 = arith.constant 1.000000e+00 : f32
      %div3A_1939 = vector.broadcast %div3A_1938 : f32 to vector<16xf32>
      %div3A_1940 = arith.divf %div3A_1939, %add3A_1937 : vector<16xf32>
      %swap3A_1941 = arith.constant 25 : i32
      %swap3A_1942 = arith.index_cast %scan3A_771 : i32 to index
      %swap3A_1943 = arith.index_cast %swap3A_1941 : i32 to index
      %swap3A_1944 = arith.constant 0 : index
      %swap3A_1945 = tpu.vector_load %arg6[%swap3A_1942, %swap3A_1943, %swap3A_1944] {strides = array<i32>} : memref<16x28x28xf32, #tpu.memory_space<vmem>>, vector<1x1x16xf32>,
      %swap3A_1946 = vector.shape_cast %swap3A_1945 : vector<1x1x16xf32> to vector<16xf32>
      %swap3A_1947 = vector.shape_cast %div3A_1940 : vector<16xf32> to vector<1x1x16xf32>
      tpu.vector_store %arg6[%swap3A_1942, %swap3A_1943, %swap3A_1944], %swap3A_1947 {strides = array<i32>} : memref<16x28x28xf32, #tpu.memory_space<vmem>>, vector<1x1x16xf32>,
      %neg3A_1948 = arith.constant 0.000000e+00 : f32
      %neg3A_1949 = vector.broadcast %neg3A_1948 : f32 to vector<16xf32>
      %neg3A_1950 = arith.subf %neg3A_1949, %get3A_1930 : vector<16xf32>
      %exp3A_1951 = math.exp %neg3A_1950 : vector<16xf32>
      %add3A_1952 = arith.constant 1.000000e+00 : f32
      %add3A_1953 = vector.broadcast %add3A_1952 : f32 to vector<16xf32>
      %add3A_1954 = arith.addf %add3A_1953, %exp3A_1951 : vector<16xf32>
      %div3A_1955 = arith.constant 1.000000e+00 : f32
      %div3A_1956 = vector.broadcast %div3A_1955 : f32 to vector<16xf32>
      %div3A_1957 = arith.divf %div3A_1956, %add3A_1954 : vector<16xf32>
      %swap3A_1958 = arith.constant 25 : i32
      %swap3A_1959 = arith.index_cast %scan3A_771 : i32 to index
      %swap3A_1960 = arith.index_cast %swap3A_1958 : i32 to index
      %swap3A_1961 = arith.constant 12 : index
      %swap3A_1962 = tpu.vector_load %arg6[%swap3A_1959, %swap3A_1960, %swap3A_1961] {strides = array<i32>} : memref<16x28x28xf32, #tpu.memory_space<vmem>>, vector<1x1x16xf32>,
      %swap3A_1963 = vector.shape_cast %swap3A_1962 : vector<1x1x16xf32> to vector<16xf32>
      %swap3A_1964 = vector.shape_cast %div3A_1957 : vector<16xf32> to vector<1x1x16xf32>
      tpu.vector_store %arg6[%swap3A_1959, %swap3A_1960, %swap3A_1961], %swap3A_1964 {strides = array<i32>} : memref<16x28x28xf32, #tpu.memory_space<vmem>>, vector<1x1x16xf32>,
      %get3A_1965 = arith.constant 26 : i32
      %get3A_1966 = arith.index_cast %scan3A_771 : i32 to index
      %get3A_1967 = arith.index_cast %get3A_1965 : i32 to index
      %get3A_1968 = arith.constant 0 : index
      %get3A_1969 = tpu.vector_load %arg6[%get3A_1966, %get3A_1967, %get3A_1968] {strides = array<i32>} : memref<16x28x28xf32, #tpu.memory_space<vmem>>, vector<1x1x16xf32>,
      %get3A_1970 = vector.shape_cast %get3A_1969 : vector<1x1x16xf32> to vector<16xf32>
      %get3A_1971 = arith.constant 26 : i32
      %get3A_1972 = arith.index_cast %scan3A_771 : i32 to index
      %get3A_1973 = arith.index_cast %get3A_1971 : i32 to index
      %get3A_1974 = arith.constant 12 : index
      %get3A_1975 = tpu.vector_load %arg6[%get3A_1972, %get3A_1973, %get3A_1974] {strides = array<i32>} : memref<16x28x28xf32, #tpu.memory_space<vmem>>, vector<1x1x16xf32>,
      %get3A_1976 = vector.shape_cast %get3A_1975 : vector<1x1x16xf32> to vector<16xf32>
      %neg3A_1977 = arith.constant 0.000000e+00 : f32
      %neg3A_1978 = vector.broadcast %neg3A_1977 : f32 to vector<16xf32>
      %neg3A_1979 = arith.subf %neg3A_1978, %get3A_1970 : vector<16xf32>
      %exp3A_1980 = math.exp %neg3A_1979 : vector<16xf32>
      %add3A_1981 = arith.constant 1.000000e+00 : f32
      %add3A_1982 = vector.broadcast %add3A_1981 : f32 to vector<16xf32>
      %add3A_1983 = arith.addf %add3A_1982, %exp3A_1980 : vector<16xf32>
      %div3A_1984 = arith.constant 1.000000e+00 : f32
      %div3A_1985 = vector.broadcast %div3A_1984 : f32 to vector<16xf32>
      %div3A_1986 = arith.divf %div3A_1985, %add3A_1983 : vector<16xf32>
      %swap3A_1987 = arith.constant 26 : i32
      %swap3A_1988 = arith.index_cast %scan3A_771 : i32 to index
      %swap3A_1989 = arith.index_cast %swap3A_1987 : i32 to index
      %swap3A_1990 = arith.constant 0 : index
      %swap3A_1991 = tpu.vector_load %arg6[%swap3A_1988, %swap3A_1989, %swap3A_1990] {strides = array<i32>} : memref<16x28x28xf32, #tpu.memory_space<vmem>>, vector<1x1x16xf32>,
      %swap3A_1992 = vector.shape_cast %swap3A_1991 : vector<1x1x16xf32> to vector<16xf32>
      %swap3A_1993 = vector.shape_cast %div3A_1986 : vector<16xf32> to vector<1x1x16xf32>
      tpu.vector_store %arg6[%swap3A_1988, %swap3A_1989, %swap3A_1990], %swap3A_1993 {strides = array<i32>} : memref<16x28x28xf32, #tpu.memory_space<vmem>>, vector<1x1x16xf32>,
      %neg3A_1994 = arith.constant 0.000000e+00 : f32
      %neg3A_1995 = vector.broadcast %neg3A_1994 : f32 to vector<16xf32>
      %neg3A_1996 = arith.subf %neg3A_1995, %get3A_1976 : vector<16xf32>
      %exp3A_1997 = math.exp %neg3A_1996 : vector<16xf32>
      %add3A_1998 = arith.constant 1.000000e+00 : f32
      %add3A_1999 = vector.broadcast %add3A_1998 : f32 to vector<16xf32>
      %add3A_2000 = arith.addf %add3A_1999, %exp3A_1997 : vector<16xf32>
      %div3A_2001 = arith.constant 1.000000e+00 : f32
      %div3A_2002 = vector.broadcast %div3A_2001 : f32 to vector<16xf32>
      %div3A_2003 = arith.divf %div3A_2002, %add3A_2000 : vector<16xf32>
      %swap3A_2004 = arith.constant 26 : i32
      %swap3A_2005 = arith.index_cast %scan3A_771 : i32 to index
      %swap3A_2006 = arith.index_cast %swap3A_2004 : i32 to index
      %swap3A_2007 = arith.constant 12 : index
      %swap3A_2008 = tpu.vector_load %arg6[%swap3A_2005, %swap3A_2006, %swap3A_2007] {strides = array<i32>} : memref<16x28x28xf32, #tpu.memory_space<vmem>>, vector<1x1x16xf32>,
      %swap3A_2009 = vector.shape_cast %swap3A_2008 : vector<1x1x16xf32> to vector<16xf32>
      %swap3A_2010 = vector.shape_cast %div3A_2003 : vector<16xf32> to vector<1x1x16xf32>
      tpu.vector_store %arg6[%swap3A_2005, %swap3A_2006, %swap3A_2007], %swap3A_2010 {strides = array<i32>} : memref<16x28x28xf32, #tpu.memory_space<vmem>>, vector<1x1x16xf32>,
      %get3A_2011 = arith.constant 27 : i32
      %get3A_2012 = arith.index_cast %scan3A_771 : i32 to index
      %get3A_2013 = arith.index_cast %get3A_2011 : i32 to index
      %get3A_2014 = arith.constant 0 : index
      %get3A_2015 = tpu.vector_load %arg6[%get3A_2012, %get3A_2013, %get3A_2014] {strides = array<i32>} : memref<16x28x28xf32, #tpu.memory_space<vmem>>, vector<1x1x16xf32>,
      %get3A_2016 = vector.shape_cast %get3A_2015 : vector<1x1x16xf32> to vector<16xf32>
      %get3A_2017 = arith.constant 27 : i32
      %get3A_2018 = arith.index_cast %scan3A_771 : i32 to index
      %get3A_2019 = arith.index_cast %get3A_2017 : i32 to index
      %get3A_2020 = arith.constant 12 : index
      %get3A_2021 = tpu.vector_load %arg6[%get3A_2018, %get3A_2019, %get3A_2020] {strides = array<i32>} : memref<16x28x28xf32, #tpu.memory_space<vmem>>, vector<1x1x16xf32>,
      %get3A_2022 = vector.shape_cast %get3A_2021 : vector<1x1x16xf32> to vector<16xf32>
      %neg3A_2023 = arith.constant 0.000000e+00 : f32
      %neg3A_2024 = vector.broadcast %neg3A_2023 : f32 to vector<16xf32>
      %neg3A_2025 = arith.subf %neg3A_2024, %get3A_2016 : vector<16xf32>
      %exp3A_2026 = math.exp %neg3A_2025 : vector<16xf32>
      %add3A_2027 = arith.constant 1.000000e+00 : f32
      %add3A_2028 = vector.broadcast %add3A_2027 : f32 to vector<16xf32>
      %add3A_2029 = arith.addf %add3A_2028, %exp3A_2026 : vector<16xf32>
      %div3A_2030 = arith.constant 1.000000e+00 : f32
      %div3A_2031 = vector.broadcast %div3A_2030 : f32 to vector<16xf32>
      %div3A_2032 = arith.divf %div3A_2031, %add3A_2029 : vector<16xf32>
      %swap3A_2033 = arith.constant 27 : i32
      %swap3A_2034 = arith.index_cast %scan3A_771 : i32 to index
      %swap3A_2035 = arith.index_cast %swap3A_2033 : i32 to index
      %swap3A_2036 = arith.constant 0 : index
      %swap3A_2037 = tpu.vector_load %arg6[%swap3A_2034, %swap3A_2035, %swap3A_2036] {strides = array<i32>} : memref<16x28x28xf32, #tpu.memory_space<vmem>>, vector<1x1x16xf32>,
      %swap3A_2038 = vector.shape_cast %swap3A_2037 : vector<1x1x16xf32> to vector<16xf32>
      %swap3A_2039 = vector.shape_cast %div3A_2032 : vector<16xf32> to vector<1x1x16xf32>
      tpu.vector_store %arg6[%swap3A_2034, %swap3A_2035, %swap3A_2036], %swap3A_2039 {strides = array<i32>} : memref<16x28x28xf32, #tpu.memory_space<vmem>>, vector<1x1x16xf32>,
      %neg3A_2040 = arith.constant 0.000000e+00 : f32
      %neg3A_2041 = vector.broadcast %neg3A_2040 : f32 to vector<16xf32>
      %neg3A_2042 = arith.subf %neg3A_2041, %get3A_2022 : vector<16xf32>
      %exp3A_2043 = math.exp %neg3A_2042 : vector<16xf32>
      %add3A_2044 = arith.constant 1.000000e+00 : f32
      %add3A_2045 = vector.broadcast %add3A_2044 : f32 to vector<16xf32>
      %add3A_2046 = arith.addf %add3A_2045, %exp3A_2043 : vector<16xf32>
      %div3A_2047 = arith.constant 1.000000e+00 : f32
      %div3A_2048 = vector.broadcast %div3A_2047 : f32 to vector<16xf32>
      %div3A_2049 = arith.divf %div3A_2048, %add3A_2046 : vector<16xf32>
      %swap3A_2050 = arith.constant 27 : i32
      %swap3A_2051 = arith.index_cast %scan3A_771 : i32 to index
      %swap3A_2052 = arith.index_cast %swap3A_2050 : i32 to index
      %swap3A_2053 = arith.constant 12 : index
      %swap3A_2054 = tpu.vector_load %arg6[%swap3A_2051, %swap3A_2052, %swap3A_2053] {strides = array<i32>} : memref<16x28x28xf32, #tpu.memory_space<vmem>>, vector<1x1x16xf32>,
      %swap3A_2055 = vector.shape_cast %swap3A_2054 : vector<1x1x16xf32> to vector<16xf32>
      %swap3A_2056 = vector.shape_cast %div3A_2049 : vector<16xf32> to vector<1x1x16xf32>
      tpu.vector_store %arg6[%swap3A_2051, %swap3A_2052, %swap3A_2053], %swap3A_2056 {strides = array<i32>} : memref<16x28x28xf32, #tpu.memory_space<vmem>>, vector<1x1x16xf32>,
      %scan3A_2057 = arith.constant 0 : i32
      scf.yield %scan3A_2057 : i32
    }
    %scan3A_768 = arith.constant 16 : i32
    %add3A_769 = arith.constant 16 : i32
    %add3A_770 = arith.addi %mul3A_2, %add3A_769 : i32
    "tpu.region"() ({
      %run_scoped3A = tpu.sem_alloc : memref<!tpu.dma_semaphore, #tpu.memory_space<semaphore_mem>>
      %dma_start3A_771 = arith.constant 0 : i32
      %dma_start3A_772 = arith.constant 0 : i32
      %dma_start3A_773 = tpu.memref_slice %arg4[%add3A_770, %dma_start3A_771, %dma_start3A_772] : memref<1024x28x28xf32, #tpu.memory_space<hbm>> -> memref<16x28x28xf32, #tpu.memory_space<hbm>>
      %dma_start3A_774 = arith.constant 0 : i32
      %dma_start3A_775 = arith.constant 0 : i32
      %dma_start3A_776 = tpu.memref_slice %arg4[%add3A_770, %dma_start3A_774, %dma_start3A_775] : memref<1024x28x28xf32, #tpu.memory_space<hbm>> -> memref<16x28x28xf32, #tpu.memory_space<hbm>>
      tpu.enqueue_dma source(%arg6 : memref<16x28x28xf32, #tpu.memory_space<vmem>>) target(%dma_start3A_776 : memref<16x28x28xf32, #tpu.memory_space<hbm>>) target_semaphore(%run_scoped3A : memref<!tpu.dma_semaphore, #tpu.memory_space<semaphore_mem>>)
      %dma_wait3A = arith.constant 0 : i32
      %dma_wait3A_777 = arith.constant 0 : i32
      %dma_wait3A_778 = tpu.memref_slice %arg4[%add3A_770, %dma_wait3A, %dma_wait3A_777] : memref<1024x28x28xf32, #tpu.memory_space<hbm>> -> memref<16x28x28xf32, #tpu.memory_space<hbm>>
      %dma_wait3A_779 = arith.constant 0 : i32
      %dma_wait3A_780 = arith.constant 0 : i32
      %dma_wait3A_781 = tpu.memref_slice %arg4[%add3A_770, %dma_wait3A_779, %dma_wait3A_780] : memref<1024x28x28xf32, #tpu.memory_space<hbm>> -> memref<16x28x28xf32, #tpu.memory_space<hbm>>
      tpu.wait_dma2 semaphore(%run_scoped3A : memref<!tpu.dma_semaphore, #tpu.memory_space<semaphore_mem>>) src(%arg6 : memref<16x28x28xf32, #tpu.memory_space<vmem>>) dst(%dma_wait3A_781 : memref<16x28x28xf32, #tpu.memory_space<hbm>>)
      tpu.yield
    }) : () -> ()
    return
  }
}

</mosaic_0001>

<sc_bundles>
// kernel: _gather_sigmoid.3.cloned.1.call-start
scs
__scs_entry_jumppad:
0x0: {  	(pc) =	sbr.rel $0x88, $3  }
0x1: {  	(tag) =	ssettag $0x0;
	lr =	simm.s32 $0x1  }
0x2: {  	[smem:$0x3F9F] =	sst lr;
	_ =	strace $0xD0000000  }
0x3: {  	_ = 	snop  }
0x4: {  	_ = 	snop  }
0x5: {  	_ = 	snop  }
0x6: {  	_ = 	snop  }
0x7: {  	_ = 	snop  }
__scs_overlays_trampoline_lowered:
0x8: {  	[smem:$0x3FAE] =	sst s0  }
0x9: {  	[smem:$0x3FAF] =	sst s1  }
0xa: {  	[smem:$0x3FB0] =	sst s2  }
0xb: {  	[smem:$0x3FB1] =	sst s3  }
0xc: {  	[smem:$0x3FB2] =	sst s4  }
0xd: {  	[smem:$0x3FB3] =	sst s5  }
0xe: {  	[smem:$0x3FB4] =	sst s6  }
0xf: {  	[smem:$0x3FB5] =	sst s7  }
0x10: {  	[smem:$0x3FB6] =	sst s8  }
0x11: {  	[smem:$0x3FB7] =	sst s9;
	s0 =	simm.s32 @!p0 $0x0  }
0x12: {  	s1 =	sld [smem:$0x3F9D];
	s0 =	simm.s32 @p0 $0x1  }
0x13: {  	[smem:$0x3FB8] =	sst s0;
	s0 =	simm.s32 @!p1 $0x0  }
0x14: {  	s2 =	sld [smem:$0x3F9C];
	s0 =	simm.s32 @p1 $0x1  }
0x15: {  	[smem:$0x3FB9] =	sst s0;
	s0 =	simm.s32 @!p2 $0x0  }
0x16: {  	s3 =	sld [smem:$0x3FDB];
	s0 =	simm.s32 @p2 $0x1  }
0x17: {  	s4 =	simm.s32 $0x1BF5;
	[smem:$0x3FBB] =	sst s0  }
0x18: {  	s0 =	sld [smem:$0x3F9E];
	_ =	swait.ge [sflag:s4], $0x0  }
0x19: {  	s7 =	sld [smem:$0x3F9F]  }
0x1a: {  	s8 =	sadd.s32 $0xFFFFE003, lr  }
0x1b: {  	s9 =	sadd.s32 $0xFFFFFEF7, lr;
	s5 =	simm.s32 $0xFFFFFFFF;
	p2 =	slt.u32 s8, $0xFFFFF086  }
0x1c: {  	p1 =	slt.u32 s9, $0xF7A;
	s5 =	simm.s32 @!p2 $0x0  }
0x1d: {  	s5 =	simm.s32 @p1 $0x1;
	p0 =	seq.s32 s7, s2  }
0x1e: {  	s7 =	smul.u32 @!p0 $0xF7A, s2;
	p2 =	seq.s32 @!p0 s5, $0x0  }
0x1f: {  	s9 =	smul.u32 $0xF7A, s1;
	s8 =	simm.s32 @!p0 $0x1BF5;
	p2 =	por !p2, p0  }
0x20: {  	[sflag:s8] =	ssyncset.s32 @!p0 $0xFFFFF086;
	s6 =	sadd.s32 @!p0 s3, s7;
	s7 =	simm.s32 @!p0 $0x108  }
0x21: {  	s3 =	sadd.s32 s3, s9;
	s6 =	sadd.s32 @!p0 $0x88, s6;
	s7 =	simm.s32 @p2 $0x1082  }
0x22: {  	[simem:s7], [sflag:s8] =	dma.local @!p0 [hbm:s6], $0xF7A  }
0x23: {  	s9 =	sor.u32 $0xD0000000, s2;
	s6 =	simm.s32 $0x108;
	_ =	swait.ge @!p0 [sflag:s8], $0x0  }
0x24: {  	s3 =	sadd.s32 $0x88, s3;
	s6 =	simm.s32 @!p1 $0x1082;
	[sflag:s4] =	ssyncset.s32 $0xFFFFF086  }
0x25: {  	[simem:s6], [sflag:s4] =	dma.local [hbm:s3], $0xF7A  }
0x26: {  	[smem:$0x3F9F] =	sst s1;
	(tag) =	ssettag s2;
	_ =	strace s9  }
0x27: {  	s1 =	sld [smem:$0x3FAF]  }
0x28: {  	s2 =	sld [smem:$0x3FB0]  }
0x29: {  	s4 =	sld [smem:$0x3FB2]  }
0x2a: {  	p0 =	seq.s32 s5, $0x0;
	s5 =	sld [smem:$0x3FB3]  }
0x2b: {  	s6 =	sld [smem:$0x3FB4]  }
0x2c: {  	s7 =	sld [smem:$0x3FB5]  }
0x2d: {  	s3 =	simm.s32 $0x108;
	s8 =	sld [smem:$0x3FB6]  }
0x2e: {  	s3 =	simm.s32 @!p0 $0x1082;
	s9 =	sld [smem:$0x3FB7]  }
0x2f: {  	lr =	sadd.s32 s0, s3;
	s0 =	sld [smem:$0x3FAE]  }
0x30: {  	s3 =	sld [smem:$0x3FB1]  }
0x31: {  	[smem:$0x3FBA] =	sst s10  }
0x32: {  	s10 =	sld [smem:$0x3FB8];
	_ =	sdelay $0x3  }
0x33: {  	p0 =	seq.s32 s10, $0x1;
	s10 =	sld [smem:$0x3FBA];
	_ =	sdelay $0x3  }
0x34: {  	[smem:$0x3FBA] =	sst s10  }
0x35: {  	s10 =	sld [smem:$0x3FB9];
	_ =	sdelay $0x3  }
0x36: {  	p1 =	seq.s32 s10, $0x1;
	s10 =	sld [smem:$0x3FBA];
	_ =	sdelay $0x3  }
0x37: {  	[smem:$0x3FBA] =	sst s10  }
0x38: {  	s10 =	sld [smem:$0x3FBB]  }
0x39: {  	_ = 	snop;
	(pc) =	sbr.ind lr, $3  }
0x3a: {  	_ = 	snop  }
0x3b: {  	_ = 	snop  }
0x3c: {  	p2 =	seq.s32 s10, $0x1;
	s10 =	sld [smem:$0x3FBA]  }
0x3d: {  	_ =	shalt  }
0x3e: {  	_ =	shalt  }
0x3f: {  	_ =	shalt  }
0x40: {  	_ =	shalt  }
0x41: {  	_ =	shalt  }
0x42: {  	_ =	shalt  }
0x43: {  	_ =	shalt  }
0x44: {  	_ =	shalt  }
0x45: {  	_ =	shalt  }
0x46: {  	_ =	shalt  }
0x47: {  	_ =	shalt  }
0x48: {  	_ =	shalt  }
0x49: {  	_ =	shalt  }
0x4a: {  	_ =	shalt  }
0x4b: {  	_ =	shalt  }
0x4c: {  	_ =	shalt  }
0x4d: {  	_ =	shalt  }
0x4e: {  	_ =	shalt  }
0x4f: {  	_ =	shalt  }
0x50: {  	_ =	shalt  }
0x51: {  	_ =	shalt  }
0x52: {  	_ =	shalt  }
0x53: {  	_ =	shalt  }
0x54: {  	_ =	shalt  }
0x55: {  	_ =	shalt  }
0x56: {  	_ =	shalt  }
0x57: {  	_ =	shalt  }
0x58: {  	_ =	shalt  }
0x59: {  	_ =	shalt  }
0x5a: {  	_ =	shalt  }
0x5b: {  	_ =	shalt  }
0x5c: {  	_ =	shalt  }
0x5d: {  	_ =	shalt  }
0x5e: {  	_ =	shalt  }
0x5f: {  	_ =	shalt  }
0x60: {  	_ =	shalt  }
0x61: {  	_ =	shalt  }
0x62: {  	_ =	shalt  }
0x63: {  	_ =	shalt  }
0x64: {  	_ =	shalt  }
0x65: {  	_ =	shalt  }
0x66: {  	_ =	shalt  }
0x67: {  	_ =	shalt  }
0x68: {  	_ =	shalt  }
0x69: {  	_ =	shalt  }
0x6a: {  	_ =	shalt  }
0x6b: {  	_ =	shalt  }
0x6c: {  	_ =	shalt  }
0x6d: {  	_ =	shalt  }
0x6e: {  	_ =	shalt  }
0x6f: {  	_ =	shalt  }
0x70: {  	_ =	shalt  }
0x71: {  	_ =	shalt  }
0x72: {  	_ =	shalt  }
0x73: {  	_ =	shalt  }
0x74: {  	_ =	shalt  }
0x75: {  	_ =	shalt  }
0x76: {  	_ =	shalt  }
0x77: {  	_ =	shalt  }
0x78: {  	_ =	shalt  }
0x79: {  	_ =	shalt  }
0x7a: {  	_ =	shalt  }
0x7b: {  	_ =	shalt  }
0x7c: {  	_ =	shalt  }
0x7d: {  	_ =	shalt  }
0x7e: {  	_ =	shalt  }
0x7f: {  	_ =	shalt  }
0x80: {  	_ =	shalt  }
0x81: {  	_ =	shalt  }
0x82: {  	_ =	shalt  }
0x83: {  	_ =	shalt  }
0x84: {  	_ =	shalt  }
0x85: {  	_ =	shalt  }
0x86: {  	_ =	shalt  }
0x87: {  	_ =	shalt  }
.Lfunc_end0:
.L_simem_size_0:
called_computation_lowered:
.L_overlay_start_0:
0x88: {  	s2 =	sld [smem:$0x3FD9]  }
0x89: {  	s3 =	sld [smem:$0x3FFE];
	_ =	sdelay $0x1  }
0x8a: {  	s1 =	srdreg.scid  }
0x8b: {  	s0 =	sand.u32 $0x1, s1  }
0x8c: {  	s17 =	sshll.u32 s0, $0xA;
	s2 =	sadd.s32 s3, s2  }
0x8d: {  	s2 =	sadd.s32 s2, s17  }
0x8e: {  	[smem:$0x3FC6] =	sst s2  }
0x8f: {  	_ = 	snop  }
0x90: {  	s2 =	sld [smem:$0x3FC8];
	(tm) =	ssettm $0x1  }
0x91: {  	s18 =	sld [smem:$0x3FFB];
	_ =	sdelay $0x3  }
0x92: {  	_ =	strace s18  }
0x93: {  	s3 =	sld [smem:$0x3FFC];
	_ =	sdelay $0x3  }
0x94: {  	_ =	strace s3  }
0x95: {  	s3 =	sld [smem:$0x3FFD];
	_ =	sdelay $0x3  }
0x96: {  	_ =	strace s3  }
0x97: {  	_ =	strace $0x8FFFFFFF  }
0x98: {  	s19 =	sld [smem:$0x3FDB];
	_ =	sdelay $0x1  }
0x99: {  	s4 =	simm.s32 $_scs_section_size  }
0x9a: {  	s5 =	simm.s32 $_size__tile_overlayer_lowered;
	s6 =	simm.s32 $_tile_overlayer_lowered  }
0x9b: {  	s22 =	simm.s32 $0x1BFF;
	s21 =	sshll.u32 s6, $0x1;
	s3 =	sadd.s32 s4, s19  }
0x9c: {  	s7 =	simm.s32 $0x0;
	s20 =	sshll.u32 s5, $0x1;
	s5 =	sadd.s32 s21, s3  }
0x9d: {  	[timem:s7], [sflag:s22] =	dma.local [hbm:s5], s20  }
0x9e: {  	_ =	swait.ge [sflag:s22], s20  }
0x9f: {  	s4 =	ssub.s32 $0x0, s20;
	[sflag:s22] =	ssyncset.done $0x0  }
0xa0: {  	[sflag:s22] =	ssyncadd.s32 s4;
	_ =	sdelay $0x1  }
0xa1: {  	s23 =	simm.s32 $0x1B8B  }
0xa2: {  	_ =	swait.ge [sflag:s23], $0x1  }
0xa3: {  	[sflag:s23] =	ssyncset.done $0x0  }
0xa4: {  	s25 =	simm.s32 $0x1B8E;
	s24 =	sld [smem:$0x3FFE];
	[sflag:s23] =	ssyncadd.s32 $0xFFFFFFFF  }
0xa5: {  	s26 =	simm.s32 $execute0_lowered;
	[smem:$0x3FD2] =	sst s25  }
0xa6: {  	s5 =	sshll.u32 s26, $0x1;
	_ =	strace $0x80000046;
	[dreg:$0x1] =	wrdreg $0xFFFFFFFF  }
0xa7: {  	s28 =	simm.s32 $_size_execute0_lowered;
	s3 =	sadd.s32 s3, s5;
	[dreg:$0x0] =	wrdreg $0x0  }
0xa8: {  	s5 =	sshll.u32 s28, $0x1;
	[dreg:$0x2] =	wrdreg s3  }
0xa9: {  	[dreg:$0x3] =	wrdreg s5  }
0xaa: {  	[dreg:$0x4] =	wrdreg $0xC0  }
0xab: {  	_ =	task [dreg:s7], $0x5FFFF  }
0xac: {  	[dreg:$0x1] =	wrdreg $0xFFFFFFFF  }
0xad: {  	[dreg:$0x0] =	wrdreg $0x60  }
0xae: {  	[dreg:$0x2] =	wrdreg s24  }
0xaf: {  	[dreg:$0x3] =	wrdreg s2  }
0xb0: {  	[dreg:$0x4] =	wrdreg $0x9  }
0xb1: {  	_ =	task.clear_ibuf [dreg:s7], $0x5FFFF;
	_ =	strace $0x90000046  }
0xb2: {  	s29 =	simm.s32 $0x9;
	_ =	strace $0x80000048  }
0xb3: {  	_ =	swait.ge [sflag:s29], $0x1  }
0xb4: {  	[sflag:s29] =	ssyncadd.s32 $0xFFFFFFFF  }
0xb5: {  	_ =	strace $0x90000048  }
0xb6: {  	_ =	sfence  }
0xb7: {  	s30 =	sld [smem:$0x0];
	_ =	sdelay $0x2  }
0xb8: {  	s31 =	sshll.u32 s1, $0xD;
	s1 =	sshrl.u32 s1, $0x2  }
0xb9: {  	s3 =	sand.u32 $0x4000, s31;
	s1 =	sadd.s32 s1, s30  }
0xba: {  	s0 =	sor.u32 s3, s0;
	s1 =	sshll.u32 s1, $0x11  }
0xbb: {  	s0 =	sor.u32 s1, s0  }
0xbc: {  	s0 =	sadd.s32 $0x8F2B, s0  }
0xbd: {  	[sflag:s0] =	ssyncadd.remote.s32 $0x1  }
0xbe: {  	_ =	sfence.sel $0xFFFF  }
0xbf: {  	[dreg:$0x0] =	wrdreg $0xFFFFFFFF;
	(pc) =	sbr.abs _section_cstart, $3  }
0xc0: {  	[dreg:$0x1] =	wrdreg $0xFFFFFFFF  }
0xc1: {  	_ =	task.clear_ibuf [dreg:s7], $0x2FFFF;
	_ =	strace $0x9FFFFFFF  }
0xc2: {  	(tm) =	ssettm $0x7FFFFFFF  }
0xc3: {  	_ =	shalt  }
tec
execute0_lowered:
.L_overlay_start_1:
0x0: {  	(tag) =	ssettag $0x1  }
0x1: {  	s0 =	srdreg.scid  }
0x2: {  	s2 =	stileid.u32;
	s4 =	rddreg [dreg:$0x1];
	s30 =	simm.s32 $0xF080  }
0x3: {  	s28 =	simm.s32 $0x1;
	s1 =	sand.u32 $0x1, s0;
	s0 =	rddreg [dreg:$0x0]  }
0x4: {  	s2 =	sshll.u32 s2, $0x6;
	s3 =	sshll.u32 s1, $0x5;
	s1 =	ssub.s32 $0x2, s1  }
0x5: {  	s31 =	sadd.s32 $0x400, s0;
	s2 =	sor.u32 s3, s2;
	s3 =	sadd.s32 $0x278D400, s0  }
0x6: {  	s5 =	sshrl.u32 s1, $0x1;
	s0 =	simm.s32 $0x0;
	s6 =	sor.u32 $0x8, s2  }
0x7: {  	s1 =	ssub.s32 s1, s5;
	s14 =	sor.u32 $0x9, s2;
	s16 =	sor.u32 $0xA, s2  }
0x8: {  	s18 =	sor.u32 $0xB, s2;
	s20 =	sor.u32 $0xC, s2;
	s22 =	sor.u32 $0xD, s2  }
0x9: {  	s24 =	sor.u32 $0xE, s2;
	s26 =	sor.u32 $0xF, s2;
	s7 =	sshrl.u32 s2, $0x3  }
0xa: {  	s10 =	sshll.u32 s2, $0x9;
	s12 =	sor.u32 $0x11, s2;
	s29 =	smul.u32 $0x51000, s2  }
0xb: {  	s13 =	smin.u32 s6, $0x3E7;
	s15 =	smin.u32 s14, $0x3E7;
	s17 =	smin.u32 s16, $0x3E7  }
0xc: {  	s19 =	smin.u32 s18, $0x3E7;
	s21 =	smin.u32 s20, $0x3E7;
	s23 =	smin.u32 s22, $0x3E7  }
0xd: {  	s25 =	smin.u32 s24, $0x3E7;
	s8 =	smin.u32 s26, $0x3E7;
	s4 =	sadd.s32 s4, s7  }
0xe: {  	s14 =	sor.u32 $0x12, s2;
	s16 =	sor.u32 $0x13, s2;
	s18 =	sor.u32 $0x14, s2  }
0xf: {  	s20 =	sor.u32 $0x15, s2;
	s22 =	sor.u32 $0x16, s2;
	s24 =	sor.u32 $0x17, s2  }
0x10: {  	s26 =	sor.u32 $0x18, s2;
	s5 =	smul.u32 $0x51000, s13;
	[dreg:$0xa] =	wrdreg s4  }
0x11: {  	s9 =	smul.u32 $0x51000, s8;
	s4 =	sor.u32 $0x10, s2;
	s13 =	smin.u32 s12, $0x3E7  }
0x12: {  	s8 =	smin.u32 s26, $0x3E7;
	s12 =	sor.u32 $0x1B, s2;
	s26 =	sadd.s32 $0xF3000, s29  }
0x13: {  	s7 =	sadd.s32 $0x237000, s29;
	s11 =	smin.u32 s4, $0x3E7;
	[dreg:$0x3] =	wrdreg s5  }
0x14: {  	s4 =	sshll.u32 s4, $0x9;
	s5 =	smul.u32 $0x51000, s15;
	[dreg:$0xb] =	wrdreg s9  }
0x15: {  	s6 =	smul.u32 $0x51000, s11;
	s15 =	smin.u32 s14, $0x3E7;
	s9 =	sor.u32 $0x19, s2  }
0x16: {  	s14 =	sor.u32 $0x1C, s2;
	[dreg:$0x4] =	wrdreg s5;
	s5 =	smul.u32 $0x51000, s17  }
0x17: {  	[dreg:$0xc] =	wrdreg s6;
	s6 =	smul.u32 $0x51000, s13;
	s17 =	smin.u32 s16, $0x3E7  }
0x18: {  	s13 =	smin.u32 s12, $0x3E7;
	s16 =	sor.u32 $0x1D, s2;
	[dreg:$0x5] =	wrdreg s5  }
0x19: {  	s12 =	simm.s32 $0x3080;
	s5 =	smul.u32 $0x51000, s19;
	[dreg:$0xd] =	wrdreg s6  }
0x1a: {  	s6 =	smul.u32 $0x51000, s15;
	s19 =	smin.u32 s18, $0x3E7;
	s15 =	smin.u32 s14, $0x3E7  }
0x1b: {  	s18 =	smin.u32 s16, $0x3E7;
	[dreg:$0x6] =	wrdreg s5;
	s5 =	smul.u32 $0x51000, s21  }
0x1c: {  	s14 =	simm.s32 $0x5080;
	[dreg:$0xe] =	wrdreg s6;
	s6 =	smul.u32 $0x51000, s17  }
0x1d: {  	s21 =	smin.u32 s20, $0x3E7;
	s17 =	sadd.s32 s3, s10;
	s20 =	sadd.s32 s3, s4  }
0x1e: {  	s10 =	sor.u32 $0x1A, s2;
	[dreg:$0x7] =	wrdreg s5;
	s5 =	smul.u32 $0x51000, s23  }
0x1f: {  	s3 =	smin.u32 s10, $0x3E7;
	[dreg:$0xf] =	wrdreg s6;
	s6 =	smul.u32 $0x51000, s19  }
0x20: {  	s16 =	simm.s32 $0x7080;
	s3 =	smul.u32 $0x51000, s3;
	[dreg:$0x8] =	wrdreg s5  }
0x21: {  	s4 =	sadd.s32 $0x144000, s29;
	s5 =	smul.u32 $0x51000, s25;
	[dreg:$0x10] =	wrdreg s6  }
0x22: {  	s10 =	simm.s32 $0x1080;
	s6 =	smul.u32 $0x51000, s21;
	[dreg:$0x16] =	wrdreg s3  }
0x23: {  	s23 =	smin.u32 s22, $0x3E7;
	s3 =	smul.u32 $0x51000, s13;
	[dreg:$0x9] =	wrdreg s5  }
0x24: {  	s19 =	sor.u32 $0x1E, s2;
	[dreg:$0x11] =	wrdreg s6;
	s6 =	smul.u32 $0x51000, s23  }
0x25: {  	s2 =	sor.u32 $0x1F, s2;
	s5 =	smul.u32 $0x51000, s8;
	[dreg:$0x17] =	wrdreg s3  }
0x26: {  	s25 =	smin.u32 s24, $0x3E7;
	s3 =	smul.u32 $0x51000, s15;
	[dreg:$0x12] =	wrdreg s6  }
0x27: {  	s2 =	smin.u32 s2, $0x3E7;
	s6 =	smul.u32 $0x51000, s25;
	[dreg:$0x14] =	wrdreg s5  }
0x28: {  	[dreg:$0x18] =	wrdreg s3;
	s25 =	simm.s32 $0x0;
	s3 =	smul.u32 $0x51000, s18  }
0x29: {  	s21 =	smul.u32 $0x51000, s2;
	s5 =	smin.u32 s9, $0x3E7;
	[smem:$0x7FF] =	sst s25  }
0x2a: {  	s11 =	smul.u32 $0x51000, s5;
	[dreg:$0x19] =	wrdreg s3;
	s3 =	smin.u32 s19, $0x3E7  }
0x2b: {  	s22 =	smax.u32 s1, $0x1;
	[dreg:$0x13] =	wrdreg s6;
	s3 =	smul.u32 $0x51000, s3  }
0x2c: {  	s24 =	sadd.s32 $0xA2000, s29;
	s13 =	simm.s32 $0x4080;
	[dreg:$0x15] =	wrdreg s11  }
0x2d: {  	s23 =	sadd.s32 $0x51000, s29;
	s8 =	simm.s32 $0x2;
	[dreg:$0x1a] =	wrdreg s3  }
0x2e: {  	s15 =	simm.s32 $0x6080;
	_ =	strace $0x80000047;
	[dreg:$0x1b] =	wrdreg s21  }
0x2f: {  	s9 =	simm.s32 $0x80;
	s18 =	simm.s32 $0x8080;
	[dreg:$0x1c] =	wrdreg s22  }
0x30: {  	s5 =	sadd.s32 $0x195000, s29;
	s6 =	sadd.s32 $0x1E6000, s29;
	[dreg:$0x1d] =	wrdreg s23  }
0x31: {  	s19 =	simm.s32 $0x9080;
	s11 =	simm.s32 $0x2080;
	[dreg:$0x1e] =	wrdreg s24  }
0x32: {  	[dreg:$0x1f] =	wrdreg s26;
	s21 =	simm.s32 $0xA080;
	s22 =	simm.s32 $0xB080  }
0x33: {  	s23 =	simm.s32 $0xC080;
	s24 =	simm.s32 $0xD080;
	s26 =	simm.s32 $0xE080  }
.LBB2_1:
0x34: {  	s1 =	rddreg [dreg:$0xa]  }
0x35: {  	[tilespmem:s25], [sflag:$0x2] =	stream.linear.gather [hbm4b:s1+s25], $0x20, $0x38;
	[tilespmem:$0x10080] =	vst v63  }
0x36: {  	_ =	swait.ge [sflag:s8], $0x20  }
0x37: {  	[sflag:s8] =	ssyncset.done $0x0  }
0x38: {  	[sflag:s8] =	ssyncadd.s32 $0xFFFFFFE0  }
0x39: {  	v0 =	vld [tilespmem:$0x0];
	_ =	sdelay $0x4  }
0x3a: {  	v0 =	vshll.u32 v0, $0xC  }
0x3b: {  	(v2sf) =	vpush v0, $0x0;
	_ =	sdelay $0x2  }
0x3c: {  	(v2sf) =	vpush v0, $0x1;
	_ =	sdelay $0x8  }
0x3d: {  	(v2sf) =	vpush v0, $0x2;
	_ =	sdelay $0x2  }
0x3e: {  	s2 =	spop (v2sf);
	(v2sf) =	vpush v0, $0x3;
	_ =	sdelay $0x2  }
0x3f: {  	s3 =	spop (v2sf);
	(v2sf) =	vpush v0, $0x4;
	_ =	sdelay $0x2  }
0x40: {  	s1 =	sadd.s32 s29, s2  }
0x41: {  	s1 =	sshrl.u32 s1, $0x3  }
0x42: {  	s2 =	rddreg [dreg:$0x1d];
	(v2sf) =	vpush v0, $0x5;
	s1 =	sadd.s32 s31, s1  }
0x43: {  	[tilespmem:s9], [sflag:$0x1] =	stream.linear.gather [hbm4b:s1+s25], $0xE00, $0x38;
	[tilespmem:$0x10080] =	vst v63  }
0x44: {  	s1 =	sadd.s32 s3, s2  }
0x45: {  	s1 =	sshrl.u32 s1, $0x3  }
0x46: {  	s2 =	spop (v2sf);
	s3 =	rddreg [dreg:$0x1e];
	s1 =	sadd.s32 s31, s1  }
0x47: {  	[tilespmem:s10], [sflag:$0x1] =	stream.linear.gather [hbm4b:s1+s25], $0xE00, $0x38;
	[tilespmem:$0x10080] =	vst v63  }
0x48: {  	s1 =	sadd.s32 s2, s3  }
0x49: {  	s1 =	sshrl.u32 s1, $0x3;
	s2 =	spop (v2sf);
	(v2sf) =	vpush v0, $0x6  }
0x4a: {  	s3 =	rddreg [dreg:$0x1f];
	s1 =	sadd.s32 s31, s1  }
0x4b: {  	[tilespmem:s11], [sflag:$0x1] =	stream.linear.gather [hbm4b:s1+s25], $0xE00, $0x38;
	[tilespmem:$0x10080] =	vst v63  }
0x4c: {  	s1 =	sadd.s32 s2, s3;
	s2 =	spop (v2sf);
	(v2sf) =	vpush v0, $0x7;
	_ =	sdelay $0x3  }
0x4d: {  	s1 =	sshrl.u32 s1, $0x3  }
0x4e: {  	s3 =	spop (v2sf);
	s1 =	sadd.s32 s31, s1  }
0x4f: {  	(v2sf) =	vpush v0, $0x8;
	[tilespmem:s12], [sflag:$0x1] =	stream.linear.gather [hbm4b:s1+s25], $0xE00, $0x38;
	[tilespmem:$0x10080] =	vst v63  }
0x50: {  	s1 =	sadd.s32 s2, s4  }
0x51: {  	s1 =	sshrl.u32 s1, $0x3  }
0x52: {  	s1 =	sadd.s32 s31, s1  }
0x53: {  	[tilespmem:s13], [sflag:$0x1] =	stream.linear.gather [hbm4b:s1+s25], $0xE00, $0x38;
	[tilespmem:$0x10080] =	vst v63  }
0x54: {  	s1 =	sadd.s32 s3, s5  }
0x55: {  	s1 =	sshrl.u32 s1, $0x3;
	s2 =	spop (v2sf);
	(v2sf) =	vpush v0, $0x9  }
0x56: {  	s1 =	sadd.s32 s31, s1  }
0x57: {  	[tilespmem:s14], [sflag:$0x1] =	stream.linear.gather [hbm4b:s1+s25], $0xE00, $0x38;
	[tilespmem:$0x10080] =	vst v63  }
0x58: {  	s1 =	sadd.s32 s2, s6;
	s3 =	spop (v2sf);
	(v2sf) =	vpush v0, $0xA  }
0x59: {  	s1 =	sshrl.u32 s1, $0x3  }
0x5a: {  	s1 =	sadd.s32 s31, s1  }
0x5b: {  	[tilespmem:s15], [sflag:$0x1] =	stream.linear.gather [hbm4b:s1+s25], $0xE00, $0x38;
	[tilespmem:$0x10080] =	vst v63  }
0x5c: {  	(v2sf) =	vpush v0, $0xB;
	s1 =	sadd.s32 s3, s7  }
0x5d: {  	s1 =	sshrl.u32 s1, $0x3  }
0x5e: {  	s2 =	spop (v2sf);
	s3 =	rddreg [dreg:$0x3];
	s1 =	sadd.s32 s31, s1  }
0x5f: {  	[tilespmem:s16], [sflag:$0x1] =	stream.linear.gather [hbm4b:s1+s25], $0xE00, $0x38;
	[tilespmem:$0x10080] =	vst v63  }
0x60: {  	(v2sf) =	vpush v0, $0xC;
	s1 =	sadd.s32 s3, s2  }
0x61: {  	s1 =	sshrl.u32 s1, $0x3  }
0x62: {  	s1 =	sadd.s32 s31, s1  }
0x63: {  	[tilespmem:s18], [sflag:$0x1] =	stream.linear.gather [hbm4b:s1+s25], $0xE00, $0x38;
	[tilespmem:$0x10080] =	vst v63  }
0x64: {  	s3 =	rddreg [dreg:$0x4];
	s2 =	spop (v2sf)  }
0x65: {  	s1 =	sadd.s32 s3, s2  }
0x66: {  	(v2sf) =	vpush v0, $0xD;
	s1 =	sshrl.u32 s1, $0x3  }
0x67: {  	s2 =	spop (v2sf);
	s3 =	rddreg [dreg:$0x5];
	s1 =	sadd.s32 s31, s1  }
0x68: {  	[tilespmem:s19], [sflag:$0x1] =	stream.linear.gather [hbm4b:s1+s25], $0xE00, $0x38;
	[tilespmem:$0x10080] =	vst v63  }
0x69: {  	(v2sf) =	vpush v0, $0xE;
	s1 =	sadd.s32 s3, s2  }
0x6a: {  	s1 =	sshrl.u32 s1, $0x3  }
0x6b: {  	s2 =	spop (v2sf);
	s3 =	rddreg [dreg:$0x6];
	s1 =	sadd.s32 s31, s1  }
0x6c: {  	[tilespmem:s21], [sflag:$0x1] =	stream.linear.gather [hbm4b:s1+s25], $0xE00, $0x38;
	[tilespmem:$0x10080] =	vst v63  }
0x6d: {  	(v2sf) =	vpush v0, $0xF;
	s1 =	sadd.s32 s3, s2  }
0x6e: {  	s1 =	sshrl.u32 s1, $0x3  }
0x6f: {  	s2 =	spop (v2sf);
	s3 =	rddreg [dreg:$0x7];
	s1 =	sadd.s32 s31, s1  }
0x70: {  	[tilespmem:s22], [sflag:$0x1] =	stream.linear.gather [hbm4b:s1+s25], $0xE00, $0x38;
	[tilespmem:$0x10080] =	vst v63  }
0x71: {  	s1 =	sadd.s32 s3, s2  }
0x72: {  	s1 =	sshrl.u32 s1, $0x3  }
0x73: {  	s1 =	sadd.s32 s31, s1  }
0x74: {  	[tilespmem:s23], [sflag:$0x1] =	stream.linear.gather [hbm4b:s1+s25], $0xE00, $0x38;
	[tilespmem:$0x10080] =	vst v63  }
0x75: {  	s3 =	rddreg [dreg:$0x8];
	s2 =	spop (v2sf)  }
0x76: {  	s1 =	sadd.s32 s3, s2  }
0x77: {  	s1 =	sshrl.u32 s1, $0x3  }
0x78: {  	s2 =	spop (v2sf);
	s3 =	rddreg [dreg:$0x9];
	s1 =	sadd.s32 s31, s1  }
0x79: {  	[tilespmem:s24], [sflag:$0x1] =	stream.linear.gather [hbm4b:s1+s25], $0xE00, $0x38;
	[tilespmem:$0x10080] =	vst v63  }
0x7a: {  	s1 =	sadd.s32 s3, s2  }
0x7b: {  	s1 =	sshrl.u32 s1, $0x3  }
0x7c: {  	s2 =	spop (v2sf);
	s3 =	rddreg [dreg:$0xb];
	s1 =	sadd.s32 s31, s1  }
0x7d: {  	[tilespmem:s26], [sflag:$0x1] =	stream.linear.gather [hbm4b:s1+s25], $0xE00, $0x38;
	[tilespmem:$0x10080] =	vst v63  }
0x7e: {  	s1 =	sadd.s32 s3, s2  }
0x7f: {  	s1 =	sshrl.u32 s1, $0x3  }
0x80: {  	s1 =	sadd.s32 s31, s1  }
0x81: {  	[tilespmem:s30], [sflag:$0x1] =	stream.linear.gather [hbm4b:s1+s25], $0xE00, $0x38;
	[tilespmem:$0x10080] =	vst v63  }
0x82: {  	_ =	swait.ge [sflag:s28], $0xE00  }
0x83: {  	[sflag:s28] =	ssyncset.done $0x0  }
0x84: {  	[sflag:s28] =	ssyncadd.s32 $0xFFFFF200  }
0x85: {  	_ =	swait.ge [sflag:s28], $0xE00  }
0x86: {  	[sflag:s28] =	ssyncset.done $0x0  }
0x87: {  	[sflag:s28] =	ssyncadd.s32 $0xFFFFF200  }
0x88: {  	_ =	swait.ge [sflag:s28], $0xE00  }
0x89: {  	[sflag:s28] =	ssyncset.done $0x0  }
0x8a: {  	[sflag:s28] =	ssyncadd.s32 $0xFFFFF200  }
0x8b: {  	_ =	swait.ge [sflag:s28], $0xE00  }
0x8c: {  	[sflag:s28] =	ssyncset.done $0x0  }
0x8d: {  	[sflag:s28] =	ssyncadd.s32 $0xFFFFF200  }
0x8e: {  	_ =	swait.ge [sflag:s28], $0xE00  }
0x8f: {  	[sflag:s28] =	ssyncset.done $0x0  }
0x90: {  	[sflag:s28] =	ssyncadd.s32 $0xFFFFF200  }
0x91: {  	_ =	swait.ge [sflag:s28], $0xE00  }
0x92: {  	[sflag:s28] =	ssyncset.done $0x0  }
0x93: {  	[sflag:s28] =	ssyncadd.s32 $0xFFFFF200  }
0x94: {  	_ =	swait.ge [sflag:s28], $0xE00  }
0x95: {  	[sflag:s28] =	ssyncset.done $0x0  }
0x96: {  	[sflag:s28] =	ssyncadd.s32 $0xFFFFF200  }
0x97: {  	_ =	swait.ge [sflag:s28], $0xE00  }
0x98: {  	[sflag:s28] =	ssyncset.done $0x0  }
0x99: {  	[sflag:s28] =	ssyncadd.s32 $0xFFFFF200  }
0x9a: {  	_ =	swait.ge [sflag:s28], $0xE00  }
0x9b: {  	[sflag:s28] =	ssyncset.done $0x0  }
0x9c: {  	[sflag:s28] =	ssyncadd.s32 $0xFFFFF200  }
0x9d: {  	_ =	swait.ge [sflag:s28], $0xE00  }
0x9e: {  	[sflag:s28] =	ssyncset.done $0x0  }
0x9f: {  	[sflag:s28] =	ssyncadd.s32 $0xFFFFF200  }
0xa0: {  	_ =	swait.ge [sflag:s28], $0xE00  }
0xa1: {  	[sflag:s28] =	ssyncset.done $0x0  }
0xa2: {  	[sflag:s28] =	ssyncadd.s32 $0xFFFFF200  }
0xa3: {  	_ =	swait.ge [sflag:s28], $0xE00  }
0xa4: {  	[sflag:s28] =	ssyncset.done $0x0  }
0xa5: {  	[sflag:s28] =	ssyncadd.s32 $0xFFFFF200  }
0xa6: {  	_ =	swait.ge [sflag:s28], $0xE00  }
0xa7: {  	[sflag:s28] =	ssyncset.done $0x0  }
0xa8: {  	[sflag:s28] =	ssyncadd.s32 $0xFFFFF200  }
0xa9: {  	_ =	swait.ge [sflag:s28], $0xE00  }
0xaa: {  	[sflag:s28] =	ssyncset.done $0x0  }
0xab: {  	[sflag:s28] =	ssyncadd.s32 $0xFFFFF200  }
0xac: {  	_ =	swait.ge [sflag:s28], $0xE00  }
0xad: {  	[sflag:s28] =	ssyncset.done $0x0  }
0xae: {  	[sflag:s28] =	ssyncadd.s32 $0xFFFFF200  }
0xaf: {  	_ =	swait.ge [sflag:s28], $0xE00  }
0xb0: {  	[sflag:s28] =	ssyncset.done $0x0  }
0xb1: {  	s1 =	simm.s32 $0x0;
	[sflag:s28] =	ssyncadd.s32 $0xFFFFF200  }
0xb2: {  	v0 =	vld [tilespmem:s1+$0x80]  }
0xb3: {  	v1 =	vld [tilespmem:s1+$0x8C];
	_ =	sdelay $0x1  }
0xb4: {  	v2 =	vld [tilespmem:s1+$0x100]  }
0xb5: {  	v3 =	vld [tilespmem:s1+$0x10C]  }
0xb6: {  	v4 =	vld [tilespmem:s1+$0x180];
	v0 =	vsub.f32 $0.0e+00, v0  }
0xb7: {  	v5 =	vld [tilespmem:s1+$0x18C];
	v1 =	vsub.f32 $0.0e+00, v1  }
0xb8: {  	v6 =	vld [tilespmem:s1+$0x200];
	v0 =	vmul.f32 $1.442695020e+00, v0  }
0xb9: {  	v7 =	vld [tilespmem:s1+$0x20C];
	v1 =	vmul.f32 $1.442695020e+00, v1  }
0xba: {  	v2 =	vsub.f32 $0.0e+00, v2;
	v3 =	vsub.f32 $0.0e+00, v3;
	(erf) = vpow2.f32 v0  }
0xbb: {  	v4 =	vsub.f32 $0.0e+00, v4;
	(erf) = vpow2.f32 v1  }
0xbc: {  	v2 =	vmul.f32 $1.442695020e+00, v2;
	v0 =	vmul.f32 $1.442695020e+00, v3;
	v3 =	vsub.f32 $0.0e+00, v5  }
0xbd: {  	v1 =	vmul.f32 $1.442695020e+00, v4;
	v4 =	vsub.f32 $0.0e+00, v6  }
0xbe: {  	(erf) = vpow2.f32 v2;
	v2 =	vmul.f32 $1.442695020e+00, v3;
	v3 =	vsub.f32 $0.0e+00, v7  }
0xbf: {  	(erf) = vpow2.f32 v0;
	v0 =	vmul.f32 $1.442695020e+00, v4  }
0xc0: {  	(erf) = vpow2.f32 v1;
	v1 =	vmul.f32 $1.442695020e+00, v3;
	_ =	sdelay $0x1  }
0xc1: {  	(erf) = vpow2.f32 v2  }
0xc2: {  	(erf) = vpow2.f32 v0;
	v0 =	vpop (erf)  }
0xc3: {  	(erf) = vpow2.f32 v1;
	v0 =	vadd.f32 $1.000000000e+00, v0;
	v1 =	vpop (erf)  }
0xc4: {  	v1 =	vadd.f32 $1.000000000e+00, v1;
	_ =	sdelay $0x1  }
0xc5: {  	v2 =	vld [tilespmem:s1+$0x280];
	v3 =	vpop (erf)  }
0xc6: {  	v4 =	vld [tilespmem:s1+$0x28C];
	v3 =	vadd.f32 $1.000000000e+00, v3;
	(erf) = vrcp.f32 v0;
	v0 =	vpop (erf)  }
0xc7: {  	(erf) = vrcp.f32 v1;
	v0 =	vadd.f32 $1.000000000e+00, v0;
	v1 =	vpop (erf)  }
0xc8: {  	v5 =	vld [tilespmem:s1+$0x300];
	v1 =	vadd.f32 $1.000000000e+00, v1  }
0xc9: {  	v6 =	vld [tilespmem:s1+$0x30C]  }
0xca: {  	v7 =	vld [tilespmem:s1+$0x380];
	v2 =	vsub.f32 $0.0e+00, v2;
	(erf) = vrcp.f32 v3;
	v3 =	vpop (erf)  }
0xcb: {  	v8 =	vld [tilespmem:s1+$0x38C];
	v4 =	vsub.f32 $0.0e+00, v4;
	v3 =	vadd.f32 $1.000000000e+00, v3;
	(erf) = vrcp.f32 v0;
	v0 =	vpop (erf)  }
0xcc: {  	v2 =	vmul.f32 $1.442695020e+00, v2;
	(erf) = vrcp.f32 v1;
	v0 =	vadd.f32 $1.000000000e+00, v0;
	v1 =	vpop (erf)  }
0xcd: {  	(erf) = vrcp.f32 v3;
	v3 =	vsub.f32 $0.0e+00, v5;
	v5 =	vld [tilespmem:s1+$0x40C];
	v1 =	vadd.f32 $1.000000000e+00, v1  }
0xce: {  	(erf) = vrcp.f32 v0;
	v0 =	vmul.f32 $1.442695020e+00, v4;
	v4 =	vsub.f32 $0.0e+00, v6;
	v6 =	vld [tilespmem:s1+$0x480]  }
0xcf: {  	v9 =	vld [tilespmem:s1+$0x400];
	(erf) = vrcp.f32 v1;
	v1 =	vmul.f32 $1.442695020e+00, v3;
	v3 =	vsub.f32 $0.0e+00, v7  }
0xd0: {  	(erf) = vpow2.f32 v2;
	v2 =	vmul.f32 $1.442695020e+00, v4;
	v4 =	vsub.f32 $0.0e+00, v8  }
0xd1: {  	(erf) = vpow2.f32 v0  }
0xd2: {  	v10 =	vld [tilespmem:s1+$0x48C];
	v7 =	vpop (erf);
	v12 =	vsub.f32 $0.0e+00, v5;
	(erf) = vpow2.f32 v1  }
0xd3: {  	v8 =	vld [tilespmem:s1+$0x500];
	v0 =	vmul.f32 $1.442695020e+00, v3;
	v3 =	vpop (erf);
	(erf) = vpow2.f32 v2;
	v2 =	vsub.f32 $0.0e+00, v6  }
0xd4: {  	v11 =	vld [tilespmem:s1+$0x50C];
	v9 =	vsub.f32 $0.0e+00, v9;
	v1 =	vmul.f32 $1.442695020e+00, v4;
	v4 =	vpop (erf)  }
0xd5: {  	(erf) = vpow2.f32 v0;
	v0 =	vmul.f32 $1.442695020e+00, v12;
	v5 =	vpop (erf)  }
0xd6: {  	v9 =	vmul.f32 $1.442695020e+00, v9;
	v6 =	vpop (erf)  }
0xd7: {  	v10 =	vsub.f32 $0.0e+00, v10;
	(erf) = vpow2.f32 v1;
	v12 =	vmul.f32 $1.442695020e+00, v2;
	v2 =	vpop (erf)  }
0xd8: {  	v8 =	vsub.f32 $0.0e+00, v8;
	(erf) = vpow2.f32 v9;
	v1 =	vpop (erf)  }
0xd9: {  	v9 =	vmul.f32 $1.442695020e+00, v10;
	v10 =	vsub.f32 $0.0e+00, v11;
	(erf) = vpow2.f32 v0;
	v0 =	vpop (erf)  }
0xda: {  	v8 =	vmul.f32 $1.442695020e+00, v8;
	(erf) = vpow2.f32 v12;
	v11 =	vpop (erf)  }
0xdb: {  	v10 =	vmul.f32 $1.442695020e+00, v10;
	(erf) = vpow2.f32 v9;
	v9 =	vadd.f32 $1.000000000e+00, v11;
	v11 =	vpop (erf)  }
0xdc: {  	(erf) = vpow2.f32 v8;
	v8 =	vadd.f32 $1.000000000e+00, v11;
	v11 =	vpop (erf)  }
0xdd: {  	(erf) = vpow2.f32 v10;
	v10 =	vadd.f32 $1.000000000e+00, v11;
	_ =	sdelay $0x1  }
0xde: {  	(erf) = vrcp.f32 v9;
	v9 =	vpop (erf)  }
0xdf: {  	(erf) = vrcp.f32 v8;
	v9 =	vadd.f32 $1.000000000e+00, v9;
	v8 =	vpop (erf)  }
0xe0: {  	(erf) = vrcp.f32 v10;
	v8 =	vadd.f32 $1.000000000e+00, v8;
	v10 =	vpop (erf)  }
0xe1: {  	v10 =	vadd.f32 $1.000000000e+00, v10;
	_ =	sdelay $0x1  }
0xe2: {  	(erf) = vrcp.f32 v9;
	v9 =	vpop (erf)  }
0xe3: {  	v12 =	vld [tilespmem:s1+$0x58C];
	(erf) = vrcp.f32 v8;
	v9 =	vadd.f32 $1.000000000e+00, v9;
	v8 =	vpop (erf)  }
0xe4: {  	v11 =	vld [tilespmem:s1+$0x580];
	(erf) = vrcp.f32 v10;
	v8 =	vadd.f32 $1.000000000e+00, v8;
	v10 =	vpop (erf)  }
0xe5: {  	v10 =	vadd.f32 $1.000000000e+00, v10  }
0xe6: {  	v13 =	vld [tilespmem:s1+$0x600]  }
0xe7: {  	v14 =	vld [tilespmem:s1+$0x60C];
	(erf) = vrcp.f32 v9;
	v9 =	vpop (erf)  }
0xe8: {  	v15 =	vld [tilespmem:s1+$0x680];
	v12 =	vsub.f32 $0.0e+00, v12;
	(erf) = vrcp.f32 v8;
	v8 =	vpop (erf)  }
0xe9: {  	v16 =	vld [tilespmem:s1+$0x68C];
	v11 =	vsub.f32 $0.0e+00, v11;
	v9 =	vadd.f32 $1.000000000e+00, v9;
	(erf) = vrcp.f32 v10;
	v10 =	vpop (erf)  }
0xea: {  	v17 =	vld [tilespmem:s1+$0x700];
	v8 =	vadd.f32 $1.000000000e+00, v8;
	v10 =	vadd.f32 $1.000000000e+00, v10  }
0xeb: {  	v18 =	vpop (erf);
	(erf) = vrcp.f32 v9;
	v9 =	vmul.f32 $1.442695020e+00, v11;
	v11 =	vsub.f32 $0.0e+00, v13;
	v13 =	vld [tilespmem:s1+$0x70C]  }
0xec: {  	v19 =	vpop (erf);
	(erf) = vrcp.f32 v8;
	v8 =	vmul.f32 $1.442695020e+00, v12;
	v12 =	vsub.f32 $0.0e+00, v14  }
0xed: {  	v20 =	vpop (erf);
	(erf) = vrcp.f32 v10;
	v10 =	vmul.f32 $1.442695020e+00, v11;
	v11 =	vsub.f32 $0.0e+00, v15  }
0xee: {  	v21 =	vpop (erf);
	(erf) = vpow2.f32 v9;
	v9 =	vmul.f32 $1.442695020e+00, v12;
	v12 =	vsub.f32 $0.0e+00, v16  }
0xef: {  	v14 =	vld [tilespmem:s1+$0x780];
	v22 =	vpop (erf);
	(erf) = vpow2.f32 v8;
	v8 =	vmul.f32 $1.442695020e+00, v11;
	v11 =	vsub.f32 $0.0e+00, v17  }
0xf0: {  	v15 =	vld [tilespmem:s1+$0x78C];
	v23 =	vpop (erf);
	(erf) = vpow2.f32 v10;
	v10 =	vmul.f32 $1.442695020e+00, v12;
	v13 =	vsub.f32 $0.0e+00, v13  }
0xf1: {  	v16 =	vld [tilespmem:s1+$0x800];
	v24 =	vpop (erf);
	(erf) = vpow2.f32 v9;
	v9 =	vmul.f32 $1.442695020e+00, v11  }
0xf2: {  	v17 =	vld [tilespmem:s1+$0x80C];
	v12 =	vpop (erf);
	(erf) = vpow2.f32 v8;
	v8 =	vmul.f32 $1.442695020e+00, v13  }
0xf3: {  	v11 =	vpop (erf);
	(erf) = vpow2.f32 v10  }
0xf4: {  	v14 =	vsub.f32 $0.0e+00, v14;
	v10 =	vpop (erf)  }
0xf5: {  	v13 =	vsub.f32 $0.0e+00, v15;
	(erf) = vpow2.f32 v9;
	v9 =	vpop (erf)  }
0xf6: {  	v14 =	vmul.f32 $1.442695020e+00, v14;
	v16 =	vsub.f32 $0.0e+00, v16;
	(erf) = vpow2.f32 v8;
	v8 =	vpop (erf)  }
0xf7: {  	v13 =	vmul.f32 $1.442695020e+00, v13;
	v17 =	vsub.f32 $0.0e+00, v17;
	v29 =	vpop (erf)  }
0xf8: {  	v16 =	vmul.f32 $1.442695020e+00, v16;
	(erf) = vpow2.f32 v14;
	v30 =	vpop (erf)  }
0xf9: {  	v17 =	vmul.f32 $1.442695020e+00, v17;
	(erf) = vpow2.f32 v13;
	v31 =	vpop (erf)  }
0xfa: {  	v29 =	vadd.f32 $1.000000000e+00, v29;
	(erf) = vpow2.f32 v16;
	v55 =	vpop (erf)  }
0xfb: {  	v30 =	vadd.f32 $1.000000000e+00, v30;
	(erf) = vpow2.f32 v17;
	v56 =	vpop (erf)  }
0xfc: {  	v31 =	vadd.f32 $1.000000000e+00, v31;
	(erf) = vrcp.f32 v29;
	v57 =	vpop (erf)  }
0xfd: {  	[tilespmem:s1+$0x80] =	vst v7;
	v29 =	vadd.f32 $1.000000000e+00, v55;
	(erf) = vrcp.f32 v30;
	v7 =	vadd.f32 $1.000000000e+00, v57  }
0xfe: {  	v30 =	vadd.f32 $1.000000000e+00, v56;
	(erf) = vrcp.f32 v31  }
0xff: {  	(erf) = vrcp.f32 v29;
	v58 =	vpop (erf)  }
0x100: {  	(erf) = vrcp.f32 v30;
	v60 =	vpop (erf)  }
0x101: {  	v25 =	vld [tilespmem:s1+$0x880];
	[tilespmem:s1+$0x8C] =	vst v3;
	v3 =	vadd.f32 $1.000000000e+00, v60;
	(erf) = vrcp.f32 v7;
	v7 =	vpop (erf)  }
0x102: {  	v26 =	vld [tilespmem:s1+$0x88C];
	[tilespmem:s1+$0x100] =	vst v4;
	v29 =	vadd.f32 $1.000000000e+00, v58;
	v4 =	vadd.f32 $1.000000000e+00, v7  }
0x103: {  	v15 =	vld [tilespmem:s1+$0x900]  }
0x104: {  	v27 =	vld [tilespmem:s1+$0x90C];
	(erf) = vrcp.f32 v29;
	v7 =	vpop (erf)  }
0x105: {  	[tilespmem:s1+$0x10C] =	vst v5;
	v14 =	vld [tilespmem:s1+$0x98C];
	(erf) = vrcp.f32 v3;
	v5 =	vadd.f32 $1.000000000e+00, v7;
	v3 =	vpop (erf)  }
0x106: {  	v28 =	vld [tilespmem:s1+$0x980];
	[tilespmem:s1+$0x180] =	vst v6;
	v6 =	vsub.f32 $0.0e+00, v25;
	v3 =	vadd.f32 $1.000000000e+00, v3;
	(erf) = vrcp.f32 v4;
	v4 =	vpop (erf)  }
0x107: {  	[tilespmem:s1+$0x18C] =	vst v2;
	v2 =	vadd.f32 $1.000000000e+00, v4;
	v4 =	vsub.f32 $0.0e+00, v26;
	v61 =	vpop (erf);
	(erf) = vrcp.f32 v5  }
0x108: {  	[tilespmem:s1+$0x200] =	vst v1;
	v1 =	vmul.f32 $1.442695020e+00, v6;
	v13 =	vld [tilespmem:s1+$0xA00];
	v5 =	vsub.f32 $0.0e+00, v15;
	v15 =	vpop (erf);
	(erf) = vrcp.f32 v3  }
0x109: {  	v33 =	vld [tilespmem:s1+$0xB00];
	[tilespmem:s1+$0x20C] =	vst v0;
	v0 =	vmul.f32 $1.442695020e+00, v4;
	v62 =	vpop (erf);
	(erf) = vrcp.f32 v2  }
0x10a: {  	v17 =	vld [tilespmem:s1+$0xA80];
	v3 =	vsub.f32 $0.0e+00, v27;
	(erf) = vpow2.f32 v1;
	v1 =	vsub.f32 $0.0e+00, v14  }
0x10b: {  	v16 =	vld [tilespmem:s1+$0xA0C];
	v2 =	vmul.f32 $1.442695020e+00, v5;
	v4 =	vsub.f32 $0.0e+00, v28;
	v63 =	vpop (erf)  }
0x10c: {  	v3 =	vmul.f32 $1.442695020e+00, v3;
	v7 =	vpop (erf);
	(erf) = vpow2.f32 v0  }
0x10d: {  	v59 =	vld [tilespmem:s1+$0xB0C];
	v5 =	vsub.f32 $0.0e+00, v13;
	v4 =	vmul.f32 $1.442695020e+00, v4;
	v0 =	vpop (erf);
	(erf) = vpow2.f32 v2  }
0x10e: {  	v32 =	vld [tilespmem:s1+$0xA8C];
	v6 =	vmul.f32 $1.442695020e+00, v1;
	v1 =	vpop (erf);
	(erf) = vpow2.f32 v3  }
0x10f: {  	v14 =	vsub.f32 $0.0e+00, v17;
	v5 =	vmul.f32 $1.442695020e+00, v5;
	v2 =	vpop (erf);
	(erf) = vpow2.f32 v4  }
0x110: {  	v13 =	vsub.f32 $0.0e+00, v16;
	v3 =	vpop (erf);
	(erf) = vpow2.f32 v6;
	v6 =	vsub.f32 $0.0e+00, v33  }
0x111: {  	v14 =	vmul.f32 $1.442695020e+00, v14  }
0x112: {  	[tilespmem:s1+$0x280] =	vst v18;
	v18 =	vsub.f32 $0.0e+00, v59;
	v13 =	vmul.f32 $1.442695020e+00, v13;
	v4 =	vpop (erf)  }
0x113: {  	v16 =	vsub.f32 $0.0e+00, v32;
	(erf) = vpow2.f32 v5;
	v5 =	vpop (erf)  }
0x114: {  	(erf) = vpow2.f32 v13;
	v13 =	vmul.f32 $1.442695020e+00, v6;
	v6 =	vpop (erf)  }
0x115: {  	[tilespmem:s1+$0x400] =	vst v24;
	v16 =	vmul.f32 $1.442695020e+00, v16;
	(erf) = vpow2.f32 v14;
	v14 =	vpop (erf)  }
0x116: {  	[tilespmem:s1+$0x40C] =	vst v12;
	v12 =	vmul.f32 $1.442695020e+00, v18;
	v14 =	vadd.f32 $1.000000000e+00, v14;
	v18 =	vpop (erf)  }
0x117: {  	[tilespmem:s1+$0x480] =	vst v11;
	(erf) = vpow2.f32 v16;
	v11 =	vadd.f32 $1.000000000e+00, v18  }
0x118: {  	(erf) = vpow2.f32 v13  }
0x119: {  	v13 =	vpop (erf);
	(erf) = vpow2.f32 v12  }
0x11a: {  	v13 =	vadd.f32 $1.000000000e+00, v13;
	(erf) = vrcp.f32 v14;
	v14 =	vpop (erf)  }
0x11b: {  	[tilespmem:s1+$0x48C] =	vst v10;
	(erf) = vrcp.f32 v11;
	v10 =	vadd.f32 $1.000000000e+00, v14;
	v11 =	vpop (erf)  }
0x11c: {  	v11 =	vadd.f32 $1.000000000e+00, v11;
	_ =	sdelay $0x1  }
0x11d: {  	(erf) = vrcp.f32 v13;
	v13 =	vpop (erf)  }
0x11e: {  	[tilespmem:s1+$0x500] =	vst v9;
	v9 =	vadd.f32 $1.000000000e+00, v13;
	(erf) = vrcp.f32 v10;
	v10 =	vpop (erf)  }
0x11f: {  	[tilespmem:s1+$0x28C] =	vst v19;
	v19 =	vld [tilespmem:s1+$0xB8C];
	(erf) = vrcp.f32 v11;
	v10 =	vadd.f32 $1.000000000e+00, v10;
	v11 =	vpop (erf)  }
0x120: {  	[tilespmem:s1+$0x50C] =	vst v8;
	v17 =	vld [tilespmem:s1+$0xB80];
	v8 =	vadd.f32 $1.000000000e+00, v11  }
0x121: {  	v12 =	vld [tilespmem:s1+$0xC0C]  }
0x122: {  	v16 =	vld [tilespmem:s1+$0xC00];
	(erf) = vrcp.f32 v9;
	v9 =	vpop (erf)  }
0x123: {  	[tilespmem:s1+$0x300] =	vst v20;
	v9 =	vadd.f32 $1.000000000e+00, v9;
	(erf) = vrcp.f32 v10;
	v10 =	vpop (erf)  }
0x124: {  	v20 =	vld [tilespmem:s1+$0xC80];
	[tilespmem:s1+$0x30C] =	vst v21;
	v19 =	vsub.f32 $0.0e+00, v19;
	(erf) = vrcp.f32 v8;
	v10 =	vadd.f32 $1.000000000e+00, v10;
	v8 =	vpop (erf)  }
0x125: {  	v21 =	vld [tilespmem:s1+$0xC8C];
	[tilespmem:s1+$0x380] =	vst v22;
	v17 =	vsub.f32 $0.0e+00, v17;
	(erf) = vrcp.f32 v9;
	v11 =	vadd.f32 $1.000000000e+00, v8;
	v8 =	vpop (erf)  }
0x126: {  	[tilespmem:s1+$0x38C] =	vst v23;
	v12 =	vsub.f32 $0.0e+00, v12;
	v13 =	vld [tilespmem:s1+$0xD00];
	v18 =	vadd.f32 $1.000000000e+00, v8;
	v8 =	vpop (erf);
	(erf) = vrcp.f32 v10  }
0x127: {  	[tilespmem:s1+$0x580] =	vst v61;
	v17 =	vmul.f32 $1.442695020e+00, v17;
	v22 =	vsub.f32 $0.0e+00, v16;
	v14 =	vld [tilespmem:s1+$0xD0C];
	v9 =	vpop (erf);
	(erf) = vrcp.f32 v11  }
0x128: {  	v23 =	vmul.f32 $1.442695020e+00, v19;
	[tilespmem:s1+$0x58C] =	vst v15;
	v15 =	vld [tilespmem:s1+$0xD80];
	v10 =	vpop (erf);
	(erf) = vrcp.f32 v18  }
0x129: {  	[tilespmem:s1+$0x600] =	vst v62;
	v16 =	vld [tilespmem:s1+$0xD8C];
	v18 =	vmul.f32 $1.442695020e+00, v22;
	v22 =	vsub.f32 $0.0e+00, v20;
	v11 =	vpop (erf);
	(erf) = vpow2.f32 v17  }
0x12a: {  	s2 =	simm.s32 $0x4000;
	[tilespmem:s1+$0x60C] =	vst v63;
	v19 =	vmul.f32 $1.442695020e+00, v12;
	v20 =	vsub.f32 $0.0e+00, v21;
	v17 =	vld [tilespmem:s1+$0xE00];
	v12 =	vpop (erf);
	(erf) = vpow2.f32 v23  }
.LBB2_2:
0x12b: {  	p0 =	sne.s32 s2, $0x3C000;
	[tilespmem:s1+$0x680] =	vst v7;
	v7 =	vmul.f32 $1.442695020e+00, v22;
	v13 =	vsub.f32 $0.0e+00, v13;
	v21 =	vld [tilespmem:s1+$0xE0C];
	v22 =	vpop (erf);
	(erf) = vpow2.f32 v18  }
0x12c: {  	[tilespmem:s1+$0x68C] =	vst v0;
	v0 =	vmul.f32 $1.442695020e+00, v20;
	v20 =	vsub.f32 $0.0e+00, v14;
	v18 =	vpop (erf);
	(erf) = vpow2.f32 v19  }
0x12d: {  	[tilespmem:s1+$0x700] =	vst v1;
	v1 =	vmul.f32 $1.442695020e+00, v13;
	v19 =	vsub.f32 $0.0e+00, v15;
	v15 =	vpop (erf);
	(erf) = vpow2.f32 v7  }
0x12e: {  	[tilespmem:s1+$0x70C] =	vst v2;
	v2 =	vmul.f32 $1.442695020e+00, v20;
	v16 =	vsub.f32 $0.0e+00, v16;
	v14 =	vpop (erf);
	(erf) = vpow2.f32 v0  }
0x12f: {  	[tilespmem:s1+$0x780] =	vst v3;
	v0 =	vmul.f32 $1.442695020e+00, v19;
	v17 =	vsub.f32 $0.0e+00, v17;
	v13 =	vpop (erf);
	(erf) = vpow2.f32 v1  }
0x130: {  	[tilespmem:s1+$0x78C] =	vst v4;
	v1 =	vmul.f32 $1.442695020e+00, v16;
	v16 =	vsub.f32 $0.0e+00, v21;
	v7 =	vpop (erf);
	(erf) = vpow2.f32 v2  }
0x131: {  	[tilespmem:s1+$0x800] =	vst v5;
	v2 =	vmul.f32 $1.442695020e+00, v17;
	v3 =	vpop (erf);
	(erf) = vpow2.f32 v0  }
0x132: {  	[tilespmem:s1+$0x80C] =	vst v6;
	v0 =	vmul.f32 $1.442695020e+00, v16;
	v4 =	vpop (erf);
	(erf) = vpow2.f32 v1  }
0x133: {  	[tilespmem:s1+$0x880] =	vst v8;
	v5 =	vadd.f32 $1.000000000e+00, v4;
	v4 =	vpop (erf);
	(erf) = vpow2.f32 v2  }
0x134: {  	[tilespmem:s1+$0x88C] =	vst v9;
	v6 =	vadd.f32 $1.000000000e+00, v4;
	v4 =	vpop (erf);
	(erf) = vpow2.f32 v0  }
0x135: {  	[tilespmem:s1+$0x900] =	vst v10;
	v4 =	vadd.f32 $1.000000000e+00, v4;
	(erf) = vrcp.f32 v5;
	v1 =	vpop (erf)  }
0x136: {  	[tilespmem:s1+$0x90C] =	vst v11;
	v5 =	vadd.f32 $1.000000000e+00, v1;
	(erf) = vrcp.f32 v6;
	v2 =	vpop (erf)  }
0x137: {  	s3 =	sshra.s32 s2, $0x2;
	[tilespmem:s1+$0x980] =	vst v12;
	v6 =	vadd.f32 $1.000000000e+00, v2;
	(erf) = vrcp.f32 v4;
	v0 =	vpop (erf)  }
0x138: {  	v4 =	vld [tilespmem:s3+$0x80];
	[tilespmem:s1+$0x98C] =	vst v22;
	v8 =	vadd.f32 $1.000000000e+00, v0;
	(erf) = vrcp.f32 v5;
	v1 =	vpop (erf)  }
0x139: {  	v5 =	vld [tilespmem:s3+$0x8C];
	[tilespmem:s1+$0xA00] =	vst v18;
	v9 =	vadd.f32 $1.000000000e+00, v1;
	(erf) = vrcp.f32 v6;
	v2 =	vpop (erf)  }
0x13a: {  	v6 =	vld [tilespmem:s3+$0x100];
	[tilespmem:s1+$0xA0C] =	vst v15;
	v10 =	vadd.f32 $1.000000000e+00, v2;
	(erf) = vrcp.f32 v8;
	v0 =	vpop (erf)  }
0x13b: {  	v8 =	vld [tilespmem:s3+$0x10C];
	[tilespmem:s1+$0xA80] =	vst v14;
	v11 =	vadd.f32 $1.000000000e+00, v0;
	(erf) = vrcp.f32 v9;
	v1 =	vpop (erf)  }
0x13c: {  	v9 =	vld [tilespmem:s3+$0x180];
	[tilespmem:s1+$0xA8C] =	vst v13;
	v1 =	vadd.f32 $1.000000000e+00, v1;
	(erf) = vrcp.f32 v10;
	v2 =	vpop (erf)  }
0x13d: {  	v4 =	vsub.f32 $0.0e+00, v4;
	v10 =	vld [tilespmem:s3+$0x18C];
	[tilespmem:s1+$0xB00] =	vst v7;
	v2 =	vadd.f32 $1.000000000e+00, v2;
	(erf) = vrcp.f32 v11;
	v0 =	vpop (erf)  }
0x13e: {  	v5 =	vsub.f32 $0.0e+00, v5;
	v7 =	vld [tilespmem:s3+$0x200];
	[tilespmem:s1+$0xB0C] =	vst v3;
	v0 =	vadd.f32 $1.000000000e+00, v0;
	v3 =	vpop (erf);
	(erf) = vrcp.f32 v1  }
0x13f: {  	v11 =	vmul.f32 $1.442695020e+00, v4;
	v4 =	vsub.f32 $0.0e+00, v6;
	v6 =	vld [tilespmem:s3+$0x20C];
	[tilespmem:s1+$0xB80] =	vst v3;
	v3 =	vpop (erf);
	(erf) = vrcp.f32 v2  }
0x140: {  	v2 =	vmul.f32 $1.442695020e+00, v5;
	v5 =	vsub.f32 $0.0e+00, v8;
	[tilespmem:s1+$0xB8C] =	vst v3;
	v3 =	vpop (erf);
	(erf) = vrcp.f32 v0  }
0x141: {  	v8 =	vmul.f32 $1.442695020e+00, v4;
	v4 =	vsub.f32 $0.0e+00, v9;
	(erf) = vpow2.f32 v11;
	[tilespmem:s1+$0xC00] =	vst v3;
	v1 =	vpop (erf)  }
0x142: {  	v3 =	vmul.f32 $1.442695020e+00, v5;
	v5 =	vsub.f32 $0.0e+00, v10;
	(erf) = vpow2.f32 v2;
	[tilespmem:s1+$0xC0C] =	vst v1;
	v1 =	vpop (erf)  }
0x143: {  	v2 =	vmul.f32 $1.442695020e+00, v4;
	v4 =	vsub.f32 $0.0e+00, v7;
	(erf) = vpow2.f32 v8;
	[tilespmem:s1+$0xC80] =	vst v1;
	v0 =	vpop (erf)  }
0x144: {  	v1 =	vmul.f32 $1.442695020e+00, v5;
	v5 =	vsub.f32 $0.0e+00, v6;
	(erf) = vpow2.f32 v3;
	[tilespmem:s1+$0xC8C] =	vst v0;
	v0 =	vpop (erf)  }
0x145: {  	v3 =	vmul.f32 $1.442695020e+00, v4;
	(erf) = vpow2.f32 v2;
	[tilespmem:s1+$0xD00] =	vst v0;
	v0 =	vpop (erf)  }
0x146: {  	v2 =	vmul.f32 $1.442695020e+00, v5;
	(erf) = vpow2.f32 v1;
	[tilespmem:s1+$0xD0C] =	vst v0;
	v0 =	vpop (erf)  }
0x147: {  	(erf) = vpow2.f32 v3;
	[tilespmem:s1+$0xD80] =	vst v0;
	v0 =	vpop (erf)  }
0x148: {  	(erf) = vpow2.f32 v2;
	[tilespmem:s1+$0xD8C] =	vst v0;
	v0 =	vpop (erf)  }
0x149: {  	[tilespmem:s1+$0xE00] =	vst v0;
	v0 =	vpop (erf)  }
0x14a: {  	v1 =	vpop (erf);
	[tilespmem:s1+$0xE0C] =	vst v0;
	s1 =	smov.u32 s3  }
0x14b: {  	v5 =	vadd.f32 $1.000000000e+00, v1;
	v1 =	vpop (erf)  }
0x14c: {  	v6 =	vadd.f32 $1.000000000e+00, v1;
	v2 =	vld [tilespmem:s1+$0x280];
	v3 =	vpop (erf)  }
0x14d: {  	v7 =	vadd.f32 $1.000000000e+00, v3;
	v4 =	vld [tilespmem:s1+$0x28C];
	(erf) = vrcp.f32 v5;
	v0 =	vpop (erf)  }
0x14e: {  	v8 =	vadd.f32 $1.000000000e+00, v0;
	v5 =	vld [tilespmem:s1+$0x300];
	(erf) = vrcp.f32 v6;
	v1 =	vpop (erf)  }
0x14f: {  	v9 =	vadd.f32 $1.000000000e+00, v1;
	v6 =	vld [tilespmem:s1+$0x30C];
	(erf) = vrcp.f32 v7;
	v3 =	vpop (erf)  }
0x150: {  	v3 =	vadd.f32 $1.000000000e+00, v3;
	v7 =	vld [tilespmem:s1+$0x380];
	(erf) = vrcp.f32 v8;
	v0 =	vpop (erf)  }
0x151: {  	v0 =	vadd.f32 $1.000000000e+00, v0;
	v2 =	vsub.f32 $0.0e+00, v2;
	v8 =	vld [tilespmem:s1+$0x38C];
	(erf) = vrcp.f32 v9;
	v1 =	vpop (erf)  }
0x152: {  	v1 =	vadd.f32 $1.000000000e+00, v1;
	v4 =	vsub.f32 $0.0e+00, v4;
	v9 =	vld [tilespmem:s1+$0x400];
	(erf) = vrcp.f32 v3  }
0x153: {  	v2 =	vmul.f32 $1.442695020e+00, v2;
	v3 =	vsub.f32 $0.0e+00, v5;
	v5 =	vld [tilespmem:s1+$0x40C];
	(erf) = vrcp.f32 v0  }
0x154: {  	v4 =	vmul.f32 $1.442695020e+00, v4;
	v11 =	vsub.f32 $0.0e+00, v6;
	v6 =	vld [tilespmem:s1+$0x480];
	(erf) = vrcp.f32 v1  }
0x155: {  	v3 =	vmul.f32 $1.442695020e+00, v3;
	v12 =	vsub.f32 $0.0e+00, v7;
	v7 =	vld [tilespmem:s1+$0x48C];
	(erf) = vpow2.f32 v2  }
0x156: {  	v10 =	vmul.f32 $1.442695020e+00, v11;
	v13 =	vsub.f32 $0.0e+00, v8;
	v8 =	vld [tilespmem:s1+$0x500];
	v0 =	vpop (erf);
	(erf) = vpow2.f32 v4  }
0x157: {  	v14 =	vmul.f32 $1.442695020e+00, v12;
	v9 =	vsub.f32 $0.0e+00, v9;
	v11 =	vld [tilespmem:s1+$0x50C];
	v1 =	vpop (erf);
	(erf) = vpow2.f32 v3  }
0x158: {  	v12 =	vmul.f32 $1.442695020e+00, v13;
	v13 =	vsub.f32 $0.0e+00, v5;
	v2 =	vpop (erf);
	(erf) = vpow2.f32 v10  }
0x159: {  	v9 =	vmul.f32 $1.442695020e+00, v9;
	v15 =	vsub.f32 $0.0e+00, v6;
	v3 =	vpop (erf);
	(erf) = vpow2.f32 v14  }
0x15a: {  	v10 =	vmul.f32 $1.442695020e+00, v13;
	v7 =	vsub.f32 $0.0e+00, v7;
	v4 =	vpop (erf);
	(erf) = vpow2.f32 v12  }
0x15b: {  	v12 =	vmul.f32 $1.442695020e+00, v15;
	v13 =	vsub.f32 $0.0e+00, v8;
	v5 =	vpop (erf);
	(erf) = vpow2.f32 v9  }
0x15c: {  	v7 =	vmul.f32 $1.442695020e+00, v7;
	v9 =	vsub.f32 $0.0e+00, v11;
	v6 =	vpop (erf);
	(erf) = vpow2.f32 v10  }
0x15d: {  	v10 =	vmul.f32 $1.442695020e+00, v13;
	v8 =	vpop (erf);
	(erf) = vpow2.f32 v12  }
0x15e: {  	v9 =	vmul.f32 $1.442695020e+00, v9;
	v11 =	vpop (erf);
	(erf) = vpow2.f32 v7  }
0x15f: {  	v12 =	vadd.f32 $1.000000000e+00, v11;
	v11 =	vpop (erf);
	(erf) = vpow2.f32 v10  }
0x160: {  	v13 =	vadd.f32 $1.000000000e+00, v11;
	v11 =	vpop (erf);
	(erf) = vpow2.f32 v9  }
0x161: {  	v11 =	vadd.f32 $1.000000000e+00, v11;
	(erf) = vrcp.f32 v12;
	v7 =	vpop (erf)  }
0x162: {  	v12 =	vadd.f32 $1.000000000e+00, v7;
	(erf) = vrcp.f32 v13;
	v10 =	vpop (erf)  }
0x163: {  	v13 =	vadd.f32 $1.000000000e+00, v10;
	(erf) = vrcp.f32 v11;
	v9 =	vpop (erf)  }
0x164: {  	v14 =	vadd.f32 $1.000000000e+00, v9;
	v11 =	vld [tilespmem:s1+$0x580];
	(erf) = vrcp.f32 v12;
	v7 =	vpop (erf)  }
0x165: {  	v15 =	vadd.f32 $1.000000000e+00, v7;
	v12 =	vld [tilespmem:s1+$0x58C];
	(erf) = vrcp.f32 v13;
	v10 =	vpop (erf)  }
0x166: {  	v16 =	vadd.f32 $1.000000000e+00, v10;
	v13 =	vld [tilespmem:s1+$0x600];
	(erf) = vrcp.f32 v14;
	v9 =	vpop (erf)  }
0x167: {  	v18 =	vadd.f32 $1.000000000e+00, v9;
	v14 =	vld [tilespmem:s1+$0x60C];
	(erf) = vrcp.f32 v15;
	v7 =	vpop (erf)  }
0x168: {  	v7 =	vadd.f32 $1.000000000e+00, v7;
	v15 =	vld [tilespmem:s1+$0x680];
	(erf) = vrcp.f32 v16;
	v10 =	vpop (erf)  }
0x169: {  	v16 =	vadd.f32 $1.000000000e+00, v10;
	v11 =	vsub.f32 $0.0e+00, v11;
	v17 =	vld [tilespmem:s1+$0x68C];
	(erf) = vrcp.f32 v18;
	v9 =	vpop (erf)  }
0x16a: {  	v9 =	vadd.f32 $1.000000000e+00, v9;
	v18 =	vsub.f32 $0.0e+00, v12;
	v19 =	vld [tilespmem:s1+$0x700];
	v10 =	vpop (erf);
	(erf) = vrcp.f32 v7  }
0x16b: {  	v7 =	vmul.f32 $1.442695020e+00, v11;
	v11 =	vsub.f32 $0.0e+00, v13;
	v13 =	vld [tilespmem:s1+$0x70C];
	v12 =	vpop (erf);
	(erf) = vrcp.f32 v16  }
0x16c: {  	v25 =	vmul.f32 $1.442695020e+00, v18;
	v23 =	vsub.f32 $0.0e+00, v14;
	v21 =	vld [tilespmem:s1+$0x780];
	v14 =	vpop (erf);
	(erf) = vrcp.f32 v9  }
0x16d: {  	v9 =	vmul.f32 $1.442695020e+00, v11;
	v11 =	vsub.f32 $0.0e+00, v15;
	v15 =	vld [tilespmem:s1+$0x78C];
	v16 =	vpop (erf);
	(erf) = vpow2.f32 v7  }
0x16e: {  	v7 =	vmul.f32 $1.442695020e+00, v23;
	v26 =	vsub.f32 $0.0e+00, v17;
	v22 =	vld [tilespmem:s1+$0x800];
	v18 =	vpop (erf);
	(erf) = vpow2.f32 v25  }
0x16f: {  	v11 =	vmul.f32 $1.442695020e+00, v11;
	v23 =	vsub.f32 $0.0e+00, v19;
	v24 =	vld [tilespmem:s1+$0x80C];
	v20 =	vpop (erf);
	(erf) = vpow2.f32 v9  }
0x170: {  	v9 =	vmul.f32 $1.442695020e+00, v26;
	v25 =	vsub.f32 $0.0e+00, v13;
	v19 =	vpop (erf);
	(erf) = vpow2.f32 v7  }
0x171: {  	v7 =	vmul.f32 $1.442695020e+00, v23;
	v21 =	vsub.f32 $0.0e+00, v21;
	v17 =	vpop (erf);
	(erf) = vpow2.f32 v11  }
0x172: {  	v23 =	vmul.f32 $1.442695020e+00, v25;
	v25 =	vsub.f32 $0.0e+00, v15;
	v15 =	vpop (erf);
	(erf) = vpow2.f32 v9  }
0x173: {  	v21 =	vmul.f32 $1.442695020e+00, v21;
	v26 =	vsub.f32 $0.0e+00, v22;
	v13 =	vpop (erf);
	(erf) = vpow2.f32 v7  }
0x174: {  	v7 =	vmul.f32 $1.442695020e+00, v25;
	v24 =	vsub.f32 $0.0e+00, v24;
	v11 =	vpop (erf);
	(erf) = vpow2.f32 v23  }
0x175: {  	v25 =	vmul.f32 $1.442695020e+00, v26;
	v9 =	vpop (erf);
	(erf) = vpow2.f32 v21  }
0x176: {  	v21 =	vmul.f32 $1.442695020e+00, v24;
	v22 =	vpop (erf);
	(erf) = vpow2.f32 v7  }
0x177: {  	v24 =	vadd.f32 $1.000000000e+00, v22;
	v22 =	vpop (erf);
	(erf) = vpow2.f32 v25  }
0x178: {  	v25 =	vadd.f32 $1.000000000e+00, v22;
	v23 =	vpop (erf);
	(erf) = vpow2.f32 v21  }
0x179: {  	v23 =	vadd.f32 $1.000000000e+00, v23;
	(erf) = vrcp.f32 v24;
	v7 =	vpop (erf)  }
0x17a: {  	v24 =	vadd.f32 $1.000000000e+00, v7;
	(erf) = vrcp.f32 v25;
	v22 =	vpop (erf)  }
0x17b: {  	v25 =	vadd.f32 $1.000000000e+00, v22;
	(erf) = vrcp.f32 v23;
	v21 =	vpop (erf)  }
0x17c: {  	v26 =	vadd.f32 $1.000000000e+00, v21;
	v23 =	vld [tilespmem:s1+$0x880];
	(erf) = vrcp.f32 v24;
	v7 =	vpop (erf)  }
0x17d: {  	v27 =	vadd.f32 $1.000000000e+00, v7;
	v24 =	vld [tilespmem:s1+$0x88C];
	(erf) = vrcp.f32 v25;
	v22 =	vpop (erf)  }
0x17e: {  	v28 =	vadd.f32 $1.000000000e+00, v22;
	v25 =	vld [tilespmem:s1+$0x900];
	(erf) = vrcp.f32 v26;
	v21 =	vpop (erf)  }
0x17f: {  	v29 =	vadd.f32 $1.000000000e+00, v21;
	v26 =	vld [tilespmem:s1+$0x90C];
	(erf) = vrcp.f32 v27;
	v7 =	vpop (erf)  }
0x180: {  	v7 =	vadd.f32 $1.000000000e+00, v7;
	v27 =	vld [tilespmem:s1+$0x980];
	(erf) = vrcp.f32 v28;
	v22 =	vpop (erf)  }
0x181: {  	v33 =	vadd.f32 $1.000000000e+00, v22;
	v32 =	vsub.f32 $0.0e+00, v23;
	v28 =	vld [tilespmem:s1+$0x98C];
	(erf) = vrcp.f32 v29;
	v21 =	vpop (erf)  }
0x182: {  	v34 =	vadd.f32 $1.000000000e+00, v21;
	v29 =	vsub.f32 $0.0e+00, v24;
	v30 =	vld [tilespmem:s1+$0xA00];
	v24 =	vpop (erf);
	(erf) = vrcp.f32 v7  }
0x183: {  	v35 =	vmul.f32 $1.442695020e+00, v32;
	v25 =	vsub.f32 $0.0e+00, v25;
	v31 =	vld [tilespmem:s1+$0xA0C];
	v23 =	vpop (erf);
	(erf) = vrcp.f32 v33  }
0x184: {  	v29 =	vmul.f32 $1.442695020e+00, v29;
	v26 =	vsub.f32 $0.0e+00, v26;
	v32 =	vld [tilespmem:s1+$0xA80];
	v22 =	vpop (erf);
	(erf) = vrcp.f32 v34  }
0x185: {  	v25 =	vmul.f32 $1.442695020e+00, v25;
	v27 =	vsub.f32 $0.0e+00, v27;
	v33 =	vld [tilespmem:s1+$0xA8C];
	v21 =	vpop (erf);
	(erf) = vpow2.f32 v35  }
0x186: {  	v26 =	vmul.f32 $1.442695020e+00, v26;
	v28 =	vsub.f32 $0.0e+00, v28;
	v34 =	vld [tilespmem:s1+$0xB00];
	v7 =	vpop (erf);
	(erf) = vpow2.f32 v29  }
0x187: {  	[tilespmem:s1+$0x80] =	vst v0;
	v27 =	vmul.f32 $1.442695020e+00, v27;
	v29 =	vsub.f32 $0.0e+00, v30;
	v30 =	vld [tilespmem:s1+$0xB0C];
	v0 =	vpop (erf);
	(erf) = vpow2.f32 v25  }
0x188: {  	[tilespmem:s1+$0x8C] =	vst v1;
	v25 =	vmul.f32 $1.442695020e+00, v28;
	v28 =	vsub.f32 $0.0e+00, v31;
	v1 =	vpop (erf);
	(erf) = vpow2.f32 v26  }
0x189: {  	[tilespmem:s1+$0x100] =	vst v2;
	v26 =	vmul.f32 $1.442695020e+00, v29;
	v29 =	vsub.f32 $0.0e+00, v32;
	v2 =	vpop (erf);
	(erf) = vpow2.f32 v27  }
0x18a: {  	[tilespmem:s1+$0x10C] =	vst v3;
	v27 =	vmul.f32 $1.442695020e+00, v28;
	v28 =	vsub.f32 $0.0e+00, v33;
	v3 =	vpop (erf);
	(erf) = vpow2.f32 v25  }
0x18b: {  	[tilespmem:s1+$0x180] =	vst v4;
	v31 =	vmul.f32 $1.442695020e+00, v29;
	v29 =	vsub.f32 $0.0e+00, v34;
	v4 =	vpop (erf);
	(erf) = vpow2.f32 v26  }
0x18c: {  	[tilespmem:s1+$0x18C] =	vst v5;
	v26 =	vmul.f32 $1.442695020e+00, v28;
	v28 =	vsub.f32 $0.0e+00, v30;
	v5 =	vpop (erf);
	(erf) = vpow2.f32 v27  }
0x18d: {  	[tilespmem:s1+$0x200] =	vst v6;
	v27 =	vmul.f32 $1.442695020e+00, v29;
	v6 =	vpop (erf);
	(erf) = vpow2.f32 v31  }
0x18e: {  	[tilespmem:s1+$0x20C] =	vst v8;
	v8 =	vmul.f32 $1.442695020e+00, v28;
	v25 =	vpop (erf);
	(erf) = vpow2.f32 v26  }
0x18f: {  	[tilespmem:s1+$0x280] =	vst v10;
	v26 =	vadd.f32 $1.000000000e+00, v25;
	v25 =	vpop (erf);
	(erf) = vpow2.f32 v27  }
0x190: {  	[tilespmem:s1+$0x28C] =	vst v12;
	v27 =	vadd.f32 $1.000000000e+00, v25;
	v25 =	vpop (erf);
	(erf) = vpow2.f32 v8  }
0x191: {  	[tilespmem:s1+$0x300] =	vst v14;
	v14 =	vadd.f32 $1.000000000e+00, v25;
	(erf) = vrcp.f32 v26;
	v10 =	vpop (erf)  }
0x192: {  	[tilespmem:s1+$0x30C] =	vst v16;
	v16 =	vadd.f32 $1.000000000e+00, v10;
	(erf) = vrcp.f32 v27;
	v12 =	vpop (erf)  }
0x193: {  	[tilespmem:s1+$0x380] =	vst v18;
	v18 =	vadd.f32 $1.000000000e+00, v12;
	(erf) = vrcp.f32 v14;
	v8 =	vpop (erf)  }
0x194: {  	[tilespmem:s1+$0x38C] =	vst v20;
	v20 =	vadd.f32 $1.000000000e+00, v8;
	v14 =	vld [tilespmem:s1+$0xB80];
	(erf) = vrcp.f32 v16;
	v10 =	vpop (erf)  }
0x195: {  	[tilespmem:s1+$0x400] =	vst v19;
	v19 =	vadd.f32 $1.000000000e+00, v10;
	v16 =	vld [tilespmem:s1+$0xB8C];
	(erf) = vrcp.f32 v18;
	v12 =	vpop (erf)  }
0x196: {  	[tilespmem:s1+$0x40C] =	vst v17;
	v18 =	vadd.f32 $1.000000000e+00, v12;
	v17 =	vld [tilespmem:s1+$0xC00];
	(erf) = vrcp.f32 v20;
	v8 =	vpop (erf)  }
0x197: {  	[tilespmem:s1+$0x480] =	vst v15;
	v25 =	vadd.f32 $1.000000000e+00, v8;
	v15 =	vld [tilespmem:s1+$0xC0C];
	(erf) = vrcp.f32 v19;
	v10 =	vpop (erf)  }
0x198: {  	[tilespmem:s1+$0x48C] =	vst v13;
	v10 =	vadd.f32 $1.000000000e+00, v10;
	v19 =	vld [tilespmem:s1+$0xC80];
	(erf) = vrcp.f32 v18;
	v12 =	vpop (erf)  }
0x199: {  	[tilespmem:s1+$0x500] =	vst v11;
	v11 =	vadd.f32 $1.000000000e+00, v12;
	v12 =	vsub.f32 $0.0e+00, v14;
	v20 =	vld [tilespmem:s1+$0xC8C];
	(erf) = vrcp.f32 v25;
	v8 =	vpop (erf)  }
.Ltmp0:
0x19a: {  	[tilespmem:s1+$0x50C] =	vst v9;
	v18 =	vadd.f32 $1.000000000e+00, v8;
	v16 =	vsub.f32 $0.0e+00, v16;
	v13 =	vld [tilespmem:s1+$0xD00];
	v8 =	vpop (erf);
	(erf) = vrcp.f32 v10;
	(pc) =	sbr.rel @p0 .LBB2_2-.Ltmp0, $4  }
0x19b: {  	[tilespmem:s1+$0x580] =	vst v24;
	v25 =	vmul.f32 $1.442695020e+00, v12;
	v17 =	vsub.f32 $0.0e+00, v17;
	v14 =	vld [tilespmem:s1+$0xD0C];
	v9 =	vpop (erf);
	(erf) = vrcp.f32 v11  }
0x19c: {  	[tilespmem:s1+$0x58C] =	vst v23;
	v23 =	vmul.f32 $1.442695020e+00, v16;
	v24 =	vsub.f32 $0.0e+00, v15;
	v15 =	vld [tilespmem:s1+$0xD80];
	v10 =	vpop (erf);
	(erf) = vrcp.f32 v18  }
0x19d: {  	[tilespmem:s1+$0x600] =	vst v22;
	v18 =	vmul.f32 $1.442695020e+00, v17;
	v22 =	vsub.f32 $0.0e+00, v19;
	v16 =	vld [tilespmem:s1+$0xD8C];
	v11 =	vpop (erf);
	(erf) = vpow2.f32 v25  }
0x19e: {  	s2 =	sadd.s32 $0x4000, s2;
	[tilespmem:s1+$0x60C] =	vst v21;
	v19 =	vmul.f32 $1.442695020e+00, v24;
	v20 =	vsub.f32 $0.0e+00, v20;
	v17 =	vld [tilespmem:s1+$0xE00];
	v12 =	vpop (erf);
	(erf) = vpow2.f32 v23  }
0x19f: {  	[tilespmem:s1+$0x680] =	vst v7;
	v13 =	vsub.f32 $0.0e+00, v13;
	v21 =	vld [tilespmem:s1+$0xE0C]  }
0x1a0: {  	v7 =	vmul.f32 $1.442695020e+00, v22;
	(erf) = vpow2.f32 v18;
	[tilespmem:s1+$0x700] =	vst v1;
	v14 =	vsub.f32 $0.0e+00, v14  }
0x1a1: {  	v22 =	vpop (erf);
	[tilespmem:s1+$0x780] =	vst v3;
	(erf) = vpow2.f32 v19;
	v1 =	vmul.f32 $1.442695020e+00, v13;
	v13 =	vsub.f32 $0.0e+00, v15  }
0x1a2: {  	[tilespmem:s1+$0x68C] =	vst v0;
	v18 =	vpop (erf);
	(erf) = vpow2.f32 v7;
	v7 =	vsub.f32 $0.0e+00, v16  }
0x1a3: {  	v0 =	vmul.f32 $1.442695020e+00, v20;
	[tilespmem:s1+$0x70C] =	vst v2;
	v15 =	vpop (erf);
	v3 =	vsub.f32 $0.0e+00, v17  }
0x1a4: {  	[tilespmem:s1+$0x78C] =	vst v4;
	v2 =	vmul.f32 $1.442695020e+00, v14;
	v14 =	vpop (erf);
	v4 =	vsub.f32 $0.0e+00, v21  }
0x1a5: {  	(erf) = vpow2.f32 v0;
	v0 =	vmul.f32 $1.442695020e+00, v13;
	v13 =	vpop (erf)  }
0x1a6: {  	(erf) = vpow2.f32 v1;
	v1 =	vmul.f32 $1.442695020e+00, v7;
	v7 =	vpop (erf)  }
0x1a7: {  	(erf) = vpow2.f32 v2;
	v2 =	vmul.f32 $1.442695020e+00, v3;
	v3 =	vpop (erf)  }
0x1a8: {  	(erf) = vpow2.f32 v0;
	v0 =	vmul.f32 $1.442695020e+00, v4;
	v4 =	vpop (erf)  }
0x1a9: {  	(erf) = vpow2.f32 v1;
	v1 =	vadd.f32 $1.000000000e+00, v4;
	v4 =	vpop (erf)  }
0x1aa: {  	(erf) = vpow2.f32 v2;
	v2 =	vadd.f32 $1.000000000e+00, v4;
	v4 =	vpop (erf)  }
0x1ab: {  	(erf) = vpow2.f32 v0;
	v0 =	vadd.f32 $1.000000000e+00, v4;
	_ =	sdelay $0x1  }
0x1ac: {  	(erf) = vrcp.f32 v1;
	v1 =	vpop (erf)  }
0x1ad: {  	[tilespmem:s1+$0x800] =	vst v5;
	(erf) = vrcp.f32 v2;
	v1 =	vadd.f32 $1.000000000e+00, v1;
	v2 =	vpop (erf)  }
0x1ae: {  	[tilespmem:s1+$0x880] =	vst v8;
	(erf) = vrcp.f32 v0;
	v2 =	vadd.f32 $1.000000000e+00, v2;
	v0 =	vpop (erf)  }
0x1af: {  	[tilespmem:s1+$0x900] =	vst v10;
	v0 =	vadd.f32 $1.000000000e+00, v0  }
0x1b0: {  	[tilespmem:s1+$0x980] =	vst v12  }
0x1b1: {  	[tilespmem:s1+$0x80C] =	vst v6;
	(erf) = vrcp.f32 v1;
	v1 =	vpop (erf)  }
0x1b2: {  	[tilespmem:s1+$0x88C] =	vst v9;
	(erf) = vrcp.f32 v2;
	v1 =	vadd.f32 $1.000000000e+00, v1;
	v2 =	vpop (erf)  }
0x1b3: {  	[tilespmem:s1+$0x90C] =	vst v11;
	(erf) = vrcp.f32 v0;
	v2 =	vadd.f32 $1.000000000e+00, v2;
	v0 =	vpop (erf)  }
0x1b4: {  	[tilespmem:s1+$0x98C] =	vst v22;
	v0 =	vadd.f32 $1.000000000e+00, v0  }
0x1b5: {  	[tilespmem:s1+$0xA00] =	vst v18  }
0x1b6: {  	[tilespmem:s1+$0xA0C] =	vst v15;
	(erf) = vrcp.f32 v1;
	v1 =	vpop (erf)  }
0x1b7: {  	[tilespmem:s1+$0xA80] =	vst v14;
	(erf) = vrcp.f32 v2;
	v1 =	vadd.f32 $1.000000000e+00, v1;
	v2 =	vpop (erf)  }
0x1b8: {  	[tilespmem:s1+$0xA8C] =	vst v13;
	(erf) = vrcp.f32 v0;
	v0 =	vpop (erf)  }
0x1b9: {  	[tilespmem:s1+$0xB00] =	vst v7;
	v2 =	vadd.f32 $1.000000000e+00, v2;
	v0 =	vadd.f32 $1.000000000e+00, v0  }
0x1ba: {  	[tilespmem:s1+$0xB0C] =	vst v3;
	v3 =	vpop (erf);
	(erf) = vrcp.f32 v1  }
0x1bb: {  	[tilespmem:s1+$0xB80] =	vst v3;
	v1 =	vpop (erf);
	(erf) = vrcp.f32 v2  }
0x1bc: {  	[tilespmem:s1+$0xB8C] =	vst v1;
	v1 =	vpop (erf);
	(erf) = vrcp.f32 v0  }
0x1bd: {  	[tilespmem:s1+$0xC00] =	vst v1;
	v0 =	vpop (erf)  }
0x1be: {  	[tilespmem:s1+$0xC0C] =	vst v0;
	v0 =	vpop (erf)  }
0x1bf: {  	[tilespmem:s1+$0xC80] =	vst v0;
	v0 =	vpop (erf)  }
0x1c0: {  	[tilespmem:s1+$0xC8C] =	vst v0;
	v0 =	vpop (erf)  }
0x1c1: {  	[tilespmem:s1+$0xD00] =	vst v0;
	v0 =	vpop (erf)  }
0x1c2: {  	[tilespmem:s1+$0xD0C] =	vst v0;
	v0 =	vpop (erf)  }
0x1c3: {  	[tilespmem:s1+$0xD80] =	vst v0;
	v0 =	vpop (erf)  }
0x1c4: {  	[tilespmem:s1+$0xD8C] =	vst v0;
	v0 =	vpop (erf)  }
0x1c5: {  	[tilespmem:s1+$0xE00] =	vst v0;
	v0 =	vpop (erf)  }
0x1c6: {  	[tilespmem:s1+$0xE0C] =	vst v0;
	s1 =	simm.s32 $0x0  }
0x1c7: {  	[hbm4b:s17+s1] =	stream.linear.scatter [tilespmem:s9], [sflag:$0x2], $0xE00, $0x38;
	[tilespmem:$0x10080] =	vst v63  }
0x1c8: {  	s2 =	sadd.s32 $0x200, s17  }
0x1c9: {  	[hbm4b:s2+s1] =	stream.linear.scatter [tilespmem:s10], [sflag:$0x2], $0xE00, $0x38;
	[tilespmem:$0x10080] =	vst v63  }
0x1ca: {  	s3 =	sadd.s32 $0x400, s17  }
0x1cb: {  	[hbm4b:s3+s1] =	stream.linear.scatter [tilespmem:s11], [sflag:$0x2], $0xE00, $0x38;
	[tilespmem:$0x10080] =	vst v63  }
0x1cc: {  	s3 =	sadd.s32 $0x600, s17  }
0x1cd: {  	[hbm4b:s3+s1] =	stream.linear.scatter [tilespmem:s12], [sflag:$0x2], $0xE00, $0x38;
	[tilespmem:$0x10080] =	vst v63  }
0x1ce: {  	s3 =	sadd.s32 $0x800, s17  }
0x1cf: {  	[hbm4b:s3+s1] =	stream.linear.scatter [tilespmem:s13], [sflag:$0x2], $0xE00, $0x38;
	[tilespmem:$0x10080] =	vst v63  }
0x1d0: {  	s3 =	sadd.s32 $0xA00, s17  }
0x1d1: {  	[hbm4b:s3+s1] =	stream.linear.scatter [tilespmem:s14], [sflag:$0x2], $0xE00, $0x38;
	[tilespmem:$0x10080] =	vst v63  }
0x1d2: {  	s3 =	sadd.s32 $0xC00, s17  }
0x1d3: {  	[hbm4b:s3+s1] =	stream.linear.scatter [tilespmem:s15], [sflag:$0x2], $0xE00, $0x38;
	[tilespmem:$0x10080] =	vst v63  }
0x1d4: {  	s3 =	sadd.s32 $0xE00, s17  }
0x1d5: {  	[hbm4b:s3+s1] =	stream.linear.scatter [tilespmem:s16], [sflag:$0x2], $0xE00, $0x38;
	[tilespmem:$0x10080] =	vst v63  }
0x1d6: {  	s3 =	sadd.s32 $0x1000, s17  }
0x1d7: {  	[hbm4b:s3+s1] =	stream.linear.scatter [tilespmem:s18], [sflag:$0x2], $0xE00, $0x38;
	[tilespmem:$0x10080] =	vst v63  }
0x1d8: {  	s3 =	sadd.s32 $0x1200, s17  }
0x1d9: {  	[hbm4b:s3+s1] =	stream.linear.scatter [tilespmem:s19], [sflag:$0x2], $0xE00, $0x38;
	[tilespmem:$0x10080] =	vst v63  }
0x1da: {  	s3 =	sadd.s32 $0x1400, s17  }
0x1db: {  	[hbm4b:s3+s1] =	stream.linear.scatter [tilespmem:s21], [sflag:$0x2], $0xE00, $0x38;
	[tilespmem:$0x10080] =	vst v63  }
0x1dc: {  	s3 =	sadd.s32 $0x1600, s17  }
0x1dd: {  	[hbm4b:s3+s1] =	stream.linear.scatter [tilespmem:s22], [sflag:$0x2], $0xE00, $0x38;
	[tilespmem:$0x10080] =	vst v63  }
0x1de: {  	s3 =	sadd.s32 $0x1800, s17  }
0x1df: {  	[hbm4b:s3+s1] =	stream.linear.scatter [tilespmem:s23], [sflag:$0x2], $0xE00, $0x38;
	[tilespmem:$0x10080] =	vst v63  }
0x1e0: {  	s3 =	sadd.s32 $0x1A00, s17  }
0x1e1: {  	[hbm4b:s3+s1] =	stream.linear.scatter [tilespmem:s24], [sflag:$0x2], $0xE00, $0x38;
	[tilespmem:$0x10080] =	vst v63  }
0x1e2: {  	s3 =	sadd.s32 $0x1C00, s17  }
0x1e3: {  	[hbm4b:s3+s1] =	stream.linear.scatter [tilespmem:s26], [sflag:$0x2], $0xE00, $0x38;
	[tilespmem:$0x10080] =	vst v63  }
0x1e4: {  	s3 =	sadd.s32 $0x1E00, s17  }
0x1e5: {  	[hbm4b:s3+s1] =	stream.linear.scatter [tilespmem:s30], [sflag:$0x2], $0xE00, $0x38;
	[tilespmem:$0x10080] =	vst v63  }
0x1e6: {  	_ =	swait.ge [sflag:s8], $0xE000  }
0x1e7: {  	[sflag:s8] =	ssyncset.done $0x0  }
0x1e8: {  	[sflag:s8] =	ssyncadd.s32 $0xFFFF2000  }
0x1e9: {  	v0 =	vld [tilespmem:$0x10];
	_ =	sdelay $0x4  }
0x1ea: {  	v0 =	vshll.u32 v0, $0xC  }
0x1eb: {  	(v2sf) =	vpush v0, $0x0;
	_ =	sdelay $0x4  }
0x1ec: {  	(v2sf) =	vpush v0, $0x1;
	_ =	sdelay $0x4  }
0x1ed: {  	(v2sf) =	vpush v0, $0x2;
	_ =	sdelay $0x4  }
0x1ee: {  	s3 =	rddreg [dreg:$0xc];
	s2 =	spop (v2sf);
	(v2sf) =	vpush v0, $0x3  }
0x1ef: {  	s2 =	sadd.s32 s3, s2  }
0x1f0: {  	s2 =	sshrl.u32 s2, $0x3  }
0x1f1: {  	s2 =	sadd.s32 s31, s2  }
0x1f2: {  	[tilespmem:s9], [sflag:$0x1] =	stream.linear.gather [hbm4b:s2+s1], $0xE00, $0x38;
	[tilespmem:$0x10080] =	vst v63  }
0x1f3: {  	s3 =	rddreg [dreg:$0xd];
	s2 =	spop (v2sf);
	(v2sf) =	vpush v0, $0x4  }
0x1f4: {  	s2 =	sadd.s32 s3, s2  }
0x1f5: {  	s2 =	sshrl.u32 s2, $0x3  }
0x1f6: {  	s2 =	sadd.s32 s31, s2  }
0x1f7: {  	[tilespmem:s10], [sflag:$0x1] =	stream.linear.gather [hbm4b:s2+s1], $0xE00, $0x38;
	[tilespmem:$0x10080] =	vst v63  }
0x1f8: {  	s3 =	rddreg [dreg:$0xe];
	s2 =	spop (v2sf);
	(v2sf) =	vpush v0, $0x5  }
0x1f9: {  	s2 =	sadd.s32 s3, s2  }
0x1fa: {  	s2 =	sshrl.u32 s2, $0x3  }
0x1fb: {  	s2 =	sadd.s32 s31, s2  }
0x1fc: {  	[tilespmem:s11], [sflag:$0x1] =	stream.linear.gather [hbm4b:s2+s1], $0xE00, $0x38;
	[tilespmem:$0x10080] =	vst v63  }
0x1fd: {  	s3 =	rddreg [dreg:$0xf];
	s2 =	spop (v2sf);
	(v2sf) =	vpush v0, $0x6  }
0x1fe: {  	s2 =	sadd.s32 s3, s2  }
0x1ff: {  	s2 =	sshrl.u32 s2, $0x3  }
0x200: {  	s2 =	sadd.s32 s31, s2  }
0x201: {  	[tilespmem:s12], [sflag:$0x1] =	stream.linear.gather [hbm4b:s2+s1], $0xE00, $0x38;
	[tilespmem:$0x10080] =	vst v63  }
0x202: {  	s3 =	rddreg [dreg:$0x10];
	s2 =	spop (v2sf);
	(v2sf) =	vpush v0, $0x7  }
0x203: {  	s2 =	sadd.s32 s3, s2  }
0x204: {  	s2 =	sshrl.u32 s2, $0x3  }
0x205: {  	s2 =	sadd.s32 s31, s2  }
0x206: {  	[tilespmem:s13], [sflag:$0x1] =	stream.linear.gather [hbm4b:s2+s1], $0xE00, $0x38;
	[tilespmem:$0x10080] =	vst v63  }
0x207: {  	s3 =	rddreg [dreg:$0x11];
	s2 =	spop (v2sf);
	(v2sf) =	vpush v0, $0x8  }
0x208: {  	s2 =	sadd.s32 s3, s2  }
0x209: {  	s2 =	sshrl.u32 s2, $0x3  }
0x20a: {  	s2 =	sadd.s32 s31, s2  }
0x20b: {  	[tilespmem:s14], [sflag:$0x1] =	stream.linear.gather [hbm4b:s2+s1], $0xE00, $0x38;
	[tilespmem:$0x10080] =	vst v63  }
0x20c: {  	s3 =	rddreg [dreg:$0x12];
	s2 =	spop (v2sf);
	(v2sf) =	vpush v0, $0x9  }
0x20d: {  	s2 =	sadd.s32 s3, s2  }
0x20e: {  	s2 =	sshrl.u32 s2, $0x3  }
0x20f: {  	s2 =	sadd.s32 s31, s2  }
0x210: {  	[tilespmem:s15], [sflag:$0x1] =	stream.linear.gather [hbm4b:s2+s1], $0xE00, $0x38;
	[tilespmem:$0x10080] =	vst v63  }
0x211: {  	s3 =	rddreg [dreg:$0x13];
	s2 =	spop (v2sf);
	(v2sf) =	vpush v0, $0xA  }
0x212: {  	s2 =	sadd.s32 s3, s2  }
0x213: {  	s2 =	sshrl.u32 s2, $0x3  }
0x214: {  	s2 =	sadd.s32 s31, s2  }
0x215: {  	[tilespmem:s16], [sflag:$0x1] =	stream.linear.gather [hbm4b:s2+s1], $0xE00, $0x38;
	[tilespmem:$0x10080] =	vst v63  }
0x216: {  	s3 =	rddreg [dreg:$0x14];
	s2 =	spop (v2sf);
	(v2sf) =	vpush v0, $0xB  }
0x217: {  	s2 =	sadd.s32 s3, s2  }
0x218: {  	s2 =	sshrl.u32 s2, $0x3  }
0x219: {  	s2 =	sadd.s32 s31, s2  }
0x21a: {  	[tilespmem:s18], [sflag:$0x1] =	stream.linear.gather [hbm4b:s2+s1], $0xE00, $0x38;
	[tilespmem:$0x10080] =	vst v63  }
0x21b: {  	s3 =	rddreg [dreg:$0x15];
	s2 =	spop (v2sf);
	(v2sf) =	vpush v0, $0xC  }
0x21c: {  	s2 =	sadd.s32 s3, s2  }
0x21d: {  	s2 =	sshrl.u32 s2, $0x3  }
0x21e: {  	s2 =	sadd.s32 s31, s2  }
0x21f: {  	[tilespmem:s19], [sflag:$0x1] =	stream.linear.gather [hbm4b:s2+s1], $0xE00, $0x38;
	[tilespmem:$0x10080] =	vst v63  }
0x220: {  	s3 =	rddreg [dreg:$0x16];
	s2 =	spop (v2sf);
	(v2sf) =	vpush v0, $0xD  }
0x221: {  	s2 =	sadd.s32 s3, s2  }
0x222: {  	s2 =	sshrl.u32 s2, $0x3  }
0x223: {  	s2 =	sadd.s32 s31, s2  }
0x224: {  	[tilespmem:s21], [sflag:$0x1] =	stream.linear.gather [hbm4b:s2+s1], $0xE00, $0x38;
	[tilespmem:$0x10080] =	vst v63  }
0x225: {  	s3 =	rddreg [dreg:$0x17];
	s2 =	spop (v2sf);
	(v2sf) =	vpush v0, $0xE  }
0x226: {  	s2 =	sadd.s32 s3, s2  }
0x227: {  	s2 =	sshrl.u32 s2, $0x3  }
0x228: {  	s2 =	sadd.s32 s31, s2  }
0x229: {  	[tilespmem:s22], [sflag:$0x1] =	stream.linear.gather [hbm4b:s2+s1], $0xE00, $0x38;
	[tilespmem:$0x10080] =	vst v63  }
0x22a: {  	s3 =	rddreg [dreg:$0x18];
	s2 =	spop (v2sf);
	(v2sf) =	vpush v0, $0xF  }
0x22b: {  	s2 =	sadd.s32 s3, s2  }
0x22c: {  	s2 =	sshrl.u32 s2, $0x3  }
0x22d: {  	s2 =	sadd.s32 s31, s2  }
0x22e: {  	[tilespmem:s23], [sflag:$0x1] =	stream.linear.gather [hbm4b:s2+s1], $0xE00, $0x38;
	[tilespmem:$0x10080] =	vst v63  }
0x22f: {  	s3 =	rddreg [dreg:$0x19];
	s2 =	spop (v2sf)  }
0x230: {  	s2 =	sadd.s32 s3, s2  }
0x231: {  	s2 =	sshrl.u32 s2, $0x3  }
0x232: {  	s2 =	sadd.s32 s31, s2  }
0x233: {  	[tilespmem:s24], [sflag:$0x1] =	stream.linear.gather [hbm4b:s2+s1], $0xE00, $0x38;
	[tilespmem:$0x10080] =	vst v63  }
0x234: {  	s3 =	rddreg [dreg:$0x1a];
	s2 =	spop (v2sf)  }
0x235: {  	s2 =	sadd.s32 s3, s2  }
0x236: {  	s2 =	sshrl.u32 s2, $0x3  }
0x237: {  	s2 =	sadd.s32 s31, s2  }
0x238: {  	[tilespmem:s26], [sflag:$0x1] =	stream.linear.gather [hbm4b:s2+s1], $0xE00, $0x38;
	[tilespmem:$0x10080] =	vst v63  }
0x239: {  	s3 =	rddreg [dreg:$0x1b];
	s2 =	spop (v2sf)  }
0x23a: {  	s2 =	sadd.s32 s3, s2  }
0x23b: {  	s2 =	sshrl.u32 s2, $0x3  }
0x23c: {  	s2 =	sadd.s32 s31, s2  }
0x23d: {  	[tilespmem:s30], [sflag:$0x1] =	stream.linear.gather [hbm4b:s2+s1], $0xE00, $0x38;
	[tilespmem:$0x10080] =	vst v63  }
0x23e: {  	_ =	swait.ge [sflag:s28], $0xE00  }
0x23f: {  	[sflag:s28] =	ssyncset.done $0x0  }
0x240: {  	[sflag:s28] =	ssyncadd.s32 $0xFFFFF200  }
0x241: {  	_ =	swait.ge [sflag:s28], $0xE00  }
0x242: {  	[sflag:s28] =	ssyncset.done $0x0  }
0x243: {  	[sflag:s28] =	ssyncadd.s32 $0xFFFFF200  }
0x244: {  	_ =	swait.ge [sflag:s28], $0xE00  }
0x245: {  	[sflag:s28] =	ssyncset.done $0x0  }
0x246: {  	[sflag:s28] =	ssyncadd.s32 $0xFFFFF200  }
0x247: {  	_ =	swait.ge [sflag:s28], $0xE00  }
0x248: {  	[sflag:s28] =	ssyncset.done $0x0  }
0x249: {  	[sflag:s28] =	ssyncadd.s32 $0xFFFFF200  }
0x24a: {  	_ =	swait.ge [sflag:s28], $0xE00  }
0x24b: {  	[sflag:s28] =	ssyncset.done $0x0  }
0x24c: {  	[sflag:s28] =	ssyncadd.s32 $0xFFFFF200  }
0x24d: {  	_ =	swait.ge [sflag:s28], $0xE00  }
0x24e: {  	[sflag:s28] =	ssyncset.done $0x0  }
0x24f: {  	[sflag:s28] =	ssyncadd.s32 $0xFFFFF200  }
0x250: {  	_ =	swait.ge [sflag:s28], $0xE00  }
0x251: {  	[sflag:s28] =	ssyncset.done $0x0  }
0x252: {  	[sflag:s28] =	ssyncadd.s32 $0xFFFFF200  }
0x253: {  	_ =	swait.ge [sflag:s28], $0xE00  }
0x254: {  	[sflag:s28] =	ssyncset.done $0x0  }
0x255: {  	[sflag:s28] =	ssyncadd.s32 $0xFFFFF200  }
0x256: {  	_ =	swait.ge [sflag:s28], $0xE00  }
0x257: {  	[sflag:s28] =	ssyncset.done $0x0  }
0x258: {  	[sflag:s28] =	ssyncadd.s32 $0xFFFFF200  }
0x259: {  	_ =	swait.ge [sflag:s28], $0xE00  }
0x25a: {  	[sflag:s28] =	ssyncset.done $0x0  }
0x25b: {  	[sflag:s28] =	ssyncadd.s32 $0xFFFFF200  }
0x25c: {  	_ =	swait.ge [sflag:s28], $0xE00  }
0x25d: {  	[sflag:s28] =	ssyncset.done $0x0  }
0x25e: {  	[sflag:s28] =	ssyncadd.s32 $0xFFFFF200  }
0x25f: {  	_ =	swait.ge [sflag:s28], $0xE00  }
0x260: {  	[sflag:s28] =	ssyncset.done $0x0  }
0x261: {  	[sflag:s28] =	ssyncadd.s32 $0xFFFFF200  }
0x262: {  	_ =	swait.ge [sflag:s28], $0xE00  }
0x263: {  	[sflag:s28] =	ssyncset.done $0x0  }
0x264: {  	[sflag:s28] =	ssyncadd.s32 $0xFFFFF200  }
0x265: {  	_ =	swait.ge [sflag:s28], $0xE00  }
0x266: {  	[sflag:s28] =	ssyncset.done $0x0  }
0x267: {  	[sflag:s28] =	ssyncadd.s32 $0xFFFFF200  }
0x268: {  	_ =	swait.ge [sflag:s28], $0xE00  }
0x269: {  	[sflag:s28] =	ssyncset.done $0x0  }
0x26a: {  	[sflag:s28] =	ssyncadd.s32 $0xFFFFF200  }
0x26b: {  	_ =	swait.ge [sflag:s28], $0xE00  }
0x26c: {  	[sflag:s28] =	ssyncset.done $0x0  }
0x26d: {  	s1 =	simm.s32 $0x0;
	[sflag:s28] =	ssyncadd.s32 $0xFFFFF200  }
0x26e: {  	v0 =	vld [tilespmem:s1+$0x80]  }
0x26f: {  	v1 =	vld [tilespmem:s1+$0x8C];
	_ =	sdelay $0x1  }
0x270: {  	v2 =	vld [tilespmem:s1+$0x100]  }
0x271: {  	v3 =	vld [tilespmem:s1+$0x10C]  }
0x272: {  	v4 =	vld [tilespmem:s1+$0x180];
	v0 =	vsub.f32 $0.0e+00, v0  }
0x273: {  	v5 =	vld [tilespmem:s1+$0x18C];
	v1 =	vsub.f32 $0.0e+00, v1  }
0x274: {  	v6 =	vld [tilespmem:s1+$0x200];
	v0 =	vmul.f32 $1.442695020e+00, v0  }
0x275: {  	v7 =	vld [tilespmem:s1+$0x20C];
	v1 =	vmul.f32 $1.442695020e+00, v1  }
0x276: {  	v2 =	vsub.f32 $0.0e+00, v2;
	v3 =	vsub.f32 $0.0e+00, v3;
	(erf) = vpow2.f32 v0  }
0x277: {  	v4 =	vsub.f32 $0.0e+00, v4;
	(erf) = vpow2.f32 v1  }
0x278: {  	v2 =	vmul.f32 $1.442695020e+00, v2;
	v0 =	vmul.f32 $1.442695020e+00, v3;
	v3 =	vsub.f32 $0.0e+00, v5  }
0x279: {  	v1 =	vmul.f32 $1.442695020e+00, v4;
	v4 =	vsub.f32 $0.0e+00, v6  }
0x27a: {  	(erf) = vpow2.f32 v2;
	v2 =	vmul.f32 $1.442695020e+00, v3;
	v3 =	vsub.f32 $0.0e+00, v7  }
0x27b: {  	(erf) = vpow2.f32 v0;
	v0 =	vmul.f32 $1.442695020e+00, v4  }
0x27c: {  	(erf) = vpow2.f32 v1;
	v1 =	vmul.f32 $1.442695020e+00, v3;
	_ =	sdelay $0x1  }
0x27d: {  	(erf) = vpow2.f32 v2  }
0x27e: {  	(erf) = vpow2.f32 v0;
	v0 =	vpop (erf)  }
0x27f: {  	(erf) = vpow2.f32 v1;
	v0 =	vadd.f32 $1.000000000e+00, v0;
	v1 =	vpop (erf)  }
0x280: {  	v1 =	vadd.f32 $1.000000000e+00, v1;
	_ =	sdelay $0x1  }
0x281: {  	v2 =	vld [tilespmem:s1+$0x280];
	v3 =	vpop (erf)  }
0x282: {  	v4 =	vld [tilespmem:s1+$0x28C];
	v3 =	vadd.f32 $1.000000000e+00, v3;
	(erf) = vrcp.f32 v0;
	v0 =	vpop (erf)  }
0x283: {  	(erf) = vrcp.f32 v1;
	v0 =	vadd.f32 $1.000000000e+00, v0;
	v1 =	vpop (erf)  }
0x284: {  	v5 =	vld [tilespmem:s1+$0x300];
	v1 =	vadd.f32 $1.000000000e+00, v1  }
0x285: {  	v6 =	vld [tilespmem:s1+$0x30C]  }
0x286: {  	v7 =	vld [tilespmem:s1+$0x380];
	v2 =	vsub.f32 $0.0e+00, v2;
	(erf) = vrcp.f32 v3;
	v3 =	vpop (erf)  }
0x287: {  	v8 =	vld [tilespmem:s1+$0x38C];
	v4 =	vsub.f32 $0.0e+00, v4;
	v3 =	vadd.f32 $1.000000000e+00, v3;
	(erf) = vrcp.f32 v0;
	v0 =	vpop (erf)  }
0x288: {  	v2 =	vmul.f32 $1.442695020e+00, v2;
	(erf) = vrcp.f32 v1;
	v0 =	vadd.f32 $1.000000000e+00, v0;
	v1 =	vpop (erf)  }
0x289: {  	(erf) = vrcp.f32 v3;
	v3 =	vsub.f32 $0.0e+00, v5;
	v5 =	vld [tilespmem:s1+$0x40C];
	v1 =	vadd.f32 $1.000000000e+00, v1  }
0x28a: {  	(erf) = vrcp.f32 v0;
	v0 =	vmul.f32 $1.442695020e+00, v4;
	v4 =	vsub.f32 $0.0e+00, v6;
	v6 =	vld [tilespmem:s1+$0x480]  }
0x28b: {  	v9 =	vld [tilespmem:s1+$0x400];
	(erf) = vrcp.f32 v1;
	v1 =	vmul.f32 $1.442695020e+00, v3;
	v3 =	vsub.f32 $0.0e+00, v7  }
0x28c: {  	(erf) = vpow2.f32 v2;
	v2 =	vmul.f32 $1.442695020e+00, v4;
	v4 =	vsub.f32 $0.0e+00, v8  }
0x28d: {  	(erf) = vpow2.f32 v0  }
0x28e: {  	v10 =	vld [tilespmem:s1+$0x48C];
	v7 =	vpop (erf);
	v12 =	vsub.f32 $0.0e+00, v5;
	(erf) = vpow2.f32 v1  }
0x28f: {  	v8 =	vld [tilespmem:s1+$0x500];
	v0 =	vmul.f32 $1.442695020e+00, v3;
	v3 =	vpop (erf);
	(erf) = vpow2.f32 v2;
	v2 =	vsub.f32 $0.0e+00, v6  }
0x290: {  	v11 =	vld [tilespmem:s1+$0x50C];
	v9 =	vsub.f32 $0.0e+00, v9;
	v1 =	vmul.f32 $1.442695020e+00, v4;
	v4 =	vpop (erf)  }
0x291: {  	(erf) = vpow2.f32 v0;
	v0 =	vmul.f32 $1.442695020e+00, v12;
	v5 =	vpop (erf)  }
0x292: {  	v9 =	vmul.f32 $1.442695020e+00, v9;
	v6 =	vpop (erf)  }
0x293: {  	v10 =	vsub.f32 $0.0e+00, v10;
	(erf) = vpow2.f32 v1;
	v12 =	vmul.f32 $1.442695020e+00, v2;
	v2 =	vpop (erf)  }
0x294: {  	v8 =	vsub.f32 $0.0e+00, v8;
	(erf) = vpow2.f32 v9;
	v1 =	vpop (erf)  }
0x295: {  	v9 =	vmul.f32 $1.442695020e+00, v10;
	v10 =	vsub.f32 $0.0e+00, v11;
	(erf) = vpow2.f32 v0;
	v0 =	vpop (erf)  }
0x296: {  	v8 =	vmul.f32 $1.442695020e+00, v8;
	(erf) = vpow2.f32 v12;
	v11 =	vpop (erf)  }
0x297: {  	v10 =	vmul.f32 $1.442695020e+00, v10;
	(erf) = vpow2.f32 v9;
	v9 =	vadd.f32 $1.000000000e+00, v11;
	v11 =	vpop (erf)  }
0x298: {  	(erf) = vpow2.f32 v8;
	v8 =	vadd.f32 $1.000000000e+00, v11;
	v11 =	vpop (erf)  }
0x299: {  	(erf) = vpow2.f32 v10;
	v10 =	vadd.f32 $1.000000000e+00, v11;
	_ =	sdelay $0x1  }
0x29a: {  	(erf) = vrcp.f32 v9;
	v9 =	vpop (erf)  }
0x29b: {  	(erf) = vrcp.f32 v8;
	v9 =	vadd.f32 $1.000000000e+00, v9;
	v8 =	vpop (erf)  }
0x29c: {  	(erf) = vrcp.f32 v10;
	v8 =	vadd.f32 $1.000000000e+00, v8;
	v10 =	vpop (erf)  }
0x29d: {  	v10 =	vadd.f32 $1.000000000e+00, v10;
	_ =	sdelay $0x1  }
0x29e: {  	(erf) = vrcp.f32 v9;
	v9 =	vpop (erf)  }
0x29f: {  	v12 =	vld [tilespmem:s1+$0x58C];
	(erf) = vrcp.f32 v8;
	v9 =	vadd.f32 $1.000000000e+00, v9;
	v8 =	vpop (erf)  }
0x2a0: {  	v11 =	vld [tilespmem:s1+$0x580];
	(erf) = vrcp.f32 v10;
	v8 =	vadd.f32 $1.000000000e+00, v8;
	v10 =	vpop (erf)  }
0x2a1: {  	v10 =	vadd.f32 $1.000000000e+00, v10  }
0x2a2: {  	v13 =	vld [tilespmem:s1+$0x600]  }
0x2a3: {  	v14 =	vld [tilespmem:s1+$0x60C];
	(erf) = vrcp.f32 v9;
	v9 =	vpop (erf)  }
0x2a4: {  	v15 =	vld [tilespmem:s1+$0x680];
	v12 =	vsub.f32 $0.0e+00, v12;
	(erf) = vrcp.f32 v8;
	v8 =	vpop (erf)  }
0x2a5: {  	v16 =	vld [tilespmem:s1+$0x68C];
	v11 =	vsub.f32 $0.0e+00, v11;
	v9 =	vadd.f32 $1.000000000e+00, v9;
	(erf) = vrcp.f32 v10;
	v10 =	vpop (erf)  }
0x2a6: {  	v17 =	vld [tilespmem:s1+$0x700];
	v8 =	vadd.f32 $1.000000000e+00, v8;
	v10 =	vadd.f32 $1.000000000e+00, v10  }
0x2a7: {  	v18 =	vpop (erf);
	(erf) = vrcp.f32 v9;
	v9 =	vmul.f32 $1.442695020e+00, v11;
	v11 =	vsub.f32 $0.0e+00, v13;
	v13 =	vld [tilespmem:s1+$0x70C]  }
0x2a8: {  	v19 =	vpop (erf);
	(erf) = vrcp.f32 v8;
	v8 =	vmul.f32 $1.442695020e+00, v12;
	v12 =	vsub.f32 $0.0e+00, v14  }
0x2a9: {  	v20 =	vpop (erf);
	(erf) = vrcp.f32 v10;
	v10 =	vmul.f32 $1.442695020e+00, v11;
	v11 =	vsub.f32 $0.0e+00, v15  }
0x2aa: {  	v21 =	vpop (erf);
	(erf) = vpow2.f32 v9;
	v9 =	vmul.f32 $1.442695020e+00, v12;
	v12 =	vsub.f32 $0.0e+00, v16  }
0x2ab: {  	v14 =	vld [tilespmem:s1+$0x780];
	v22 =	vpop (erf);
	(erf) = vpow2.f32 v8;
	v8 =	vmul.f32 $1.442695020e+00, v11;
	v11 =	vsub.f32 $0.0e+00, v17  }
0x2ac: {  	v15 =	vld [tilespmem:s1+$0x78C];
	v23 =	vpop (erf);
	(erf) = vpow2.f32 v10;
	v10 =	vmul.f32 $1.442695020e+00, v12;
	v13 =	vsub.f32 $0.0e+00, v13  }
0x2ad: {  	v16 =	vld [tilespmem:s1+$0x800];
	v24 =	vpop (erf);
	(erf) = vpow2.f32 v9;
	v9 =	vmul.f32 $1.442695020e+00, v11  }
0x2ae: {  	v17 =	vld [tilespmem:s1+$0x80C];
	v12 =	vpop (erf);
	(erf) = vpow2.f32 v8;
	v8 =	vmul.f32 $1.442695020e+00, v13  }
0x2af: {  	v11 =	vpop (erf);
	(erf) = vpow2.f32 v10  }
0x2b0: {  	v14 =	vsub.f32 $0.0e+00, v14;
	v10 =	vpop (erf)  }
0x2b1: {  	v13 =	vsub.f32 $0.0e+00, v15;
	(erf) = vpow2.f32 v9;
	v9 =	vpop (erf)  }
0x2b2: {  	v14 =	vmul.f32 $1.442695020e+00, v14;
	v16 =	vsub.f32 $0.0e+00, v16;
	(erf) = vpow2.f32 v8;
	v8 =	vpop (erf)  }
0x2b3: {  	v13 =	vmul.f32 $1.442695020e+00, v13;
	v17 =	vsub.f32 $0.0e+00, v17;
	v29 =	vpop (erf)  }
0x2b4: {  	v16 =	vmul.f32 $1.442695020e+00, v16;
	(erf) = vpow2.f32 v14;
	v30 =	vpop (erf)  }
0x2b5: {  	v17 =	vmul.f32 $1.442695020e+00, v17;
	(erf) = vpow2.f32 v13;
	v31 =	vpop (erf)  }
0x2b6: {  	v29 =	vadd.f32 $1.000000000e+00, v29;
	(erf) = vpow2.f32 v16;
	v55 =	vpop (erf)  }
0x2b7: {  	v30 =	vadd.f32 $1.000000000e+00, v30;
	(erf) = vpow2.f32 v17;
	v56 =	vpop (erf)  }
0x2b8: {  	v31 =	vadd.f32 $1.000000000e+00, v31;
	(erf) = vrcp.f32 v29;
	v57 =	vpop (erf)  }
0x2b9: {  	[tilespmem:s1+$0x80] =	vst v7;
	v29 =	vadd.f32 $1.000000000e+00, v55;
	(erf) = vrcp.f32 v30;
	v7 =	vadd.f32 $1.000000000e+00, v57  }
0x2ba: {  	v30 =	vadd.f32 $1.000000000e+00, v56;
	(erf) = vrcp.f32 v31  }
0x2bb: {  	(erf) = vrcp.f32 v29;
	v58 =	vpop (erf)  }
0x2bc: {  	(erf) = vrcp.f32 v30;
	v60 =	vpop (erf)  }
0x2bd: {  	v25 =	vld [tilespmem:s1+$0x880];
	[tilespmem:s1+$0x8C] =	vst v3;
	v3 =	vadd.f32 $1.000000000e+00, v60;
	(erf) = vrcp.f32 v7;
	v7 =	vpop (erf)  }
0x2be: {  	v26 =	vld [tilespmem:s1+$0x88C];
	[tilespmem:s1+$0x100] =	vst v4;
	v29 =	vadd.f32 $1.000000000e+00, v58;
	v4 =	vadd.f32 $1.000000000e+00, v7  }
0x2bf: {  	v15 =	vld [tilespmem:s1+$0x900]  }
0x2c0: {  	v27 =	vld [tilespmem:s1+$0x90C];
	(erf) = vrcp.f32 v29;
	v7 =	vpop (erf)  }
0x2c1: {  	[tilespmem:s1+$0x10C] =	vst v5;
	v14 =	vld [tilespmem:s1+$0x98C];
	(erf) = vrcp.f32 v3;
	v5 =	vadd.f32 $1.000000000e+00, v7;
	v3 =	vpop (erf)  }
0x2c2: {  	v28 =	vld [tilespmem:s1+$0x980];
	[tilespmem:s1+$0x180] =	vst v6;
	v6 =	vsub.f32 $0.0e+00, v25;
	v3 =	vadd.f32 $1.000000000e+00, v3;
	(erf) = vrcp.f32 v4;
	v4 =	vpop (erf)  }
0x2c3: {  	[tilespmem:s1+$0x18C] =	vst v2;
	v2 =	vadd.f32 $1.000000000e+00, v4;
	v4 =	vsub.f32 $0.0e+00, v26;
	v61 =	vpop (erf);
	(erf) = vrcp.f32 v5  }
0x2c4: {  	[tilespmem:s1+$0x200] =	vst v1;
	v1 =	vmul.f32 $1.442695020e+00, v6;
	v13 =	vld [tilespmem:s1+$0xA00];
	v5 =	vsub.f32 $0.0e+00, v15;
	v15 =	vpop (erf);
	(erf) = vrcp.f32 v3  }
0x2c5: {  	v33 =	vld [tilespmem:s1+$0xB00];
	[tilespmem:s1+$0x20C] =	vst v0;
	v0 =	vmul.f32 $1.442695020e+00, v4;
	v62 =	vpop (erf);
	(erf) = vrcp.f32 v2  }
0x2c6: {  	v17 =	vld [tilespmem:s1+$0xA80];
	v3 =	vsub.f32 $0.0e+00, v27;
	(erf) = vpow2.f32 v1;
	v1 =	vsub.f32 $0.0e+00, v14  }
0x2c7: {  	v16 =	vld [tilespmem:s1+$0xA0C];
	v2 =	vmul.f32 $1.442695020e+00, v5;
	v4 =	vsub.f32 $0.0e+00, v28;
	v63 =	vpop (erf)  }
0x2c8: {  	v3 =	vmul.f32 $1.442695020e+00, v3;
	v7 =	vpop (erf);
	(erf) = vpow2.f32 v0  }
0x2c9: {  	v59 =	vld [tilespmem:s1+$0xB0C];
	v5 =	vsub.f32 $0.0e+00, v13;
	v4 =	vmul.f32 $1.442695020e+00, v4;
	v0 =	vpop (erf);
	(erf) = vpow2.f32 v2  }
0x2ca: {  	v32 =	vld [tilespmem:s1+$0xA8C];
	v6 =	vmul.f32 $1.442695020e+00, v1;
	v1 =	vpop (erf);
	(erf) = vpow2.f32 v3  }
0x2cb: {  	v14 =	vsub.f32 $0.0e+00, v17;
	v5 =	vmul.f32 $1.442695020e+00, v5;
	v2 =	vpop (erf);
	(erf) = vpow2.f32 v4  }
0x2cc: {  	v13 =	vsub.f32 $0.0e+00, v16;
	v3 =	vpop (erf);
	(erf) = vpow2.f32 v6;
	v6 =	vsub.f32 $0.0e+00, v33  }
0x2cd: {  	v14 =	vmul.f32 $1.442695020e+00, v14  }
0x2ce: {  	[tilespmem:s1+$0x280] =	vst v18;
	v18 =	vsub.f32 $0.0e+00, v59;
	v13 =	vmul.f32 $1.442695020e+00, v13;
	v4 =	vpop (erf)  }
0x2cf: {  	v16 =	vsub.f32 $0.0e+00, v32;
	(erf) = vpow2.f32 v5;
	v5 =	vpop (erf)  }
0x2d0: {  	(erf) = vpow2.f32 v13;
	v13 =	vmul.f32 $1.442695020e+00, v6;
	v6 =	vpop (erf)  }
0x2d1: {  	[tilespmem:s1+$0x400] =	vst v24;
	v16 =	vmul.f32 $1.442695020e+00, v16;
	(erf) = vpow2.f32 v14;
	v14 =	vpop (erf)  }
0x2d2: {  	[tilespmem:s1+$0x40C] =	vst v12;
	v12 =	vmul.f32 $1.442695020e+00, v18;
	v14 =	vadd.f32 $1.000000000e+00, v14;
	v18 =	vpop (erf)  }
0x2d3: {  	[tilespmem:s1+$0x480] =	vst v11;
	(erf) = vpow2.f32 v16;
	v11 =	vadd.f32 $1.000000000e+00, v18  }
0x2d4: {  	(erf) = vpow2.f32 v13  }
0x2d5: {  	v13 =	vpop (erf);
	(erf) = vpow2.f32 v12  }
0x2d6: {  	v13 =	vadd.f32 $1.000000000e+00, v13;
	(erf) = vrcp.f32 v14;
	v14 =	vpop (erf)  }
0x2d7: {  	[tilespmem:s1+$0x48C] =	vst v10;
	(erf) = vrcp.f32 v11;
	v10 =	vadd.f32 $1.000000000e+00, v14;
	v11 =	vpop (erf)  }
0x2d8: {  	v11 =	vadd.f32 $1.000000000e+00, v11;
	_ =	sdelay $0x1  }
0x2d9: {  	(erf) = vrcp.f32 v13;
	v13 =	vpop (erf)  }
0x2da: {  	[tilespmem:s1+$0x500] =	vst v9;
	v9 =	vadd.f32 $1.000000000e+00, v13;
	(erf) = vrcp.f32 v10;
	v10 =	vpop (erf)  }
0x2db: {  	[tilespmem:s1+$0x28C] =	vst v19;
	v19 =	vld [tilespmem:s1+$0xB8C];
	(erf) = vrcp.f32 v11;
	v10 =	vadd.f32 $1.000000000e+00, v10;
	v11 =	vpop (erf)  }
0x2dc: {  	[tilespmem:s1+$0x50C] =	vst v8;
	v17 =	vld [tilespmem:s1+$0xB80];
	v8 =	vadd.f32 $1.000000000e+00, v11  }
0x2dd: {  	v12 =	vld [tilespmem:s1+$0xC0C]  }
0x2de: {  	v16 =	vld [tilespmem:s1+$0xC00];
	(erf) = vrcp.f32 v9;
	v9 =	vpop (erf)  }
0x2df: {  	[tilespmem:s1+$0x300] =	vst v20;
	v9 =	vadd.f32 $1.000000000e+00, v9;
	(erf) = vrcp.f32 v10;
	v10 =	vpop (erf)  }
0x2e0: {  	v20 =	vld [tilespmem:s1+$0xC80];
	[tilespmem:s1+$0x30C] =	vst v21;
	v19 =	vsub.f32 $0.0e+00, v19;
	(erf) = vrcp.f32 v8;
	v10 =	vadd.f32 $1.000000000e+00, v10;
	v8 =	vpop (erf)  }
0x2e1: {  	v21 =	vld [tilespmem:s1+$0xC8C];
	[tilespmem:s1+$0x380] =	vst v22;
	v17 =	vsub.f32 $0.0e+00, v17;
	(erf) = vrcp.f32 v9;
	v11 =	vadd.f32 $1.000000000e+00, v8;
	v8 =	vpop (erf)  }
0x2e2: {  	[tilespmem:s1+$0x38C] =	vst v23;
	v12 =	vsub.f32 $0.0e+00, v12;
	v13 =	vld [tilespmem:s1+$0xD00];
	v18 =	vadd.f32 $1.000000000e+00, v8;
	v8 =	vpop (erf);
	(erf) = vrcp.f32 v10  }
0x2e3: {  	[tilespmem:s1+$0x580] =	vst v61;
	v17 =	vmul.f32 $1.442695020e+00, v17;
	v22 =	vsub.f32 $0.0e+00, v16;
	v14 =	vld [tilespmem:s1+$0xD0C];
	v9 =	vpop (erf);
	(erf) = vrcp.f32 v11  }
0x2e4: {  	v23 =	vmul.f32 $1.442695020e+00, v19;
	[tilespmem:s1+$0x58C] =	vst v15;
	v15 =	vld [tilespmem:s1+$0xD80];
	v10 =	vpop (erf);
	(erf) = vrcp.f32 v18  }
0x2e5: {  	[tilespmem:s1+$0x600] =	vst v62;
	v16 =	vld [tilespmem:s1+$0xD8C];
	v18 =	vmul.f32 $1.442695020e+00, v22;
	v22 =	vsub.f32 $0.0e+00, v20;
	v11 =	vpop (erf);
	(erf) = vpow2.f32 v17  }
0x2e6: {  	s2 =	simm.s32 $0x4000;
	[tilespmem:s1+$0x60C] =	vst v63;
	v19 =	vmul.f32 $1.442695020e+00, v12;
	v20 =	vsub.f32 $0.0e+00, v21;
	v17 =	vld [tilespmem:s1+$0xE00];
	v12 =	vpop (erf);
	(erf) = vpow2.f32 v23  }
.LBB2_4:
0x2e7: {  	p0 =	sne.s32 s2, $0x3C000;
	[tilespmem:s1+$0x680] =	vst v7;
	v7 =	vmul.f32 $1.442695020e+00, v22;
	v13 =	vsub.f32 $0.0e+00, v13;
	v21 =	vld [tilespmem:s1+$0xE0C];
	v22 =	vpop (erf);
	(erf) = vpow2.f32 v18  }
0x2e8: {  	[tilespmem:s1+$0x68C] =	vst v0;
	v0 =	vmul.f32 $1.442695020e+00, v20;
	v20 =	vsub.f32 $0.0e+00, v14;
	v18 =	vpop (erf);
	(erf) = vpow2.f32 v19  }
0x2e9: {  	[tilespmem:s1+$0x700] =	vst v1;
	v1 =	vmul.f32 $1.442695020e+00, v13;
	v19 =	vsub.f32 $0.0e+00, v15;
	v15 =	vpop (erf);
	(erf) = vpow2.f32 v7  }
0x2ea: {  	[tilespmem:s1+$0x70C] =	vst v2;
	v2 =	vmul.f32 $1.442695020e+00, v20;
	v16 =	vsub.f32 $0.0e+00, v16;
	v14 =	vpop (erf);
	(erf) = vpow2.f32 v0  }
0x2eb: {  	[tilespmem:s1+$0x780] =	vst v3;
	v0 =	vmul.f32 $1.442695020e+00, v19;
	v17 =	vsub.f32 $0.0e+00, v17;
	v13 =	vpop (erf);
	(erf) = vpow2.f32 v1  }
0x2ec: {  	[tilespmem:s1+$0x78C] =	vst v4;
	v1 =	vmul.f32 $1.442695020e+00, v16;
	v16 =	vsub.f32 $0.0e+00, v21;
	v7 =	vpop (erf);
	(erf) = vpow2.f32 v2  }
0x2ed: {  	[tilespmem:s1+$0x800] =	vst v5;
	v2 =	vmul.f32 $1.442695020e+00, v17;
	v3 =	vpop (erf);
	(erf) = vpow2.f32 v0  }
0x2ee: {  	[tilespmem:s1+$0x80C] =	vst v6;
	v0 =	vmul.f32 $1.442695020e+00, v16;
	v4 =	vpop (erf);
	(erf) = vpow2.f32 v1  }
0x2ef: {  	[tilespmem:s1+$0x880] =	vst v8;
	v5 =	vadd.f32 $1.000000000e+00, v4;
	v4 =	vpop (erf);
	(erf) = vpow2.f32 v2  }
0x2f0: {  	[tilespmem:s1+$0x88C] =	vst v9;
	v6 =	vadd.f32 $1.000000000e+00, v4;
	v4 =	vpop (erf);
	(erf) = vpow2.f32 v0  }
0x2f1: {  	[tilespmem:s1+$0x900] =	vst v10;
	v4 =	vadd.f32 $1.000000000e+00, v4;
	(erf) = vrcp.f32 v5;
	v1 =	vpop (erf)  }
0x2f2: {  	[tilespmem:s1+$0x90C] =	vst v11;
	v5 =	vadd.f32 $1.000000000e+00, v1;
	(erf) = vrcp.f32 v6;
	v2 =	vpop (erf)  }
0x2f3: {  	s3 =	sshra.s32 s2, $0x2;
	[tilespmem:s1+$0x980] =	vst v12;
	v6 =	vadd.f32 $1.000000000e+00, v2;
	(erf) = vrcp.f32 v4;
	v0 =	vpop (erf)  }
0x2f4: {  	v4 =	vld [tilespmem:s3+$0x80];
	[tilespmem:s1+$0x98C] =	vst v22;
	v8 =	vadd.f32 $1.000000000e+00, v0;
	(erf) = vrcp.f32 v5;
	v1 =	vpop (erf)  }
0x2f5: {  	v5 =	vld [tilespmem:s3+$0x8C];
	[tilespmem:s1+$0xA00] =	vst v18;
	v9 =	vadd.f32 $1.000000000e+00, v1;
	(erf) = vrcp.f32 v6;
	v2 =	vpop (erf)  }
0x2f6: {  	v6 =	vld [tilespmem:s3+$0x100];
	[tilespmem:s1+$0xA0C] =	vst v15;
	v10 =	vadd.f32 $1.000000000e+00, v2;
	(erf) = vrcp.f32 v8;
	v0 =	vpop (erf)  }
0x2f7: {  	v8 =	vld [tilespmem:s3+$0x10C];
	[tilespmem:s1+$0xA80] =	vst v14;
	v11 =	vadd.f32 $1.000000000e+00, v0;
	(erf) = vrcp.f32 v9;
	v1 =	vpop (erf)  }
0x2f8: {  	v9 =	vld [tilespmem:s3+$0x180];
	[tilespmem:s1+$0xA8C] =	vst v13;
	v1 =	vadd.f32 $1.000000000e+00, v1;
	(erf) = vrcp.f32 v10;
	v2 =	vpop (erf)  }
0x2f9: {  	v4 =	vsub.f32 $0.0e+00, v4;
	v10 =	vld [tilespmem:s3+$0x18C];
	[tilespmem:s1+$0xB00] =	vst v7;
	v2 =	vadd.f32 $1.000000000e+00, v2;
	(erf) = vrcp.f32 v11;
	v0 =	vpop (erf)  }
0x2fa: {  	v5 =	vsub.f32 $0.0e+00, v5;
	v7 =	vld [tilespmem:s3+$0x200];
	[tilespmem:s1+$0xB0C] =	vst v3;
	v0 =	vadd.f32 $1.000000000e+00, v0;
	v3 =	vpop (erf);
	(erf) = vrcp.f32 v1  }
0x2fb: {  	v11 =	vmul.f32 $1.442695020e+00, v4;
	v4 =	vsub.f32 $0.0e+00, v6;
	v6 =	vld [tilespmem:s3+$0x20C];
	[tilespmem:s1+$0xB80] =	vst v3;
	v3 =	vpop (erf);
	(erf) = vrcp.f32 v2  }
0x2fc: {  	v2 =	vmul.f32 $1.442695020e+00, v5;
	v5 =	vsub.f32 $0.0e+00, v8;
	[tilespmem:s1+$0xB8C] =	vst v3;
	v3 =	vpop (erf);
	(erf) = vrcp.f32 v0  }
0x2fd: {  	v8 =	vmul.f32 $1.442695020e+00, v4;
	v4 =	vsub.f32 $0.0e+00, v9;
	(erf) = vpow2.f32 v11;
	[tilespmem:s1+$0xC00] =	vst v3;
	v1 =	vpop (erf)  }
0x2fe: {  	v3 =	vmul.f32 $1.442695020e+00, v5;
	v5 =	vsub.f32 $0.0e+00, v10;
	(erf) = vpow2.f32 v2;
	[tilespmem:s1+$0xC0C] =	vst v1;
	v1 =	vpop (erf)  }
0x2ff: {  	v2 =	vmul.f32 $1.442695020e+00, v4;
	v4 =	vsub.f32 $0.0e+00, v7;
	(erf) = vpow2.f32 v8;
	[tilespmem:s1+$0xC80] =	vst v1;
	v0 =	vpop (erf)  }
0x300: {  	v1 =	vmul.f32 $1.442695020e+00, v5;
	v5 =	vsub.f32 $0.0e+00, v6;
	(erf) = vpow2.f32 v3;
	[tilespmem:s1+$0xC8C] =	vst v0;
	v0 =	vpop (erf)  }
0x301: {  	v3 =	vmul.f32 $1.442695020e+00, v4;
	(erf) = vpow2.f32 v2;
	[tilespmem:s1+$0xD00] =	vst v0;
	v0 =	vpop (erf)  }
0x302: {  	v2 =	vmul.f32 $1.442695020e+00, v5;
	(erf) = vpow2.f32 v1;
	[tilespmem:s1+$0xD0C] =	vst v0;
	v0 =	vpop (erf)  }
0x303: {  	(erf) = vpow2.f32 v3;
	[tilespmem:s1+$0xD80] =	vst v0;
	v0 =	vpop (erf)  }
0x304: {  	(erf) = vpow2.f32 v2;
	[tilespmem:s1+$0xD8C] =	vst v0;
	v0 =	vpop (erf)  }
0x305: {  	[tilespmem:s1+$0xE00] =	vst v0;
	v0 =	vpop (erf)  }
0x306: {  	v1 =	vpop (erf);
	[tilespmem:s1+$0xE0C] =	vst v0;
	s1 =	smov.u32 s3  }
0x307: {  	v5 =	vadd.f32 $1.000000000e+00, v1;
	v1 =	vpop (erf)  }
0x308: {  	v6 =	vadd.f32 $1.000000000e+00, v1;
	v2 =	vld [tilespmem:s1+$0x280];
	v3 =	vpop (erf)  }
0x309: {  	v7 =	vadd.f32 $1.000000000e+00, v3;
	v4 =	vld [tilespmem:s1+$0x28C];
	(erf) = vrcp.f32 v5;
	v0 =	vpop (erf)  }
0x30a: {  	v8 =	vadd.f32 $1.000000000e+00, v0;
	v5 =	vld [tilespmem:s1+$0x300];
	(erf) = vrcp.f32 v6;
	v1 =	vpop (erf)  }
0x30b: {  	v9 =	vadd.f32 $1.000000000e+00, v1;
	v6 =	vld [tilespmem:s1+$0x30C];
	(erf) = vrcp.f32 v7;
	v3 =	vpop (erf)  }
0x30c: {  	v3 =	vadd.f32 $1.000000000e+00, v3;
	v7 =	vld [tilespmem:s1+$0x380];
	(erf) = vrcp.f32 v8;
	v0 =	vpop (erf)  }
0x30d: {  	v0 =	vadd.f32 $1.000000000e+00, v0;
	v2 =	vsub.f32 $0.0e+00, v2;
	v8 =	vld [tilespmem:s1+$0x38C];
	(erf) = vrcp.f32 v9;
	v1 =	vpop (erf)  }
0x30e: {  	v1 =	vadd.f32 $1.000000000e+00, v1;
	v4 =	vsub.f32 $0.0e+00, v4;
	v9 =	vld [tilespmem:s1+$0x400];
	(erf) = vrcp.f32 v3  }
0x30f: {  	v2 =	vmul.f32 $1.442695020e+00, v2;
	v3 =	vsub.f32 $0.0e+00, v5;
	v5 =	vld [tilespmem:s1+$0x40C];
	(erf) = vrcp.f32 v0  }
0x310: {  	v4 =	vmul.f32 $1.442695020e+00, v4;
	v11 =	vsub.f32 $0.0e+00, v6;
	v6 =	vld [tilespmem:s1+$0x480];
	(erf) = vrcp.f32 v1  }
0x311: {  	v3 =	vmul.f32 $1.442695020e+00, v3;
	v12 =	vsub.f32 $0.0e+00, v7;
	v7 =	vld [tilespmem:s1+$0x48C];
	(erf) = vpow2.f32 v2  }
0x312: {  	v10 =	vmul.f32 $1.442695020e+00, v11;
	v13 =	vsub.f32 $0.0e+00, v8;
	v8 =	vld [tilespmem:s1+$0x500];
	v0 =	vpop (erf);
	(erf) = vpow2.f32 v4  }
0x313: {  	v14 =	vmul.f32 $1.442695020e+00, v12;
	v9 =	vsub.f32 $0.0e+00, v9;
	v11 =	vld [tilespmem:s1+$0x50C];
	v1 =	vpop (erf);
	(erf) = vpow2.f32 v3  }
0x314: {  	v12 =	vmul.f32 $1.442695020e+00, v13;
	v13 =	vsub.f32 $0.0e+00, v5;
	v2 =	vpop (erf);
	(erf) = vpow2.f32 v10  }
0x315: {  	v9 =	vmul.f32 $1.442695020e+00, v9;
	v15 =	vsub.f32 $0.0e+00, v6;
	v3 =	vpop (erf);
	(erf) = vpow2.f32 v14  }
0x316: {  	v10 =	vmul.f32 $1.442695020e+00, v13;
	v7 =	vsub.f32 $0.0e+00, v7;
	v4 =	vpop (erf);
	(erf) = vpow2.f32 v12  }
0x317: {  	v12 =	vmul.f32 $1.442695020e+00, v15;
	v13 =	vsub.f32 $0.0e+00, v8;
	v5 =	vpop (erf);
	(erf) = vpow2.f32 v9  }
0x318: {  	v7 =	vmul.f32 $1.442695020e+00, v7;
	v9 =	vsub.f32 $0.0e+00, v11;
	v6 =	vpop (erf);
	(erf) = vpow2.f32 v10  }
0x319: {  	v10 =	vmul.f32 $1.442695020e+00, v13;
	v8 =	vpop (erf);
	(erf) = vpow2.f32 v12  }
0x31a: {  	v9 =	vmul.f32 $1.442695020e+00, v9;
	v11 =	vpop (erf);
	(erf) = vpow2.f32 v7  }
0x31b: {  	v12 =	vadd.f32 $1.000000000e+00, v11;
	v11 =	vpop (erf);
	(erf) = vpow2.f32 v10  }
0x31c: {  	v13 =	vadd.f32 $1.000000000e+00, v11;
	v11 =	vpop (erf);
	(erf) = vpow2.f32 v9  }
0x31d: {  	v11 =	vadd.f32 $1.000000000e+00, v11;
	(erf) = vrcp.f32 v12;
	v7 =	vpop (erf)  }
0x31e: {  	v12 =	vadd.f32 $1.000000000e+00, v7;
	(erf) = vrcp.f32 v13;
	v10 =	vpop (erf)  }
0x31f: {  	v13 =	vadd.f32 $1.000000000e+00, v10;
	(erf) = vrcp.f32 v11;
	v9 =	vpop (erf)  }
0x320: {  	v14 =	vadd.f32 $1.000000000e+00, v9;
	v11 =	vld [tilespmem:s1+$0x580];
	(erf) = vrcp.f32 v12;
	v7 =	vpop (erf)  }
0x321: {  	v15 =	vadd.f32 $1.000000000e+00, v7;
	v12 =	vld [tilespmem:s1+$0x58C];
	(erf) = vrcp.f32 v13;
	v10 =	vpop (erf)  }
0x322: {  	v16 =	vadd.f32 $1.000000000e+00, v10;
	v13 =	vld [tilespmem:s1+$0x600];
	(erf) = vrcp.f32 v14;
	v9 =	vpop (erf)  }
0x323: {  	v18 =	vadd.f32 $1.000000000e+00, v9;
	v14 =	vld [tilespmem:s1+$0x60C];
	(erf) = vrcp.f32 v15;
	v7 =	vpop (erf)  }
0x324: {  	v7 =	vadd.f32 $1.000000000e+00, v7;
	v15 =	vld [tilespmem:s1+$0x680];
	(erf) = vrcp.f32 v16;
	v10 =	vpop (erf)  }
0x325: {  	v16 =	vadd.f32 $1.000000000e+00, v10;
	v11 =	vsub.f32 $0.0e+00, v11;
	v17 =	vld [tilespmem:s1+$0x68C];
	(erf) = vrcp.f32 v18;
	v9 =	vpop (erf)  }
0x326: {  	v9 =	vadd.f32 $1.000000000e+00, v9;
	v18 =	vsub.f32 $0.0e+00, v12;
	v19 =	vld [tilespmem:s1+$0x700];
	v10 =	vpop (erf);
	(erf) = vrcp.f32 v7  }
0x327: {  	v7 =	vmul.f32 $1.442695020e+00, v11;
	v11 =	vsub.f32 $0.0e+00, v13;
	v13 =	vld [tilespmem:s1+$0x70C];
	v12 =	vpop (erf);
	(erf) = vrcp.f32 v16  }
0x328: {  	v25 =	vmul.f32 $1.442695020e+00, v18;
	v23 =	vsub.f32 $0.0e+00, v14;
	v21 =	vld [tilespmem:s1+$0x780];
	v14 =	vpop (erf);
	(erf) = vrcp.f32 v9  }
0x329: {  	v9 =	vmul.f32 $1.442695020e+00, v11;
	v11 =	vsub.f32 $0.0e+00, v15;
	v15 =	vld [tilespmem:s1+$0x78C];
	v16 =	vpop (erf);
	(erf) = vpow2.f32 v7  }
0x32a: {  	v7 =	vmul.f32 $1.442695020e+00, v23;
	v26 =	vsub.f32 $0.0e+00, v17;
	v22 =	vld [tilespmem:s1+$0x800];
	v18 =	vpop (erf);
	(erf) = vpow2.f32 v25  }
0x32b: {  	v11 =	vmul.f32 $1.442695020e+00, v11;
	v23 =	vsub.f32 $0.0e+00, v19;
	v24 =	vld [tilespmem:s1+$0x80C];
	v20 =	vpop (erf);
	(erf) = vpow2.f32 v9  }
0x32c: {  	v9 =	vmul.f32 $1.442695020e+00, v26;
	v25 =	vsub.f32 $0.0e+00, v13;
	v19 =	vpop (erf);
	(erf) = vpow2.f32 v7  }
0x32d: {  	v7 =	vmul.f32 $1.442695020e+00, v23;
	v21 =	vsub.f32 $0.0e+00, v21;
	v17 =	vpop (erf);
	(erf) = vpow2.f32 v11  }
0x32e: {  	v23 =	vmul.f32 $1.442695020e+00, v25;
	v25 =	vsub.f32 $0.0e+00, v15;
	v15 =	vpop (erf);
	(erf) = vpow2.f32 v9  }
0x32f: {  	v21 =	vmul.f32 $1.442695020e+00, v21;
	v26 =	vsub.f32 $0.0e+00, v22;
	v13 =	vpop (erf);
	(erf) = vpow2.f32 v7  }
0x330: {  	v7 =	vmul.f32 $1.442695020e+00, v25;
	v24 =	vsub.f32 $0.0e+00, v24;
	v11 =	vpop (erf);
	(erf) = vpow2.f32 v23  }
0x331: {  	v25 =	vmul.f32 $1.442695020e+00, v26;
	v9 =	vpop (erf);
	(erf) = vpow2.f32 v21  }
0x332: {  	v21 =	vmul.f32 $1.442695020e+00, v24;
	v22 =	vpop (erf);
	(erf) = vpow2.f32 v7  }
0x333: {  	v24 =	vadd.f32 $1.000000000e+00, v22;
	v22 =	vpop (erf);
	(erf) = vpow2.f32 v25  }
0x334: {  	v25 =	vadd.f32 $1.000000000e+00, v22;
	v23 =	vpop (erf);
	(erf) = vpow2.f32 v21  }
0x335: {  	v23 =	vadd.f32 $1.000000000e+00, v23;
	(erf) = vrcp.f32 v24;
	v7 =	vpop (erf)  }
0x336: {  	v24 =	vadd.f32 $1.000000000e+00, v7;
	(erf) = vrcp.f32 v25;
	v22 =	vpop (erf)  }
0x337: {  	v25 =	vadd.f32 $1.000000000e+00, v22;
	(erf) = vrcp.f32 v23;
	v21 =	vpop (erf)  }
0x338: {  	v26 =	vadd.f32 $1.000000000e+00, v21;
	v23 =	vld [tilespmem:s1+$0x880];
	(erf) = vrcp.f32 v24;
	v7 =	vpop (erf)  }
0x339: {  	v27 =	vadd.f32 $1.000000000e+00, v7;
	v24 =	vld [tilespmem:s1+$0x88C];
	(erf) = vrcp.f32 v25;
	v22 =	vpop (erf)  }
0x33a: {  	v28 =	vadd.f32 $1.000000000e+00, v22;
	v25 =	vld [tilespmem:s1+$0x900];
	(erf) = vrcp.f32 v26;
	v21 =	vpop (erf)  }
0x33b: {  	v29 =	vadd.f32 $1.000000000e+00, v21;
	v26 =	vld [tilespmem:s1+$0x90C];
	(erf) = vrcp.f32 v27;
	v7 =	vpop (erf)  }
0x33c: {  	v7 =	vadd.f32 $1.000000000e+00, v7;
	v27 =	vld [tilespmem:s1+$0x980];
	(erf) = vrcp.f32 v28;
	v22 =	vpop (erf)  }
0x33d: {  	v33 =	vadd.f32 $1.000000000e+00, v22;
	v32 =	vsub.f32 $0.0e+00, v23;
	v28 =	vld [tilespmem:s1+$0x98C];
	(erf) = vrcp.f32 v29;
	v21 =	vpop (erf)  }
0x33e: {  	v34 =	vadd.f32 $1.000000000e+00, v21;
	v29 =	vsub.f32 $0.0e+00, v24;
	v30 =	vld [tilespmem:s1+$0xA00];
	v24 =	vpop (erf);
	(erf) = vrcp.f32 v7  }
0x33f: {  	v35 =	vmul.f32 $1.442695020e+00, v32;
	v25 =	vsub.f32 $0.0e+00, v25;
	v31 =	vld [tilespmem:s1+$0xA0C];
	v23 =	vpop (erf);
	(erf) = vrcp.f32 v33  }
0x340: {  	v29 =	vmul.f32 $1.442695020e+00, v29;
	v26 =	vsub.f32 $0.0e+00, v26;
	v32 =	vld [tilespmem:s1+$0xA80];
	v22 =	vpop (erf);
	(erf) = vrcp.f32 v34  }
0x341: {  	v25 =	vmul.f32 $1.442695020e+00, v25;
	v27 =	vsub.f32 $0.0e+00, v27;
	v33 =	vld [tilespmem:s1+$0xA8C];
	v21 =	vpop (erf);
	(erf) = vpow2.f32 v35  }
0x342: {  	v26 =	vmul.f32 $1.442695020e+00, v26;
	v28 =	vsub.f32 $0.0e+00, v28;
	v34 =	vld [tilespmem:s1+$0xB00];
	v7 =	vpop (erf);
	(erf) = vpow2.f32 v29  }
0x343: {  	[tilespmem:s1+$0x80] =	vst v0;
	v27 =	vmul.f32 $1.442695020e+00, v27;
	v29 =	vsub.f32 $0.0e+00, v30;
	v30 =	vld [tilespmem:s1+$0xB0C];
	v0 =	vpop (erf);
	(erf) = vpow2.f32 v25  }
0x344: {  	[tilespmem:s1+$0x8C] =	vst v1;
	v25 =	vmul.f32 $1.442695020e+00, v28;
	v28 =	vsub.f32 $0.0e+00, v31;
	v1 =	vpop (erf);
	(erf) = vpow2.f32 v26  }
0x345: {  	[tilespmem:s1+$0x100] =	vst v2;
	v26 =	vmul.f32 $1.442695020e+00, v29;
	v29 =	vsub.f32 $0.0e+00, v32;
	v2 =	vpop (erf);
	(erf) = vpow2.f32 v27  }
0x346: {  	[tilespmem:s1+$0x10C] =	vst v3;
	v27 =	vmul.f32 $1.442695020e+00, v28;
	v28 =	vsub.f32 $0.0e+00, v33;
	v3 =	vpop (erf);
	(erf) = vpow2.f32 v25  }
0x347: {  	[tilespmem:s1+$0x180] =	vst v4;
	v31 =	vmul.f32 $1.442695020e+00, v29;
	v29 =	vsub.f32 $0.0e+00, v34;
	v4 =	vpop (erf);
	(erf) = vpow2.f32 v26  }
0x348: {  	[tilespmem:s1+$0x18C] =	vst v5;
	v26 =	vmul.f32 $1.442695020e+00, v28;
	v28 =	vsub.f32 $0.0e+00, v30;
	v5 =	vpop (erf);
	(erf) = vpow2.f32 v27  }
0x349: {  	[tilespmem:s1+$0x200] =	vst v6;
	v27 =	vmul.f32 $1.442695020e+00, v29;
	v6 =	vpop (erf);
	(erf) = vpow2.f32 v31  }
0x34a: {  	[tilespmem:s1+$0x20C] =	vst v8;
	v8 =	vmul.f32 $1.442695020e+00, v28;
	v25 =	vpop (erf);
	(erf) = vpow2.f32 v26  }
0x34b: {  	[tilespmem:s1+$0x280] =	vst v10;
	v26 =	vadd.f32 $1.000000000e+00, v25;
	v25 =	vpop (erf);
	(erf) = vpow2.f32 v27  }
0x34c: {  	[tilespmem:s1+$0x28C] =	vst v12;
	v27 =	vadd.f32 $1.000000000e+00, v25;
	v25 =	vpop (erf);
	(erf) = vpow2.f32 v8  }
0x34d: {  	[tilespmem:s1+$0x300] =	vst v14;
	v14 =	vadd.f32 $1.000000000e+00, v25;
	(erf) = vrcp.f32 v26;
	v10 =	vpop (erf)  }
0x34e: {  	[tilespmem:s1+$0x30C] =	vst v16;
	v16 =	vadd.f32 $1.000000000e+00, v10;
	(erf) = vrcp.f32 v27;
	v12 =	vpop (erf)  }
0x34f: {  	[tilespmem:s1+$0x380] =	vst v18;
	v18 =	vadd.f32 $1.000000000e+00, v12;
	(erf) = vrcp.f32 v14;
	v8 =	vpop (erf)  }
0x350: {  	[tilespmem:s1+$0x38C] =	vst v20;
	v20 =	vadd.f32 $1.000000000e+00, v8;
	v14 =	vld [tilespmem:s1+$0xB80];
	(erf) = vrcp.f32 v16;
	v10 =	vpop (erf)  }
0x351: {  	[tilespmem:s1+$0x400] =	vst v19;
	v19 =	vadd.f32 $1.000000000e+00, v10;
	v16 =	vld [tilespmem:s1+$0xB8C];
	(erf) = vrcp.f32 v18;
	v12 =	vpop (erf)  }
0x352: {  	[tilespmem:s1+$0x40C] =	vst v17;
	v18 =	vadd.f32 $1.000000000e+00, v12;
	v17 =	vld [tilespmem:s1+$0xC00];
	(erf) = vrcp.f32 v20;
	v8 =	vpop (erf)  }
0x353: {  	[tilespmem:s1+$0x480] =	vst v15;
	v25 =	vadd.f32 $1.000000000e+00, v8;
	v15 =	vld [tilespmem:s1+$0xC0C];
	(erf) = vrcp.f32 v19;
	v10 =	vpop (erf)  }
0x354: {  	[tilespmem:s1+$0x48C] =	vst v13;
	v10 =	vadd.f32 $1.000000000e+00, v10;
	v19 =	vld [tilespmem:s1+$0xC80];
	(erf) = vrcp.f32 v18;
	v12 =	vpop (erf)  }
0x355: {  	[tilespmem:s1+$0x500] =	vst v11;
	v11 =	vadd.f32 $1.000000000e+00, v12;
	v12 =	vsub.f32 $0.0e+00, v14;
	v20 =	vld [tilespmem:s1+$0xC8C];
	(erf) = vrcp.f32 v25;
	v8 =	vpop (erf)  }
.Ltmp1:
0x356: {  	[tilespmem:s1+$0x50C] =	vst v9;
	v18 =	vadd.f32 $1.000000000e+00, v8;
	v16 =	vsub.f32 $0.0e+00, v16;
	v13 =	vld [tilespmem:s1+$0xD00];
	v8 =	vpop (erf);
	(erf) = vrcp.f32 v10;
	(pc) =	sbr.rel @p0 .LBB2_4-.Ltmp1, $4  }
0x357: {  	[tilespmem:s1+$0x580] =	vst v24;
	v25 =	vmul.f32 $1.442695020e+00, v12;
	v17 =	vsub.f32 $0.0e+00, v17;
	v14 =	vld [tilespmem:s1+$0xD0C];
	v9 =	vpop (erf);
	(erf) = vrcp.f32 v11  }
0x358: {  	[tilespmem:s1+$0x58C] =	vst v23;
	v23 =	vmul.f32 $1.442695020e+00, v16;
	v24 =	vsub.f32 $0.0e+00, v15;
	v15 =	vld [tilespmem:s1+$0xD80];
	v10 =	vpop (erf);
	(erf) = vrcp.f32 v18  }
0x359: {  	[tilespmem:s1+$0x600] =	vst v22;
	v18 =	vmul.f32 $1.442695020e+00, v17;
	v22 =	vsub.f32 $0.0e+00, v19;
	v16 =	vld [tilespmem:s1+$0xD8C];
	v11 =	vpop (erf);
	(erf) = vpow2.f32 v25  }
0x35a: {  	s2 =	sadd.s32 $0x4000, s2;
	[tilespmem:s1+$0x60C] =	vst v21;
	v19 =	vmul.f32 $1.442695020e+00, v24;
	v20 =	vsub.f32 $0.0e+00, v20;
	v17 =	vld [tilespmem:s1+$0xE00];
	v12 =	vpop (erf);
	(erf) = vpow2.f32 v23  }
0x35b: {  	[tilespmem:s1+$0x680] =	vst v7;
	v60 =	vmul.f32 $1.442695020e+00, v22;
	v13 =	vsub.f32 $0.0e+00, v13;
	v21 =	vld [tilespmem:s1+$0xE0C];
	v61 =	vpop (erf);
	(erf) = vpow2.f32 v18  }
0x35c: {  	[tilespmem:s1+$0x700] =	vst v1;
	v62 =	vmul.f32 $1.442695020e+00, v20;
	v14 =	vsub.f32 $0.0e+00, v14;
	v63 =	vpop (erf);
	(erf) = vpow2.f32 v19  }
0x35d: {  	[tilespmem:s1+$0x780] =	vst v3;
	v20 =	vmul.f32 $1.442695020e+00, v13;
	v23 =	vsub.f32 $0.0e+00, v15;
	v24 =	vpop (erf);
	(erf) = vpow2.f32 v60  }
0x35e: {  	[tilespmem:s1+$0x800] =	vst v5;
	v25 =	vmul.f32 $1.442695020e+00, v14;
	v26 =	vsub.f32 $0.0e+00, v16;
	v27 =	vpop (erf);
	(erf) = vpow2.f32 v62  }
0x35f: {  	[tilespmem:s1+$0x880] =	vst v8;
	v28 =	vmul.f32 $1.442695020e+00, v23;
	v29 =	vsub.f32 $0.0e+00, v17;
	v30 =	vpop (erf);
	(erf) = vpow2.f32 v20  }
0x360: {  	[tilespmem:s1+$0x900] =	vst v10;
	v31 =	vmul.f32 $1.442695020e+00, v26;
	v32 =	vsub.f32 $0.0e+00, v21;
	v33 =	vpop (erf);
	(erf) = vpow2.f32 v25  }
0x361: {  	[tilespmem:s1+$0x980] =	vst v12;
	v34 =	vmul.f32 $1.442695020e+00, v29;
	v35 =	vpop (erf);
	(erf) = vpow2.f32 v28  }
0x362: {  	[tilespmem:s1+$0x68C] =	vst v0;
	v36 =	vmul.f32 $1.442695020e+00, v32;
	v37 =	vpop (erf);
	(erf) = vpow2.f32 v31  }
0x363: {  	[tilespmem:s1+$0x70C] =	vst v2;
	v38 =	vadd.f32 $1.000000000e+00, v37;
	v39 =	vpop (erf);
	(erf) = vpow2.f32 v34  }
0x364: {  	[tilespmem:s1+$0x78C] =	vst v4;
	v40 =	vadd.f32 $1.000000000e+00, v39;
	v41 =	vpop (erf);
	(erf) = vpow2.f32 v36  }
0x365: {  	[tilespmem:s1+$0x80C] =	vst v6;
	v42 =	vadd.f32 $1.000000000e+00, v41;
	(erf) = vrcp.f32 v38;
	v43 =	vpop (erf)  }
0x366: {  	[tilespmem:s1+$0x88C] =	vst v9;
	v1 =	vadd.f32 $1.000000000e+00, v43;
	(erf) = vrcp.f32 v40;
	v44 =	vpop (erf)  }
0x367: {  	[tilespmem:s1+$0x90C] =	vst v11;
	v2 =	vadd.f32 $1.000000000e+00, v44;
	(erf) = vrcp.f32 v42;
	v45 =	vpop (erf)  }
0x368: {  	[tilespmem:s1+$0x98C] =	vst v61;
	v0 =	vadd.f32 $1.000000000e+00, v45;
	(erf) = vrcp.f32 v1;
	v46 =	vpop (erf)  }
0x369: {  	[tilespmem:s1+$0xA00] =	vst v63;
	v1 =	vadd.f32 $1.000000000e+00, v46;
	(erf) = vrcp.f32 v2;
	v47 =	vpop (erf)  }
0x36a: {  	[tilespmem:s1+$0xA0C] =	vst v24;
	v2 =	vadd.f32 $1.000000000e+00, v47;
	(erf) = vrcp.f32 v0;
	v48 =	vpop (erf)  }
0x36b: {  	[tilespmem:s1+$0xA80] =	vst v27;
	v0 =	vadd.f32 $1.000000000e+00, v48;
	(erf) = vrcp.f32 v1;
	v49 =	vpop (erf)  }
0x36c: {  	[tilespmem:s1+$0xA8C] =	vst v30;
	v1 =	vadd.f32 $1.000000000e+00, v49;
	(erf) = vrcp.f32 v2;
	v50 =	vpop (erf)  }
0x36d: {  	[tilespmem:s1+$0xB00] =	vst v33;
	v2 =	vadd.f32 $1.000000000e+00, v50;
	(erf) = vrcp.f32 v0;
	v51 =	vpop (erf)  }
0x36e: {  	[tilespmem:s1+$0xB0C] =	vst v35;
	v0 =	vadd.f32 $1.000000000e+00, v51;
	v52 =	vpop (erf);
	(erf) = vrcp.f32 v1  }
0x36f: {  	[tilespmem:s1+$0xB80] =	vst v52;
	v53 =	vpop (erf);
	(erf) = vrcp.f32 v2  }
0x370: {  	[tilespmem:s1+$0xB8C] =	vst v53;
	v54 =	vpop (erf);
	(erf) = vrcp.f32 v0  }
0x371: {  	[tilespmem:s1+$0xC00] =	vst v54;
	v55 =	vpop (erf)  }
0x372: {  	[tilespmem:s1+$0xC0C] =	vst v55;
	v56 =	vpop (erf)  }
0x373: {  	[tilespmem:s1+$0xC80] =	vst v56;
	v57 =	vpop (erf)  }
0x374: {  	[tilespmem:s1+$0xC8C] =	vst v57;
	v58 =	vpop (erf)  }
0x375: {  	[tilespmem:s1+$0xD00] =	vst v58;
	v59 =	vpop (erf)  }
0x376: {  	[tilespmem:s1+$0xD0C] =	vst v59;
	v60 =	vpop (erf)  }
0x377: {  	[tilespmem:s1+$0xD80] =	vst v60;
	v61 =	vpop (erf)  }
0x378: {  	[tilespmem:s1+$0xD8C] =	vst v61;
	v62 =	vpop (erf)  }
0x379: {  	[tilespmem:s1+$0xE00] =	vst v62;
	v63 =	vpop (erf)  }
0x37a: {  	[tilespmem:s1+$0xE0C] =	vst v63  }
0x37b: {  	[hbm4b:s20+s25] =	stream.linear.scatter [tilespmem:s9], [sflag:$0x2], $0xE00, $0x38;
	[tilespmem:$0x10080] =	vst v63  }
0x37c: {  	s2 =	sadd.s32 $0x200, s20  }
0x37d: {  	[hbm4b:s2+s25] =	stream.linear.scatter [tilespmem:s10], [sflag:$0x2], $0xE00, $0x38;
	[tilespmem:$0x10080] =	vst v63  }
0x37e: {  	s3 =	sadd.s32 $0x400, s20  }
0x37f: {  	[hbm4b:s3+s25] =	stream.linear.scatter [tilespmem:s11], [sflag:$0x2], $0xE00, $0x38;
	[tilespmem:$0x10080] =	vst v63  }
0x380: {  	s2 =	sadd.s32 $0x600, s20  }
0x381: {  	[hbm4b:s2+s25] =	stream.linear.scatter [tilespmem:s12], [sflag:$0x2], $0xE00, $0x38;
	[tilespmem:$0x10080] =	vst v63  }
0x382: {  	s3 =	sadd.s32 $0x800, s20  }
0x383: {  	[hbm4b:s3+s25] =	stream.linear.scatter [tilespmem:s13], [sflag:$0x2], $0xE00, $0x38;
	[tilespmem:$0x10080] =	vst v63  }
0x384: {  	s2 =	sadd.s32 $0xA00, s20  }
0x385: {  	[hbm4b:s2+s25] =	stream.linear.scatter [tilespmem:s14], [sflag:$0x2], $0xE00, $0x38;
	[tilespmem:$0x10080] =	vst v63  }
0x386: {  	s3 =	sadd.s32 $0xC00, s20  }
0x387: {  	[hbm4b:s3+s25] =	stream.linear.scatter [tilespmem:s15], [sflag:$0x2], $0xE00, $0x38;
	[tilespmem:$0x10080] =	vst v63  }
0x388: {  	s2 =	sadd.s32 $0xE00, s20  }
0x389: {  	[hbm4b:s2+s25] =	stream.linear.scatter [tilespmem:s16], [sflag:$0x2], $0xE00, $0x38;
	[tilespmem:$0x10080] =	vst v63  }
0x38a: {  	s3 =	sadd.s32 $0x1000, s20  }
0x38b: {  	[hbm4b:s3+s25] =	stream.linear.scatter [tilespmem:s18], [sflag:$0x2], $0xE00, $0x38;
	[tilespmem:$0x10080] =	vst v63  }
0x38c: {  	s2 =	sadd.s32 $0x1200, s20  }
0x38d: {  	[hbm4b:s2+s25] =	stream.linear.scatter [tilespmem:s19], [sflag:$0x2], $0xE00, $0x38;
	[tilespmem:$0x10080] =	vst v63  }
0x38e: {  	s3 =	sadd.s32 $0x1400, s20  }
0x38f: {  	[hbm4b:s3+s25] =	stream.linear.scatter [tilespmem:s21], [sflag:$0x2], $0xE00, $0x38;
	[tilespmem:$0x10080] =	vst v63  }
0x390: {  	s2 =	sadd.s32 $0x1600, s20  }
0x391: {  	[hbm4b:s2+s25] =	stream.linear.scatter [tilespmem:s22], [sflag:$0x2], $0xE00, $0x38;
	[tilespmem:$0x10080] =	vst v63  }
0x392: {  	s3 =	sadd.s32 $0x1800, s20  }
0x393: {  	[hbm4b:s3+s25] =	stream.linear.scatter [tilespmem:s23], [sflag:$0x2], $0xE00, $0x38;
	[tilespmem:$0x10080] =	vst v63  }
0x394: {  	s2 =	sadd.s32 $0x1A00, s20  }
0x395: {  	[hbm4b:s2+s25] =	stream.linear.scatter [tilespmem:s24], [sflag:$0x2], $0xE00, $0x38;
	[tilespmem:$0x10080] =	vst v63  }
0x396: {  	s3 =	sadd.s32 $0x1C00, s20  }
0x397: {  	[hbm4b:s3+s25] =	stream.linear.scatter [tilespmem:s26], [sflag:$0x2], $0xE00, $0x38;
	[tilespmem:$0x10080] =	vst v63  }
0x398: {  	s2 =	sadd.s32 $0x1E00, s20  }
0x399: {  	[hbm4b:s2+s25] =	stream.linear.scatter [tilespmem:s30], [sflag:$0x2], $0xE00, $0x38;
	[tilespmem:$0x10080] =	vst v63  }
0x39a: {  	_ =	swait.ge [sflag:s8], $0xE000  }
0x39b: {  	s0 =	sadd.s32 $0x1, s0;
	s3 =	rddreg [dreg:$0x1c]  }
0x39c: {  	p0 =	sne.s32 s0, s3  }
.Ltmp2:
0x39d: {  	_ = 	snop;
	(pc) =	sbr.rel @p0 .LBB2_1-.Ltmp2, $3  }
0x39e: {  	_ =	sdelay $0x1  }
0x39f: {  	[sflag:s8] =	ssyncset.done $0x0  }
0x3a0: {  	[sflag:s8] =	ssyncadd.s32 $0xFFFF2000  }
0x3a1: {  	_ =	sfence.sel $0x180000  }
0x3a2: {  	[bflag:$0x0] =	sbarrier.arrive $0xFFFF  }
0x3a3: {  	_ =	strace $0x90000047  }
0x3a4: {  	s0 =	stileid.u32;
	[bflag:$0x2] =	sbarrier.arrive $0xFFFF  }
0x3a5: {  	p0 =	sne.s32 s0, $0x0;
	s0 =	rddreg [dreg:$0x2]  }
0x3a6: {  	s0 =	sadd.s32 @!p0 $0x100000, s0  }
0x3a7: {  	[sflag:s0] =	ssyncadd.tile.s32 @!p0 $0x1;
	_ =	shalt  }
.Lfunc_end2:
_tile_overlayer_lowered:
.L_overlay_start_2:
0x3a8: {  	(tag) =	ssettag $0x2  }
0x3a9: {  	s0 =	rddreg [dreg:$0x0];
	s2 =	stileid.u32  }
0x3aa: {  	s1 =	rddreg [dreg:$0x1];
	p0 =	sne.s32 s2, $0x0  }
0x3ab: {  	s3 =	rddreg [dreg:$0x2];
	[bflag:$0x3] =	sbarrier.arrive $0xFFFF;
	s2 =	simm.s32 @!p0 $0x1C02  }
0x3ac: {  	[timem:s3], [sflag:s2] =	dma.local @!p0 [hbm:s0], s1  }
0x3ad: {  	s0 =	simm.s32 @!p0 $0x2  }
0x3ae: {  	_ =	swait.ge @!p0 [sflag:s0], s1  }
0x3af: {  	s1 =	ssub.s32 @!p0 $0x0, s1;
	[sflag:s0] =	ssyncset.done @!p0 $0x0  }
0x3b0: {  	[sflag:s0] =	ssyncadd.s32 @!p0 s1  }
0x3b1: {  	[bflag:$0x3] =	sbarrier.arrive $0xFFFF  }
0x3b2: {  	_ =	shalt  }

</sc_bundles>
